<compile_context>
chip_gen: v7x
topology: tpu7x:2x2x1
jax: 0.10.2.dev20260603
libtpu: 0.0.44.dev20260713+nightly
codegen_flags: <defaults>
</compile_context>

<pallas_src>
import functools
import math

import jax
import jax.numpy as jnp
from jax import lax
from jax.experimental import pallas as pl
from jax.experimental.pallas import tpu as pltpu
from jax.experimental.pallas import tpu_sc as plsc


@functools.lru_cache(maxsize=None)
def _make_gather(V, D, B):
    info = plsc.get_sparse_core_info()
    NC, NS, L = info.num_cores, info.num_subcores, info.num_lanes
    NW = NC * NS
    assert D % L == 0 and B % (8 * NW) == 0
    b_per_w = B // NW
    C = 16
    n_chunks = b_per_w // C
    scale = math.sqrt(D)
    mesh = plsc.VectorSubcoreMesh(core_axis_name="c", subcore_axis_name="s")

    NA = 4
    NB = 2

    @functools.partial(
        pl.kernel,
        mesh=mesh,
        out_type=jax.ShapeDtypeStruct((B, D), jnp.float32),
        scratch_types=[
            pltpu.VMEM((b_per_w,), jnp.int32),
        ]
        + [pltpu.VMEM((C, D), jnp.float32) for _ in range(NA + NB)]
        + [pltpu.SemaphoreType.DMA for _ in range(NA + NB)],
    )
    def gather_scale(table_hbm, idx_hbm, out_hbm, idx_v, *rest):
        abuf = rest[:NA]
        bbuf = rest[NA : NA + NB]
        gsem = rest[NA + NB : 2 * NA + NB]
        ssem = rest[2 * NA + NB : 2 * NA + 2 * NB]
        wid = lax.axis_index("s") * NC + lax.axis_index("c")
        base = wid * b_per_w
        pltpu.sync_copy(idx_hbm.at[pl.ds(base, b_per_w)], idx_v)

        def gather_descr(c, a):
            return pltpu.make_async_copy(
                table_hbm.at[idx_v.at[pl.ds(c * C, C)]], abuf[a], gsem[a]
            )

        def store_descr(c, b):
            return pltpu.make_async_copy(
                bbuf[b], out_hbm.at[pl.ds(base + c * C, C)], ssem[b]
            )

        def phase(c, a, b):
            gather_descr(c, a).wait()

            @pl.when(c >= NB)
            def _():
                store_descr(c, b).wait()

            @plsc.parallel_loop(0, C, 1)
            def _(i):
                for j in range(D // L):
                    bbuf[b][i, pl.ds(j * L, L)] = (
                        abuf[a][i, pl.ds(j * L, L)] * scale
                    )

            store_descr(c, b).start()

            @pl.when(c + NA < n_chunks)
            def _():
                gather_descr(c + NA, a).start()

        for a in range(NA):
            gather_descr(a, a).start()

        def group_body(g, carry):
            for k in range(NA):
                c = g * NA + k
                phase(c, k, k % NB)
            return carry

        lax.fori_loop(0, n_chunks // NA, group_body, 0)
        for b in range(NB):
            store_descr(0, b).wait()

    return gather_scale


def kernel(x, emb):
    V, D = emb.shape
    B = x.size
    x_flat = x.reshape(B).astype(jnp.int32)
    out = _make_gather(V, D, B)(emb, x_flat)
    return out.reshape(x.shape + (D,))

# --- scband reference (transcript-rebuilt; emitter-appended) ---
"""Pipeline reference for scband-embedding-30691836297483 (READ-ONLY COPY).

The authoritative reference and input builder live on the scoring server;
editing this copy changes nothing except your own understanding.
"""

import jax, jax.numpy as jnp
import numpy as np
import math

D_MODEL = 1024
VOCAB = 100000

def setup_inputs(seed: int = 0) -> dict:
    key = jax.random.key(seed)
    k1, k2 = jax.random.split(key)
    x = jax.random.randint(k1, (4, 2048), 0, VOCAB, dtype=jnp.int64 if jax.config.jax_enable_x64 else jnp.int32)
    emb = jax.random.normal(k2, (VOCAB, D_MODEL), dtype=jnp.float32)
    return {"x": x, "emb": emb}

def reference(x, emb):
    # Faithful translation of: self.emb(x) * math.sqrt(self.d_model)
    out = jnp.take(emb, x, axis=0) * math.sqrt(D_MODEL)
    return out

if __name__ == "__main__":
    import jax
    _d = setup_inputs()
    print(jax.jit(kernel)(*tuple(_d.values())))

</pallas_src>

<mosaic_0001>
#map = affine_map<(d0, d1) -> (0, 0)>
#map1 = affine_map<(d0, d1) -> (0)>
module attributes {stable_mosaic.version = 14 : i64} {
  func.func @gather_scale(%arg0: i32, %arg1: i32, %arg2: memref<100000x1024xf32, #tpu.memory_space<hbm>>, %arg3: memref<8192xi32, #tpu.memory_space<hbm>>, %arg4: memref<8192x1024xf32, #tpu.memory_space<hbm>>, %arg5: memref<256xi32, #tpu.memory_space<vmem>>, %arg6: memref<16x1024xf32, #tpu.memory_space<vmem>>, %arg7: memref<16x1024xf32, #tpu.memory_space<vmem>>, %arg8: memref<16x1024xf32, #tpu.memory_space<vmem>>, %arg9: memref<16x1024xf32, #tpu.memory_space<vmem>>, %arg10: memref<16x1024xf32, #tpu.memory_space<vmem>>, %arg11: memref<16x1024xf32, #tpu.memory_space<vmem>>, %arg12: memref<!tpu.dma_semaphore, #tpu.memory_space<semaphore_mem>>, %arg13: memref<!tpu.dma_semaphore, #tpu.memory_space<semaphore_mem>>, %arg14: memref<!tpu.dma_semaphore, #tpu.memory_space<semaphore_mem>>, %arg15: memref<!tpu.dma_semaphore, #tpu.memory_space<semaphore_mem>>, %arg16: memref<!tpu.dma_semaphore, #tpu.memory_space<semaphore_mem>>, %arg17: memref<!tpu.dma_semaphore, #tpu.memory_space<semaphore_mem>>) attributes {dimension_semantics = [#tpu.dimension_semantics<core_parallel>, #tpu.dimension_semantics<subcore_parallel>], iteration_bounds = array<i64: 2, 16>, scalar_prefetch = 0 : i64, scratch_operands = 13 : i64, tpu.core_type = #tpu.core_type<sc_vector_subcore>, window_params = [{transform_indices = #map}, {transform_indices = #map1}, {transform_indices = #map}]} {
    %mul3A = arith.constant 2 : i32
    %mul3A_0 = arith.muli %arg1, %mul3A : i32
    %add3A = arith.addi %mul3A_0, %arg0 : i32
    %mul3A_1 = arith.constant 256 : i32
    %mul3A_2 = arith.muli %add3A, %mul3A_1 : i32
    "tpu.region"() ({
      %run_scoped3A = tpu.sem_alloc : memref<!tpu.dma_semaphore, #tpu.memory_space<semaphore_mem>>
      %dma_start3A_38 = tpu.memref_slice %arg3[%mul3A_2] : memref<8192xi32, #tpu.memory_space<hbm>> -> memref<256xi32, #tpu.memory_space<hbm>>
      %dma_start3A_39 = tpu.memref_slice %arg3[%mul3A_2] : memref<8192xi32, #tpu.memory_space<hbm>> -> memref<256xi32, #tpu.memory_space<hbm>>
      tpu.enqueue_dma source(%dma_start3A_39 : memref<256xi32, #tpu.memory_space<hbm>>) target(%arg5 : memref<256xi32, #tpu.memory_space<vmem>>) target_semaphore(%run_scoped3A : memref<!tpu.dma_semaphore, #tpu.memory_space<semaphore_mem>>)
      %dma_wait3A_40 = tpu.memref_slice %arg3[%mul3A_2] : memref<8192xi32, #tpu.memory_space<hbm>> -> memref<256xi32, #tpu.memory_space<hbm>>
      %dma_wait3A_41 = tpu.memref_slice %arg3[%mul3A_2] : memref<8192xi32, #tpu.memory_space<hbm>> -> memref<256xi32, #tpu.memory_space<hbm>>
      tpu.wait_dma2 semaphore(%run_scoped3A : memref<!tpu.dma_semaphore, #tpu.memory_space<semaphore_mem>>) src(%dma_wait3A_41 : memref<256xi32, #tpu.memory_space<hbm>>) dst(%arg5 : memref<256xi32, #tpu.memory_space<vmem>>)
      tpu.yield
    }) : () -> ()
    %dma_start3A = arith.constant 0 : i32
    %dma_start3A_3 = tpu.memref_slice %arg5[%dma_start3A] : memref<256xi32, #tpu.memory_space<vmem>> -> memref<16xi32, #tpu.memory_space<vmem>>
    %dma_start3A_4 = arith.constant 0 : i32
    %dma_start3A_5 = arith.constant 0 : i32
    %dma_start3A_6 = tpu.memref_slice %arg2[%dma_start3A_4, %dma_start3A_5] : memref<100000x1024xf32, #tpu.memory_space<hbm>> -> memref<100000x1024xf32, #tpu.memory_space<hbm>>
    tpu.enqueue_indirect_dma source(%dma_start3A_6 : memref<100000x1024xf32, #tpu.memory_space<hbm>>) target(%arg6 : memref<16x1024xf32, #tpu.memory_space<vmem>>) offsets(%dma_start3A_3 : memref<16xi32, #tpu.memory_space<vmem>>) semaphore(%arg12 : memref<!tpu.dma_semaphore, #tpu.memory_space<semaphore_mem>>)
    %dma_start3A_7 = arith.constant 16 : i32
    %dma_start3A_8 = tpu.memref_slice %arg5[%dma_start3A_7] : memref<256xi32, #tpu.memory_space<vmem>> -> memref<16xi32, #tpu.memory_space<vmem>>
    %dma_start3A_9 = arith.constant 0 : i32
    %dma_start3A_10 = arith.constant 0 : i32
    %dma_start3A_11 = tpu.memref_slice %arg2[%dma_start3A_9, %dma_start3A_10] : memref<100000x1024xf32, #tpu.memory_space<hbm>> -> memref<100000x1024xf32, #tpu.memory_space<hbm>>
    tpu.enqueue_indirect_dma source(%dma_start3A_11 : memref<100000x1024xf32, #tpu.memory_space<hbm>>) target(%arg7 : memref<16x1024xf32, #tpu.memory_space<vmem>>) offsets(%dma_start3A_8 : memref<16xi32, #tpu.memory_space<vmem>>) semaphore(%arg13 : memref<!tpu.dma_semaphore, #tpu.memory_space<semaphore_mem>>)
    %dma_start3A_12 = arith.constant 32 : i32
    %dma_start3A_13 = tpu.memref_slice %arg5[%dma_start3A_12] : memref<256xi32, #tpu.memory_space<vmem>> -> memref<16xi32, #tpu.memory_space<vmem>>
    %dma_start3A_14 = arith.constant 0 : i32
    %dma_start3A_15 = arith.constant 0 : i32
    %dma_start3A_16 = tpu.memref_slice %arg2[%dma_start3A_14, %dma_start3A_15] : memref<100000x1024xf32, #tpu.memory_space<hbm>> -> memref<100000x1024xf32, #tpu.memory_space<hbm>>
    tpu.enqueue_indirect_dma source(%dma_start3A_16 : memref<100000x1024xf32, #tpu.memory_space<hbm>>) target(%arg8 : memref<16x1024xf32, #tpu.memory_space<vmem>>) offsets(%dma_start3A_13 : memref<16xi32, #tpu.memory_space<vmem>>) semaphore(%arg14 : memref<!tpu.dma_semaphore, #tpu.memory_space<semaphore_mem>>)
    %dma_start3A_17 = arith.constant 48 : i32
    %dma_start3A_18 = tpu.memref_slice %arg5[%dma_start3A_17] : memref<256xi32, #tpu.memory_space<vmem>> -> memref<16xi32, #tpu.memory_space<vmem>>
    %dma_start3A_19 = arith.constant 0 : i32
    %dma_start3A_20 = arith.constant 0 : i32
    %dma_start3A_21 = tpu.memref_slice %arg2[%dma_start3A_19, %dma_start3A_20] : memref<100000x1024xf32, #tpu.memory_space<hbm>> -> memref<100000x1024xf32, #tpu.memory_space<hbm>>
    tpu.enqueue_indirect_dma source(%dma_start3A_21 : memref<100000x1024xf32, #tpu.memory_space<hbm>>) target(%arg9 : memref<16x1024xf32, #tpu.memory_space<vmem>>) offsets(%dma_start3A_18 : memref<16xi32, #tpu.memory_space<vmem>>) semaphore(%arg15 : memref<!tpu.dma_semaphore, #tpu.memory_space<semaphore_mem>>)
    %scan3A = arith.constant 0 : i32
    %scan3A_22 = arith.constant 0 : i32
    %scan3A_23 = arith.constant 4 : i32
    %scan3A_24 = arith.addi %scan3A_22, %scan3A_23 : i32
    %scan3A_25 = arith.constant 1 : i32
    scf.for %scan3A_38 = %scan3A_22 to %scan3A_24 step %scan3A_25  : i32 {
      %mul3A_39 = arith.constant 4 : i32
      %mul3A_40 = arith.muli %scan3A_38, %mul3A_39 : i32
      %add3A_41 = arith.constant 0 : i32
      %add3A_42 = arith.addi %mul3A_40, %add3A_41 : i32
      %mul3A_43 = arith.constant 16 : i32
      %mul3A_44 = arith.muli %add3A_42, %mul3A_43 : i32
      %dma_wait3A_45 = tpu.memref_slice %arg5[%mul3A_44] : memref<256xi32, #tpu.memory_space<vmem>> -> memref<16xi32, #tpu.memory_space<vmem>>
      %dma_wait3A_46 = arith.constant 0 : i32
      %dma_wait3A_47 = arith.constant 0 : i32
      %dma_wait3A_48 = tpu.memref_slice %arg2[%dma_wait3A_46, %dma_wait3A_47] : memref<100000x1024xf32, #tpu.memory_space<hbm>> -> memref<100000x1024xf32, #tpu.memory_space<hbm>>
      tpu.wait_indirect_dma semaphore(%arg12 : memref<!tpu.dma_semaphore, #tpu.memory_space<semaphore_mem>>) src(%dma_wait3A_48 : memref<100000x1024xf32, #tpu.memory_space<hbm>>) dst(%arg6 : memref<16x1024xf32, #tpu.memory_space<vmem>>)
      %ge3A = arith.constant 2 : i32
      %ge3A_49 = arith.cmpi sge, %add3A_42, %ge3A : i32
      %convert_element_type3A = arith.extui %ge3A_49 : i1 to i32
      %cond3A = arith.constant 0 : i32
      %cond3A_50 = arith.cmpi ne, %convert_element_type3A, %cond3A : i32
      scf.if %cond3A_50 {
        %mul3A_162 = arith.constant 16 : i32
        %mul3A_163 = arith.muli %add3A_42, %mul3A_162 : i32
        %add3A_164 = arith.addi %mul3A_2, %mul3A_163 : i32
        %dma_wait3A_165 = arith.constant 0 : i32
        %dma_wait3A_166 = tpu.memref_slice %arg4[%add3A_164, %dma_wait3A_165] : memref<8192x1024xf32, #tpu.memory_space<hbm>> -> memref<16x1024xf32, #tpu.memory_space<hbm>>
        %dma_wait3A_167 = arith.constant 0 : i32
        %dma_wait3A_168 = tpu.memref_slice %arg4[%add3A_164, %dma_wait3A_167] : memref<8192x1024xf32, #tpu.memory_space<hbm>> -> memref<16x1024xf32, #tpu.memory_space<hbm>>
        tpu.wait_dma2 semaphore(%arg16 : memref<!tpu.dma_semaphore, #tpu.memory_space<semaphore_mem>>) src(%arg10 : memref<16x1024xf32, #tpu.memory_space<vmem>>) dst(%dma_wait3A_168 : memref<16x1024xf32, #tpu.memory_space<hbm>>)
      } else {
      }
      %parallel_loop3A = arith.constant 0 : i32
      %parallel_loop3A_51 = arith.constant 16 : i32
      %parallel_loop3A_52 = arith.constant 1 : i32
      scf.for %parallel_loop3A_162 = %parallel_loop3A to %parallel_loop3A_51 step %parallel_loop3A_52  : i32 {
        %parallel_loop3A_163 = arith.index_cast %parallel_loop3A_162 : i32 to index
        %parallel_loop3A_164 = arith.constant 0 : index
        %parallel_loop3A_165 = tpu.vector_load %arg6[%parallel_loop3A_163, %parallel_loop3A_164] {strides = array<i32>} : memref<16x1024xf32, #tpu.memory_space<vmem>>, vector<1x16xf32>,
        %parallel_loop3A_166 = vector.shape_cast %parallel_loop3A_165 : vector<1x16xf32> to vector<16xf32>
        %parallel_loop3A_167 = arith.constant 3.200000e+01 : f32
        %parallel_loop3A_168 = vector.broadcast %parallel_loop3A_167 : f32 to vector<16xf32>
        %parallel_loop3A_169 = arith.mulf %parallel_loop3A_166, %parallel_loop3A_168 : vector<16xf32>
        %parallel_loop3A_170 = arith.index_cast %parallel_loop3A_162 : i32 to index
        %parallel_loop3A_171 = arith.constant 0 : index
        %parallel_loop3A_172 = tpu.vector_load %arg10[%parallel_loop3A_170, %parallel_loop3A_171] {strides = array<i32>} : memref<16x1024xf32, #tpu.memory_space<vmem>>, vector<1x16xf32>,
        %parallel_loop3A_173 = vector.shape_cast %parallel_loop3A_172 : vector<1x16xf32> to vector<16xf32>
        %parallel_loop3A_174 = vector.shape_cast %parallel_loop3A_169 : vector<16xf32> to vector<1x16xf32>
        tpu.vector_store %arg10[%parallel_loop3A_170, %parallel_loop3A_171], %parallel_loop3A_174 {strides = array<i32>} : memref<16x1024xf32, #tpu.memory_space<vmem>>, vector<1x16xf32>,
        %parallel_loop3A_175 = arith.index_cast %parallel_loop3A_162 : i32 to index
        %parallel_loop3A_176 = arith.constant 16 : index
        %parallel_loop3A_177 = tpu.vector_load %arg6[%parallel_loop3A_175, %parallel_loop3A_176] {strides = array<i32>} : memref<16x1024xf32, #tpu.memory_space<vmem>>, vector<1x16xf32>,
        %parallel_loop3A_178 = vector.shape_cast %parallel_loop3A_177 : vector<1x16xf32> to vector<16xf32>
        %parallel_loop3A_179 = arith.constant 3.200000e+01 : f32
        %parallel_loop3A_180 = vector.broadcast %parallel_loop3A_179 : f32 to vector<16xf32>
        %parallel_loop3A_181 = arith.mulf %parallel_loop3A_178, %parallel_loop3A_180 : vector<16xf32>
        %parallel_loop3A_182 = arith.index_cast %parallel_loop3A_162 : i32 to index
        %parallel_loop3A_183 = arith.constant 16 : index
        %parallel_loop3A_184 = tpu.vector_load %arg10[%parallel_loop3A_182, %parallel_loop3A_183] {strides = array<i32>} : memref<16x1024xf32, #tpu.memory_space<vmem>>, vector<1x16xf32>,
        %parallel_loop3A_185 = vector.shape_cast %parallel_loop3A_184 : vector<1x16xf32> to vector<16xf32>
        %parallel_loop3A_186 = vector.shape_cast %parallel_loop3A_181 : vector<16xf32> to vector<1x16xf32>
        tpu.vector_store %arg10[%parallel_loop3A_182, %parallel_loop3A_183], %parallel_loop3A_186 {strides = array<i32>} : memref<16x1024xf32, #tpu.memory_space<vmem>>, vector<1x16xf32>,
        %parallel_loop3A_187 = arith.index_cast %parallel_loop3A_162 : i32 to index
        %parallel_loop3A_188 = arith.constant 32 : index
        %parallel_loop3A_189 = tpu.vector_load %arg6[%parallel_loop3A_187, %parallel_loop3A_188] {strides = array<i32>} : memref<16x1024xf32, #tpu.memory_space<vmem>>, vector<1x16xf32>,
        %parallel_loop3A_190 = vector.shape_cast %parallel_loop3A_189 : vector<1x16xf32> to vector<16xf32>
        %parallel_loop3A_191 = arith.constant 3.200000e+01 : f32
        %parallel_loop3A_192 = vector.broadcast %parallel_loop3A_191 : f32 to vector<16xf32>
        %parallel_loop3A_193 = arith.mulf %parallel_loop3A_190, %parallel_loop3A_192 : vector<16xf32>
        %parallel_loop3A_194 = arith.index_cast %parallel_loop3A_162 : i32 to index
        %parallel_loop3A_195 = arith.constant 32 : index
        %parallel_loop3A_196 = tpu.vector_load %arg10[%parallel_loop3A_194, %parallel_loop3A_195] {strides = array<i32>} : memref<16x1024xf32, #tpu.memory_space<vmem>>, vector<1x16xf32>,
        %parallel_loop3A_197 = vector.shape_cast %parallel_loop3A_196 : vector<1x16xf32> to vector<16xf32>
        %parallel_loop3A_198 = vector.shape_cast %parallel_loop3A_193 : vector<16xf32> to vector<1x16xf32>
        tpu.vector_store %arg10[%parallel_loop3A_194, %parallel_loop3A_195], %parallel_loop3A_198 {strides = array<i32>} : memref<16x1024xf32, #tpu.memory_space<vmem>>, vector<1x16xf32>,
        %parallel_loop3A_199 = arith.index_cast %parallel_loop3A_162 : i32 to index
        %parallel_loop3A_200 = arith.constant 48 : index
        %parallel_loop3A_201 = tpu.vector_load %arg6[%parallel_loop3A_199, %parallel_loop3A_200] {strides = array<i32>} : memref<16x1024xf32, #tpu.memory_space<vmem>>, vector<1x16xf32>,
        %parallel_loop3A_202 = vector.shape_cast %parallel_loop3A_201 : vector<1x16xf32> to vector<16xf32>
        %parallel_loop3A_203 = arith.constant 3.200000e+01 : f32
        %parallel_loop3A_204 = vector.broadcast %parallel_loop3A_203 : f32 to vector<16xf32>
        %parallel_loop3A_205 = arith.mulf %parallel_loop3A_202, %parallel_loop3A_204 : vector<16xf32>
        %parallel_loop3A_206 = arith.index_cast %parallel_loop3A_162 : i32 to index
        %parallel_loop3A_207 = arith.constant 48 : index
        %parallel_loop3A_208 = tpu.vector_load %arg10[%parallel_loop3A_206, %parallel_loop3A_207] {strides = array<i32>} : memref<16x1024xf32, #tpu.memory_space<vmem>>, vector<1x16xf32>,
        %parallel_loop3A_209 = vector.shape_cast %parallel_loop3A_208 : vector<1x16xf32> to vector<16xf32>
        %parallel_loop3A_210 = vector.shape_cast %parallel_loop3A_205 : vector<16xf32> to vector<1x16xf32>
        tpu.vector_store %arg10[%parallel_loop3A_206, %parallel_loop3A_207], %parallel_loop3A_210 {strides = array<i32>} : memref<16x1024xf32, #tpu.memory_space<vmem>>, vector<1x16xf32>,
        %parallel_loop3A_211 = arith.index_cast %parallel_loop3A_162 : i32 to index
        %parallel_loop3A_212 = arith.constant 64 : index
        %parallel_loop3A_213 = tpu.vector_load %arg6[%parallel_loop3A_211, %parallel_loop3A_212] {strides = array<i32>} : memref<16x1024xf32, #tpu.memory_space<vmem>>, vector<1x16xf32>,
        %parallel_loop3A_214 = vector.shape_cast %parallel_loop3A_213 : vector<1x16xf32> to vector<16xf32>
        %parallel_loop3A_215 = arith.constant 3.200000e+01 : f32
        %parallel_loop3A_216 = vector.broadcast %parallel_loop3A_215 : f32 to vector<16xf32>
        %parallel_loop3A_217 = arith.mulf %parallel_loop3A_214, %parallel_loop3A_216 : vector<16xf32>
        %parallel_loop3A_218 = arith.index_cast %parallel_loop3A_162 : i32 to index
        %parallel_loop3A_219 = arith.constant 64 : index
        %parallel_loop3A_220 = tpu.vector_load %arg10[%parallel_loop3A_218, %parallel_loop3A_219] {strides = array<i32>} : memref<16x1024xf32, #tpu.memory_space<vmem>>, vector<1x16xf32>,
        %parallel_loop3A_221 = vector.shape_cast %parallel_loop3A_220 : vector<1x16xf32> to vector<16xf32>
        %parallel_loop3A_222 = vector.shape_cast %parallel_loop3A_217 : vector<16xf32> to vector<1x16xf32>
        tpu.vector_store %arg10[%parallel_loop3A_218, %parallel_loop3A_219], %parallel_loop3A_222 {strides = array<i32>} : memref<16x1024xf32, #tpu.memory_space<vmem>>, vector<1x16xf32>,
        %parallel_loop3A_223 = arith.index_cast %parallel_loop3A_162 : i32 to index
        %parallel_loop3A_224 = arith.constant 80 : index
        %parallel_loop3A_225 = tpu.vector_load %arg6[%parallel_loop3A_223, %parallel_loop3A_224] {strides = array<i32>} : memref<16x1024xf32, #tpu.memory_space<vmem>>, vector<1x16xf32>,
        %parallel_loop3A_226 = vector.shape_cast %parallel_loop3A_225 : vector<1x16xf32> to vector<16xf32>
        %parallel_loop3A_227 = arith.constant 3.200000e+01 : f32
        %parallel_loop3A_228 = vector.broadcast %parallel_loop3A_227 : f32 to vector<16xf32>
        %parallel_loop3A_229 = arith.mulf %parallel_loop3A_226, %parallel_loop3A_228 : vector<16xf32>
        %parallel_loop3A_230 = arith.index_cast %parallel_loop3A_162 : i32 to index
        %parallel_loop3A_231 = arith.constant 80 : index
        %parallel_loop3A_232 = tpu.vector_load %arg10[%parallel_loop3A_230, %parallel_loop3A_231] {strides = array<i32>} : memref<16x1024xf32, #tpu.memory_space<vmem>>, vector<1x16xf32>,
        %parallel_loop3A_233 = vector.shape_cast %parallel_loop3A_232 : vector<1x16xf32> to vector<16xf32>
        %parallel_loop3A_234 = vector.shape_cast %parallel_loop3A_229 : vector<16xf32> to vector<1x16xf32>
        tpu.vector_store %arg10[%parallel_loop3A_230, %parallel_loop3A_231], %parallel_loop3A_234 {strides = array<i32>} : memref<16x1024xf32, #tpu.memory_space<vmem>>, vector<1x16xf32>,
        %parallel_loop3A_235 = arith.index_cast %parallel_loop3A_162 : i32 to index
        %parallel_loop3A_236 = arith.constant 96 : index
        %parallel_loop3A_237 = tpu.vector_load %arg6[%parallel_loop3A_235, %parallel_loop3A_236] {strides = array<i32>} : memref<16x1024xf32, #tpu.memory_space<vmem>>, vector<1x16xf32>,
        %parallel_loop3A_238 = vector.shape_cast %parallel_loop3A_237 : vector<1x16xf32> to vector<16xf32>
        %parallel_loop3A_239 = arith.constant 3.200000e+01 : f32
        %parallel_loop3A_240 = vector.broadcast %parallel_loop3A_239 : f32 to vector<16xf32>
        %parallel_loop3A_241 = arith.mulf %parallel_loop3A_238, %parallel_loop3A_240 : vector<16xf32>
        %parallel_loop3A_242 = arith.index_cast %parallel_loop3A_162 : i32 to index
        %parallel_loop3A_243 = arith.constant 96 : index
        %parallel_loop3A_244 = tpu.vector_load %arg10[%parallel_loop3A_242, %parallel_loop3A_243] {strides = array<i32>} : memref<16x1024xf32, #tpu.memory_space<vmem>>, vector<1x16xf32>,
        %parallel_loop3A_245 = vector.shape_cast %parallel_loop3A_244 : vector<1x16xf32> to vector<16xf32>
        %parallel_loop3A_246 = vector.shape_cast %parallel_loop3A_241 : vector<16xf32> to vector<1x16xf32>
        tpu.vector_store %arg10[%parallel_loop3A_242, %parallel_loop3A_243], %parallel_loop3A_246 {strides = array<i32>} : memref<16x1024xf32, #tpu.memory_space<vmem>>, vector<1x16xf32>,
        %parallel_loop3A_247 = arith.index_cast %parallel_loop3A_162 : i32 to index
        %parallel_loop3A_248 = arith.constant 112 : index
        %parallel_loop3A_249 = tpu.vector_load %arg6[%parallel_loop3A_247, %parallel_loop3A_248] {strides = array<i32>} : memref<16x1024xf32, #tpu.memory_space<vmem>>, vector<1x16xf32>,
        %parallel_loop3A_250 = vector.shape_cast %parallel_loop3A_249 : vector<1x16xf32> to vector<16xf32>
        %parallel_loop3A_251 = arith.constant 3.200000e+01 : f32
        %parallel_loop3A_252 = vector.broadcast %parallel_loop3A_251 : f32 to vector<16xf32>
        %parallel_loop3A_253 = arith.mulf %parallel_loop3A_250, %parallel_loop3A_252 : vector<16xf32>
        %parallel_loop3A_254 = arith.index_cast %parallel_loop3A_162 : i32 to index
        %parallel_loop3A_255 = arith.constant 112 : index
        %parallel_loop3A_256 = tpu.vector_load %arg10[%parallel_loop3A_254, %parallel_loop3A_255] {strides = array<i32>} : memref<16x1024xf32, #tpu.memory_space<vmem>>, vector<1x16xf32>,
        %parallel_loop3A_257 = vector.shape_cast %parallel_loop3A_256 : vector<1x16xf32> to vector<16xf32>
        %parallel_loop3A_258 = vector.shape_cast %parallel_loop3A_253 : vector<16xf32> to vector<1x16xf32>
        tpu.vector_store %arg10[%parallel_loop3A_254, %parallel_loop3A_255], %parallel_loop3A_258 {strides = array<i32>} : memref<16x1024xf32, #tpu.memory_space<vmem>>, vector<1x16xf32>,
        %parallel_loop3A_259 = arith.index_cast %parallel_loop3A_162 : i32 to index
        %parallel_loop3A_260 = arith.constant 128 : index
        %parallel_loop3A_261 = tpu.vector_load %arg6[%parallel_loop3A_259, %parallel_loop3A_260] {strides = array<i32>} : memref<16x1024xf32, #tpu.memory_space<vmem>>, vector<1x16xf32>,
        %parallel_loop3A_262 = vector.shape_cast %parallel_loop3A_261 : vector<1x16xf32> to vector<16xf32>
        %parallel_loop3A_263 = arith.constant 3.200000e+01 : f32
        %parallel_loop3A_264 = vector.broadcast %parallel_loop3A_263 : f32 to vector<16xf32>
        %parallel_loop3A_265 = arith.mulf %parallel_loop3A_262, %parallel_loop3A_264 : vector<16xf32>
        %parallel_loop3A_266 = arith.index_cast %parallel_loop3A_162 : i32 to index
        %parallel_loop3A_267 = arith.constant 128 : index
        %parallel_loop3A_268 = tpu.vector_load %arg10[%parallel_loop3A_266, %parallel_loop3A_267] {strides = array<i32>} : memref<16x1024xf32, #tpu.memory_space<vmem>>, vector<1x16xf32>,
        %parallel_loop3A_269 = vector.shape_cast %parallel_loop3A_268 : vector<1x16xf32> to vector<16xf32>
        %parallel_loop3A_270 = vector.shape_cast %parallel_loop3A_265 : vector<16xf32> to vector<1x16xf32>
        tpu.vector_store %arg10[%parallel_loop3A_266, %parallel_loop3A_267], %parallel_loop3A_270 {strides = array<i32>} : memref<16x1024xf32, #tpu.memory_space<vmem>>, vector<1x16xf32>,
        %parallel_loop3A_271 = arith.index_cast %parallel_loop3A_162 : i32 to index
        %parallel_loop3A_272 = arith.constant 144 : index
        %parallel_loop3A_273 = tpu.vector_load %arg6[%parallel_loop3A_271, %parallel_loop3A_272] {strides = array<i32>} : memref<16x1024xf32, #tpu.memory_space<vmem>>, vector<1x16xf32>,
        %parallel_loop3A_274 = vector.shape_cast %parallel_loop3A_273 : vector<1x16xf32> to vector<16xf32>
        %parallel_loop3A_275 = arith.constant 3.200000e+01 : f32
        %parallel_loop3A_276 = vector.broadcast %parallel_loop3A_275 : f32 to vector<16xf32>
        %parallel_loop3A_277 = arith.mulf %parallel_loop3A_274, %parallel_loop3A_276 : vector<16xf32>
        %parallel_loop3A_278 = arith.index_cast %parallel_loop3A_162 : i32 to index
        %parallel_loop3A_279 = arith.constant 144 : index
        %parallel_loop3A_280 = tpu.vector_load %arg10[%parallel_loop3A_278, %parallel_loop3A_279] {strides = array<i32>} : memref<16x1024xf32, #tpu.memory_space<vmem>>, vector<1x16xf32>,
        %parallel_loop3A_281 = vector.shape_cast %parallel_loop3A_280 : vector<1x16xf32> to vector<16xf32>
        %parallel_loop3A_282 = vector.shape_cast %parallel_loop3A_277 : vector<16xf32> to vector<1x16xf32>
        tpu.vector_store %arg10[%parallel_loop3A_278, %parallel_loop3A_279], %parallel_loop3A_282 {strides = array<i32>} : memref<16x1024xf32, #tpu.memory_space<vmem>>, vector<1x16xf32>,
        %parallel_loop3A_283 = arith.index_cast %parallel_loop3A_162 : i32 to index
        %parallel_loop3A_284 = arith.constant 160 : index
        %parallel_loop3A_285 = tpu.vector_load %arg6[%parallel_loop3A_283, %parallel_loop3A_284] {strides = array<i32>} : memref<16x1024xf32, #tpu.memory_space<vmem>>, vector<1x16xf32>,
        %parallel_loop3A_286 = vector.shape_cast %parallel_loop3A_285 : vector<1x16xf32> to vector<16xf32>
        %parallel_loop3A_287 = arith.constant 3.200000e+01 : f32
        %parallel_loop3A_288 = vector.broadcast %parallel_loop3A_287 : f32 to vector<16xf32>
        %parallel_loop3A_289 = arith.mulf %parallel_loop3A_286, %parallel_loop3A_288 : vector<16xf32>
        %parallel_loop3A_290 = arith.index_cast %parallel_loop3A_162 : i32 to index
        %parallel_loop3A_291 = arith.constant 160 : index
        %parallel_loop3A_292 = tpu.vector_load %arg10[%parallel_loop3A_290, %parallel_loop3A_291] {strides = array<i32>} : memref<16x1024xf32, #tpu.memory_space<vmem>>, vector<1x16xf32>,
        %parallel_loop3A_293 = vector.shape_cast %parallel_loop3A_292 : vector<1x16xf32> to vector<16xf32>
        %parallel_loop3A_294 = vector.shape_cast %parallel_loop3A_289 : vector<16xf32> to vector<1x16xf32>
        tpu.vector_store %arg10[%parallel_loop3A_290, %parallel_loop3A_291], %parallel_loop3A_294 {strides = array<i32>} : memref<16x1024xf32, #tpu.memory_space<vmem>>, vector<1x16xf32>,
        %parallel_loop3A_295 = arith.index_cast %parallel_loop3A_162 : i32 to index
        %parallel_loop3A_296 = arith.constant 176 : index
        %parallel_loop3A_297 = tpu.vector_load %arg6[%parallel_loop3A_295, %parallel_loop3A_296] {strides = array<i32>} : memref<16x1024xf32, #tpu.memory_space<vmem>>, vector<1x16xf32>,
        %parallel_loop3A_298 = vector.shape_cast %parallel_loop3A_297 : vector<1x16xf32> to vector<16xf32>
        %parallel_loop3A_299 = arith.constant 3.200000e+01 : f32
        %parallel_loop3A_300 = vector.broadcast %parallel_loop3A_299 : f32 to vector<16xf32>
        %parallel_loop3A_301 = arith.mulf %parallel_loop3A_298, %parallel_loop3A_300 : vector<16xf32>
        %parallel_loop3A_302 = arith.index_cast %parallel_loop3A_162 : i32 to index
        %parallel_loop3A_303 = arith.constant 176 : index
        %parallel_loop3A_304 = tpu.vector_load %arg10[%parallel_loop3A_302, %parallel_loop3A_303] {strides = array<i32>} : memref<16x1024xf32, #tpu.memory_space<vmem>>, vector<1x16xf32>,
        %parallel_loop3A_305 = vector.shape_cast %parallel_loop3A_304 : vector<1x16xf32> to vector<16xf32>
        %parallel_loop3A_306 = vector.shape_cast %parallel_loop3A_301 : vector<16xf32> to vector<1x16xf32>
        tpu.vector_store %arg10[%parallel_loop3A_302, %parallel_loop3A_303], %parallel_loop3A_306 {strides = array<i32>} : memref<16x1024xf32, #tpu.memory_space<vmem>>, vector<1x16xf32>,
        %parallel_loop3A_307 = arith.index_cast %parallel_loop3A_162 : i32 to index
        %parallel_loop3A_308 = arith.constant 192 : index
        %parallel_loop3A_309 = tpu.vector_load %arg6[%parallel_loop3A_307, %parallel_loop3A_308] {strides = array<i32>} : memref<16x1024xf32, #tpu.memory_space<vmem>>, vector<1x16xf32>,
        %parallel_loop3A_310 = vector.shape_cast %parallel_loop3A_309 : vector<1x16xf32> to vector<16xf32>
        %parallel_loop3A_311 = arith.constant 3.200000e+01 : f32
        %parallel_loop3A_312 = vector.broadcast %parallel_loop3A_311 : f32 to vector<16xf32>
        %parallel_loop3A_313 = arith.mulf %parallel_loop3A_310, %parallel_loop3A_312 : vector<16xf32>
        %parallel_loop3A_314 = arith.index_cast %parallel_loop3A_162 : i32 to index
        %parallel_loop3A_315 = arith.constant 192 : index
        %parallel_loop3A_316 = tpu.vector_load %arg10[%parallel_loop3A_314, %parallel_loop3A_315] {strides = array<i32>} : memref<16x1024xf32, #tpu.memory_space<vmem>>, vector<1x16xf32>,
        %parallel_loop3A_317 = vector.shape_cast %parallel_loop3A_316 : vector<1x16xf32> to vector<16xf32>
        %parallel_loop3A_318 = vector.shape_cast %parallel_loop3A_313 : vector<16xf32> to vector<1x16xf32>
        tpu.vector_store %arg10[%parallel_loop3A_314, %parallel_loop3A_315], %parallel_loop3A_318 {strides = array<i32>} : memref<16x1024xf32, #tpu.memory_space<vmem>>, vector<1x16xf32>,
        %parallel_loop3A_319 = arith.index_cast %parallel_loop3A_162 : i32 to index
        %parallel_loop3A_320 = arith.constant 208 : index
        %parallel_loop3A_321 = tpu.vector_load %arg6[%parallel_loop3A_319, %parallel_loop3A_320] {strides = array<i32>} : memref<16x1024xf32, #tpu.memory_space<vmem>>, vector<1x16xf32>,
        %parallel_loop3A_322 = vector.shape_cast %parallel_loop3A_321 : vector<1x16xf32> to vector<16xf32>
        %parallel_loop3A_323 = arith.constant 3.200000e+01 : f32
        %parallel_loop3A_324 = vector.broadcast %parallel_loop3A_323 : f32 to vector<16xf32>
        %parallel_loop3A_325 = arith.mulf %parallel_loop3A_322, %parallel_loop3A_324 : vector<16xf32>
        %parallel_loop3A_326 = arith.index_cast %parallel_loop3A_162 : i32 to index
        %parallel_loop3A_327 = arith.constant 208 : index
        %parallel_loop3A_328 = tpu.vector_load %arg10[%parallel_loop3A_326, %parallel_loop3A_327] {strides = array<i32>} : memref<16x1024xf32, #tpu.memory_space<vmem>>, vector<1x16xf32>,
        %parallel_loop3A_329 = vector.shape_cast %parallel_loop3A_328 : vector<1x16xf32> to vector<16xf32>
        %parallel_loop3A_330 = vector.shape_cast %parallel_loop3A_325 : vector<16xf32> to vector<1x16xf32>
        tpu.vector_store %arg10[%parallel_loop3A_326, %parallel_loop3A_327], %parallel_loop3A_330 {strides = array<i32>} : memref<16x1024xf32, #tpu.memory_space<vmem>>, vector<1x16xf32>,
        %parallel_loop3A_331 = arith.index_cast %parallel_loop3A_162 : i32 to index
        %parallel_loop3A_332 = arith.constant 224 : index
        %parallel_loop3A_333 = tpu.vector_load %arg6[%parallel_loop3A_331, %parallel_loop3A_332] {strides = array<i32>} : memref<16x1024xf32, #tpu.memory_space<vmem>>, vector<1x16xf32>,
        %parallel_loop3A_334 = vector.shape_cast %parallel_loop3A_333 : vector<1x16xf32> to vector<16xf32>
        %parallel_loop3A_335 = arith.constant 3.200000e+01 : f32
        %parallel_loop3A_336 = vector.broadcast %parallel_loop3A_335 : f32 to vector<16xf32>
        %parallel_loop3A_337 = arith.mulf %parallel_loop3A_334, %parallel_loop3A_336 : vector<16xf32>
        %parallel_loop3A_338 = arith.index_cast %parallel_loop3A_162 : i32 to index
        %parallel_loop3A_339 = arith.constant 224 : index
        %parallel_loop3A_340 = tpu.vector_load %arg10[%parallel_loop3A_338, %parallel_loop3A_339] {strides = array<i32>} : memref<16x1024xf32, #tpu.memory_space<vmem>>, vector<1x16xf32>,
        %parallel_loop3A_341 = vector.shape_cast %parallel_loop3A_340 : vector<1x16xf32> to vector<16xf32>
        %parallel_loop3A_342 = vector.shape_cast %parallel_loop3A_337 : vector<16xf32> to vector<1x16xf32>
        tpu.vector_store %arg10[%parallel_loop3A_338, %parallel_loop3A_339], %parallel_loop3A_342 {strides = array<i32>} : memref<16x1024xf32, #tpu.memory_space<vmem>>, vector<1x16xf32>,
        %parallel_loop3A_343 = arith.index_cast %parallel_loop3A_162 : i32 to index
        %parallel_loop3A_344 = arith.constant 240 : index
        %parallel_loop3A_345 = tpu.vector_load %arg6[%parallel_loop3A_343, %parallel_loop3A_344] {strides = array<i32>} : memref<16x1024xf32, #tpu.memory_space<vmem>>, vector<1x16xf32>,
        %parallel_loop3A_346 = vector.shape_cast %parallel_loop3A_345 : vector<1x16xf32> to vector<16xf32>
        %parallel_loop3A_347 = arith.constant 3.200000e+01 : f32
        %parallel_loop3A_348 = vector.broadcast %parallel_loop3A_347 : f32 to vector<16xf32>
        %parallel_loop3A_349 = arith.mulf %parallel_loop3A_346, %parallel_loop3A_348 : vector<16xf32>
        %parallel_loop3A_350 = arith.index_cast %parallel_loop3A_162 : i32 to index
        %parallel_loop3A_351 = arith.constant 240 : index
        %parallel_loop3A_352 = tpu.vector_load %arg10[%parallel_loop3A_350, %parallel_loop3A_351] {strides = array<i32>} : memref<16x1024xf32, #tpu.memory_space<vmem>>, vector<1x16xf32>,
        %parallel_loop3A_353 = vector.shape_cast %parallel_loop3A_352 : vector<1x16xf32> to vector<16xf32>
        %parallel_loop3A_354 = vector.shape_cast %parallel_loop3A_349 : vector<16xf32> to vector<1x16xf32>
        tpu.vector_store %arg10[%parallel_loop3A_350, %parallel_loop3A_351], %parallel_loop3A_354 {strides = array<i32>} : memref<16x1024xf32, #tpu.memory_space<vmem>>, vector<1x16xf32>,
        %parallel_loop3A_355 = arith.index_cast %parallel_loop3A_162 : i32 to index
        %parallel_loop3A_356 = arith.constant 256 : index
        %parallel_loop3A_357 = tpu.vector_load %arg6[%parallel_loop3A_355, %parallel_loop3A_356] {strides = array<i32>} : memref<16x1024xf32, #tpu.memory_space<vmem>>, vector<1x16xf32>,
        %parallel_loop3A_358 = vector.shape_cast %parallel_loop3A_357 : vector<1x16xf32> to vector<16xf32>
        %parallel_loop3A_359 = arith.constant 3.200000e+01 : f32
        %parallel_loop3A_360 = vector.broadcast %parallel_loop3A_359 : f32 to vector<16xf32>
        %parallel_loop3A_361 = arith.mulf %parallel_loop3A_358, %parallel_loop3A_360 : vector<16xf32>
        %parallel_loop3A_362 = arith.index_cast %parallel_loop3A_162 : i32 to index
        %parallel_loop3A_363 = arith.constant 256 : index
        %parallel_loop3A_364 = tpu.vector_load %arg10[%parallel_loop3A_362, %parallel_loop3A_363] {strides = array<i32>} : memref<16x1024xf32, #tpu.memory_space<vmem>>, vector<1x16xf32>,
        %parallel_loop3A_365 = vector.shape_cast %parallel_loop3A_364 : vector<1x16xf32> to vector<16xf32>
        %parallel_loop3A_366 = vector.shape_cast %parallel_loop3A_361 : vector<16xf32> to vector<1x16xf32>
        tpu.vector_store %arg10[%parallel_loop3A_362, %parallel_loop3A_363], %parallel_loop3A_366 {strides = array<i32>} : memref<16x1024xf32, #tpu.memory_space<vmem>>, vector<1x16xf32>,
        %parallel_loop3A_367 = arith.index_cast %parallel_loop3A_162 : i32 to index
        %parallel_loop3A_368 = arith.constant 272 : index
        %parallel_loop3A_369 = tpu.vector_load %arg6[%parallel_loop3A_367, %parallel_loop3A_368] {strides = array<i32>} : memref<16x1024xf32, #tpu.memory_space<vmem>>, vector<1x16xf32>,
        %parallel_loop3A_370 = vector.shape_cast %parallel_loop3A_369 : vector<1x16xf32> to vector<16xf32>
        %parallel_loop3A_371 = arith.constant 3.200000e+01 : f32
        %parallel_loop3A_372 = vector.broadcast %parallel_loop3A_371 : f32 to vector<16xf32>
        %parallel_loop3A_373 = arith.mulf %parallel_loop3A_370, %parallel_loop3A_372 : vector<16xf32>
        %parallel_loop3A_374 = arith.index_cast %parallel_loop3A_162 : i32 to index
        %parallel_loop3A_375 = arith.constant 272 : index
        %parallel_loop3A_376 = tpu.vector_load %arg10[%parallel_loop3A_374, %parallel_loop3A_375] {strides = array<i32>} : memref<16x1024xf32, #tpu.memory_space<vmem>>, vector<1x16xf32>,
        %parallel_loop3A_377 = vector.shape_cast %parallel_loop3A_376 : vector<1x16xf32> to vector<16xf32>
        %parallel_loop3A_378 = vector.shape_cast %parallel_loop3A_373 : vector<16xf32> to vector<1x16xf32>
        tpu.vector_store %arg10[%parallel_loop3A_374, %parallel_loop3A_375], %parallel_loop3A_378 {strides = array<i32>} : memref<16x1024xf32, #tpu.memory_space<vmem>>, vector<1x16xf32>,
        %parallel_loop3A_379 = arith.index_cast %parallel_loop3A_162 : i32 to index
        %parallel_loop3A_380 = arith.constant 288 : index
        %parallel_loop3A_381 = tpu.vector_load %arg6[%parallel_loop3A_379, %parallel_loop3A_380] {strides = array<i32>} : memref<16x1024xf32, #tpu.memory_space<vmem>>, vector<1x16xf32>,
        %parallel_loop3A_382 = vector.shape_cast %parallel_loop3A_381 : vector<1x16xf32> to vector<16xf32>
        %parallel_loop3A_383 = arith.constant 3.200000e+01 : f32
        %parallel_loop3A_384 = vector.broadcast %parallel_loop3A_383 : f32 to vector<16xf32>
        %parallel_loop3A_385 = arith.mulf %parallel_loop3A_382, %parallel_loop3A_384 : vector<16xf32>
        %parallel_loop3A_386 = arith.index_cast %parallel_loop3A_162 : i32 to index
        %parallel_loop3A_387 = arith.constant 288 : index
        %parallel_loop3A_388 = tpu.vector_load %arg10[%parallel_loop3A_386, %parallel_loop3A_387] {strides = array<i32>} : memref<16x1024xf32, #tpu.memory_space<vmem>>, vector<1x16xf32>,
        %parallel_loop3A_389 = vector.shape_cast %parallel_loop3A_388 : vector<1x16xf32> to vector<16xf32>
        %parallel_loop3A_390 = vector.shape_cast %parallel_loop3A_385 : vector<16xf32> to vector<1x16xf32>
        tpu.vector_store %arg10[%parallel_loop3A_386, %parallel_loop3A_387], %parallel_loop3A_390 {strides = array<i32>} : memref<16x1024xf32, #tpu.memory_space<vmem>>, vector<1x16xf32>,
        %parallel_loop3A_391 = arith.index_cast %parallel_loop3A_162 : i32 to index
        %parallel_loop3A_392 = arith.constant 304 : index
        %parallel_loop3A_393 = tpu.vector_load %arg6[%parallel_loop3A_391, %parallel_loop3A_392] {strides = array<i32>} : memref<16x1024xf32, #tpu.memory_space<vmem>>, vector<1x16xf32>,
        %parallel_loop3A_394 = vector.shape_cast %parallel_loop3A_393 : vector<1x16xf32> to vector<16xf32>
        %parallel_loop3A_395 = arith.constant 3.200000e+01 : f32
        %parallel_loop3A_396 = vector.broadcast %parallel_loop3A_395 : f32 to vector<16xf32>
        %parallel_loop3A_397 = arith.mulf %parallel_loop3A_394, %parallel_loop3A_396 : vector<16xf32>
        %parallel_loop3A_398 = arith.index_cast %parallel_loop3A_162 : i32 to index
        %parallel_loop3A_399 = arith.constant 304 : index
        %parallel_loop3A_400 = tpu.vector_load %arg10[%parallel_loop3A_398, %parallel_loop3A_399] {strides = array<i32>} : memref<16x1024xf32, #tpu.memory_space<vmem>>, vector<1x16xf32>,
        %parallel_loop3A_401 = vector.shape_cast %parallel_loop3A_400 : vector<1x16xf32> to vector<16xf32>
        %parallel_loop3A_402 = vector.shape_cast %parallel_loop3A_397 : vector<16xf32> to vector<1x16xf32>
        tpu.vector_store %arg10[%parallel_loop3A_398, %parallel_loop3A_399], %parallel_loop3A_402 {strides = array<i32>} : memref<16x1024xf32, #tpu.memory_space<vmem>>, vector<1x16xf32>,
        %parallel_loop3A_403 = arith.index_cast %parallel_loop3A_162 : i32 to index
        %parallel_loop3A_404 = arith.constant 320 : index
        %parallel_loop3A_405 = tpu.vector_load %arg6[%parallel_loop3A_403, %parallel_loop3A_404] {strides = array<i32>} : memref<16x1024xf32, #tpu.memory_space<vmem>>, vector<1x16xf32>,
        %parallel_loop3A_406 = vector.shape_cast %parallel_loop3A_405 : vector<1x16xf32> to vector<16xf32>
        %parallel_loop3A_407 = arith.constant 3.200000e+01 : f32
        %parallel_loop3A_408 = vector.broadcast %parallel_loop3A_407 : f32 to vector<16xf32>
        %parallel_loop3A_409 = arith.mulf %parallel_loop3A_406, %parallel_loop3A_408 : vector<16xf32>
        %parallel_loop3A_410 = arith.index_cast %parallel_loop3A_162 : i32 to index
        %parallel_loop3A_411 = arith.constant 320 : index
        %parallel_loop3A_412 = tpu.vector_load %arg10[%parallel_loop3A_410, %parallel_loop3A_411] {strides = array<i32>} : memref<16x1024xf32, #tpu.memory_space<vmem>>, vector<1x16xf32>,
        %parallel_loop3A_413 = vector.shape_cast %parallel_loop3A_412 : vector<1x16xf32> to vector<16xf32>
        %parallel_loop3A_414 = vector.shape_cast %parallel_loop3A_409 : vector<16xf32> to vector<1x16xf32>
        tpu.vector_store %arg10[%parallel_loop3A_410, %parallel_loop3A_411], %parallel_loop3A_414 {strides = array<i32>} : memref<16x1024xf32, #tpu.memory_space<vmem>>, vector<1x16xf32>,
        %parallel_loop3A_415 = arith.index_cast %parallel_loop3A_162 : i32 to index
        %parallel_loop3A_416 = arith.constant 336 : index
        %parallel_loop3A_417 = tpu.vector_load %arg6[%parallel_loop3A_415, %parallel_loop3A_416] {strides = array<i32>} : memref<16x1024xf32, #tpu.memory_space<vmem>>, vector<1x16xf32>,
        %parallel_loop3A_418 = vector.shape_cast %parallel_loop3A_417 : vector<1x16xf32> to vector<16xf32>
        %parallel_loop3A_419 = arith.constant 3.200000e+01 : f32
        %parallel_loop3A_420 = vector.broadcast %parallel_loop3A_419 : f32 to vector<16xf32>
        %parallel_loop3A_421 = arith.mulf %parallel_loop3A_418, %parallel_loop3A_420 : vector<16xf32>
        %parallel_loop3A_422 = arith.index_cast %parallel_loop3A_162 : i32 to index
        %parallel_loop3A_423 = arith.constant 336 : index
        %parallel_loop3A_424 = tpu.vector_load %arg10[%parallel_loop3A_422, %parallel_loop3A_423] {strides = array<i32>} : memref<16x1024xf32, #tpu.memory_space<vmem>>, vector<1x16xf32>,
        %parallel_loop3A_425 = vector.shape_cast %parallel_loop3A_424 : vector<1x16xf32> to vector<16xf32>
        %parallel_loop3A_426 = vector.shape_cast %parallel_loop3A_421 : vector<16xf32> to vector<1x16xf32>
        tpu.vector_store %arg10[%parallel_loop3A_422, %parallel_loop3A_423], %parallel_loop3A_426 {strides = array<i32>} : memref<16x1024xf32, #tpu.memory_space<vmem>>, vector<1x16xf32>,
        %parallel_loop3A_427 = arith.index_cast %parallel_loop3A_162 : i32 to index
        %parallel_loop3A_428 = arith.constant 352 : index
        %parallel_loop3A_429 = tpu.vector_load %arg6[%parallel_loop3A_427, %parallel_loop3A_428] {strides = array<i32>} : memref<16x1024xf32, #tpu.memory_space<vmem>>, vector<1x16xf32>,
        %parallel_loop3A_430 = vector.shape_cast %parallel_loop3A_429 : vector<1x16xf32> to vector<16xf32>
        %parallel_loop3A_431 = arith.constant 3.200000e+01 : f32
        %parallel_loop3A_432 = vector.broadcast %parallel_loop3A_431 : f32 to vector<16xf32>
        %parallel_loop3A_433 = arith.mulf %parallel_loop3A_430, %parallel_loop3A_432 : vector<16xf32>
        %parallel_loop3A_434 = arith.index_cast %parallel_loop3A_162 : i32 to index
        %parallel_loop3A_435 = arith.constant 352 : index
        %parallel_loop3A_436 = tpu.vector_load %arg10[%parallel_loop3A_434, %parallel_loop3A_435] {strides = array<i32>} : memref<16x1024xf32, #tpu.memory_space<vmem>>, vector<1x16xf32>,
        %parallel_loop3A_437 = vector.shape_cast %parallel_loop3A_436 : vector<1x16xf32> to vector<16xf32>
        %parallel_loop3A_438 = vector.shape_cast %parallel_loop3A_433 : vector<16xf32> to vector<1x16xf32>
        tpu.vector_store %arg10[%parallel_loop3A_434, %parallel_loop3A_435], %parallel_loop3A_438 {strides = array<i32>} : memref<16x1024xf32, #tpu.memory_space<vmem>>, vector<1x16xf32>,
        %parallel_loop3A_439 = arith.index_cast %parallel_loop3A_162 : i32 to index
        %parallel_loop3A_440 = arith.constant 368 : index
        %parallel_loop3A_441 = tpu.vector_load %arg6[%parallel_loop3A_439, %parallel_loop3A_440] {strides = array<i32>} : memref<16x1024xf32, #tpu.memory_space<vmem>>, vector<1x16xf32>,
        %parallel_loop3A_442 = vector.shape_cast %parallel_loop3A_441 : vector<1x16xf32> to vector<16xf32>
        %parallel_loop3A_443 = arith.constant 3.200000e+01 : f32
        %parallel_loop3A_444 = vector.broadcast %parallel_loop3A_443 : f32 to vector<16xf32>
        %parallel_loop3A_445 = arith.mulf %parallel_loop3A_442, %parallel_loop3A_444 : vector<16xf32>
        %parallel_loop3A_446 = arith.index_cast %parallel_loop3A_162 : i32 to index
        %parallel_loop3A_447 = arith.constant 368 : index
        %parallel_loop3A_448 = tpu.vector_load %arg10[%parallel_loop3A_446, %parallel_loop3A_447] {strides = array<i32>} : memref<16x1024xf32, #tpu.memory_space<vmem>>, vector<1x16xf32>,
        %parallel_loop3A_449 = vector.shape_cast %parallel_loop3A_448 : vector<1x16xf32> to vector<16xf32>
        %parallel_loop3A_450 = vector.shape_cast %parallel_loop3A_445 : vector<16xf32> to vector<1x16xf32>
        tpu.vector_store %arg10[%parallel_loop3A_446, %parallel_loop3A_447], %parallel_loop3A_450 {strides = array<i32>} : memref<16x1024xf32, #tpu.memory_space<vmem>>, vector<1x16xf32>,
        %parallel_loop3A_451 = arith.index_cast %parallel_loop3A_162 : i32 to index
        %parallel_loop3A_452 = arith.constant 384 : index
        %parallel_loop3A_453 = tpu.vector_load %arg6[%parallel_loop3A_451, %parallel_loop3A_452] {strides = array<i32>} : memref<16x1024xf32, #tpu.memory_space<vmem>>, vector<1x16xf32>,
        %parallel_loop3A_454 = vector.shape_cast %parallel_loop3A_453 : vector<1x16xf32> to vector<16xf32>
        %parallel_loop3A_455 = arith.constant 3.200000e+01 : f32
        %parallel_loop3A_456 = vector.broadcast %parallel_loop3A_455 : f32 to vector<16xf32>
        %parallel_loop3A_457 = arith.mulf %parallel_loop3A_454, %parallel_loop3A_456 : vector<16xf32>
        %parallel_loop3A_458 = arith.index_cast %parallel_loop3A_162 : i32 to index
        %parallel_loop3A_459 = arith.constant 384 : index
        %parallel_loop3A_460 = tpu.vector_load %arg10[%parallel_loop3A_458, %parallel_loop3A_459] {strides = array<i32>} : memref<16x1024xf32, #tpu.memory_space<vmem>>, vector<1x16xf32>,
        %parallel_loop3A_461 = vector.shape_cast %parallel_loop3A_460 : vector<1x16xf32> to vector<16xf32>
        %parallel_loop3A_462 = vector.shape_cast %parallel_loop3A_457 : vector<16xf32> to vector<1x16xf32>
        tpu.vector_store %arg10[%parallel_loop3A_458, %parallel_loop3A_459], %parallel_loop3A_462 {strides = array<i32>} : memref<16x1024xf32, #tpu.memory_space<vmem>>, vector<1x16xf32>,
        %parallel_loop3A_463 = arith.index_cast %parallel_loop3A_162 : i32 to index
        %parallel_loop3A_464 = arith.constant 400 : index
        %parallel_loop3A_465 = tpu.vector_load %arg6[%parallel_loop3A_463, %parallel_loop3A_464] {strides = array<i32>} : memref<16x1024xf32, #tpu.memory_space<vmem>>, vector<1x16xf32>,
        %parallel_loop3A_466 = vector.shape_cast %parallel_loop3A_465 : vector<1x16xf32> to vector<16xf32>
        %parallel_loop3A_467 = arith.constant 3.200000e+01 : f32
        %parallel_loop3A_468 = vector.broadcast %parallel_loop3A_467 : f32 to vector<16xf32>
        %parallel_loop3A_469 = arith.mulf %parallel_loop3A_466, %parallel_loop3A_468 : vector<16xf32>
        %parallel_loop3A_470 = arith.index_cast %parallel_loop3A_162 : i32 to index
        %parallel_loop3A_471 = arith.constant 400 : index
        %parallel_loop3A_472 = tpu.vector_load %arg10[%parallel_loop3A_470, %parallel_loop3A_471] {strides = array<i32>} : memref<16x1024xf32, #tpu.memory_space<vmem>>, vector<1x16xf32>,
        %parallel_loop3A_473 = vector.shape_cast %parallel_loop3A_472 : vector<1x16xf32> to vector<16xf32>
        %parallel_loop3A_474 = vector.shape_cast %parallel_loop3A_469 : vector<16xf32> to vector<1x16xf32>
        tpu.vector_store %arg10[%parallel_loop3A_470, %parallel_loop3A_471], %parallel_loop3A_474 {strides = array<i32>} : memref<16x1024xf32, #tpu.memory_space<vmem>>, vector<1x16xf32>,
        %parallel_loop3A_475 = arith.index_cast %parallel_loop3A_162 : i32 to index
        %parallel_loop3A_476 = arith.constant 416 : index
        %parallel_loop3A_477 = tpu.vector_load %arg6[%parallel_loop3A_475, %parallel_loop3A_476] {strides = array<i32>} : memref<16x1024xf32, #tpu.memory_space<vmem>>, vector<1x16xf32>,
        %parallel_loop3A_478 = vector.shape_cast %parallel_loop3A_477 : vector<1x16xf32> to vector<16xf32>
        %parallel_loop3A_479 = arith.constant 3.200000e+01 : f32
        %parallel_loop3A_480 = vector.broadcast %parallel_loop3A_479 : f32 to vector<16xf32>
        %parallel_loop3A_481 = arith.mulf %parallel_loop3A_478, %parallel_loop3A_480 : vector<16xf32>
        %parallel_loop3A_482 = arith.index_cast %parallel_loop3A_162 : i32 to index
        %parallel_loop3A_483 = arith.constant 416 : index
        %parallel_loop3A_484 = tpu.vector_load %arg10[%parallel_loop3A_482, %parallel_loop3A_483] {strides = array<i32>} : memref<16x1024xf32, #tpu.memory_space<vmem>>, vector<1x16xf32>,
        %parallel_loop3A_485 = vector.shape_cast %parallel_loop3A_484 : vector<1x16xf32> to vector<16xf32>
        %parallel_loop3A_486 = vector.shape_cast %parallel_loop3A_481 : vector<16xf32> to vector<1x16xf32>
        tpu.vector_store %arg10[%parallel_loop3A_482, %parallel_loop3A_483], %parallel_loop3A_486 {strides = array<i32>} : memref<16x1024xf32, #tpu.memory_space<vmem>>, vector<1x16xf32>,
        %parallel_loop3A_487 = arith.index_cast %parallel_loop3A_162 : i32 to index
        %parallel_loop3A_488 = arith.constant 432 : index
        %parallel_loop3A_489 = tpu.vector_load %arg6[%parallel_loop3A_487, %parallel_loop3A_488] {strides = array<i32>} : memref<16x1024xf32, #tpu.memory_space<vmem>>, vector<1x16xf32>,
        %parallel_loop3A_490 = vector.shape_cast %parallel_loop3A_489 : vector<1x16xf32> to vector<16xf32>
        %parallel_loop3A_491 = arith.constant 3.200000e+01 : f32
        %parallel_loop3A_492 = vector.broadcast %parallel_loop3A_491 : f32 to vector<16xf32>
        %parallel_loop3A_493 = arith.mulf %parallel_loop3A_490, %parallel_loop3A_492 : vector<16xf32>
        %parallel_loop3A_494 = arith.index_cast %parallel_loop3A_162 : i32 to index
        %parallel_loop3A_495 = arith.constant 432 : index
        %parallel_loop3A_496 = tpu.vector_load %arg10[%parallel_loop3A_494, %parallel_loop3A_495] {strides = array<i32>} : memref<16x1024xf32, #tpu.memory_space<vmem>>, vector<1x16xf32>,
        %parallel_loop3A_497 = vector.shape_cast %parallel_loop3A_496 : vector<1x16xf32> to vector<16xf32>
        %parallel_loop3A_498 = vector.shape_cast %parallel_loop3A_493 : vector<16xf32> to vector<1x16xf32>
        tpu.vector_store %arg10[%parallel_loop3A_494, %parallel_loop3A_495], %parallel_loop3A_498 {strides = array<i32>} : memref<16x1024xf32, #tpu.memory_space<vmem>>, vector<1x16xf32>,
        %parallel_loop3A_499 = arith.index_cast %parallel_loop3A_162 : i32 to index
        %parallel_loop3A_500 = arith.constant 448 : index
        %parallel_loop3A_501 = tpu.vector_load %arg6[%parallel_loop3A_499, %parallel_loop3A_500] {strides = array<i32>} : memref<16x1024xf32, #tpu.memory_space<vmem>>, vector<1x16xf32>,
        %parallel_loop3A_502 = vector.shape_cast %parallel_loop3A_501 : vector<1x16xf32> to vector<16xf32>
        %parallel_loop3A_503 = arith.constant 3.200000e+01 : f32
        %parallel_loop3A_504 = vector.broadcast %parallel_loop3A_503 : f32 to vector<16xf32>
        %parallel_loop3A_505 = arith.mulf %parallel_loop3A_502, %parallel_loop3A_504 : vector<16xf32>
        %parallel_loop3A_506 = arith.index_cast %parallel_loop3A_162 : i32 to index
        %parallel_loop3A_507 = arith.constant 448 : index
        %parallel_loop3A_508 = tpu.vector_load %arg10[%parallel_loop3A_506, %parallel_loop3A_507] {strides = array<i32>} : memref<16x1024xf32, #tpu.memory_space<vmem>>, vector<1x16xf32>,
        %parallel_loop3A_509 = vector.shape_cast %parallel_loop3A_508 : vector<1x16xf32> to vector<16xf32>
        %parallel_loop3A_510 = vector.shape_cast %parallel_loop3A_505 : vector<16xf32> to vector<1x16xf32>
        tpu.vector_store %arg10[%parallel_loop3A_506, %parallel_loop3A_507], %parallel_loop3A_510 {strides = array<i32>} : memref<16x1024xf32, #tpu.memory_space<vmem>>, vector<1x16xf32>,
        %parallel_loop3A_511 = arith.index_cast %parallel_loop3A_162 : i32 to index
        %parallel_loop3A_512 = arith.constant 464 : index
        %parallel_loop3A_513 = tpu.vector_load %arg6[%parallel_loop3A_511, %parallel_loop3A_512] {strides = array<i32>} : memref<16x1024xf32, #tpu.memory_space<vmem>>, vector<1x16xf32>,
        %parallel_loop3A_514 = vector.shape_cast %parallel_loop3A_513 : vector<1x16xf32> to vector<16xf32>
        %parallel_loop3A_515 = arith.constant 3.200000e+01 : f32
        %parallel_loop3A_516 = vector.broadcast %parallel_loop3A_515 : f32 to vector<16xf32>
        %parallel_loop3A_517 = arith.mulf %parallel_loop3A_514, %parallel_loop3A_516 : vector<16xf32>
        %parallel_loop3A_518 = arith.index_cast %parallel_loop3A_162 : i32 to index
        %parallel_loop3A_519 = arith.constant 464 : index
        %parallel_loop3A_520 = tpu.vector_load %arg10[%parallel_loop3A_518, %parallel_loop3A_519] {strides = array<i32>} : memref<16x1024xf32, #tpu.memory_space<vmem>>, vector<1x16xf32>,
        %parallel_loop3A_521 = vector.shape_cast %parallel_loop3A_520 : vector<1x16xf32> to vector<16xf32>
        %parallel_loop3A_522 = vector.shape_cast %parallel_loop3A_517 : vector<16xf32> to vector<1x16xf32>
        tpu.vector_store %arg10[%parallel_loop3A_518, %parallel_loop3A_519], %parallel_loop3A_522 {strides = array<i32>} : memref<16x1024xf32, #tpu.memory_space<vmem>>, vector<1x16xf32>,
        %parallel_loop3A_523 = arith.index_cast %parallel_loop3A_162 : i32 to index
        %parallel_loop3A_524 = arith.constant 480 : index
        %parallel_loop3A_525 = tpu.vector_load %arg6[%parallel_loop3A_523, %parallel_loop3A_524] {strides = array<i32>} : memref<16x1024xf32, #tpu.memory_space<vmem>>, vector<1x16xf32>,
        %parallel_loop3A_526 = vector.shape_cast %parallel_loop3A_525 : vector<1x16xf32> to vector<16xf32>
        %parallel_loop3A_527 = arith.constant 3.200000e+01 : f32
        %parallel_loop3A_528 = vector.broadcast %parallel_loop3A_527 : f32 to vector<16xf32>
        %parallel_loop3A_529 = arith.mulf %parallel_loop3A_526, %parallel_loop3A_528 : vector<16xf32>
        %parallel_loop3A_530 = arith.index_cast %parallel_loop3A_162 : i32 to index
        %parallel_loop3A_531 = arith.constant 480 : index
        %parallel_loop3A_532 = tpu.vector_load %arg10[%parallel_loop3A_530, %parallel_loop3A_531] {strides = array<i32>} : memref<16x1024xf32, #tpu.memory_space<vmem>>, vector<1x16xf32>,
        %parallel_loop3A_533 = vector.shape_cast %parallel_loop3A_532 : vector<1x16xf32> to vector<16xf32>
        %parallel_loop3A_534 = vector.shape_cast %parallel_loop3A_529 : vector<16xf32> to vector<1x16xf32>
        tpu.vector_store %arg10[%parallel_loop3A_530, %parallel_loop3A_531], %parallel_loop3A_534 {strides = array<i32>} : memref<16x1024xf32, #tpu.memory_space<vmem>>, vector<1x16xf32>,
        %parallel_loop3A_535 = arith.index_cast %parallel_loop3A_162 : i32 to index
        %parallel_loop3A_536 = arith.constant 496 : index
        %parallel_loop3A_537 = tpu.vector_load %arg6[%parallel_loop3A_535, %parallel_loop3A_536] {strides = array<i32>} : memref<16x1024xf32, #tpu.memory_space<vmem>>, vector<1x16xf32>,
        %parallel_loop3A_538 = vector.shape_cast %parallel_loop3A_537 : vector<1x16xf32> to vector<16xf32>
        %parallel_loop3A_539 = arith.constant 3.200000e+01 : f32
        %parallel_loop3A_540 = vector.broadcast %parallel_loop3A_539 : f32 to vector<16xf32>
        %parallel_loop3A_541 = arith.mulf %parallel_loop3A_538, %parallel_loop3A_540 : vector<16xf32>
        %parallel_loop3A_542 = arith.index_cast %parallel_loop3A_162 : i32 to index
        %parallel_loop3A_543 = arith.constant 496 : index
        %parallel_loop3A_544 = tpu.vector_load %arg10[%parallel_loop3A_542, %parallel_loop3A_543] {strides = array<i32>} : memref<16x1024xf32, #tpu.memory_space<vmem>>, vector<1x16xf32>,
        %parallel_loop3A_545 = vector.shape_cast %parallel_loop3A_544 : vector<1x16xf32> to vector<16xf32>
        %parallel_loop3A_546 = vector.shape_cast %parallel_loop3A_541 : vector<16xf32> to vector<1x16xf32>
        tpu.vector_store %arg10[%parallel_loop3A_542, %parallel_loop3A_543], %parallel_loop3A_546 {strides = array<i32>} : memref<16x1024xf32, #tpu.memory_space<vmem>>, vector<1x16xf32>,
        %parallel_loop3A_547 = arith.index_cast %parallel_loop3A_162 : i32 to index
        %parallel_loop3A_548 = arith.constant 512 : index
        %parallel_loop3A_549 = tpu.vector_load %arg6[%parallel_loop3A_547, %parallel_loop3A_548] {strides = array<i32>} : memref<16x1024xf32, #tpu.memory_space<vmem>>, vector<1x16xf32>,
        %parallel_loop3A_550 = vector.shape_cast %parallel_loop3A_549 : vector<1x16xf32> to vector<16xf32>
        %parallel_loop3A_551 = arith.constant 3.200000e+01 : f32
        %parallel_loop3A_552 = vector.broadcast %parallel_loop3A_551 : f32 to vector<16xf32>
        %parallel_loop3A_553 = arith.mulf %parallel_loop3A_550, %parallel_loop3A_552 : vector<16xf32>
        %parallel_loop3A_554 = arith.index_cast %parallel_loop3A_162 : i32 to index
        %parallel_loop3A_555 = arith.constant 512 : index
        %parallel_loop3A_556 = tpu.vector_load %arg10[%parallel_loop3A_554, %parallel_loop3A_555] {strides = array<i32>} : memref<16x1024xf32, #tpu.memory_space<vmem>>, vector<1x16xf32>,
        %parallel_loop3A_557 = vector.shape_cast %parallel_loop3A_556 : vector<1x16xf32> to vector<16xf32>
        %parallel_loop3A_558 = vector.shape_cast %parallel_loop3A_553 : vector<16xf32> to vector<1x16xf32>
        tpu.vector_store %arg10[%parallel_loop3A_554, %parallel_loop3A_555], %parallel_loop3A_558 {strides = array<i32>} : memref<16x1024xf32, #tpu.memory_space<vmem>>, vector<1x16xf32>,
        %parallel_loop3A_559 = arith.index_cast %parallel_loop3A_162 : i32 to index
        %parallel_loop3A_560 = arith.constant 528 : index
        %parallel_loop3A_561 = tpu.vector_load %arg6[%parallel_loop3A_559, %parallel_loop3A_560] {strides = array<i32>} : memref<16x1024xf32, #tpu.memory_space<vmem>>, vector<1x16xf32>,
        %parallel_loop3A_562 = vector.shape_cast %parallel_loop3A_561 : vector<1x16xf32> to vector<16xf32>
        %parallel_loop3A_563 = arith.constant 3.200000e+01 : f32
        %parallel_loop3A_564 = vector.broadcast %parallel_loop3A_563 : f32 to vector<16xf32>
        %parallel_loop3A_565 = arith.mulf %parallel_loop3A_562, %parallel_loop3A_564 : vector<16xf32>
        %parallel_loop3A_566 = arith.index_cast %parallel_loop3A_162 : i32 to index
        %parallel_loop3A_567 = arith.constant 528 : index
        %parallel_loop3A_568 = tpu.vector_load %arg10[%parallel_loop3A_566, %parallel_loop3A_567] {strides = array<i32>} : memref<16x1024xf32, #tpu.memory_space<vmem>>, vector<1x16xf32>,
        %parallel_loop3A_569 = vector.shape_cast %parallel_loop3A_568 : vector<1x16xf32> to vector<16xf32>
        %parallel_loop3A_570 = vector.shape_cast %parallel_loop3A_565 : vector<16xf32> to vector<1x16xf32>
        tpu.vector_store %arg10[%parallel_loop3A_566, %parallel_loop3A_567], %parallel_loop3A_570 {strides = array<i32>} : memref<16x1024xf32, #tpu.memory_space<vmem>>, vector<1x16xf32>,
        %parallel_loop3A_571 = arith.index_cast %parallel_loop3A_162 : i32 to index
        %parallel_loop3A_572 = arith.constant 544 : index
        %parallel_loop3A_573 = tpu.vector_load %arg6[%parallel_loop3A_571, %parallel_loop3A_572] {strides = array<i32>} : memref<16x1024xf32, #tpu.memory_space<vmem>>, vector<1x16xf32>,
        %parallel_loop3A_574 = vector.shape_cast %parallel_loop3A_573 : vector<1x16xf32> to vector<16xf32>
        %parallel_loop3A_575 = arith.constant 3.200000e+01 : f32
        %parallel_loop3A_576 = vector.broadcast %parallel_loop3A_575 : f32 to vector<16xf32>
        %parallel_loop3A_577 = arith.mulf %parallel_loop3A_574, %parallel_loop3A_576 : vector<16xf32>
        %parallel_loop3A_578 = arith.index_cast %parallel_loop3A_162 : i32 to index
        %parallel_loop3A_579 = arith.constant 544 : index
        %parallel_loop3A_580 = tpu.vector_load %arg10[%parallel_loop3A_578, %parallel_loop3A_579] {strides = array<i32>} : memref<16x1024xf32, #tpu.memory_space<vmem>>, vector<1x16xf32>,
        %parallel_loop3A_581 = vector.shape_cast %parallel_loop3A_580 : vector<1x16xf32> to vector<16xf32>
        %parallel_loop3A_582 = vector.shape_cast %parallel_loop3A_577 : vector<16xf32> to vector<1x16xf32>
        tpu.vector_store %arg10[%parallel_loop3A_578, %parallel_loop3A_579], %parallel_loop3A_582 {strides = array<i32>} : memref<16x1024xf32, #tpu.memory_space<vmem>>, vector<1x16xf32>,
        %parallel_loop3A_583 = arith.index_cast %parallel_loop3A_162 : i32 to index
        %parallel_loop3A_584 = arith.constant 560 : index
        %parallel_loop3A_585 = tpu.vector_load %arg6[%parallel_loop3A_583, %parallel_loop3A_584] {strides = array<i32>} : memref<16x1024xf32, #tpu.memory_space<vmem>>, vector<1x16xf32>,
        %parallel_loop3A_586 = vector.shape_cast %parallel_loop3A_585 : vector<1x16xf32> to vector<16xf32>
        %parallel_loop3A_587 = arith.constant 3.200000e+01 : f32
        %parallel_loop3A_588 = vector.broadcast %parallel_loop3A_587 : f32 to vector<16xf32>
        %parallel_loop3A_589 = arith.mulf %parallel_loop3A_586, %parallel_loop3A_588 : vector<16xf32>
        %parallel_loop3A_590 = arith.index_cast %parallel_loop3A_162 : i32 to index
        %parallel_loop3A_591 = arith.constant 560 : index
        %parallel_loop3A_592 = tpu.vector_load %arg10[%parallel_loop3A_590, %parallel_loop3A_591] {strides = array<i32>} : memref<16x1024xf32, #tpu.memory_space<vmem>>, vector<1x16xf32>,
        %parallel_loop3A_593 = vector.shape_cast %parallel_loop3A_592 : vector<1x16xf32> to vector<16xf32>
        %parallel_loop3A_594 = vector.shape_cast %parallel_loop3A_589 : vector<16xf32> to vector<1x16xf32>
        tpu.vector_store %arg10[%parallel_loop3A_590, %parallel_loop3A_591], %parallel_loop3A_594 {strides = array<i32>} : memref<16x1024xf32, #tpu.memory_space<vmem>>, vector<1x16xf32>,
        %parallel_loop3A_595 = arith.index_cast %parallel_loop3A_162 : i32 to index
        %parallel_loop3A_596 = arith.constant 576 : index
        %parallel_loop3A_597 = tpu.vector_load %arg6[%parallel_loop3A_595, %parallel_loop3A_596] {strides = array<i32>} : memref<16x1024xf32, #tpu.memory_space<vmem>>, vector<1x16xf32>,
        %parallel_loop3A_598 = vector.shape_cast %parallel_loop3A_597 : vector<1x16xf32> to vector<16xf32>
        %parallel_loop3A_599 = arith.constant 3.200000e+01 : f32
        %parallel_loop3A_600 = vector.broadcast %parallel_loop3A_599 : f32 to vector<16xf32>
        %parallel_loop3A_601 = arith.mulf %parallel_loop3A_598, %parallel_loop3A_600 : vector<16xf32>
        %parallel_loop3A_602 = arith.index_cast %parallel_loop3A_162 : i32 to index
        %parallel_loop3A_603 = arith.constant 576 : index
        %parallel_loop3A_604 = tpu.vector_load %arg10[%parallel_loop3A_602, %parallel_loop3A_603] {strides = array<i32>} : memref<16x1024xf32, #tpu.memory_space<vmem>>, vector<1x16xf32>,
        %parallel_loop3A_605 = vector.shape_cast %parallel_loop3A_604 : vector<1x16xf32> to vector<16xf32>
        %parallel_loop3A_606 = vector.shape_cast %parallel_loop3A_601 : vector<16xf32> to vector<1x16xf32>
        tpu.vector_store %arg10[%parallel_loop3A_602, %parallel_loop3A_603], %parallel_loop3A_606 {strides = array<i32>} : memref<16x1024xf32, #tpu.memory_space<vmem>>, vector<1x16xf32>,
        %parallel_loop3A_607 = arith.index_cast %parallel_loop3A_162 : i32 to index
        %parallel_loop3A_608 = arith.constant 592 : index
        %parallel_loop3A_609 = tpu.vector_load %arg6[%parallel_loop3A_607, %parallel_loop3A_608] {strides = array<i32>} : memref<16x1024xf32, #tpu.memory_space<vmem>>, vector<1x16xf32>,
        %parallel_loop3A_610 = vector.shape_cast %parallel_loop3A_609 : vector<1x16xf32> to vector<16xf32>
        %parallel_loop3A_611 = arith.constant 3.200000e+01 : f32
        %parallel_loop3A_612 = vector.broadcast %parallel_loop3A_611 : f32 to vector<16xf32>
        %parallel_loop3A_613 = arith.mulf %parallel_loop3A_610, %parallel_loop3A_612 : vector<16xf32>
        %parallel_loop3A_614 = arith.index_cast %parallel_loop3A_162 : i32 to index
        %parallel_loop3A_615 = arith.constant 592 : index
        %parallel_loop3A_616 = tpu.vector_load %arg10[%parallel_loop3A_614, %parallel_loop3A_615] {strides = array<i32>} : memref<16x1024xf32, #tpu.memory_space<vmem>>, vector<1x16xf32>,
        %parallel_loop3A_617 = vector.shape_cast %parallel_loop3A_616 : vector<1x16xf32> to vector<16xf32>
        %parallel_loop3A_618 = vector.shape_cast %parallel_loop3A_613 : vector<16xf32> to vector<1x16xf32>
        tpu.vector_store %arg10[%parallel_loop3A_614, %parallel_loop3A_615], %parallel_loop3A_618 {strides = array<i32>} : memref<16x1024xf32, #tpu.memory_space<vmem>>, vector<1x16xf32>,
        %parallel_loop3A_619 = arith.index_cast %parallel_loop3A_162 : i32 to index
        %parallel_loop3A_620 = arith.constant 608 : index
        %parallel_loop3A_621 = tpu.vector_load %arg6[%parallel_loop3A_619, %parallel_loop3A_620] {strides = array<i32>} : memref<16x1024xf32, #tpu.memory_space<vmem>>, vector<1x16xf32>,
        %parallel_loop3A_622 = vector.shape_cast %parallel_loop3A_621 : vector<1x16xf32> to vector<16xf32>
        %parallel_loop3A_623 = arith.constant 3.200000e+01 : f32
        %parallel_loop3A_624 = vector.broadcast %parallel_loop3A_623 : f32 to vector<16xf32>
        %parallel_loop3A_625 = arith.mulf %parallel_loop3A_622, %parallel_loop3A_624 : vector<16xf32>
        %parallel_loop3A_626 = arith.index_cast %parallel_loop3A_162 : i32 to index
        %parallel_loop3A_627 = arith.constant 608 : index
        %parallel_loop3A_628 = tpu.vector_load %arg10[%parallel_loop3A_626, %parallel_loop3A_627] {strides = array<i32>} : memref<16x1024xf32, #tpu.memory_space<vmem>>, vector<1x16xf32>,
        %parallel_loop3A_629 = vector.shape_cast %parallel_loop3A_628 : vector<1x16xf32> to vector<16xf32>
        %parallel_loop3A_630 = vector.shape_cast %parallel_loop3A_625 : vector<16xf32> to vector<1x16xf32>
        tpu.vector_store %arg10[%parallel_loop3A_626, %parallel_loop3A_627], %parallel_loop3A_630 {strides = array<i32>} : memref<16x1024xf32, #tpu.memory_space<vmem>>, vector<1x16xf32>,
        %parallel_loop3A_631 = arith.index_cast %parallel_loop3A_162 : i32 to index
        %parallel_loop3A_632 = arith.constant 624 : index
        %parallel_loop3A_633 = tpu.vector_load %arg6[%parallel_loop3A_631, %parallel_loop3A_632] {strides = array<i32>} : memref<16x1024xf32, #tpu.memory_space<vmem>>, vector<1x16xf32>,
        %parallel_loop3A_634 = vector.shape_cast %parallel_loop3A_633 : vector<1x16xf32> to vector<16xf32>
        %parallel_loop3A_635 = arith.constant 3.200000e+01 : f32
        %parallel_loop3A_636 = vector.broadcast %parallel_loop3A_635 : f32 to vector<16xf32>
        %parallel_loop3A_637 = arith.mulf %parallel_loop3A_634, %parallel_loop3A_636 : vector<16xf32>
        %parallel_loop3A_638 = arith.index_cast %parallel_loop3A_162 : i32 to index
        %parallel_loop3A_639 = arith.constant 624 : index
        %parallel_loop3A_640 = tpu.vector_load %arg10[%parallel_loop3A_638, %parallel_loop3A_639] {strides = array<i32>} : memref<16x1024xf32, #tpu.memory_space<vmem>>, vector<1x16xf32>,
        %parallel_loop3A_641 = vector.shape_cast %parallel_loop3A_640 : vector<1x16xf32> to vector<16xf32>
        %parallel_loop3A_642 = vector.shape_cast %parallel_loop3A_637 : vector<16xf32> to vector<1x16xf32>
        tpu.vector_store %arg10[%parallel_loop3A_638, %parallel_loop3A_639], %parallel_loop3A_642 {strides = array<i32>} : memref<16x1024xf32, #tpu.memory_space<vmem>>, vector<1x16xf32>,
        %parallel_loop3A_643 = arith.index_cast %parallel_loop3A_162 : i32 to index
        %parallel_loop3A_644 = arith.constant 640 : index
        %parallel_loop3A_645 = tpu.vector_load %arg6[%parallel_loop3A_643, %parallel_loop3A_644] {strides = array<i32>} : memref<16x1024xf32, #tpu.memory_space<vmem>>, vector<1x16xf32>,
        %parallel_loop3A_646 = vector.shape_cast %parallel_loop3A_645 : vector<1x16xf32> to vector<16xf32>
        %parallel_loop3A_647 = arith.constant 3.200000e+01 : f32
        %parallel_loop3A_648 = vector.broadcast %parallel_loop3A_647 : f32 to vector<16xf32>
        %parallel_loop3A_649 = arith.mulf %parallel_loop3A_646, %parallel_loop3A_648 : vector<16xf32>
        %parallel_loop3A_650 = arith.index_cast %parallel_loop3A_162 : i32 to index
        %parallel_loop3A_651 = arith.constant 640 : index
        %parallel_loop3A_652 = tpu.vector_load %arg10[%parallel_loop3A_650, %parallel_loop3A_651] {strides = array<i32>} : memref<16x1024xf32, #tpu.memory_space<vmem>>, vector<1x16xf32>,
        %parallel_loop3A_653 = vector.shape_cast %parallel_loop3A_652 : vector<1x16xf32> to vector<16xf32>
        %parallel_loop3A_654 = vector.shape_cast %parallel_loop3A_649 : vector<16xf32> to vector<1x16xf32>
        tpu.vector_store %arg10[%parallel_loop3A_650, %parallel_loop3A_651], %parallel_loop3A_654 {strides = array<i32>} : memref<16x1024xf32, #tpu.memory_space<vmem>>, vector<1x16xf32>,
        %parallel_loop3A_655 = arith.index_cast %parallel_loop3A_162 : i32 to index
        %parallel_loop3A_656 = arith.constant 656 : index
        %parallel_loop3A_657 = tpu.vector_load %arg6[%parallel_loop3A_655, %parallel_loop3A_656] {strides = array<i32>} : memref<16x1024xf32, #tpu.memory_space<vmem>>, vector<1x16xf32>,
        %parallel_loop3A_658 = vector.shape_cast %parallel_loop3A_657 : vector<1x16xf32> to vector<16xf32>
        %parallel_loop3A_659 = arith.constant 3.200000e+01 : f32
        %parallel_loop3A_660 = vector.broadcast %parallel_loop3A_659 : f32 to vector<16xf32>
        %parallel_loop3A_661 = arith.mulf %parallel_loop3A_658, %parallel_loop3A_660 : vector<16xf32>
        %parallel_loop3A_662 = arith.index_cast %parallel_loop3A_162 : i32 to index
        %parallel_loop3A_663 = arith.constant 656 : index
        %parallel_loop3A_664 = tpu.vector_load %arg10[%parallel_loop3A_662, %parallel_loop3A_663] {strides = array<i32>} : memref<16x1024xf32, #tpu.memory_space<vmem>>, vector<1x16xf32>,
        %parallel_loop3A_665 = vector.shape_cast %parallel_loop3A_664 : vector<1x16xf32> to vector<16xf32>
        %parallel_loop3A_666 = vector.shape_cast %parallel_loop3A_661 : vector<16xf32> to vector<1x16xf32>
        tpu.vector_store %arg10[%parallel_loop3A_662, %parallel_loop3A_663], %parallel_loop3A_666 {strides = array<i32>} : memref<16x1024xf32, #tpu.memory_space<vmem>>, vector<1x16xf32>,
        %parallel_loop3A_667 = arith.index_cast %parallel_loop3A_162 : i32 to index
        %parallel_loop3A_668 = arith.constant 672 : index
        %parallel_loop3A_669 = tpu.vector_load %arg6[%parallel_loop3A_667, %parallel_loop3A_668] {strides = array<i32>} : memref<16x1024xf32, #tpu.memory_space<vmem>>, vector<1x16xf32>,
        %parallel_loop3A_670 = vector.shape_cast %parallel_loop3A_669 : vector<1x16xf32> to vector<16xf32>
        %parallel_loop3A_671 = arith.constant 3.200000e+01 : f32
        %parallel_loop3A_672 = vector.broadcast %parallel_loop3A_671 : f32 to vector<16xf32>
        %parallel_loop3A_673 = arith.mulf %parallel_loop3A_670, %parallel_loop3A_672 : vector<16xf32>
        %parallel_loop3A_674 = arith.index_cast %parallel_loop3A_162 : i32 to index
        %parallel_loop3A_675 = arith.constant 672 : index
        %parallel_loop3A_676 = tpu.vector_load %arg10[%parallel_loop3A_674, %parallel_loop3A_675] {strides = array<i32>} : memref<16x1024xf32, #tpu.memory_space<vmem>>, vector<1x16xf32>,
        %parallel_loop3A_677 = vector.shape_cast %parallel_loop3A_676 : vector<1x16xf32> to vector<16xf32>
        %parallel_loop3A_678 = vector.shape_cast %parallel_loop3A_673 : vector<16xf32> to vector<1x16xf32>
        tpu.vector_store %arg10[%parallel_loop3A_674, %parallel_loop3A_675], %parallel_loop3A_678 {strides = array<i32>} : memref<16x1024xf32, #tpu.memory_space<vmem>>, vector<1x16xf32>,
        %parallel_loop3A_679 = arith.index_cast %parallel_loop3A_162 : i32 to index
        %parallel_loop3A_680 = arith.constant 688 : index
        %parallel_loop3A_681 = tpu.vector_load %arg6[%parallel_loop3A_679, %parallel_loop3A_680] {strides = array<i32>} : memref<16x1024xf32, #tpu.memory_space<vmem>>, vector<1x16xf32>,
        %parallel_loop3A_682 = vector.shape_cast %parallel_loop3A_681 : vector<1x16xf32> to vector<16xf32>
        %parallel_loop3A_683 = arith.constant 3.200000e+01 : f32
        %parallel_loop3A_684 = vector.broadcast %parallel_loop3A_683 : f32 to vector<16xf32>
        %parallel_loop3A_685 = arith.mulf %parallel_loop3A_682, %parallel_loop3A_684 : vector<16xf32>
        %parallel_loop3A_686 = arith.index_cast %parallel_loop3A_162 : i32 to index
        %parallel_loop3A_687 = arith.constant 688 : index
        %parallel_loop3A_688 = tpu.vector_load %arg10[%parallel_loop3A_686, %parallel_loop3A_687] {strides = array<i32>} : memref<16x1024xf32, #tpu.memory_space<vmem>>, vector<1x16xf32>,
        %parallel_loop3A_689 = vector.shape_cast %parallel_loop3A_688 : vector<1x16xf32> to vector<16xf32>
        %parallel_loop3A_690 = vector.shape_cast %parallel_loop3A_685 : vector<16xf32> to vector<1x16xf32>
        tpu.vector_store %arg10[%parallel_loop3A_686, %parallel_loop3A_687], %parallel_loop3A_690 {strides = array<i32>} : memref<16x1024xf32, #tpu.memory_space<vmem>>, vector<1x16xf32>,
        %parallel_loop3A_691 = arith.index_cast %parallel_loop3A_162 : i32 to index
        %parallel_loop3A_692 = arith.constant 704 : index
        %parallel_loop3A_693 = tpu.vector_load %arg6[%parallel_loop3A_691, %parallel_loop3A_692] {strides = array<i32>} : memref<16x1024xf32, #tpu.memory_space<vmem>>, vector<1x16xf32>,
        %parallel_loop3A_694 = vector.shape_cast %parallel_loop3A_693 : vector<1x16xf32> to vector<16xf32>
        %parallel_loop3A_695 = arith.constant 3.200000e+01 : f32
        %parallel_loop3A_696 = vector.broadcast %parallel_loop3A_695 : f32 to vector<16xf32>
        %parallel_loop3A_697 = arith.mulf %parallel_loop3A_694, %parallel_loop3A_696 : vector<16xf32>
        %parallel_loop3A_698 = arith.index_cast %parallel_loop3A_162 : i32 to index
        %parallel_loop3A_699 = arith.constant 704 : index
        %parallel_loop3A_700 = tpu.vector_load %arg10[%parallel_loop3A_698, %parallel_loop3A_699] {strides = array<i32>} : memref<16x1024xf32, #tpu.memory_space<vmem>>, vector<1x16xf32>,
        %parallel_loop3A_701 = vector.shape_cast %parallel_loop3A_700 : vector<1x16xf32> to vector<16xf32>
        %parallel_loop3A_702 = vector.shape_cast %parallel_loop3A_697 : vector<16xf32> to vector<1x16xf32>
        tpu.vector_store %arg10[%parallel_loop3A_698, %parallel_loop3A_699], %parallel_loop3A_702 {strides = array<i32>} : memref<16x1024xf32, #tpu.memory_space<vmem>>, vector<1x16xf32>,
        %parallel_loop3A_703 = arith.index_cast %parallel_loop3A_162 : i32 to index
        %parallel_loop3A_704 = arith.constant 720 : index
        %parallel_loop3A_705 = tpu.vector_load %arg6[%parallel_loop3A_703, %parallel_loop3A_704] {strides = array<i32>} : memref<16x1024xf32, #tpu.memory_space<vmem>>, vector<1x16xf32>,
        %parallel_loop3A_706 = vector.shape_cast %parallel_loop3A_705 : vector<1x16xf32> to vector<16xf32>
        %parallel_loop3A_707 = arith.constant 3.200000e+01 : f32
        %parallel_loop3A_708 = vector.broadcast %parallel_loop3A_707 : f32 to vector<16xf32>
        %parallel_loop3A_709 = arith.mulf %parallel_loop3A_706, %parallel_loop3A_708 : vector<16xf32>
        %parallel_loop3A_710 = arith.index_cast %parallel_loop3A_162 : i32 to index
        %parallel_loop3A_711 = arith.constant 720 : index
        %parallel_loop3A_712 = tpu.vector_load %arg10[%parallel_loop3A_710, %parallel_loop3A_711] {strides = array<i32>} : memref<16x1024xf32, #tpu.memory_space<vmem>>, vector<1x16xf32>,
        %parallel_loop3A_713 = vector.shape_cast %parallel_loop3A_712 : vector<1x16xf32> to vector<16xf32>
        %parallel_loop3A_714 = vector.shape_cast %parallel_loop3A_709 : vector<16xf32> to vector<1x16xf32>
        tpu.vector_store %arg10[%parallel_loop3A_710, %parallel_loop3A_711], %parallel_loop3A_714 {strides = array<i32>} : memref<16x1024xf32, #tpu.memory_space<vmem>>, vector<1x16xf32>,
        %parallel_loop3A_715 = arith.index_cast %parallel_loop3A_162 : i32 to index
        %parallel_loop3A_716 = arith.constant 736 : index
        %parallel_loop3A_717 = tpu.vector_load %arg6[%parallel_loop3A_715, %parallel_loop3A_716] {strides = array<i32>} : memref<16x1024xf32, #tpu.memory_space<vmem>>, vector<1x16xf32>,
        %parallel_loop3A_718 = vector.shape_cast %parallel_loop3A_717 : vector<1x16xf32> to vector<16xf32>
        %parallel_loop3A_719 = arith.constant 3.200000e+01 : f32
        %parallel_loop3A_720 = vector.broadcast %parallel_loop3A_719 : f32 to vector<16xf32>
        %parallel_loop3A_721 = arith.mulf %parallel_loop3A_718, %parallel_loop3A_720 : vector<16xf32>
        %parallel_loop3A_722 = arith.index_cast %parallel_loop3A_162 : i32 to index
        %parallel_loop3A_723 = arith.constant 736 : index
        %parallel_loop3A_724 = tpu.vector_load %arg10[%parallel_loop3A_722, %parallel_loop3A_723] {strides = array<i32>} : memref<16x1024xf32, #tpu.memory_space<vmem>>, vector<1x16xf32>,
        %parallel_loop3A_725 = vector.shape_cast %parallel_loop3A_724 : vector<1x16xf32> to vector<16xf32>
        %parallel_loop3A_726 = vector.shape_cast %parallel_loop3A_721 : vector<16xf32> to vector<1x16xf32>
        tpu.vector_store %arg10[%parallel_loop3A_722, %parallel_loop3A_723], %parallel_loop3A_726 {strides = array<i32>} : memref<16x1024xf32, #tpu.memory_space<vmem>>, vector<1x16xf32>,
        %parallel_loop3A_727 = arith.index_cast %parallel_loop3A_162 : i32 to index
        %parallel_loop3A_728 = arith.constant 752 : index
        %parallel_loop3A_729 = tpu.vector_load %arg6[%parallel_loop3A_727, %parallel_loop3A_728] {strides = array<i32>} : memref<16x1024xf32, #tpu.memory_space<vmem>>, vector<1x16xf32>,
        %parallel_loop3A_730 = vector.shape_cast %parallel_loop3A_729 : vector<1x16xf32> to vector<16xf32>
        %parallel_loop3A_731 = arith.constant 3.200000e+01 : f32
        %parallel_loop3A_732 = vector.broadcast %parallel_loop3A_731 : f32 to vector<16xf32>
        %parallel_loop3A_733 = arith.mulf %parallel_loop3A_730, %parallel_loop3A_732 : vector<16xf32>
        %parallel_loop3A_734 = arith.index_cast %parallel_loop3A_162 : i32 to index
        %parallel_loop3A_735 = arith.constant 752 : index
        %parallel_loop3A_736 = tpu.vector_load %arg10[%parallel_loop3A_734, %parallel_loop3A_735] {strides = array<i32>} : memref<16x1024xf32, #tpu.memory_space<vmem>>, vector<1x16xf32>,
        %parallel_loop3A_737 = vector.shape_cast %parallel_loop3A_736 : vector<1x16xf32> to vector<16xf32>
        %parallel_loop3A_738 = vector.shape_cast %parallel_loop3A_733 : vector<16xf32> to vector<1x16xf32>
        tpu.vector_store %arg10[%parallel_loop3A_734, %parallel_loop3A_735], %parallel_loop3A_738 {strides = array<i32>} : memref<16x1024xf32, #tpu.memory_space<vmem>>, vector<1x16xf32>,
        %parallel_loop3A_739 = arith.index_cast %parallel_loop3A_162 : i32 to index
        %parallel_loop3A_740 = arith.constant 768 : index
        %parallel_loop3A_741 = tpu.vector_load %arg6[%parallel_loop3A_739, %parallel_loop3A_740] {strides = array<i32>} : memref<16x1024xf32, #tpu.memory_space<vmem>>, vector<1x16xf32>,
        %parallel_loop3A_742 = vector.shape_cast %parallel_loop3A_741 : vector<1x16xf32> to vector<16xf32>
        %parallel_loop3A_743 = arith.constant 3.200000e+01 : f32
        %parallel_loop3A_744 = vector.broadcast %parallel_loop3A_743 : f32 to vector<16xf32>
        %parallel_loop3A_745 = arith.mulf %parallel_loop3A_742, %parallel_loop3A_744 : vector<16xf32>
        %parallel_loop3A_746 = arith.index_cast %parallel_loop3A_162 : i32 to index
        %parallel_loop3A_747 = arith.constant 768 : index
        %parallel_loop3A_748 = tpu.vector_load %arg10[%parallel_loop3A_746, %parallel_loop3A_747] {strides = array<i32>} : memref<16x1024xf32, #tpu.memory_space<vmem>>, vector<1x16xf32>,
        %parallel_loop3A_749 = vector.shape_cast %parallel_loop3A_748 : vector<1x16xf32> to vector<16xf32>
        %parallel_loop3A_750 = vector.shape_cast %parallel_loop3A_745 : vector<16xf32> to vector<1x16xf32>
        tpu.vector_store %arg10[%parallel_loop3A_746, %parallel_loop3A_747], %parallel_loop3A_750 {strides = array<i32>} : memref<16x1024xf32, #tpu.memory_space<vmem>>, vector<1x16xf32>,
        %parallel_loop3A_751 = arith.index_cast %parallel_loop3A_162 : i32 to index
        %parallel_loop3A_752 = arith.constant 784 : index
        %parallel_loop3A_753 = tpu.vector_load %arg6[%parallel_loop3A_751, %parallel_loop3A_752] {strides = array<i32>} : memref<16x1024xf32, #tpu.memory_space<vmem>>, vector<1x16xf32>,
        %parallel_loop3A_754 = vector.shape_cast %parallel_loop3A_753 : vector<1x16xf32> to vector<16xf32>
        %parallel_loop3A_755 = arith.constant 3.200000e+01 : f32
        %parallel_loop3A_756 = vector.broadcast %parallel_loop3A_755 : f32 to vector<16xf32>
        %parallel_loop3A_757 = arith.mulf %parallel_loop3A_754, %parallel_loop3A_756 : vector<16xf32>
        %parallel_loop3A_758 = arith.index_cast %parallel_loop3A_162 : i32 to index
        %parallel_loop3A_759 = arith.constant 784 : index
        %parallel_loop3A_760 = tpu.vector_load %arg10[%parallel_loop3A_758, %parallel_loop3A_759] {strides = array<i32>} : memref<16x1024xf32, #tpu.memory_space<vmem>>, vector<1x16xf32>,
        %parallel_loop3A_761 = vector.shape_cast %parallel_loop3A_760 : vector<1x16xf32> to vector<16xf32>
        %parallel_loop3A_762 = vector.shape_cast %parallel_loop3A_757 : vector<16xf32> to vector<1x16xf32>
        tpu.vector_store %arg10[%parallel_loop3A_758, %parallel_loop3A_759], %parallel_loop3A_762 {strides = array<i32>} : memref<16x1024xf32, #tpu.memory_space<vmem>>, vector<1x16xf32>,
        %parallel_loop3A_763 = arith.index_cast %parallel_loop3A_162 : i32 to index
        %parallel_loop3A_764 = arith.constant 800 : index
        %parallel_loop3A_765 = tpu.vector_load %arg6[%parallel_loop3A_763, %parallel_loop3A_764] {strides = array<i32>} : memref<16x1024xf32, #tpu.memory_space<vmem>>, vector<1x16xf32>,
        %parallel_loop3A_766 = vector.shape_cast %parallel_loop3A_765 : vector<1x16xf32> to vector<16xf32>
        %parallel_loop3A_767 = arith.constant 3.200000e+01 : f32
        %parallel_loop3A_768 = vector.broadcast %parallel_loop3A_767 : f32 to vector<16xf32>
        %parallel_loop3A_769 = arith.mulf %parallel_loop3A_766, %parallel_loop3A_768 : vector<16xf32>
        %parallel_loop3A_770 = arith.index_cast %parallel_loop3A_162 : i32 to index
        %parallel_loop3A_771 = arith.constant 800 : index
        %parallel_loop3A_772 = tpu.vector_load %arg10[%parallel_loop3A_770, %parallel_loop3A_771] {strides = array<i32>} : memref<16x1024xf32, #tpu.memory_space<vmem>>, vector<1x16xf32>,
        %parallel_loop3A_773 = vector.shape_cast %parallel_loop3A_772 : vector<1x16xf32> to vector<16xf32>
        %parallel_loop3A_774 = vector.shape_cast %parallel_loop3A_769 : vector<16xf32> to vector<1x16xf32>
        tpu.vector_store %arg10[%parallel_loop3A_770, %parallel_loop3A_771], %parallel_loop3A_774 {strides = array<i32>} : memref<16x1024xf32, #tpu.memory_space<vmem>>, vector<1x16xf32>,
        %parallel_loop3A_775 = arith.index_cast %parallel_loop3A_162 : i32 to index
        %parallel_loop3A_776 = arith.constant 816 : index
        %parallel_loop3A_777 = tpu.vector_load %arg6[%parallel_loop3A_775, %parallel_loop3A_776] {strides = array<i32>} : memref<16x1024xf32, #tpu.memory_space<vmem>>, vector<1x16xf32>,
        %parallel_loop3A_778 = vector.shape_cast %parallel_loop3A_777 : vector<1x16xf32> to vector<16xf32>
        %parallel_loop3A_779 = arith.constant 3.200000e+01 : f32
        %parallel_loop3A_780 = vector.broadcast %parallel_loop3A_779 : f32 to vector<16xf32>
        %parallel_loop3A_781 = arith.mulf %parallel_loop3A_778, %parallel_loop3A_780 : vector<16xf32>
        %parallel_loop3A_782 = arith.index_cast %parallel_loop3A_162 : i32 to index
        %parallel_loop3A_783 = arith.constant 816 : index
        %parallel_loop3A_784 = tpu.vector_load %arg10[%parallel_loop3A_782, %parallel_loop3A_783] {strides = array<i32>} : memref<16x1024xf32, #tpu.memory_space<vmem>>, vector<1x16xf32>,
        %parallel_loop3A_785 = vector.shape_cast %parallel_loop3A_784 : vector<1x16xf32> to vector<16xf32>
        %parallel_loop3A_786 = vector.shape_cast %parallel_loop3A_781 : vector<16xf32> to vector<1x16xf32>
        tpu.vector_store %arg10[%parallel_loop3A_782, %parallel_loop3A_783], %parallel_loop3A_786 {strides = array<i32>} : memref<16x1024xf32, #tpu.memory_space<vmem>>, vector<1x16xf32>,
        %parallel_loop3A_787 = arith.index_cast %parallel_loop3A_162 : i32 to index
        %parallel_loop3A_788 = arith.constant 832 : index
        %parallel_loop3A_789 = tpu.vector_load %arg6[%parallel_loop3A_787, %parallel_loop3A_788] {strides = array<i32>} : memref<16x1024xf32, #tpu.memory_space<vmem>>, vector<1x16xf32>,
        %parallel_loop3A_790 = vector.shape_cast %parallel_loop3A_789 : vector<1x16xf32> to vector<16xf32>
        %parallel_loop3A_791 = arith.constant 3.200000e+01 : f32
        %parallel_loop3A_792 = vector.broadcast %parallel_loop3A_791 : f32 to vector<16xf32>
        %parallel_loop3A_793 = arith.mulf %parallel_loop3A_790, %parallel_loop3A_792 : vector<16xf32>
        %parallel_loop3A_794 = arith.index_cast %parallel_loop3A_162 : i32 to index
        %parallel_loop3A_795 = arith.constant 832 : index
        %parallel_loop3A_796 = tpu.vector_load %arg10[%parallel_loop3A_794, %parallel_loop3A_795] {strides = array<i32>} : memref<16x1024xf32, #tpu.memory_space<vmem>>, vector<1x16xf32>,
        %parallel_loop3A_797 = vector.shape_cast %parallel_loop3A_796 : vector<1x16xf32> to vector<16xf32>
        %parallel_loop3A_798 = vector.shape_cast %parallel_loop3A_793 : vector<16xf32> to vector<1x16xf32>
        tpu.vector_store %arg10[%parallel_loop3A_794, %parallel_loop3A_795], %parallel_loop3A_798 {strides = array<i32>} : memref<16x1024xf32, #tpu.memory_space<vmem>>, vector<1x16xf32>,
        %parallel_loop3A_799 = arith.index_cast %parallel_loop3A_162 : i32 to index
        %parallel_loop3A_800 = arith.constant 848 : index
        %parallel_loop3A_801 = tpu.vector_load %arg6[%parallel_loop3A_799, %parallel_loop3A_800] {strides = array<i32>} : memref<16x1024xf32, #tpu.memory_space<vmem>>, vector<1x16xf32>,
        %parallel_loop3A_802 = vector.shape_cast %parallel_loop3A_801 : vector<1x16xf32> to vector<16xf32>
        %parallel_loop3A_803 = arith.constant 3.200000e+01 : f32
        %parallel_loop3A_804 = vector.broadcast %parallel_loop3A_803 : f32 to vector<16xf32>
        %parallel_loop3A_805 = arith.mulf %parallel_loop3A_802, %parallel_loop3A_804 : vector<16xf32>
        %parallel_loop3A_806 = arith.index_cast %parallel_loop3A_162 : i32 to index
        %parallel_loop3A_807 = arith.constant 848 : index
        %parallel_loop3A_808 = tpu.vector_load %arg10[%parallel_loop3A_806, %parallel_loop3A_807] {strides = array<i32>} : memref<16x1024xf32, #tpu.memory_space<vmem>>, vector<1x16xf32>,
        %parallel_loop3A_809 = vector.shape_cast %parallel_loop3A_808 : vector<1x16xf32> to vector<16xf32>
        %parallel_loop3A_810 = vector.shape_cast %parallel_loop3A_805 : vector<16xf32> to vector<1x16xf32>
        tpu.vector_store %arg10[%parallel_loop3A_806, %parallel_loop3A_807], %parallel_loop3A_810 {strides = array<i32>} : memref<16x1024xf32, #tpu.memory_space<vmem>>, vector<1x16xf32>,
        %parallel_loop3A_811 = arith.index_cast %parallel_loop3A_162 : i32 to index
        %parallel_loop3A_812 = arith.constant 864 : index
        %parallel_loop3A_813 = tpu.vector_load %arg6[%parallel_loop3A_811, %parallel_loop3A_812] {strides = array<i32>} : memref<16x1024xf32, #tpu.memory_space<vmem>>, vector<1x16xf32>,
        %parallel_loop3A_814 = vector.shape_cast %parallel_loop3A_813 : vector<1x16xf32> to vector<16xf32>
        %parallel_loop3A_815 = arith.constant 3.200000e+01 : f32
        %parallel_loop3A_816 = vector.broadcast %parallel_loop3A_815 : f32 to vector<16xf32>
        %parallel_loop3A_817 = arith.mulf %parallel_loop3A_814, %parallel_loop3A_816 : vector<16xf32>
        %parallel_loop3A_818 = arith.index_cast %parallel_loop3A_162 : i32 to index
        %parallel_loop3A_819 = arith.constant 864 : index
        %parallel_loop3A_820 = tpu.vector_load %arg10[%parallel_loop3A_818, %parallel_loop3A_819] {strides = array<i32>} : memref<16x1024xf32, #tpu.memory_space<vmem>>, vector<1x16xf32>,
        %parallel_loop3A_821 = vector.shape_cast %parallel_loop3A_820 : vector<1x16xf32> to vector<16xf32>
        %parallel_loop3A_822 = vector.shape_cast %parallel_loop3A_817 : vector<16xf32> to vector<1x16xf32>
        tpu.vector_store %arg10[%parallel_loop3A_818, %parallel_loop3A_819], %parallel_loop3A_822 {strides = array<i32>} : memref<16x1024xf32, #tpu.memory_space<vmem>>, vector<1x16xf32>,
        %parallel_loop3A_823 = arith.index_cast %parallel_loop3A_162 : i32 to index
        %parallel_loop3A_824 = arith.constant 880 : index
        %parallel_loop3A_825 = tpu.vector_load %arg6[%parallel_loop3A_823, %parallel_loop3A_824] {strides = array<i32>} : memref<16x1024xf32, #tpu.memory_space<vmem>>, vector<1x16xf32>,
        %parallel_loop3A_826 = vector.shape_cast %parallel_loop3A_825 : vector<1x16xf32> to vector<16xf32>
        %parallel_loop3A_827 = arith.constant 3.200000e+01 : f32
        %parallel_loop3A_828 = vector.broadcast %parallel_loop3A_827 : f32 to vector<16xf32>
        %parallel_loop3A_829 = arith.mulf %parallel_loop3A_826, %parallel_loop3A_828 : vector<16xf32>
        %parallel_loop3A_830 = arith.index_cast %parallel_loop3A_162 : i32 to index
        %parallel_loop3A_831 = arith.constant 880 : index
        %parallel_loop3A_832 = tpu.vector_load %arg10[%parallel_loop3A_830, %parallel_loop3A_831] {strides = array<i32>} : memref<16x1024xf32, #tpu.memory_space<vmem>>, vector<1x16xf32>,
        %parallel_loop3A_833 = vector.shape_cast %parallel_loop3A_832 : vector<1x16xf32> to vector<16xf32>
        %parallel_loop3A_834 = vector.shape_cast %parallel_loop3A_829 : vector<16xf32> to vector<1x16xf32>
        tpu.vector_store %arg10[%parallel_loop3A_830, %parallel_loop3A_831], %parallel_loop3A_834 {strides = array<i32>} : memref<16x1024xf32, #tpu.memory_space<vmem>>, vector<1x16xf32>,
        %parallel_loop3A_835 = arith.index_cast %parallel_loop3A_162 : i32 to index
        %parallel_loop3A_836 = arith.constant 896 : index
        %parallel_loop3A_837 = tpu.vector_load %arg6[%parallel_loop3A_835, %parallel_loop3A_836] {strides = array<i32>} : memref<16x1024xf32, #tpu.memory_space<vmem>>, vector<1x16xf32>,
        %parallel_loop3A_838 = vector.shape_cast %parallel_loop3A_837 : vector<1x16xf32> to vector<16xf32>
        %parallel_loop3A_839 = arith.constant 3.200000e+01 : f32
        %parallel_loop3A_840 = vector.broadcast %parallel_loop3A_839 : f32 to vector<16xf32>
        %parallel_loop3A_841 = arith.mulf %parallel_loop3A_838, %parallel_loop3A_840 : vector<16xf32>
        %parallel_loop3A_842 = arith.index_cast %parallel_loop3A_162 : i32 to index
        %parallel_loop3A_843 = arith.constant 896 : index
        %parallel_loop3A_844 = tpu.vector_load %arg10[%parallel_loop3A_842, %parallel_loop3A_843] {strides = array<i32>} : memref<16x1024xf32, #tpu.memory_space<vmem>>, vector<1x16xf32>,
        %parallel_loop3A_845 = vector.shape_cast %parallel_loop3A_844 : vector<1x16xf32> to vector<16xf32>
        %parallel_loop3A_846 = vector.shape_cast %parallel_loop3A_841 : vector<16xf32> to vector<1x16xf32>
        tpu.vector_store %arg10[%parallel_loop3A_842, %parallel_loop3A_843], %parallel_loop3A_846 {strides = array<i32>} : memref<16x1024xf32, #tpu.memory_space<vmem>>, vector<1x16xf32>,
        %parallel_loop3A_847 = arith.index_cast %parallel_loop3A_162 : i32 to index
        %parallel_loop3A_848 = arith.constant 912 : index
        %parallel_loop3A_849 = tpu.vector_load %arg6[%parallel_loop3A_847, %parallel_loop3A_848] {strides = array<i32>} : memref<16x1024xf32, #tpu.memory_space<vmem>>, vector<1x16xf32>,
        %parallel_loop3A_850 = vector.shape_cast %parallel_loop3A_849 : vector<1x16xf32> to vector<16xf32>
        %parallel_loop3A_851 = arith.constant 3.200000e+01 : f32
        %parallel_loop3A_852 = vector.broadcast %parallel_loop3A_851 : f32 to vector<16xf32>
        %parallel_loop3A_853 = arith.mulf %parallel_loop3A_850, %parallel_loop3A_852 : vector<16xf32>
        %parallel_loop3A_854 = arith.index_cast %parallel_loop3A_162 : i32 to index
        %parallel_loop3A_855 = arith.constant 912 : index
        %parallel_loop3A_856 = tpu.vector_load %arg10[%parallel_loop3A_854, %parallel_loop3A_855] {strides = array<i32>} : memref<16x1024xf32, #tpu.memory_space<vmem>>, vector<1x16xf32>,
        %parallel_loop3A_857 = vector.shape_cast %parallel_loop3A_856 : vector<1x16xf32> to vector<16xf32>
        %parallel_loop3A_858 = vector.shape_cast %parallel_loop3A_853 : vector<16xf32> to vector<1x16xf32>
        tpu.vector_store %arg10[%parallel_loop3A_854, %parallel_loop3A_855], %parallel_loop3A_858 {strides = array<i32>} : memref<16x1024xf32, #tpu.memory_space<vmem>>, vector<1x16xf32>,
        %parallel_loop3A_859 = arith.index_cast %parallel_loop3A_162 : i32 to index
        %parallel_loop3A_860 = arith.constant 928 : index
        %parallel_loop3A_861 = tpu.vector_load %arg6[%parallel_loop3A_859, %parallel_loop3A_860] {strides = array<i32>} : memref<16x1024xf32, #tpu.memory_space<vmem>>, vector<1x16xf32>,
        %parallel_loop3A_862 = vector.shape_cast %parallel_loop3A_861 : vector<1x16xf32> to vector<16xf32>
        %parallel_loop3A_863 = arith.constant 3.200000e+01 : f32
        %parallel_loop3A_864 = vector.broadcast %parallel_loop3A_863 : f32 to vector<16xf32>
        %parallel_loop3A_865 = arith.mulf %parallel_loop3A_862, %parallel_loop3A_864 : vector<16xf32>
        %parallel_loop3A_866 = arith.index_cast %parallel_loop3A_162 : i32 to index
        %parallel_loop3A_867 = arith.constant 928 : index
        %parallel_loop3A_868 = tpu.vector_load %arg10[%parallel_loop3A_866, %parallel_loop3A_867] {strides = array<i32>} : memref<16x1024xf32, #tpu.memory_space<vmem>>, vector<1x16xf32>,
        %parallel_loop3A_869 = vector.shape_cast %parallel_loop3A_868 : vector<1x16xf32> to vector<16xf32>
        %parallel_loop3A_870 = vector.shape_cast %parallel_loop3A_865 : vector<16xf32> to vector<1x16xf32>
        tpu.vector_store %arg10[%parallel_loop3A_866, %parallel_loop3A_867], %parallel_loop3A_870 {strides = array<i32>} : memref<16x1024xf32, #tpu.memory_space<vmem>>, vector<1x16xf32>,
        %parallel_loop3A_871 = arith.index_cast %parallel_loop3A_162 : i32 to index
        %parallel_loop3A_872 = arith.constant 944 : index
        %parallel_loop3A_873 = tpu.vector_load %arg6[%parallel_loop3A_871, %parallel_loop3A_872] {strides = array<i32>} : memref<16x1024xf32, #tpu.memory_space<vmem>>, vector<1x16xf32>,
        %parallel_loop3A_874 = vector.shape_cast %parallel_loop3A_873 : vector<1x16xf32> to vector<16xf32>
        %parallel_loop3A_875 = arith.constant 3.200000e+01 : f32
        %parallel_loop3A_876 = vector.broadcast %parallel_loop3A_875 : f32 to vector<16xf32>
        %parallel_loop3A_877 = arith.mulf %parallel_loop3A_874, %parallel_loop3A_876 : vector<16xf32>
        %parallel_loop3A_878 = arith.index_cast %parallel_loop3A_162 : i32 to index
        %parallel_loop3A_879 = arith.constant 944 : index
        %parallel_loop3A_880 = tpu.vector_load %arg10[%parallel_loop3A_878, %parallel_loop3A_879] {strides = array<i32>} : memref<16x1024xf32, #tpu.memory_space<vmem>>, vector<1x16xf32>,
        %parallel_loop3A_881 = vector.shape_cast %parallel_loop3A_880 : vector<1x16xf32> to vector<16xf32>
        %parallel_loop3A_882 = vector.shape_cast %parallel_loop3A_877 : vector<16xf32> to vector<1x16xf32>
        tpu.vector_store %arg10[%parallel_loop3A_878, %parallel_loop3A_879], %parallel_loop3A_882 {strides = array<i32>} : memref<16x1024xf32, #tpu.memory_space<vmem>>, vector<1x16xf32>,
        %parallel_loop3A_883 = arith.index_cast %parallel_loop3A_162 : i32 to index
        %parallel_loop3A_884 = arith.constant 960 : index
        %parallel_loop3A_885 = tpu.vector_load %arg6[%parallel_loop3A_883, %parallel_loop3A_884] {strides = array<i32>} : memref<16x1024xf32, #tpu.memory_space<vmem>>, vector<1x16xf32>,
        %parallel_loop3A_886 = vector.shape_cast %parallel_loop3A_885 : vector<1x16xf32> to vector<16xf32>
        %parallel_loop3A_887 = arith.constant 3.200000e+01 : f32
        %parallel_loop3A_888 = vector.broadcast %parallel_loop3A_887 : f32 to vector<16xf32>
        %parallel_loop3A_889 = arith.mulf %parallel_loop3A_886, %parallel_loop3A_888 : vector<16xf32>
        %parallel_loop3A_890 = arith.index_cast %parallel_loop3A_162 : i32 to index
        %parallel_loop3A_891 = arith.constant 960 : index
        %parallel_loop3A_892 = tpu.vector_load %arg10[%parallel_loop3A_890, %parallel_loop3A_891] {strides = array<i32>} : memref<16x1024xf32, #tpu.memory_space<vmem>>, vector<1x16xf32>,
        %parallel_loop3A_893 = vector.shape_cast %parallel_loop3A_892 : vector<1x16xf32> to vector<16xf32>
        %parallel_loop3A_894 = vector.shape_cast %parallel_loop3A_889 : vector<16xf32> to vector<1x16xf32>
        tpu.vector_store %arg10[%parallel_loop3A_890, %parallel_loop3A_891], %parallel_loop3A_894 {strides = array<i32>} : memref<16x1024xf32, #tpu.memory_space<vmem>>, vector<1x16xf32>,
        %parallel_loop3A_895 = arith.index_cast %parallel_loop3A_162 : i32 to index
        %parallel_loop3A_896 = arith.constant 976 : index
        %parallel_loop3A_897 = tpu.vector_load %arg6[%parallel_loop3A_895, %parallel_loop3A_896] {strides = array<i32>} : memref<16x1024xf32, #tpu.memory_space<vmem>>, vector<1x16xf32>,
        %parallel_loop3A_898 = vector.shape_cast %parallel_loop3A_897 : vector<1x16xf32> to vector<16xf32>
        %parallel_loop3A_899 = arith.constant 3.200000e+01 : f32
        %parallel_loop3A_900 = vector.broadcast %parallel_loop3A_899 : f32 to vector<16xf32>
        %parallel_loop3A_901 = arith.mulf %parallel_loop3A_898, %parallel_loop3A_900 : vector<16xf32>
        %parallel_loop3A_902 = arith.index_cast %parallel_loop3A_162 : i32 to index
        %parallel_loop3A_903 = arith.constant 976 : index
        %parallel_loop3A_904 = tpu.vector_load %arg10[%parallel_loop3A_902, %parallel_loop3A_903] {strides = array<i32>} : memref<16x1024xf32, #tpu.memory_space<vmem>>, vector<1x16xf32>,
        %parallel_loop3A_905 = vector.shape_cast %parallel_loop3A_904 : vector<1x16xf32> to vector<16xf32>
        %parallel_loop3A_906 = vector.shape_cast %parallel_loop3A_901 : vector<16xf32> to vector<1x16xf32>
        tpu.vector_store %arg10[%parallel_loop3A_902, %parallel_loop3A_903], %parallel_loop3A_906 {strides = array<i32>} : memref<16x1024xf32, #tpu.memory_space<vmem>>, vector<1x16xf32>,
        %parallel_loop3A_907 = arith.index_cast %parallel_loop3A_162 : i32 to index
        %parallel_loop3A_908 = arith.constant 992 : index
        %parallel_loop3A_909 = tpu.vector_load %arg6[%parallel_loop3A_907, %parallel_loop3A_908] {strides = array<i32>} : memref<16x1024xf32, #tpu.memory_space<vmem>>, vector<1x16xf32>,
        %parallel_loop3A_910 = vector.shape_cast %parallel_loop3A_909 : vector<1x16xf32> to vector<16xf32>
        %parallel_loop3A_911 = arith.constant 3.200000e+01 : f32
        %parallel_loop3A_912 = vector.broadcast %parallel_loop3A_911 : f32 to vector<16xf32>
        %parallel_loop3A_913 = arith.mulf %parallel_loop3A_910, %parallel_loop3A_912 : vector<16xf32>
        %parallel_loop3A_914 = arith.index_cast %parallel_loop3A_162 : i32 to index
        %parallel_loop3A_915 = arith.constant 992 : index
        %parallel_loop3A_916 = tpu.vector_load %arg10[%parallel_loop3A_914, %parallel_loop3A_915] {strides = array<i32>} : memref<16x1024xf32, #tpu.memory_space<vmem>>, vector<1x16xf32>,
        %parallel_loop3A_917 = vector.shape_cast %parallel_loop3A_916 : vector<1x16xf32> to vector<16xf32>
        %parallel_loop3A_918 = vector.shape_cast %parallel_loop3A_913 : vector<16xf32> to vector<1x16xf32>
        tpu.vector_store %arg10[%parallel_loop3A_914, %parallel_loop3A_915], %parallel_loop3A_918 {strides = array<i32>} : memref<16x1024xf32, #tpu.memory_space<vmem>>, vector<1x16xf32>,
        %parallel_loop3A_919 = arith.index_cast %parallel_loop3A_162 : i32 to index
        %parallel_loop3A_920 = arith.constant 1008 : index
        %parallel_loop3A_921 = tpu.vector_load %arg6[%parallel_loop3A_919, %parallel_loop3A_920] {strides = array<i32>} : memref<16x1024xf32, #tpu.memory_space<vmem>>, vector<1x16xf32>,
        %parallel_loop3A_922 = vector.shape_cast %parallel_loop3A_921 : vector<1x16xf32> to vector<16xf32>
        %parallel_loop3A_923 = arith.constant 3.200000e+01 : f32
        %parallel_loop3A_924 = vector.broadcast %parallel_loop3A_923 : f32 to vector<16xf32>
        %parallel_loop3A_925 = arith.mulf %parallel_loop3A_922, %parallel_loop3A_924 : vector<16xf32>
        %parallel_loop3A_926 = arith.index_cast %parallel_loop3A_162 : i32 to index
        %parallel_loop3A_927 = arith.constant 1008 : index
        %parallel_loop3A_928 = tpu.vector_load %arg10[%parallel_loop3A_926, %parallel_loop3A_927] {strides = array<i32>} : memref<16x1024xf32, #tpu.memory_space<vmem>>, vector<1x16xf32>,
        %parallel_loop3A_929 = vector.shape_cast %parallel_loop3A_928 : vector<1x16xf32> to vector<16xf32>
        %parallel_loop3A_930 = vector.shape_cast %parallel_loop3A_925 : vector<16xf32> to vector<1x16xf32>
        tpu.vector_store %arg10[%parallel_loop3A_926, %parallel_loop3A_927], %parallel_loop3A_930 {strides = array<i32>} : memref<16x1024xf32, #tpu.memory_space<vmem>>, vector<1x16xf32>,
      } {sc.loop_unroll_factor = 1 : i64, sc.parallel_access}
      %mul3A_53 = arith.constant 16 : i32
      %mul3A_54 = arith.muli %add3A_42, %mul3A_53 : i32
      %add3A_55 = arith.addi %mul3A_2, %mul3A_54 : i32
      %dma_start3A_56 = arith.constant 0 : i32
      %dma_start3A_57 = tpu.memref_slice %arg4[%add3A_55, %dma_start3A_56] : memref<8192x1024xf32, #tpu.memory_space<hbm>> -> memref<16x1024xf32, #tpu.memory_space<hbm>>
      %dma_start3A_58 = arith.constant 0 : i32
      %dma_start3A_59 = tpu.memref_slice %arg4[%add3A_55, %dma_start3A_58] : memref<8192x1024xf32, #tpu.memory_space<hbm>> -> memref<16x1024xf32, #tpu.memory_space<hbm>>
      tpu.enqueue_dma source(%arg10 : memref<16x1024xf32, #tpu.memory_space<vmem>>) target(%dma_start3A_59 : memref<16x1024xf32, #tpu.memory_space<hbm>>) target_semaphore(%arg16 : memref<!tpu.dma_semaphore, #tpu.memory_space<semaphore_mem>>)
      %add3A_60 = arith.constant 4 : i32
      %add3A_61 = arith.addi %add3A_42, %add3A_60 : i32
      %lt3A = arith.constant 16 : i32
      %lt3A_62 = arith.cmpi slt, %add3A_61, %lt3A : i32
      %convert_element_type3A_63 = arith.extui %lt3A_62 : i1 to i32
      %cond3A_64 = arith.constant 0 : i32
      %cond3A_65 = arith.cmpi ne, %convert_element_type3A_63, %cond3A_64 : i32
      scf.if %cond3A_65 {
        %add3A_162 = arith.constant 4 : i32
        %add3A_163 = arith.addi %add3A_42, %add3A_162 : i32
        %mul3A_164 = arith.constant 16 : i32
        %mul3A_165 = arith.muli %add3A_163, %mul3A_164 : i32
        %dma_start3A_166 = tpu.memref_slice %arg5[%mul3A_165] : memref<256xi32, #tpu.memory_space<vmem>> -> memref<16xi32, #tpu.memory_space<vmem>>
        %dma_start3A_167 = arith.constant 0 : i32
        %dma_start3A_168 = arith.constant 0 : i32
        %dma_start3A_169 = tpu.memref_slice %arg2[%dma_start3A_167, %dma_start3A_168] : memref<100000x1024xf32, #tpu.memory_space<hbm>> -> memref<100000x1024xf32, #tpu.memory_space<hbm>>
        tpu.enqueue_indirect_dma source(%dma_start3A_169 : memref<100000x1024xf32, #tpu.memory_space<hbm>>) target(%arg6 : memref<16x1024xf32, #tpu.memory_space<vmem>>) offsets(%dma_start3A_166 : memref<16xi32, #tpu.memory_space<vmem>>) semaphore(%arg12 : memref<!tpu.dma_semaphore, #tpu.memory_space<semaphore_mem>>)
      } else {
      }
      %mul3A_66 = arith.constant 4 : i32
      %mul3A_67 = arith.muli %scan3A_38, %mul3A_66 : i32
      %add3A_68 = arith.constant 1 : i32
      %add3A_69 = arith.addi %mul3A_67, %add3A_68 : i32
      %mul3A_70 = arith.constant 16 : i32
      %mul3A_71 = arith.muli %add3A_69, %mul3A_70 : i32
      %dma_wait3A_72 = tpu.memref_slice %arg5[%mul3A_71] : memref<256xi32, #tpu.memory_space<vmem>> -> memref<16xi32, #tpu.memory_space<vmem>>
      %dma_wait3A_73 = arith.constant 0 : i32
      %dma_wait3A_74 = arith.constant 0 : i32
      %dma_wait3A_75 = tpu.memref_slice %arg2[%dma_wait3A_73, %dma_wait3A_74] : memref<100000x1024xf32, #tpu.memory_space<hbm>> -> memref<100000x1024xf32, #tpu.memory_space<hbm>>
      tpu.wait_indirect_dma semaphore(%arg13 : memref<!tpu.dma_semaphore, #tpu.memory_space<semaphore_mem>>) src(%dma_wait3A_75 : memref<100000x1024xf32, #tpu.memory_space<hbm>>) dst(%arg7 : memref<16x1024xf32, #tpu.memory_space<vmem>>)
      %ge3A_76 = arith.constant 2 : i32
      %ge3A_77 = arith.cmpi sge, %add3A_69, %ge3A_76 : i32
      %convert_element_type3A_78 = arith.extui %ge3A_77 : i1 to i32
      %cond3A_79 = arith.constant 0 : i32
      %cond3A_80 = arith.cmpi ne, %convert_element_type3A_78, %cond3A_79 : i32
      scf.if %cond3A_80 {
        %mul3A_162 = arith.constant 16 : i32
        %mul3A_163 = arith.muli %add3A_69, %mul3A_162 : i32
        %add3A_164 = arith.addi %mul3A_2, %mul3A_163 : i32
        %dma_wait3A_165 = arith.constant 0 : i32
        %dma_wait3A_166 = tpu.memref_slice %arg4[%add3A_164, %dma_wait3A_165] : memref<8192x1024xf32, #tpu.memory_space<hbm>> -> memref<16x1024xf32, #tpu.memory_space<hbm>>
        %dma_wait3A_167 = arith.constant 0 : i32
        %dma_wait3A_168 = tpu.memref_slice %arg4[%add3A_164, %dma_wait3A_167] : memref<8192x1024xf32, #tpu.memory_space<hbm>> -> memref<16x1024xf32, #tpu.memory_space<hbm>>
        tpu.wait_dma2 semaphore(%arg17 : memref<!tpu.dma_semaphore, #tpu.memory_space<semaphore_mem>>) src(%arg11 : memref<16x1024xf32, #tpu.memory_space<vmem>>) dst(%dma_wait3A_168 : memref<16x1024xf32, #tpu.memory_space<hbm>>)
      } else {
      }
      %parallel_loop3A_81 = arith.constant 0 : i32
      %parallel_loop3A_82 = arith.constant 16 : i32
      %parallel_loop3A_83 = arith.constant 1 : i32
      scf.for %parallel_loop3A_162 = %parallel_loop3A_81 to %parallel_loop3A_82 step %parallel_loop3A_83  : i32 {
        %parallel_loop3A_163 = arith.index_cast %parallel_loop3A_162 : i32 to index
        %parallel_loop3A_164 = arith.constant 0 : index
        %parallel_loop3A_165 = tpu.vector_load %arg7[%parallel_loop3A_163, %parallel_loop3A_164] {strides = array<i32>} : memref<16x1024xf32, #tpu.memory_space<vmem>>, vector<1x16xf32>,
        %parallel_loop3A_166 = vector.shape_cast %parallel_loop3A_165 : vector<1x16xf32> to vector<16xf32>
        %parallel_loop3A_167 = arith.constant 3.200000e+01 : f32
        %parallel_loop3A_168 = vector.broadcast %parallel_loop3A_167 : f32 to vector<16xf32>
        %parallel_loop3A_169 = arith.mulf %parallel_loop3A_166, %parallel_loop3A_168 : vector<16xf32>
        %parallel_loop3A_170 = arith.index_cast %parallel_loop3A_162 : i32 to index
        %parallel_loop3A_171 = arith.constant 0 : index
        %parallel_loop3A_172 = tpu.vector_load %arg11[%parallel_loop3A_170, %parallel_loop3A_171] {strides = array<i32>} : memref<16x1024xf32, #tpu.memory_space<vmem>>, vector<1x16xf32>,
        %parallel_loop3A_173 = vector.shape_cast %parallel_loop3A_172 : vector<1x16xf32> to vector<16xf32>
        %parallel_loop3A_174 = vector.shape_cast %parallel_loop3A_169 : vector<16xf32> to vector<1x16xf32>
        tpu.vector_store %arg11[%parallel_loop3A_170, %parallel_loop3A_171], %parallel_loop3A_174 {strides = array<i32>} : memref<16x1024xf32, #tpu.memory_space<vmem>>, vector<1x16xf32>,
        %parallel_loop3A_175 = arith.index_cast %parallel_loop3A_162 : i32 to index
        %parallel_loop3A_176 = arith.constant 16 : index
        %parallel_loop3A_177 = tpu.vector_load %arg7[%parallel_loop3A_175, %parallel_loop3A_176] {strides = array<i32>} : memref<16x1024xf32, #tpu.memory_space<vmem>>, vector<1x16xf32>,
        %parallel_loop3A_178 = vector.shape_cast %parallel_loop3A_177 : vector<1x16xf32> to vector<16xf32>
        %parallel_loop3A_179 = arith.constant 3.200000e+01 : f32
        %parallel_loop3A_180 = vector.broadcast %parallel_loop3A_179 : f32 to vector<16xf32>
        %parallel_loop3A_181 = arith.mulf %parallel_loop3A_178, %parallel_loop3A_180 : vector<16xf32>
        %parallel_loop3A_182 = arith.index_cast %parallel_loop3A_162 : i32 to index
        %parallel_loop3A_183 = arith.constant 16 : index
        %parallel_loop3A_184 = tpu.vector_load %arg11[%parallel_loop3A_182, %parallel_loop3A_183] {strides = array<i32>} : memref<16x1024xf32, #tpu.memory_space<vmem>>, vector<1x16xf32>,
        %parallel_loop3A_185 = vector.shape_cast %parallel_loop3A_184 : vector<1x16xf32> to vector<16xf32>
        %parallel_loop3A_186 = vector.shape_cast %parallel_loop3A_181 : vector<16xf32> to vector<1x16xf32>
        tpu.vector_store %arg11[%parallel_loop3A_182, %parallel_loop3A_183], %parallel_loop3A_186 {strides = array<i32>} : memref<16x1024xf32, #tpu.memory_space<vmem>>, vector<1x16xf32>,
        %parallel_loop3A_187 = arith.index_cast %parallel_loop3A_162 : i32 to index
        %parallel_loop3A_188 = arith.constant 32 : index
        %parallel_loop3A_189 = tpu.vector_load %arg7[%parallel_loop3A_187, %parallel_loop3A_188] {strides = array<i32>} : memref<16x1024xf32, #tpu.memory_space<vmem>>, vector<1x16xf32>,
        %parallel_loop3A_190 = vector.shape_cast %parallel_loop3A_189 : vector<1x16xf32> to vector<16xf32>
        %parallel_loop3A_191 = arith.constant 3.200000e+01 : f32
        %parallel_loop3A_192 = vector.broadcast %parallel_loop3A_191 : f32 to vector<16xf32>
        %parallel_loop3A_193 = arith.mulf %parallel_loop3A_190, %parallel_loop3A_192 : vector<16xf32>
        %parallel_loop3A_194 = arith.index_cast %parallel_loop3A_162 : i32 to index
        %parallel_loop3A_195 = arith.constant 32 : index
        %parallel_loop3A_196 = tpu.vector_load %arg11[%parallel_loop3A_194, %parallel_loop3A_195] {strides = array<i32>} : memref<16x1024xf32, #tpu.memory_space<vmem>>, vector<1x16xf32>,
        %parallel_loop3A_197 = vector.shape_cast %parallel_loop3A_196 : vector<1x16xf32> to vector<16xf32>
        %parallel_loop3A_198 = vector.shape_cast %parallel_loop3A_193 : vector<16xf32> to vector<1x16xf32>
        tpu.vector_store %arg11[%parallel_loop3A_194, %parallel_loop3A_195], %parallel_loop3A_198 {strides = array<i32>} : memref<16x1024xf32, #tpu.memory_space<vmem>>, vector<1x16xf32>,
        %parallel_loop3A_199 = arith.index_cast %parallel_loop3A_162 : i32 to index
        %parallel_loop3A_200 = arith.constant 48 : index
        %parallel_loop3A_201 = tpu.vector_load %arg7[%parallel_loop3A_199, %parallel_loop3A_200] {strides = array<i32>} : memref<16x1024xf32, #tpu.memory_space<vmem>>, vector<1x16xf32>,
        %parallel_loop3A_202 = vector.shape_cast %parallel_loop3A_201 : vector<1x16xf32> to vector<16xf32>
        %parallel_loop3A_203 = arith.constant 3.200000e+01 : f32
        %parallel_loop3A_204 = vector.broadcast %parallel_loop3A_203 : f32 to vector<16xf32>
        %parallel_loop3A_205 = arith.mulf %parallel_loop3A_202, %parallel_loop3A_204 : vector<16xf32>
        %parallel_loop3A_206 = arith.index_cast %parallel_loop3A_162 : i32 to index
        %parallel_loop3A_207 = arith.constant 48 : index
        %parallel_loop3A_208 = tpu.vector_load %arg11[%parallel_loop3A_206, %parallel_loop3A_207] {strides = array<i32>} : memref<16x1024xf32, #tpu.memory_space<vmem>>, vector<1x16xf32>,
        %parallel_loop3A_209 = vector.shape_cast %parallel_loop3A_208 : vector<1x16xf32> to vector<16xf32>
        %parallel_loop3A_210 = vector.shape_cast %parallel_loop3A_205 : vector<16xf32> to vector<1x16xf32>
        tpu.vector_store %arg11[%parallel_loop3A_206, %parallel_loop3A_207], %parallel_loop3A_210 {strides = array<i32>} : memref<16x1024xf32, #tpu.memory_space<vmem>>, vector<1x16xf32>,
        %parallel_loop3A_211 = arith.index_cast %parallel_loop3A_162 : i32 to index
        %parallel_loop3A_212 = arith.constant 64 : index
        %parallel_loop3A_213 = tpu.vector_load %arg7[%parallel_loop3A_211, %parallel_loop3A_212] {strides = array<i32>} : memref<16x1024xf32, #tpu.memory_space<vmem>>, vector<1x16xf32>,
        %parallel_loop3A_214 = vector.shape_cast %parallel_loop3A_213 : vector<1x16xf32> to vector<16xf32>
        %parallel_loop3A_215 = arith.constant 3.200000e+01 : f32
        %parallel_loop3A_216 = vector.broadcast %parallel_loop3A_215 : f32 to vector<16xf32>
        %parallel_loop3A_217 = arith.mulf %parallel_loop3A_214, %parallel_loop3A_216 : vector<16xf32>
        %parallel_loop3A_218 = arith.index_cast %parallel_loop3A_162 : i32 to index
        %parallel_loop3A_219 = arith.constant 64 : index
        %parallel_loop3A_220 = tpu.vector_load %arg11[%parallel_loop3A_218, %parallel_loop3A_219] {strides = array<i32>} : memref<16x1024xf32, #tpu.memory_space<vmem>>, vector<1x16xf32>,
        %parallel_loop3A_221 = vector.shape_cast %parallel_loop3A_220 : vector<1x16xf32> to vector<16xf32>
        %parallel_loop3A_222 = vector.shape_cast %parallel_loop3A_217 : vector<16xf32> to vector<1x16xf32>
        tpu.vector_store %arg11[%parallel_loop3A_218, %parallel_loop3A_219], %parallel_loop3A_222 {strides = array<i32>} : memref<16x1024xf32, #tpu.memory_space<vmem>>, vector<1x16xf32>,
        %parallel_loop3A_223 = arith.index_cast %parallel_loop3A_162 : i32 to index
        %parallel_loop3A_224 = arith.constant 80 : index
        %parallel_loop3A_225 = tpu.vector_load %arg7[%parallel_loop3A_223, %parallel_loop3A_224] {strides = array<i32>} : memref<16x1024xf32, #tpu.memory_space<vmem>>, vector<1x16xf32>,
        %parallel_loop3A_226 = vector.shape_cast %parallel_loop3A_225 : vector<1x16xf32> to vector<16xf32>
        %parallel_loop3A_227 = arith.constant 3.200000e+01 : f32
        %parallel_loop3A_228 = vector.broadcast %parallel_loop3A_227 : f32 to vector<16xf32>
        %parallel_loop3A_229 = arith.mulf %parallel_loop3A_226, %parallel_loop3A_228 : vector<16xf32>
        %parallel_loop3A_230 = arith.index_cast %parallel_loop3A_162 : i32 to index
        %parallel_loop3A_231 = arith.constant 80 : index
        %parallel_loop3A_232 = tpu.vector_load %arg11[%parallel_loop3A_230, %parallel_loop3A_231] {strides = array<i32>} : memref<16x1024xf32, #tpu.memory_space<vmem>>, vector<1x16xf32>,
        %parallel_loop3A_233 = vector.shape_cast %parallel_loop3A_232 : vector<1x16xf32> to vector<16xf32>
        %parallel_loop3A_234 = vector.shape_cast %parallel_loop3A_229 : vector<16xf32> to vector<1x16xf32>
        tpu.vector_store %arg11[%parallel_loop3A_230, %parallel_loop3A_231], %parallel_loop3A_234 {strides = array<i32>} : memref<16x1024xf32, #tpu.memory_space<vmem>>, vector<1x16xf32>,
        %parallel_loop3A_235 = arith.index_cast %parallel_loop3A_162 : i32 to index
        %parallel_loop3A_236 = arith.constant 96 : index
        %parallel_loop3A_237 = tpu.vector_load %arg7[%parallel_loop3A_235, %parallel_loop3A_236] {strides = array<i32>} : memref<16x1024xf32, #tpu.memory_space<vmem>>, vector<1x16xf32>,
        %parallel_loop3A_238 = vector.shape_cast %parallel_loop3A_237 : vector<1x16xf32> to vector<16xf32>
        %parallel_loop3A_239 = arith.constant 3.200000e+01 : f32
        %parallel_loop3A_240 = vector.broadcast %parallel_loop3A_239 : f32 to vector<16xf32>
        %parallel_loop3A_241 = arith.mulf %parallel_loop3A_238, %parallel_loop3A_240 : vector<16xf32>
        %parallel_loop3A_242 = arith.index_cast %parallel_loop3A_162 : i32 to index
        %parallel_loop3A_243 = arith.constant 96 : index
        %parallel_loop3A_244 = tpu.vector_load %arg11[%parallel_loop3A_242, %parallel_loop3A_243] {strides = array<i32>} : memref<16x1024xf32, #tpu.memory_space<vmem>>, vector<1x16xf32>,
        %parallel_loop3A_245 = vector.shape_cast %parallel_loop3A_244 : vector<1x16xf32> to vector<16xf32>
        %parallel_loop3A_246 = vector.shape_cast %parallel_loop3A_241 : vector<16xf32> to vector<1x16xf32>
        tpu.vector_store %arg11[%parallel_loop3A_242, %parallel_loop3A_243], %parallel_loop3A_246 {strides = array<i32>} : memref<16x1024xf32, #tpu.memory_space<vmem>>, vector<1x16xf32>,
        %parallel_loop3A_247 = arith.index_cast %parallel_loop3A_162 : i32 to index
        %parallel_loop3A_248 = arith.constant 112 : index
        %parallel_loop3A_249 = tpu.vector_load %arg7[%parallel_loop3A_247, %parallel_loop3A_248] {strides = array<i32>} : memref<16x1024xf32, #tpu.memory_space<vmem>>, vector<1x16xf32>,
        %parallel_loop3A_250 = vector.shape_cast %parallel_loop3A_249 : vector<1x16xf32> to vector<16xf32>
        %parallel_loop3A_251 = arith.constant 3.200000e+01 : f32
        %parallel_loop3A_252 = vector.broadcast %parallel_loop3A_251 : f32 to vector<16xf32>
        %parallel_loop3A_253 = arith.mulf %parallel_loop3A_250, %parallel_loop3A_252 : vector<16xf32>
        %parallel_loop3A_254 = arith.index_cast %parallel_loop3A_162 : i32 to index
        %parallel_loop3A_255 = arith.constant 112 : index
        %parallel_loop3A_256 = tpu.vector_load %arg11[%parallel_loop3A_254, %parallel_loop3A_255] {strides = array<i32>} : memref<16x1024xf32, #tpu.memory_space<vmem>>, vector<1x16xf32>,
        %parallel_loop3A_257 = vector.shape_cast %parallel_loop3A_256 : vector<1x16xf32> to vector<16xf32>
        %parallel_loop3A_258 = vector.shape_cast %parallel_loop3A_253 : vector<16xf32> to vector<1x16xf32>
        tpu.vector_store %arg11[%parallel_loop3A_254, %parallel_loop3A_255], %parallel_loop3A_258 {strides = array<i32>} : memref<16x1024xf32, #tpu.memory_space<vmem>>, vector<1x16xf32>,
        %parallel_loop3A_259 = arith.index_cast %parallel_loop3A_162 : i32 to index
        %parallel_loop3A_260 = arith.constant 128 : index
        %parallel_loop3A_261 = tpu.vector_load %arg7[%parallel_loop3A_259, %parallel_loop3A_260] {strides = array<i32>} : memref<16x1024xf32, #tpu.memory_space<vmem>>, vector<1x16xf32>,
        %parallel_loop3A_262 = vector.shape_cast %parallel_loop3A_261 : vector<1x16xf32> to vector<16xf32>
        %parallel_loop3A_263 = arith.constant 3.200000e+01 : f32
        %parallel_loop3A_264 = vector.broadcast %parallel_loop3A_263 : f32 to vector<16xf32>
        %parallel_loop3A_265 = arith.mulf %parallel_loop3A_262, %parallel_loop3A_264 : vector<16xf32>
        %parallel_loop3A_266 = arith.index_cast %parallel_loop3A_162 : i32 to index
        %parallel_loop3A_267 = arith.constant 128 : index
        %parallel_loop3A_268 = tpu.vector_load %arg11[%parallel_loop3A_266, %parallel_loop3A_267] {strides = array<i32>} : memref<16x1024xf32, #tpu.memory_space<vmem>>, vector<1x16xf32>,
        %parallel_loop3A_269 = vector.shape_cast %parallel_loop3A_268 : vector<1x16xf32> to vector<16xf32>
        %parallel_loop3A_270 = vector.shape_cast %parallel_loop3A_265 : vector<16xf32> to vector<1x16xf32>
        tpu.vector_store %arg11[%parallel_loop3A_266, %parallel_loop3A_267], %parallel_loop3A_270 {strides = array<i32>} : memref<16x1024xf32, #tpu.memory_space<vmem>>, vector<1x16xf32>,
        %parallel_loop3A_271 = arith.index_cast %parallel_loop3A_162 : i32 to index
        %parallel_loop3A_272 = arith.constant 144 : index
        %parallel_loop3A_273 = tpu.vector_load %arg7[%parallel_loop3A_271, %parallel_loop3A_272] {strides = array<i32>} : memref<16x1024xf32, #tpu.memory_space<vmem>>, vector<1x16xf32>,
        %parallel_loop3A_274 = vector.shape_cast %parallel_loop3A_273 : vector<1x16xf32> to vector<16xf32>
        %parallel_loop3A_275 = arith.constant 3.200000e+01 : f32
        %parallel_loop3A_276 = vector.broadcast %parallel_loop3A_275 : f32 to vector<16xf32>
        %parallel_loop3A_277 = arith.mulf %parallel_loop3A_274, %parallel_loop3A_276 : vector<16xf32>
        %parallel_loop3A_278 = arith.index_cast %parallel_loop3A_162 : i32 to index
        %parallel_loop3A_279 = arith.constant 144 : index
        %parallel_loop3A_280 = tpu.vector_load %arg11[%parallel_loop3A_278, %parallel_loop3A_279] {strides = array<i32>} : memref<16x1024xf32, #tpu.memory_space<vmem>>, vector<1x16xf32>,
        %parallel_loop3A_281 = vector.shape_cast %parallel_loop3A_280 : vector<1x16xf32> to vector<16xf32>
        %parallel_loop3A_282 = vector.shape_cast %parallel_loop3A_277 : vector<16xf32> to vector<1x16xf32>
        tpu.vector_store %arg11[%parallel_loop3A_278, %parallel_loop3A_279], %parallel_loop3A_282 {strides = array<i32>} : memref<16x1024xf32, #tpu.memory_space<vmem>>, vector<1x16xf32>,
        %parallel_loop3A_283 = arith.index_cast %parallel_loop3A_162 : i32 to index
        %parallel_loop3A_284 = arith.constant 160 : index
        %parallel_loop3A_285 = tpu.vector_load %arg7[%parallel_loop3A_283, %parallel_loop3A_284] {strides = array<i32>} : memref<16x1024xf32, #tpu.memory_space<vmem>>, vector<1x16xf32>,
        %parallel_loop3A_286 = vector.shape_cast %parallel_loop3A_285 : vector<1x16xf32> to vector<16xf32>
        %parallel_loop3A_287 = arith.constant 3.200000e+01 : f32
        %parallel_loop3A_288 = vector.broadcast %parallel_loop3A_287 : f32 to vector<16xf32>
        %parallel_loop3A_289 = arith.mulf %parallel_loop3A_286, %parallel_loop3A_288 : vector<16xf32>
        %parallel_loop3A_290 = arith.index_cast %parallel_loop3A_162 : i32 to index
        %parallel_loop3A_291 = arith.constant 160 : index
        %parallel_loop3A_292 = tpu.vector_load %arg11[%parallel_loop3A_290, %parallel_loop3A_291] {strides = array<i32>} : memref<16x1024xf32, #tpu.memory_space<vmem>>, vector<1x16xf32>,
        %parallel_loop3A_293 = vector.shape_cast %parallel_loop3A_292 : vector<1x16xf32> to vector<16xf32>
        %parallel_loop3A_294 = vector.shape_cast %parallel_loop3A_289 : vector<16xf32> to vector<1x16xf32>
        tpu.vector_store %arg11[%parallel_loop3A_290, %parallel_loop3A_291], %parallel_loop3A_294 {strides = array<i32>} : memref<16x1024xf32, #tpu.memory_space<vmem>>, vector<1x16xf32>,
        %parallel_loop3A_295 = arith.index_cast %parallel_loop3A_162 : i32 to index
        %parallel_loop3A_296 = arith.constant 176 : index
        %parallel_loop3A_297 = tpu.vector_load %arg7[%parallel_loop3A_295, %parallel_loop3A_296] {strides = array<i32>} : memref<16x1024xf32, #tpu.memory_space<vmem>>, vector<1x16xf32>,
        %parallel_loop3A_298 = vector.shape_cast %parallel_loop3A_297 : vector<1x16xf32> to vector<16xf32>
        %parallel_loop3A_299 = arith.constant 3.200000e+01 : f32
        %parallel_loop3A_300 = vector.broadcast %parallel_loop3A_299 : f32 to vector<16xf32>
        %parallel_loop3A_301 = arith.mulf %parallel_loop3A_298, %parallel_loop3A_300 : vector<16xf32>
        %parallel_loop3A_302 = arith.index_cast %parallel_loop3A_162 : i32 to index
        %parallel_loop3A_303 = arith.constant 176 : index
        %parallel_loop3A_304 = tpu.vector_load %arg11[%parallel_loop3A_302, %parallel_loop3A_303] {strides = array<i32>} : memref<16x1024xf32, #tpu.memory_space<vmem>>, vector<1x16xf32>,
        %parallel_loop3A_305 = vector.shape_cast %parallel_loop3A_304 : vector<1x16xf32> to vector<16xf32>
        %parallel_loop3A_306 = vector.shape_cast %parallel_loop3A_301 : vector<16xf32> to vector<1x16xf32>
        tpu.vector_store %arg11[%parallel_loop3A_302, %parallel_loop3A_303], %parallel_loop3A_306 {strides = array<i32>} : memref<16x1024xf32, #tpu.memory_space<vmem>>, vector<1x16xf32>,
        %parallel_loop3A_307 = arith.index_cast %parallel_loop3A_162 : i32 to index
        %parallel_loop3A_308 = arith.constant 192 : index
        %parallel_loop3A_309 = tpu.vector_load %arg7[%parallel_loop3A_307, %parallel_loop3A_308] {strides = array<i32>} : memref<16x1024xf32, #tpu.memory_space<vmem>>, vector<1x16xf32>,
        %parallel_loop3A_310 = vector.shape_cast %parallel_loop3A_309 : vector<1x16xf32> to vector<16xf32>
        %parallel_loop3A_311 = arith.constant 3.200000e+01 : f32
        %parallel_loop3A_312 = vector.broadcast %parallel_loop3A_311 : f32 to vector<16xf32>
        %parallel_loop3A_313 = arith.mulf %parallel_loop3A_310, %parallel_loop3A_312 : vector<16xf32>
        %parallel_loop3A_314 = arith.index_cast %parallel_loop3A_162 : i32 to index
        %parallel_loop3A_315 = arith.constant 192 : index
        %parallel_loop3A_316 = tpu.vector_load %arg11[%parallel_loop3A_314, %parallel_loop3A_315] {strides = array<i32>} : memref<16x1024xf32, #tpu.memory_space<vmem>>, vector<1x16xf32>,
        %parallel_loop3A_317 = vector.shape_cast %parallel_loop3A_316 : vector<1x16xf32> to vector<16xf32>
        %parallel_loop3A_318 = vector.shape_cast %parallel_loop3A_313 : vector<16xf32> to vector<1x16xf32>
        tpu.vector_store %arg11[%parallel_loop3A_314, %parallel_loop3A_315], %parallel_loop3A_318 {strides = array<i32>} : memref<16x1024xf32, #tpu.memory_space<vmem>>, vector<1x16xf32>,
        %parallel_loop3A_319 = arith.index_cast %parallel_loop3A_162 : i32 to index
        %parallel_loop3A_320 = arith.constant 208 : index
        %parallel_loop3A_321 = tpu.vector_load %arg7[%parallel_loop3A_319, %parallel_loop3A_320] {strides = array<i32>} : memref<16x1024xf32, #tpu.memory_space<vmem>>, vector<1x16xf32>,
        %parallel_loop3A_322 = vector.shape_cast %parallel_loop3A_321 : vector<1x16xf32> to vector<16xf32>
        %parallel_loop3A_323 = arith.constant 3.200000e+01 : f32
        %parallel_loop3A_324 = vector.broadcast %parallel_loop3A_323 : f32 to vector<16xf32>
        %parallel_loop3A_325 = arith.mulf %parallel_loop3A_322, %parallel_loop3A_324 : vector<16xf32>
        %parallel_loop3A_326 = arith.index_cast %parallel_loop3A_162 : i32 to index
        %parallel_loop3A_327 = arith.constant 208 : index
        %parallel_loop3A_328 = tpu.vector_load %arg11[%parallel_loop3A_326, %parallel_loop3A_327] {strides = array<i32>} : memref<16x1024xf32, #tpu.memory_space<vmem>>, vector<1x16xf32>,
        %parallel_loop3A_329 = vector.shape_cast %parallel_loop3A_328 : vector<1x16xf32> to vector<16xf32>
        %parallel_loop3A_330 = vector.shape_cast %parallel_loop3A_325 : vector<16xf32> to vector<1x16xf32>
        tpu.vector_store %arg11[%parallel_loop3A_326, %parallel_loop3A_327], %parallel_loop3A_330 {strides = array<i32>} : memref<16x1024xf32, #tpu.memory_space<vmem>>, vector<1x16xf32>,
        %parallel_loop3A_331 = arith.index_cast %parallel_loop3A_162 : i32 to index
        %parallel_loop3A_332 = arith.constant 224 : index
        %parallel_loop3A_333 = tpu.vector_load %arg7[%parallel_loop3A_331, %parallel_loop3A_332] {strides = array<i32>} : memref<16x1024xf32, #tpu.memory_space<vmem>>, vector<1x16xf32>,
        %parallel_loop3A_334 = vector.shape_cast %parallel_loop3A_333 : vector<1x16xf32> to vector<16xf32>
        %parallel_loop3A_335 = arith.constant 3.200000e+01 : f32
        %parallel_loop3A_336 = vector.broadcast %parallel_loop3A_335 : f32 to vector<16xf32>
        %parallel_loop3A_337 = arith.mulf %parallel_loop3A_334, %parallel_loop3A_336 : vector<16xf32>
        %parallel_loop3A_338 = arith.index_cast %parallel_loop3A_162 : i32 to index
        %parallel_loop3A_339 = arith.constant 224 : index
        %parallel_loop3A_340 = tpu.vector_load %arg11[%parallel_loop3A_338, %parallel_loop3A_339] {strides = array<i32>} : memref<16x1024xf32, #tpu.memory_space<vmem>>, vector<1x16xf32>,
        %parallel_loop3A_341 = vector.shape_cast %parallel_loop3A_340 : vector<1x16xf32> to vector<16xf32>
        %parallel_loop3A_342 = vector.shape_cast %parallel_loop3A_337 : vector<16xf32> to vector<1x16xf32>
        tpu.vector_store %arg11[%parallel_loop3A_338, %parallel_loop3A_339], %parallel_loop3A_342 {strides = array<i32>} : memref<16x1024xf32, #tpu.memory_space<vmem>>, vector<1x16xf32>,
        %parallel_loop3A_343 = arith.index_cast %parallel_loop3A_162 : i32 to index
        %parallel_loop3A_344 = arith.constant 240 : index
        %parallel_loop3A_345 = tpu.vector_load %arg7[%parallel_loop3A_343, %parallel_loop3A_344] {strides = array<i32>} : memref<16x1024xf32, #tpu.memory_space<vmem>>, vector<1x16xf32>,
        %parallel_loop3A_346 = vector.shape_cast %parallel_loop3A_345 : vector<1x16xf32> to vector<16xf32>
        %parallel_loop3A_347 = arith.constant 3.200000e+01 : f32
        %parallel_loop3A_348 = vector.broadcast %parallel_loop3A_347 : f32 to vector<16xf32>
        %parallel_loop3A_349 = arith.mulf %parallel_loop3A_346, %parallel_loop3A_348 : vector<16xf32>
        %parallel_loop3A_350 = arith.index_cast %parallel_loop3A_162 : i32 to index
        %parallel_loop3A_351 = arith.constant 240 : index
        %parallel_loop3A_352 = tpu.vector_load %arg11[%parallel_loop3A_350, %parallel_loop3A_351] {strides = array<i32>} : memref<16x1024xf32, #tpu.memory_space<vmem>>, vector<1x16xf32>,
        %parallel_loop3A_353 = vector.shape_cast %parallel_loop3A_352 : vector<1x16xf32> to vector<16xf32>
        %parallel_loop3A_354 = vector.shape_cast %parallel_loop3A_349 : vector<16xf32> to vector<1x16xf32>
        tpu.vector_store %arg11[%parallel_loop3A_350, %parallel_loop3A_351], %parallel_loop3A_354 {strides = array<i32>} : memref<16x1024xf32, #tpu.memory_space<vmem>>, vector<1x16xf32>,
        %parallel_loop3A_355 = arith.index_cast %parallel_loop3A_162 : i32 to index
        %parallel_loop3A_356 = arith.constant 256 : index
        %parallel_loop3A_357 = tpu.vector_load %arg7[%parallel_loop3A_355, %parallel_loop3A_356] {strides = array<i32>} : memref<16x1024xf32, #tpu.memory_space<vmem>>, vector<1x16xf32>,
        %parallel_loop3A_358 = vector.shape_cast %parallel_loop3A_357 : vector<1x16xf32> to vector<16xf32>
        %parallel_loop3A_359 = arith.constant 3.200000e+01 : f32
        %parallel_loop3A_360 = vector.broadcast %parallel_loop3A_359 : f32 to vector<16xf32>
        %parallel_loop3A_361 = arith.mulf %parallel_loop3A_358, %parallel_loop3A_360 : vector<16xf32>
        %parallel_loop3A_362 = arith.index_cast %parallel_loop3A_162 : i32 to index
        %parallel_loop3A_363 = arith.constant 256 : index
        %parallel_loop3A_364 = tpu.vector_load %arg11[%parallel_loop3A_362, %parallel_loop3A_363] {strides = array<i32>} : memref<16x1024xf32, #tpu.memory_space<vmem>>, vector<1x16xf32>,
        %parallel_loop3A_365 = vector.shape_cast %parallel_loop3A_364 : vector<1x16xf32> to vector<16xf32>
        %parallel_loop3A_366 = vector.shape_cast %parallel_loop3A_361 : vector<16xf32> to vector<1x16xf32>
        tpu.vector_store %arg11[%parallel_loop3A_362, %parallel_loop3A_363], %parallel_loop3A_366 {strides = array<i32>} : memref<16x1024xf32, #tpu.memory_space<vmem>>, vector<1x16xf32>,
        %parallel_loop3A_367 = arith.index_cast %parallel_loop3A_162 : i32 to index
        %parallel_loop3A_368 = arith.constant 272 : index
        %parallel_loop3A_369 = tpu.vector_load %arg7[%parallel_loop3A_367, %parallel_loop3A_368] {strides = array<i32>} : memref<16x1024xf32, #tpu.memory_space<vmem>>, vector<1x16xf32>,
        %parallel_loop3A_370 = vector.shape_cast %parallel_loop3A_369 : vector<1x16xf32> to vector<16xf32>
        %parallel_loop3A_371 = arith.constant 3.200000e+01 : f32
        %parallel_loop3A_372 = vector.broadcast %parallel_loop3A_371 : f32 to vector<16xf32>
        %parallel_loop3A_373 = arith.mulf %parallel_loop3A_370, %parallel_loop3A_372 : vector<16xf32>
        %parallel_loop3A_374 = arith.index_cast %parallel_loop3A_162 : i32 to index
        %parallel_loop3A_375 = arith.constant 272 : index
        %parallel_loop3A_376 = tpu.vector_load %arg11[%parallel_loop3A_374, %parallel_loop3A_375] {strides = array<i32>} : memref<16x1024xf32, #tpu.memory_space<vmem>>, vector<1x16xf32>,
        %parallel_loop3A_377 = vector.shape_cast %parallel_loop3A_376 : vector<1x16xf32> to vector<16xf32>
        %parallel_loop3A_378 = vector.shape_cast %parallel_loop3A_373 : vector<16xf32> to vector<1x16xf32>
        tpu.vector_store %arg11[%parallel_loop3A_374, %parallel_loop3A_375], %parallel_loop3A_378 {strides = array<i32>} : memref<16x1024xf32, #tpu.memory_space<vmem>>, vector<1x16xf32>,
        %parallel_loop3A_379 = arith.index_cast %parallel_loop3A_162 : i32 to index
        %parallel_loop3A_380 = arith.constant 288 : index
        %parallel_loop3A_381 = tpu.vector_load %arg7[%parallel_loop3A_379, %parallel_loop3A_380] {strides = array<i32>} : memref<16x1024xf32, #tpu.memory_space<vmem>>, vector<1x16xf32>,
        %parallel_loop3A_382 = vector.shape_cast %parallel_loop3A_381 : vector<1x16xf32> to vector<16xf32>
        %parallel_loop3A_383 = arith.constant 3.200000e+01 : f32
        %parallel_loop3A_384 = vector.broadcast %parallel_loop3A_383 : f32 to vector<16xf32>
        %parallel_loop3A_385 = arith.mulf %parallel_loop3A_382, %parallel_loop3A_384 : vector<16xf32>
        %parallel_loop3A_386 = arith.index_cast %parallel_loop3A_162 : i32 to index
        %parallel_loop3A_387 = arith.constant 288 : index
        %parallel_loop3A_388 = tpu.vector_load %arg11[%parallel_loop3A_386, %parallel_loop3A_387] {strides = array<i32>} : memref<16x1024xf32, #tpu.memory_space<vmem>>, vector<1x16xf32>,
        %parallel_loop3A_389 = vector.shape_cast %parallel_loop3A_388 : vector<1x16xf32> to vector<16xf32>
        %parallel_loop3A_390 = vector.shape_cast %parallel_loop3A_385 : vector<16xf32> to vector<1x16xf32>
        tpu.vector_store %arg11[%parallel_loop3A_386, %parallel_loop3A_387], %parallel_loop3A_390 {strides = array<i32>} : memref<16x1024xf32, #tpu.memory_space<vmem>>, vector<1x16xf32>,
        %parallel_loop3A_391 = arith.index_cast %parallel_loop3A_162 : i32 to index
        %parallel_loop3A_392 = arith.constant 304 : index
        %parallel_loop3A_393 = tpu.vector_load %arg7[%parallel_loop3A_391, %parallel_loop3A_392] {strides = array<i32>} : memref<16x1024xf32, #tpu.memory_space<vmem>>, vector<1x16xf32>,
        %parallel_loop3A_394 = vector.shape_cast %parallel_loop3A_393 : vector<1x16xf32> to vector<16xf32>
        %parallel_loop3A_395 = arith.constant 3.200000e+01 : f32
        %parallel_loop3A_396 = vector.broadcast %parallel_loop3A_395 : f32 to vector<16xf32>
        %parallel_loop3A_397 = arith.mulf %parallel_loop3A_394, %parallel_loop3A_396 : vector<16xf32>
        %parallel_loop3A_398 = arith.index_cast %parallel_loop3A_162 : i32 to index
        %parallel_loop3A_399 = arith.constant 304 : index
        %parallel_loop3A_400 = tpu.vector_load %arg11[%parallel_loop3A_398, %parallel_loop3A_399] {strides = array<i32>} : memref<16x1024xf32, #tpu.memory_space<vmem>>, vector<1x16xf32>,
        %parallel_loop3A_401 = vector.shape_cast %parallel_loop3A_400 : vector<1x16xf32> to vector<16xf32>
        %parallel_loop3A_402 = vector.shape_cast %parallel_loop3A_397 : vector<16xf32> to vector<1x16xf32>
        tpu.vector_store %arg11[%parallel_loop3A_398, %parallel_loop3A_399], %parallel_loop3A_402 {strides = array<i32>} : memref<16x1024xf32, #tpu.memory_space<vmem>>, vector<1x16xf32>,
        %parallel_loop3A_403 = arith.index_cast %parallel_loop3A_162 : i32 to index
        %parallel_loop3A_404 = arith.constant 320 : index
        %parallel_loop3A_405 = tpu.vector_load %arg7[%parallel_loop3A_403, %parallel_loop3A_404] {strides = array<i32>} : memref<16x1024xf32, #tpu.memory_space<vmem>>, vector<1x16xf32>,
        %parallel_loop3A_406 = vector.shape_cast %parallel_loop3A_405 : vector<1x16xf32> to vector<16xf32>
        %parallel_loop3A_407 = arith.constant 3.200000e+01 : f32
        %parallel_loop3A_408 = vector.broadcast %parallel_loop3A_407 : f32 to vector<16xf32>
        %parallel_loop3A_409 = arith.mulf %parallel_loop3A_406, %parallel_loop3A_408 : vector<16xf32>
        %parallel_loop3A_410 = arith.index_cast %parallel_loop3A_162 : i32 to index
        %parallel_loop3A_411 = arith.constant 320 : index
        %parallel_loop3A_412 = tpu.vector_load %arg11[%parallel_loop3A_410, %parallel_loop3A_411] {strides = array<i32>} : memref<16x1024xf32, #tpu.memory_space<vmem>>, vector<1x16xf32>,
        %parallel_loop3A_413 = vector.shape_cast %parallel_loop3A_412 : vector<1x16xf32> to vector<16xf32>
        %parallel_loop3A_414 = vector.shape_cast %parallel_loop3A_409 : vector<16xf32> to vector<1x16xf32>
        tpu.vector_store %arg11[%parallel_loop3A_410, %parallel_loop3A_411], %parallel_loop3A_414 {strides = array<i32>} : memref<16x1024xf32, #tpu.memory_space<vmem>>, vector<1x16xf32>,
        %parallel_loop3A_415 = arith.index_cast %parallel_loop3A_162 : i32 to index
        %parallel_loop3A_416 = arith.constant 336 : index
        %parallel_loop3A_417 = tpu.vector_load %arg7[%parallel_loop3A_415, %parallel_loop3A_416] {strides = array<i32>} : memref<16x1024xf32, #tpu.memory_space<vmem>>, vector<1x16xf32>,
        %parallel_loop3A_418 = vector.shape_cast %parallel_loop3A_417 : vector<1x16xf32> to vector<16xf32>
        %parallel_loop3A_419 = arith.constant 3.200000e+01 : f32
        %parallel_loop3A_420 = vector.broadcast %parallel_loop3A_419 : f32 to vector<16xf32>
        %parallel_loop3A_421 = arith.mulf %parallel_loop3A_418, %parallel_loop3A_420 : vector<16xf32>
        %parallel_loop3A_422 = arith.index_cast %parallel_loop3A_162 : i32 to index
        %parallel_loop3A_423 = arith.constant 336 : index
        %parallel_loop3A_424 = tpu.vector_load %arg11[%parallel_loop3A_422, %parallel_loop3A_423] {strides = array<i32>} : memref<16x1024xf32, #tpu.memory_space<vmem>>, vector<1x16xf32>,
        %parallel_loop3A_425 = vector.shape_cast %parallel_loop3A_424 : vector<1x16xf32> to vector<16xf32>
        %parallel_loop3A_426 = vector.shape_cast %parallel_loop3A_421 : vector<16xf32> to vector<1x16xf32>
        tpu.vector_store %arg11[%parallel_loop3A_422, %parallel_loop3A_423], %parallel_loop3A_426 {strides = array<i32>} : memref<16x1024xf32, #tpu.memory_space<vmem>>, vector<1x16xf32>,
        %parallel_loop3A_427 = arith.index_cast %parallel_loop3A_162 : i32 to index
        %parallel_loop3A_428 = arith.constant 352 : index
        %parallel_loop3A_429 = tpu.vector_load %arg7[%parallel_loop3A_427, %parallel_loop3A_428] {strides = array<i32>} : memref<16x1024xf32, #tpu.memory_space<vmem>>, vector<1x16xf32>,
        %parallel_loop3A_430 = vector.shape_cast %parallel_loop3A_429 : vector<1x16xf32> to vector<16xf32>
        %parallel_loop3A_431 = arith.constant 3.200000e+01 : f32
        %parallel_loop3A_432 = vector.broadcast %parallel_loop3A_431 : f32 to vector<16xf32>
        %parallel_loop3A_433 = arith.mulf %parallel_loop3A_430, %parallel_loop3A_432 : vector<16xf32>
        %parallel_loop3A_434 = arith.index_cast %parallel_loop3A_162 : i32 to index
        %parallel_loop3A_435 = arith.constant 352 : index
        %parallel_loop3A_436 = tpu.vector_load %arg11[%parallel_loop3A_434, %parallel_loop3A_435] {strides = array<i32>} : memref<16x1024xf32, #tpu.memory_space<vmem>>, vector<1x16xf32>,
        %parallel_loop3A_437 = vector.shape_cast %parallel_loop3A_436 : vector<1x16xf32> to vector<16xf32>
        %parallel_loop3A_438 = vector.shape_cast %parallel_loop3A_433 : vector<16xf32> to vector<1x16xf32>
        tpu.vector_store %arg11[%parallel_loop3A_434, %parallel_loop3A_435], %parallel_loop3A_438 {strides = array<i32>} : memref<16x1024xf32, #tpu.memory_space<vmem>>, vector<1x16xf32>,
        %parallel_loop3A_439 = arith.index_cast %parallel_loop3A_162 : i32 to index
        %parallel_loop3A_440 = arith.constant 368 : index
        %parallel_loop3A_441 = tpu.vector_load %arg7[%parallel_loop3A_439, %parallel_loop3A_440] {strides = array<i32>} : memref<16x1024xf32, #tpu.memory_space<vmem>>, vector<1x16xf32>,
        %parallel_loop3A_442 = vector.shape_cast %parallel_loop3A_441 : vector<1x16xf32> to vector<16xf32>
        %parallel_loop3A_443 = arith.constant 3.200000e+01 : f32
        %parallel_loop3A_444 = vector.broadcast %parallel_loop3A_443 : f32 to vector<16xf32>
        %parallel_loop3A_445 = arith.mulf %parallel_loop3A_442, %parallel_loop3A_444 : vector<16xf32>
        %parallel_loop3A_446 = arith.index_cast %parallel_loop3A_162 : i32 to index
        %parallel_loop3A_447 = arith.constant 368 : index
        %parallel_loop3A_448 = tpu.vector_load %arg11[%parallel_loop3A_446, %parallel_loop3A_447] {strides = array<i32>} : memref<16x1024xf32, #tpu.memory_space<vmem>>, vector<1x16xf32>,
        %parallel_loop3A_449 = vector.shape_cast %parallel_loop3A_448 : vector<1x16xf32> to vector<16xf32>
        %parallel_loop3A_450 = vector.shape_cast %parallel_loop3A_445 : vector<16xf32> to vector<1x16xf32>
        tpu.vector_store %arg11[%parallel_loop3A_446, %parallel_loop3A_447], %parallel_loop3A_450 {strides = array<i32>} : memref<16x1024xf32, #tpu.memory_space<vmem>>, vector<1x16xf32>,
        %parallel_loop3A_451 = arith.index_cast %parallel_loop3A_162 : i32 to index
        %parallel_loop3A_452 = arith.constant 384 : index
        %parallel_loop3A_453 = tpu.vector_load %arg7[%parallel_loop3A_451, %parallel_loop3A_452] {strides = array<i32>} : memref<16x1024xf32, #tpu.memory_space<vmem>>, vector<1x16xf32>,
        %parallel_loop3A_454 = vector.shape_cast %parallel_loop3A_453 : vector<1x16xf32> to vector<16xf32>
        %parallel_loop3A_455 = arith.constant 3.200000e+01 : f32
        %parallel_loop3A_456 = vector.broadcast %parallel_loop3A_455 : f32 to vector<16xf32>
        %parallel_loop3A_457 = arith.mulf %parallel_loop3A_454, %parallel_loop3A_456 : vector<16xf32>
        %parallel_loop3A_458 = arith.index_cast %parallel_loop3A_162 : i32 to index
        %parallel_loop3A_459 = arith.constant 384 : index
        %parallel_loop3A_460 = tpu.vector_load %arg11[%parallel_loop3A_458, %parallel_loop3A_459] {strides = array<i32>} : memref<16x1024xf32, #tpu.memory_space<vmem>>, vector<1x16xf32>,
        %parallel_loop3A_461 = vector.shape_cast %parallel_loop3A_460 : vector<1x16xf32> to vector<16xf32>
        %parallel_loop3A_462 = vector.shape_cast %parallel_loop3A_457 : vector<16xf32> to vector<1x16xf32>
        tpu.vector_store %arg11[%parallel_loop3A_458, %parallel_loop3A_459], %parallel_loop3A_462 {strides = array<i32>} : memref<16x1024xf32, #tpu.memory_space<vmem>>, vector<1x16xf32>,
        %parallel_loop3A_463 = arith.index_cast %parallel_loop3A_162 : i32 to index
        %parallel_loop3A_464 = arith.constant 400 : index
        %parallel_loop3A_465 = tpu.vector_load %arg7[%parallel_loop3A_463, %parallel_loop3A_464] {strides = array<i32>} : memref<16x1024xf32, #tpu.memory_space<vmem>>, vector<1x16xf32>,
        %parallel_loop3A_466 = vector.shape_cast %parallel_loop3A_465 : vector<1x16xf32> to vector<16xf32>
        %parallel_loop3A_467 = arith.constant 3.200000e+01 : f32
        %parallel_loop3A_468 = vector.broadcast %parallel_loop3A_467 : f32 to vector<16xf32>
        %parallel_loop3A_469 = arith.mulf %parallel_loop3A_466, %parallel_loop3A_468 : vector<16xf32>
        %parallel_loop3A_470 = arith.index_cast %parallel_loop3A_162 : i32 to index
        %parallel_loop3A_471 = arith.constant 400 : index
        %parallel_loop3A_472 = tpu.vector_load %arg11[%parallel_loop3A_470, %parallel_loop3A_471] {strides = array<i32>} : memref<16x1024xf32, #tpu.memory_space<vmem>>, vector<1x16xf32>,
        %parallel_loop3A_473 = vector.shape_cast %parallel_loop3A_472 : vector<1x16xf32> to vector<16xf32>
        %parallel_loop3A_474 = vector.shape_cast %parallel_loop3A_469 : vector<16xf32> to vector<1x16xf32>
        tpu.vector_store %arg11[%parallel_loop3A_470, %parallel_loop3A_471], %parallel_loop3A_474 {strides = array<i32>} : memref<16x1024xf32, #tpu.memory_space<vmem>>, vector<1x16xf32>,
        %parallel_loop3A_475 = arith.index_cast %parallel_loop3A_162 : i32 to index
        %parallel_loop3A_476 = arith.constant 416 : index
        %parallel_loop3A_477 = tpu.vector_load %arg7[%parallel_loop3A_475, %parallel_loop3A_476] {strides = array<i32>} : memref<16x1024xf32, #tpu.memory_space<vmem>>, vector<1x16xf32>,
        %parallel_loop3A_478 = vector.shape_cast %parallel_loop3A_477 : vector<1x16xf32> to vector<16xf32>
        %parallel_loop3A_479 = arith.constant 3.200000e+01 : f32
        %parallel_loop3A_480 = vector.broadcast %parallel_loop3A_479 : f32 to vector<16xf32>
        %parallel_loop3A_481 = arith.mulf %parallel_loop3A_478, %parallel_loop3A_480 : vector<16xf32>
        %parallel_loop3A_482 = arith.index_cast %parallel_loop3A_162 : i32 to index
        %parallel_loop3A_483 = arith.constant 416 : index
        %parallel_loop3A_484 = tpu.vector_load %arg11[%parallel_loop3A_482, %parallel_loop3A_483] {strides = array<i32>} : memref<16x1024xf32, #tpu.memory_space<vmem>>, vector<1x16xf32>,
        %parallel_loop3A_485 = vector.shape_cast %parallel_loop3A_484 : vector<1x16xf32> to vector<16xf32>
        %parallel_loop3A_486 = vector.shape_cast %parallel_loop3A_481 : vector<16xf32> to vector<1x16xf32>
        tpu.vector_store %arg11[%parallel_loop3A_482, %parallel_loop3A_483], %parallel_loop3A_486 {strides = array<i32>} : memref<16x1024xf32, #tpu.memory_space<vmem>>, vector<1x16xf32>,
        %parallel_loop3A_487 = arith.index_cast %parallel_loop3A_162 : i32 to index
        %parallel_loop3A_488 = arith.constant 432 : index
        %parallel_loop3A_489 = tpu.vector_load %arg7[%parallel_loop3A_487, %parallel_loop3A_488] {strides = array<i32>} : memref<16x1024xf32, #tpu.memory_space<vmem>>, vector<1x16xf32>,
        %parallel_loop3A_490 = vector.shape_cast %parallel_loop3A_489 : vector<1x16xf32> to vector<16xf32>
        %parallel_loop3A_491 = arith.constant 3.200000e+01 : f32
        %parallel_loop3A_492 = vector.broadcast %parallel_loop3A_491 : f32 to vector<16xf32>
        %parallel_loop3A_493 = arith.mulf %parallel_loop3A_490, %parallel_loop3A_492 : vector<16xf32>
        %parallel_loop3A_494 = arith.index_cast %parallel_loop3A_162 : i32 to index
        %parallel_loop3A_495 = arith.constant 432 : index
        %parallel_loop3A_496 = tpu.vector_load %arg11[%parallel_loop3A_494, %parallel_loop3A_495] {strides = array<i32>} : memref<16x1024xf32, #tpu.memory_space<vmem>>, vector<1x16xf32>,
        %parallel_loop3A_497 = vector.shape_cast %parallel_loop3A_496 : vector<1x16xf32> to vector<16xf32>
        %parallel_loop3A_498 = vector.shape_cast %parallel_loop3A_493 : vector<16xf32> to vector<1x16xf32>
        tpu.vector_store %arg11[%parallel_loop3A_494, %parallel_loop3A_495], %parallel_loop3A_498 {strides = array<i32>} : memref<16x1024xf32, #tpu.memory_space<vmem>>, vector<1x16xf32>,
        %parallel_loop3A_499 = arith.index_cast %parallel_loop3A_162 : i32 to index
        %parallel_loop3A_500 = arith.constant 448 : index
        %parallel_loop3A_501 = tpu.vector_load %arg7[%parallel_loop3A_499, %parallel_loop3A_500] {strides = array<i32>} : memref<16x1024xf32, #tpu.memory_space<vmem>>, vector<1x16xf32>,
        %parallel_loop3A_502 = vector.shape_cast %parallel_loop3A_501 : vector<1x16xf32> to vector<16xf32>
        %parallel_loop3A_503 = arith.constant 3.200000e+01 : f32
        %parallel_loop3A_504 = vector.broadcast %parallel_loop3A_503 : f32 to vector<16xf32>
        %parallel_loop3A_505 = arith.mulf %parallel_loop3A_502, %parallel_loop3A_504 : vector<16xf32>
        %parallel_loop3A_506 = arith.index_cast %parallel_loop3A_162 : i32 to index
        %parallel_loop3A_507 = arith.constant 448 : index
        %parallel_loop3A_508 = tpu.vector_load %arg11[%parallel_loop3A_506, %parallel_loop3A_507] {strides = array<i32>} : memref<16x1024xf32, #tpu.memory_space<vmem>>, vector<1x16xf32>,
        %parallel_loop3A_509 = vector.shape_cast %parallel_loop3A_508 : vector<1x16xf32> to vector<16xf32>
        %parallel_loop3A_510 = vector.shape_cast %parallel_loop3A_505 : vector<16xf32> to vector<1x16xf32>
        tpu.vector_store %arg11[%parallel_loop3A_506, %parallel_loop3A_507], %parallel_loop3A_510 {strides = array<i32>} : memref<16x1024xf32, #tpu.memory_space<vmem>>, vector<1x16xf32>,
        %parallel_loop3A_511 = arith.index_cast %parallel_loop3A_162 : i32 to index
        %parallel_loop3A_512 = arith.constant 464 : index
        %parallel_loop3A_513 = tpu.vector_load %arg7[%parallel_loop3A_511, %parallel_loop3A_512] {strides = array<i32>} : memref<16x1024xf32, #tpu.memory_space<vmem>>, vector<1x16xf32>,
        %parallel_loop3A_514 = vector.shape_cast %parallel_loop3A_513 : vector<1x16xf32> to vector<16xf32>
        %parallel_loop3A_515 = arith.constant 3.200000e+01 : f32
        %parallel_loop3A_516 = vector.broadcast %parallel_loop3A_515 : f32 to vector<16xf32>
        %parallel_loop3A_517 = arith.mulf %parallel_loop3A_514, %parallel_loop3A_516 : vector<16xf32>
        %parallel_loop3A_518 = arith.index_cast %parallel_loop3A_162 : i32 to index
        %parallel_loop3A_519 = arith.constant 464 : index
        %parallel_loop3A_520 = tpu.vector_load %arg11[%parallel_loop3A_518, %parallel_loop3A_519] {strides = array<i32>} : memref<16x1024xf32, #tpu.memory_space<vmem>>, vector<1x16xf32>,
        %parallel_loop3A_521 = vector.shape_cast %parallel_loop3A_520 : vector<1x16xf32> to vector<16xf32>
        %parallel_loop3A_522 = vector.shape_cast %parallel_loop3A_517 : vector<16xf32> to vector<1x16xf32>
        tpu.vector_store %arg11[%parallel_loop3A_518, %parallel_loop3A_519], %parallel_loop3A_522 {strides = array<i32>} : memref<16x1024xf32, #tpu.memory_space<vmem>>, vector<1x16xf32>,
        %parallel_loop3A_523 = arith.index_cast %parallel_loop3A_162 : i32 to index
        %parallel_loop3A_524 = arith.constant 480 : index
        %parallel_loop3A_525 = tpu.vector_load %arg7[%parallel_loop3A_523, %parallel_loop3A_524] {strides = array<i32>} : memref<16x1024xf32, #tpu.memory_space<vmem>>, vector<1x16xf32>,
        %parallel_loop3A_526 = vector.shape_cast %parallel_loop3A_525 : vector<1x16xf32> to vector<16xf32>
        %parallel_loop3A_527 = arith.constant 3.200000e+01 : f32
        %parallel_loop3A_528 = vector.broadcast %parallel_loop3A_527 : f32 to vector<16xf32>
        %parallel_loop3A_529 = arith.mulf %parallel_loop3A_526, %parallel_loop3A_528 : vector<16xf32>
        %parallel_loop3A_530 = arith.index_cast %parallel_loop3A_162 : i32 to index
        %parallel_loop3A_531 = arith.constant 480 : index
        %parallel_loop3A_532 = tpu.vector_load %arg11[%parallel_loop3A_530, %parallel_loop3A_531] {strides = array<i32>} : memref<16x1024xf32, #tpu.memory_space<vmem>>, vector<1x16xf32>,
        %parallel_loop3A_533 = vector.shape_cast %parallel_loop3A_532 : vector<1x16xf32> to vector<16xf32>
        %parallel_loop3A_534 = vector.shape_cast %parallel_loop3A_529 : vector<16xf32> to vector<1x16xf32>
        tpu.vector_store %arg11[%parallel_loop3A_530, %parallel_loop3A_531], %parallel_loop3A_534 {strides = array<i32>} : memref<16x1024xf32, #tpu.memory_space<vmem>>, vector<1x16xf32>,
        %parallel_loop3A_535 = arith.index_cast %parallel_loop3A_162 : i32 to index
        %parallel_loop3A_536 = arith.constant 496 : index
        %parallel_loop3A_537 = tpu.vector_load %arg7[%parallel_loop3A_535, %parallel_loop3A_536] {strides = array<i32>} : memref<16x1024xf32, #tpu.memory_space<vmem>>, vector<1x16xf32>,
        %parallel_loop3A_538 = vector.shape_cast %parallel_loop3A_537 : vector<1x16xf32> to vector<16xf32>
        %parallel_loop3A_539 = arith.constant 3.200000e+01 : f32
        %parallel_loop3A_540 = vector.broadcast %parallel_loop3A_539 : f32 to vector<16xf32>
        %parallel_loop3A_541 = arith.mulf %parallel_loop3A_538, %parallel_loop3A_540 : vector<16xf32>
        %parallel_loop3A_542 = arith.index_cast %parallel_loop3A_162 : i32 to index
        %parallel_loop3A_543 = arith.constant 496 : index
        %parallel_loop3A_544 = tpu.vector_load %arg11[%parallel_loop3A_542, %parallel_loop3A_543] {strides = array<i32>} : memref<16x1024xf32, #tpu.memory_space<vmem>>, vector<1x16xf32>,
        %parallel_loop3A_545 = vector.shape_cast %parallel_loop3A_544 : vector<1x16xf32> to vector<16xf32>
        %parallel_loop3A_546 = vector.shape_cast %parallel_loop3A_541 : vector<16xf32> to vector<1x16xf32>
        tpu.vector_store %arg11[%parallel_loop3A_542, %parallel_loop3A_543], %parallel_loop3A_546 {strides = array<i32>} : memref<16x1024xf32, #tpu.memory_space<vmem>>, vector<1x16xf32>,
        %parallel_loop3A_547 = arith.index_cast %parallel_loop3A_162 : i32 to index
        %parallel_loop3A_548 = arith.constant 512 : index
        %parallel_loop3A_549 = tpu.vector_load %arg7[%parallel_loop3A_547, %parallel_loop3A_548] {strides = array<i32>} : memref<16x1024xf32, #tpu.memory_space<vmem>>, vector<1x16xf32>,
        %parallel_loop3A_550 = vector.shape_cast %parallel_loop3A_549 : vector<1x16xf32> to vector<16xf32>
        %parallel_loop3A_551 = arith.constant 3.200000e+01 : f32
        %parallel_loop3A_552 = vector.broadcast %parallel_loop3A_551 : f32 to vector<16xf32>
        %parallel_loop3A_553 = arith.mulf %parallel_loop3A_550, %parallel_loop3A_552 : vector<16xf32>
        %parallel_loop3A_554 = arith.index_cast %parallel_loop3A_162 : i32 to index
        %parallel_loop3A_555 = arith.constant 512 : index
        %parallel_loop3A_556 = tpu.vector_load %arg11[%parallel_loop3A_554, %parallel_loop3A_555] {strides = array<i32>} : memref<16x1024xf32, #tpu.memory_space<vmem>>, vector<1x16xf32>,
        %parallel_loop3A_557 = vector.shape_cast %parallel_loop3A_556 : vector<1x16xf32> to vector<16xf32>
        %parallel_loop3A_558 = vector.shape_cast %parallel_loop3A_553 : vector<16xf32> to vector<1x16xf32>
        tpu.vector_store %arg11[%parallel_loop3A_554, %parallel_loop3A_555], %parallel_loop3A_558 {strides = array<i32>} : memref<16x1024xf32, #tpu.memory_space<vmem>>, vector<1x16xf32>,
        %parallel_loop3A_559 = arith.index_cast %parallel_loop3A_162 : i32 to index
        %parallel_loop3A_560 = arith.constant 528 : index
        %parallel_loop3A_561 = tpu.vector_load %arg7[%parallel_loop3A_559, %parallel_loop3A_560] {strides = array<i32>} : memref<16x1024xf32, #tpu.memory_space<vmem>>, vector<1x16xf32>,
        %parallel_loop3A_562 = vector.shape_cast %parallel_loop3A_561 : vector<1x16xf32> to vector<16xf32>
        %parallel_loop3A_563 = arith.constant 3.200000e+01 : f32
        %parallel_loop3A_564 = vector.broadcast %parallel_loop3A_563 : f32 to vector<16xf32>
        %parallel_loop3A_565 = arith.mulf %parallel_loop3A_562, %parallel_loop3A_564 : vector<16xf32>
        %parallel_loop3A_566 = arith.index_cast %parallel_loop3A_162 : i32 to index
        %parallel_loop3A_567 = arith.constant 528 : index
        %parallel_loop3A_568 = tpu.vector_load %arg11[%parallel_loop3A_566, %parallel_loop3A_567] {strides = array<i32>} : memref<16x1024xf32, #tpu.memory_space<vmem>>, vector<1x16xf32>,
        %parallel_loop3A_569 = vector.shape_cast %parallel_loop3A_568 : vector<1x16xf32> to vector<16xf32>
        %parallel_loop3A_570 = vector.shape_cast %parallel_loop3A_565 : vector<16xf32> to vector<1x16xf32>
        tpu.vector_store %arg11[%parallel_loop3A_566, %parallel_loop3A_567], %parallel_loop3A_570 {strides = array<i32>} : memref<16x1024xf32, #tpu.memory_space<vmem>>, vector<1x16xf32>,
        %parallel_loop3A_571 = arith.index_cast %parallel_loop3A_162 : i32 to index
        %parallel_loop3A_572 = arith.constant 544 : index
        %parallel_loop3A_573 = tpu.vector_load %arg7[%parallel_loop3A_571, %parallel_loop3A_572] {strides = array<i32>} : memref<16x1024xf32, #tpu.memory_space<vmem>>, vector<1x16xf32>,
        %parallel_loop3A_574 = vector.shape_cast %parallel_loop3A_573 : vector<1x16xf32> to vector<16xf32>
        %parallel_loop3A_575 = arith.constant 3.200000e+01 : f32
        %parallel_loop3A_576 = vector.broadcast %parallel_loop3A_575 : f32 to vector<16xf32>
        %parallel_loop3A_577 = arith.mulf %parallel_loop3A_574, %parallel_loop3A_576 : vector<16xf32>
        %parallel_loop3A_578 = arith.index_cast %parallel_loop3A_162 : i32 to index
        %parallel_loop3A_579 = arith.constant 544 : index
        %parallel_loop3A_580 = tpu.vector_load %arg11[%parallel_loop3A_578, %parallel_loop3A_579] {strides = array<i32>} : memref<16x1024xf32, #tpu.memory_space<vmem>>, vector<1x16xf32>,
        %parallel_loop3A_581 = vector.shape_cast %parallel_loop3A_580 : vector<1x16xf32> to vector<16xf32>
        %parallel_loop3A_582 = vector.shape_cast %parallel_loop3A_577 : vector<16xf32> to vector<1x16xf32>
        tpu.vector_store %arg11[%parallel_loop3A_578, %parallel_loop3A_579], %parallel_loop3A_582 {strides = array<i32>} : memref<16x1024xf32, #tpu.memory_space<vmem>>, vector<1x16xf32>,
        %parallel_loop3A_583 = arith.index_cast %parallel_loop3A_162 : i32 to index
        %parallel_loop3A_584 = arith.constant 560 : index
        %parallel_loop3A_585 = tpu.vector_load %arg7[%parallel_loop3A_583, %parallel_loop3A_584] {strides = array<i32>} : memref<16x1024xf32, #tpu.memory_space<vmem>>, vector<1x16xf32>,
        %parallel_loop3A_586 = vector.shape_cast %parallel_loop3A_585 : vector<1x16xf32> to vector<16xf32>
        %parallel_loop3A_587 = arith.constant 3.200000e+01 : f32
        %parallel_loop3A_588 = vector.broadcast %parallel_loop3A_587 : f32 to vector<16xf32>
        %parallel_loop3A_589 = arith.mulf %parallel_loop3A_586, %parallel_loop3A_588 : vector<16xf32>
        %parallel_loop3A_590 = arith.index_cast %parallel_loop3A_162 : i32 to index
        %parallel_loop3A_591 = arith.constant 560 : index
        %parallel_loop3A_592 = tpu.vector_load %arg11[%parallel_loop3A_590, %parallel_loop3A_591] {strides = array<i32>} : memref<16x1024xf32, #tpu.memory_space<vmem>>, vector<1x16xf32>,
        %parallel_loop3A_593 = vector.shape_cast %parallel_loop3A_592 : vector<1x16xf32> to vector<16xf32>
        %parallel_loop3A_594 = vector.shape_cast %parallel_loop3A_589 : vector<16xf32> to vector<1x16xf32>
        tpu.vector_store %arg11[%parallel_loop3A_590, %parallel_loop3A_591], %parallel_loop3A_594 {strides = array<i32>} : memref<16x1024xf32, #tpu.memory_space<vmem>>, vector<1x16xf32>,
        %parallel_loop3A_595 = arith.index_cast %parallel_loop3A_162 : i32 to index
        %parallel_loop3A_596 = arith.constant 576 : index
        %parallel_loop3A_597 = tpu.vector_load %arg7[%parallel_loop3A_595, %parallel_loop3A_596] {strides = array<i32>} : memref<16x1024xf32, #tpu.memory_space<vmem>>, vector<1x16xf32>,
        %parallel_loop3A_598 = vector.shape_cast %parallel_loop3A_597 : vector<1x16xf32> to vector<16xf32>
        %parallel_loop3A_599 = arith.constant 3.200000e+01 : f32
        %parallel_loop3A_600 = vector.broadcast %parallel_loop3A_599 : f32 to vector<16xf32>
        %parallel_loop3A_601 = arith.mulf %parallel_loop3A_598, %parallel_loop3A_600 : vector<16xf32>
        %parallel_loop3A_602 = arith.index_cast %parallel_loop3A_162 : i32 to index
        %parallel_loop3A_603 = arith.constant 576 : index
        %parallel_loop3A_604 = tpu.vector_load %arg11[%parallel_loop3A_602, %parallel_loop3A_603] {strides = array<i32>} : memref<16x1024xf32, #tpu.memory_space<vmem>>, vector<1x16xf32>,
        %parallel_loop3A_605 = vector.shape_cast %parallel_loop3A_604 : vector<1x16xf32> to vector<16xf32>
        %parallel_loop3A_606 = vector.shape_cast %parallel_loop3A_601 : vector<16xf32> to vector<1x16xf32>
        tpu.vector_store %arg11[%parallel_loop3A_602, %parallel_loop3A_603], %parallel_loop3A_606 {strides = array<i32>} : memref<16x1024xf32, #tpu.memory_space<vmem>>, vector<1x16xf32>,
        %parallel_loop3A_607 = arith.index_cast %parallel_loop3A_162 : i32 to index
        %parallel_loop3A_608 = arith.constant 592 : index
        %parallel_loop3A_609 = tpu.vector_load %arg7[%parallel_loop3A_607, %parallel_loop3A_608] {strides = array<i32>} : memref<16x1024xf32, #tpu.memory_space<vmem>>, vector<1x16xf32>,
        %parallel_loop3A_610 = vector.shape_cast %parallel_loop3A_609 : vector<1x16xf32> to vector<16xf32>
        %parallel_loop3A_611 = arith.constant 3.200000e+01 : f32
        %parallel_loop3A_612 = vector.broadcast %parallel_loop3A_611 : f32 to vector<16xf32>
        %parallel_loop3A_613 = arith.mulf %parallel_loop3A_610, %parallel_loop3A_612 : vector<16xf32>
        %parallel_loop3A_614 = arith.index_cast %parallel_loop3A_162 : i32 to index
        %parallel_loop3A_615 = arith.constant 592 : index
        %parallel_loop3A_616 = tpu.vector_load %arg11[%parallel_loop3A_614, %parallel_loop3A_615] {strides = array<i32>} : memref<16x1024xf32, #tpu.memory_space<vmem>>, vector<1x16xf32>,
        %parallel_loop3A_617 = vector.shape_cast %parallel_loop3A_616 : vector<1x16xf32> to vector<16xf32>
        %parallel_loop3A_618 = vector.shape_cast %parallel_loop3A_613 : vector<16xf32> to vector<1x16xf32>
        tpu.vector_store %arg11[%parallel_loop3A_614, %parallel_loop3A_615], %parallel_loop3A_618 {strides = array<i32>} : memref<16x1024xf32, #tpu.memory_space<vmem>>, vector<1x16xf32>,
        %parallel_loop3A_619 = arith.index_cast %parallel_loop3A_162 : i32 to index
        %parallel_loop3A_620 = arith.constant 608 : index
        %parallel_loop3A_621 = tpu.vector_load %arg7[%parallel_loop3A_619, %parallel_loop3A_620] {strides = array<i32>} : memref<16x1024xf32, #tpu.memory_space<vmem>>, vector<1x16xf32>,
        %parallel_loop3A_622 = vector.shape_cast %parallel_loop3A_621 : vector<1x16xf32> to vector<16xf32>
        %parallel_loop3A_623 = arith.constant 3.200000e+01 : f32
        %parallel_loop3A_624 = vector.broadcast %parallel_loop3A_623 : f32 to vector<16xf32>
        %parallel_loop3A_625 = arith.mulf %parallel_loop3A_622, %parallel_loop3A_624 : vector<16xf32>
        %parallel_loop3A_626 = arith.index_cast %parallel_loop3A_162 : i32 to index
        %parallel_loop3A_627 = arith.constant 608 : index
        %parallel_loop3A_628 = tpu.vector_load %arg11[%parallel_loop3A_626, %parallel_loop3A_627] {strides = array<i32>} : memref<16x1024xf32, #tpu.memory_space<vmem>>, vector<1x16xf32>,
        %parallel_loop3A_629 = vector.shape_cast %parallel_loop3A_628 : vector<1x16xf32> to vector<16xf32>
        %parallel_loop3A_630 = vector.shape_cast %parallel_loop3A_625 : vector<16xf32> to vector<1x16xf32>
        tpu.vector_store %arg11[%parallel_loop3A_626, %parallel_loop3A_627], %parallel_loop3A_630 {strides = array<i32>} : memref<16x1024xf32, #tpu.memory_space<vmem>>, vector<1x16xf32>,
        %parallel_loop3A_631 = arith.index_cast %parallel_loop3A_162 : i32 to index
        %parallel_loop3A_632 = arith.constant 624 : index
        %parallel_loop3A_633 = tpu.vector_load %arg7[%parallel_loop3A_631, %parallel_loop3A_632] {strides = array<i32>} : memref<16x1024xf32, #tpu.memory_space<vmem>>, vector<1x16xf32>,
        %parallel_loop3A_634 = vector.shape_cast %parallel_loop3A_633 : vector<1x16xf32> to vector<16xf32>
        %parallel_loop3A_635 = arith.constant 3.200000e+01 : f32
        %parallel_loop3A_636 = vector.broadcast %parallel_loop3A_635 : f32 to vector<16xf32>
        %parallel_loop3A_637 = arith.mulf %parallel_loop3A_634, %parallel_loop3A_636 : vector<16xf32>
        %parallel_loop3A_638 = arith.index_cast %parallel_loop3A_162 : i32 to index
        %parallel_loop3A_639 = arith.constant 624 : index
        %parallel_loop3A_640 = tpu.vector_load %arg11[%parallel_loop3A_638, %parallel_loop3A_639] {strides = array<i32>} : memref<16x1024xf32, #tpu.memory_space<vmem>>, vector<1x16xf32>,
        %parallel_loop3A_641 = vector.shape_cast %parallel_loop3A_640 : vector<1x16xf32> to vector<16xf32>
        %parallel_loop3A_642 = vector.shape_cast %parallel_loop3A_637 : vector<16xf32> to vector<1x16xf32>
        tpu.vector_store %arg11[%parallel_loop3A_638, %parallel_loop3A_639], %parallel_loop3A_642 {strides = array<i32>} : memref<16x1024xf32, #tpu.memory_space<vmem>>, vector<1x16xf32>,
        %parallel_loop3A_643 = arith.index_cast %parallel_loop3A_162 : i32 to index
        %parallel_loop3A_644 = arith.constant 640 : index
        %parallel_loop3A_645 = tpu.vector_load %arg7[%parallel_loop3A_643, %parallel_loop3A_644] {strides = array<i32>} : memref<16x1024xf32, #tpu.memory_space<vmem>>, vector<1x16xf32>,
        %parallel_loop3A_646 = vector.shape_cast %parallel_loop3A_645 : vector<1x16xf32> to vector<16xf32>
        %parallel_loop3A_647 = arith.constant 3.200000e+01 : f32
        %parallel_loop3A_648 = vector.broadcast %parallel_loop3A_647 : f32 to vector<16xf32>
        %parallel_loop3A_649 = arith.mulf %parallel_loop3A_646, %parallel_loop3A_648 : vector<16xf32>
        %parallel_loop3A_650 = arith.index_cast %parallel_loop3A_162 : i32 to index
        %parallel_loop3A_651 = arith.constant 640 : index
        %parallel_loop3A_652 = tpu.vector_load %arg11[%parallel_loop3A_650, %parallel_loop3A_651] {strides = array<i32>} : memref<16x1024xf32, #tpu.memory_space<vmem>>, vector<1x16xf32>,
        %parallel_loop3A_653 = vector.shape_cast %parallel_loop3A_652 : vector<1x16xf32> to vector<16xf32>
        %parallel_loop3A_654 = vector.shape_cast %parallel_loop3A_649 : vector<16xf32> to vector<1x16xf32>
        tpu.vector_store %arg11[%parallel_loop3A_650, %parallel_loop3A_651], %parallel_loop3A_654 {strides = array<i32>} : memref<16x1024xf32, #tpu.memory_space<vmem>>, vector<1x16xf32>,
        %parallel_loop3A_655 = arith.index_cast %parallel_loop3A_162 : i32 to index
        %parallel_loop3A_656 = arith.constant 656 : index
        %parallel_loop3A_657 = tpu.vector_load %arg7[%parallel_loop3A_655, %parallel_loop3A_656] {strides = array<i32>} : memref<16x1024xf32, #tpu.memory_space<vmem>>, vector<1x16xf32>,
        %parallel_loop3A_658 = vector.shape_cast %parallel_loop3A_657 : vector<1x16xf32> to vector<16xf32>
        %parallel_loop3A_659 = arith.constant 3.200000e+01 : f32
        %parallel_loop3A_660 = vector.broadcast %parallel_loop3A_659 : f32 to vector<16xf32>
        %parallel_loop3A_661 = arith.mulf %parallel_loop3A_658, %parallel_loop3A_660 : vector<16xf32>
        %parallel_loop3A_662 = arith.index_cast %parallel_loop3A_162 : i32 to index
        %parallel_loop3A_663 = arith.constant 656 : index
        %parallel_loop3A_664 = tpu.vector_load %arg11[%parallel_loop3A_662, %parallel_loop3A_663] {strides = array<i32>} : memref<16x1024xf32, #tpu.memory_space<vmem>>, vector<1x16xf32>,
        %parallel_loop3A_665 = vector.shape_cast %parallel_loop3A_664 : vector<1x16xf32> to vector<16xf32>
        %parallel_loop3A_666 = vector.shape_cast %parallel_loop3A_661 : vector<16xf32> to vector<1x16xf32>
        tpu.vector_store %arg11[%parallel_loop3A_662, %parallel_loop3A_663], %parallel_loop3A_666 {strides = array<i32>} : memref<16x1024xf32, #tpu.memory_space<vmem>>, vector<1x16xf32>,
        %parallel_loop3A_667 = arith.index_cast %parallel_loop3A_162 : i32 to index
        %parallel_loop3A_668 = arith.constant 672 : index
        %parallel_loop3A_669 = tpu.vector_load %arg7[%parallel_loop3A_667, %parallel_loop3A_668] {strides = array<i32>} : memref<16x1024xf32, #tpu.memory_space<vmem>>, vector<1x16xf32>,
        %parallel_loop3A_670 = vector.shape_cast %parallel_loop3A_669 : vector<1x16xf32> to vector<16xf32>
        %parallel_loop3A_671 = arith.constant 3.200000e+01 : f32
        %parallel_loop3A_672 = vector.broadcast %parallel_loop3A_671 : f32 to vector<16xf32>
        %parallel_loop3A_673 = arith.mulf %parallel_loop3A_670, %parallel_loop3A_672 : vector<16xf32>
        %parallel_loop3A_674 = arith.index_cast %parallel_loop3A_162 : i32 to index
        %parallel_loop3A_675 = arith.constant 672 : index
        %parallel_loop3A_676 = tpu.vector_load %arg11[%parallel_loop3A_674, %parallel_loop3A_675] {strides = array<i32>} : memref<16x1024xf32, #tpu.memory_space<vmem>>, vector<1x16xf32>,
        %parallel_loop3A_677 = vector.shape_cast %parallel_loop3A_676 : vector<1x16xf32> to vector<16xf32>
        %parallel_loop3A_678 = vector.shape_cast %parallel_loop3A_673 : vector<16xf32> to vector<1x16xf32>
        tpu.vector_store %arg11[%parallel_loop3A_674, %parallel_loop3A_675], %parallel_loop3A_678 {strides = array<i32>} : memref<16x1024xf32, #tpu.memory_space<vmem>>, vector<1x16xf32>,
        %parallel_loop3A_679 = arith.index_cast %parallel_loop3A_162 : i32 to index
        %parallel_loop3A_680 = arith.constant 688 : index
        %parallel_loop3A_681 = tpu.vector_load %arg7[%parallel_loop3A_679, %parallel_loop3A_680] {strides = array<i32>} : memref<16x1024xf32, #tpu.memory_space<vmem>>, vector<1x16xf32>,
        %parallel_loop3A_682 = vector.shape_cast %parallel_loop3A_681 : vector<1x16xf32> to vector<16xf32>
        %parallel_loop3A_683 = arith.constant 3.200000e+01 : f32
        %parallel_loop3A_684 = vector.broadcast %parallel_loop3A_683 : f32 to vector<16xf32>
        %parallel_loop3A_685 = arith.mulf %parallel_loop3A_682, %parallel_loop3A_684 : vector<16xf32>
        %parallel_loop3A_686 = arith.index_cast %parallel_loop3A_162 : i32 to index
        %parallel_loop3A_687 = arith.constant 688 : index
        %parallel_loop3A_688 = tpu.vector_load %arg11[%parallel_loop3A_686, %parallel_loop3A_687] {strides = array<i32>} : memref<16x1024xf32, #tpu.memory_space<vmem>>, vector<1x16xf32>,
        %parallel_loop3A_689 = vector.shape_cast %parallel_loop3A_688 : vector<1x16xf32> to vector<16xf32>
        %parallel_loop3A_690 = vector.shape_cast %parallel_loop3A_685 : vector<16xf32> to vector<1x16xf32>
        tpu.vector_store %arg11[%parallel_loop3A_686, %parallel_loop3A_687], %parallel_loop3A_690 {strides = array<i32>} : memref<16x1024xf32, #tpu.memory_space<vmem>>, vector<1x16xf32>,
        %parallel_loop3A_691 = arith.index_cast %parallel_loop3A_162 : i32 to index
        %parallel_loop3A_692 = arith.constant 704 : index
        %parallel_loop3A_693 = tpu.vector_load %arg7[%parallel_loop3A_691, %parallel_loop3A_692] {strides = array<i32>} : memref<16x1024xf32, #tpu.memory_space<vmem>>, vector<1x16xf32>,
        %parallel_loop3A_694 = vector.shape_cast %parallel_loop3A_693 : vector<1x16xf32> to vector<16xf32>
        %parallel_loop3A_695 = arith.constant 3.200000e+01 : f32
        %parallel_loop3A_696 = vector.broadcast %parallel_loop3A_695 : f32 to vector<16xf32>
        %parallel_loop3A_697 = arith.mulf %parallel_loop3A_694, %parallel_loop3A_696 : vector<16xf32>
        %parallel_loop3A_698 = arith.index_cast %parallel_loop3A_162 : i32 to index
        %parallel_loop3A_699 = arith.constant 704 : index
        %parallel_loop3A_700 = tpu.vector_load %arg11[%parallel_loop3A_698, %parallel_loop3A_699] {strides = array<i32>} : memref<16x1024xf32, #tpu.memory_space<vmem>>, vector<1x16xf32>,
        %parallel_loop3A_701 = vector.shape_cast %parallel_loop3A_700 : vector<1x16xf32> to vector<16xf32>
        %parallel_loop3A_702 = vector.shape_cast %parallel_loop3A_697 : vector<16xf32> to vector<1x16xf32>
        tpu.vector_store %arg11[%parallel_loop3A_698, %parallel_loop3A_699], %parallel_loop3A_702 {strides = array<i32>} : memref<16x1024xf32, #tpu.memory_space<vmem>>, vector<1x16xf32>,
        %parallel_loop3A_703 = arith.index_cast %parallel_loop3A_162 : i32 to index
        %parallel_loop3A_704 = arith.constant 720 : index
        %parallel_loop3A_705 = tpu.vector_load %arg7[%parallel_loop3A_703, %parallel_loop3A_704] {strides = array<i32>} : memref<16x1024xf32, #tpu.memory_space<vmem>>, vector<1x16xf32>,
        %parallel_loop3A_706 = vector.shape_cast %parallel_loop3A_705 : vector<1x16xf32> to vector<16xf32>
        %parallel_loop3A_707 = arith.constant 3.200000e+01 : f32
        %parallel_loop3A_708 = vector.broadcast %parallel_loop3A_707 : f32 to vector<16xf32>
        %parallel_loop3A_709 = arith.mulf %parallel_loop3A_706, %parallel_loop3A_708 : vector<16xf32>
        %parallel_loop3A_710 = arith.index_cast %parallel_loop3A_162 : i32 to index
        %parallel_loop3A_711 = arith.constant 720 : index
        %parallel_loop3A_712 = tpu.vector_load %arg11[%parallel_loop3A_710, %parallel_loop3A_711] {strides = array<i32>} : memref<16x1024xf32, #tpu.memory_space<vmem>>, vector<1x16xf32>,
        %parallel_loop3A_713 = vector.shape_cast %parallel_loop3A_712 : vector<1x16xf32> to vector<16xf32>
        %parallel_loop3A_714 = vector.shape_cast %parallel_loop3A_709 : vector<16xf32> to vector<1x16xf32>
        tpu.vector_store %arg11[%parallel_loop3A_710, %parallel_loop3A_711], %parallel_loop3A_714 {strides = array<i32>} : memref<16x1024xf32, #tpu.memory_space<vmem>>, vector<1x16xf32>,
        %parallel_loop3A_715 = arith.index_cast %parallel_loop3A_162 : i32 to index
        %parallel_loop3A_716 = arith.constant 736 : index
        %parallel_loop3A_717 = tpu.vector_load %arg7[%parallel_loop3A_715, %parallel_loop3A_716] {strides = array<i32>} : memref<16x1024xf32, #tpu.memory_space<vmem>>, vector<1x16xf32>,
        %parallel_loop3A_718 = vector.shape_cast %parallel_loop3A_717 : vector<1x16xf32> to vector<16xf32>
        %parallel_loop3A_719 = arith.constant 3.200000e+01 : f32
        %parallel_loop3A_720 = vector.broadcast %parallel_loop3A_719 : f32 to vector<16xf32>
        %parallel_loop3A_721 = arith.mulf %parallel_loop3A_718, %parallel_loop3A_720 : vector<16xf32>
        %parallel_loop3A_722 = arith.index_cast %parallel_loop3A_162 : i32 to index
        %parallel_loop3A_723 = arith.constant 736 : index
        %parallel_loop3A_724 = tpu.vector_load %arg11[%parallel_loop3A_722, %parallel_loop3A_723] {strides = array<i32>} : memref<16x1024xf32, #tpu.memory_space<vmem>>, vector<1x16xf32>,
        %parallel_loop3A_725 = vector.shape_cast %parallel_loop3A_724 : vector<1x16xf32> to vector<16xf32>
        %parallel_loop3A_726 = vector.shape_cast %parallel_loop3A_721 : vector<16xf32> to vector<1x16xf32>
        tpu.vector_store %arg11[%parallel_loop3A_722, %parallel_loop3A_723], %parallel_loop3A_726 {strides = array<i32>} : memref<16x1024xf32, #tpu.memory_space<vmem>>, vector<1x16xf32>,
        %parallel_loop3A_727 = arith.index_cast %parallel_loop3A_162 : i32 to index
        %parallel_loop3A_728 = arith.constant 752 : index
        %parallel_loop3A_729 = tpu.vector_load %arg7[%parallel_loop3A_727, %parallel_loop3A_728] {strides = array<i32>} : memref<16x1024xf32, #tpu.memory_space<vmem>>, vector<1x16xf32>,
        %parallel_loop3A_730 = vector.shape_cast %parallel_loop3A_729 : vector<1x16xf32> to vector<16xf32>
        %parallel_loop3A_731 = arith.constant 3.200000e+01 : f32
        %parallel_loop3A_732 = vector.broadcast %parallel_loop3A_731 : f32 to vector<16xf32>
        %parallel_loop3A_733 = arith.mulf %parallel_loop3A_730, %parallel_loop3A_732 : vector<16xf32>
        %parallel_loop3A_734 = arith.index_cast %parallel_loop3A_162 : i32 to index
        %parallel_loop3A_735 = arith.constant 752 : index
        %parallel_loop3A_736 = tpu.vector_load %arg11[%parallel_loop3A_734, %parallel_loop3A_735] {strides = array<i32>} : memref<16x1024xf32, #tpu.memory_space<vmem>>, vector<1x16xf32>,
        %parallel_loop3A_737 = vector.shape_cast %parallel_loop3A_736 : vector<1x16xf32> to vector<16xf32>
        %parallel_loop3A_738 = vector.shape_cast %parallel_loop3A_733 : vector<16xf32> to vector<1x16xf32>
        tpu.vector_store %arg11[%parallel_loop3A_734, %parallel_loop3A_735], %parallel_loop3A_738 {strides = array<i32>} : memref<16x1024xf32, #tpu.memory_space<vmem>>, vector<1x16xf32>,
        %parallel_loop3A_739 = arith.index_cast %parallel_loop3A_162 : i32 to index
        %parallel_loop3A_740 = arith.constant 768 : index
        %parallel_loop3A_741 = tpu.vector_load %arg7[%parallel_loop3A_739, %parallel_loop3A_740] {strides = array<i32>} : memref<16x1024xf32, #tpu.memory_space<vmem>>, vector<1x16xf32>,
        %parallel_loop3A_742 = vector.shape_cast %parallel_loop3A_741 : vector<1x16xf32> to vector<16xf32>
        %parallel_loop3A_743 = arith.constant 3.200000e+01 : f32
        %parallel_loop3A_744 = vector.broadcast %parallel_loop3A_743 : f32 to vector<16xf32>
        %parallel_loop3A_745 = arith.mulf %parallel_loop3A_742, %parallel_loop3A_744 : vector<16xf32>
        %parallel_loop3A_746 = arith.index_cast %parallel_loop3A_162 : i32 to index
        %parallel_loop3A_747 = arith.constant 768 : index
        %parallel_loop3A_748 = tpu.vector_load %arg11[%parallel_loop3A_746, %parallel_loop3A_747] {strides = array<i32>} : memref<16x1024xf32, #tpu.memory_space<vmem>>, vector<1x16xf32>,
        %parallel_loop3A_749 = vector.shape_cast %parallel_loop3A_748 : vector<1x16xf32> to vector<16xf32>
        %parallel_loop3A_750 = vector.shape_cast %parallel_loop3A_745 : vector<16xf32> to vector<1x16xf32>
        tpu.vector_store %arg11[%parallel_loop3A_746, %parallel_loop3A_747], %parallel_loop3A_750 {strides = array<i32>} : memref<16x1024xf32, #tpu.memory_space<vmem>>, vector<1x16xf32>,
        %parallel_loop3A_751 = arith.index_cast %parallel_loop3A_162 : i32 to index
        %parallel_loop3A_752 = arith.constant 784 : index
        %parallel_loop3A_753 = tpu.vector_load %arg7[%parallel_loop3A_751, %parallel_loop3A_752] {strides = array<i32>} : memref<16x1024xf32, #tpu.memory_space<vmem>>, vector<1x16xf32>,
        %parallel_loop3A_754 = vector.shape_cast %parallel_loop3A_753 : vector<1x16xf32> to vector<16xf32>
        %parallel_loop3A_755 = arith.constant 3.200000e+01 : f32
        %parallel_loop3A_756 = vector.broadcast %parallel_loop3A_755 : f32 to vector<16xf32>
        %parallel_loop3A_757 = arith.mulf %parallel_loop3A_754, %parallel_loop3A_756 : vector<16xf32>
        %parallel_loop3A_758 = arith.index_cast %parallel_loop3A_162 : i32 to index
        %parallel_loop3A_759 = arith.constant 784 : index
        %parallel_loop3A_760 = tpu.vector_load %arg11[%parallel_loop3A_758, %parallel_loop3A_759] {strides = array<i32>} : memref<16x1024xf32, #tpu.memory_space<vmem>>, vector<1x16xf32>,
        %parallel_loop3A_761 = vector.shape_cast %parallel_loop3A_760 : vector<1x16xf32> to vector<16xf32>
        %parallel_loop3A_762 = vector.shape_cast %parallel_loop3A_757 : vector<16xf32> to vector<1x16xf32>
        tpu.vector_store %arg11[%parallel_loop3A_758, %parallel_loop3A_759], %parallel_loop3A_762 {strides = array<i32>} : memref<16x1024xf32, #tpu.memory_space<vmem>>, vector<1x16xf32>,
        %parallel_loop3A_763 = arith.index_cast %parallel_loop3A_162 : i32 to index
        %parallel_loop3A_764 = arith.constant 800 : index
        %parallel_loop3A_765 = tpu.vector_load %arg7[%parallel_loop3A_763, %parallel_loop3A_764] {strides = array<i32>} : memref<16x1024xf32, #tpu.memory_space<vmem>>, vector<1x16xf32>,
        %parallel_loop3A_766 = vector.shape_cast %parallel_loop3A_765 : vector<1x16xf32> to vector<16xf32>
        %parallel_loop3A_767 = arith.constant 3.200000e+01 : f32
        %parallel_loop3A_768 = vector.broadcast %parallel_loop3A_767 : f32 to vector<16xf32>
        %parallel_loop3A_769 = arith.mulf %parallel_loop3A_766, %parallel_loop3A_768 : vector<16xf32>
        %parallel_loop3A_770 = arith.index_cast %parallel_loop3A_162 : i32 to index
        %parallel_loop3A_771 = arith.constant 800 : index
        %parallel_loop3A_772 = tpu.vector_load %arg11[%parallel_loop3A_770, %parallel_loop3A_771] {strides = array<i32>} : memref<16x1024xf32, #tpu.memory_space<vmem>>, vector<1x16xf32>,
        %parallel_loop3A_773 = vector.shape_cast %parallel_loop3A_772 : vector<1x16xf32> to vector<16xf32>
        %parallel_loop3A_774 = vector.shape_cast %parallel_loop3A_769 : vector<16xf32> to vector<1x16xf32>
        tpu.vector_store %arg11[%parallel_loop3A_770, %parallel_loop3A_771], %parallel_loop3A_774 {strides = array<i32>} : memref<16x1024xf32, #tpu.memory_space<vmem>>, vector<1x16xf32>,
        %parallel_loop3A_775 = arith.index_cast %parallel_loop3A_162 : i32 to index
        %parallel_loop3A_776 = arith.constant 816 : index
        %parallel_loop3A_777 = tpu.vector_load %arg7[%parallel_loop3A_775, %parallel_loop3A_776] {strides = array<i32>} : memref<16x1024xf32, #tpu.memory_space<vmem>>, vector<1x16xf32>,
        %parallel_loop3A_778 = vector.shape_cast %parallel_loop3A_777 : vector<1x16xf32> to vector<16xf32>
        %parallel_loop3A_779 = arith.constant 3.200000e+01 : f32
        %parallel_loop3A_780 = vector.broadcast %parallel_loop3A_779 : f32 to vector<16xf32>
        %parallel_loop3A_781 = arith.mulf %parallel_loop3A_778, %parallel_loop3A_780 : vector<16xf32>
        %parallel_loop3A_782 = arith.index_cast %parallel_loop3A_162 : i32 to index
        %parallel_loop3A_783 = arith.constant 816 : index
        %parallel_loop3A_784 = tpu.vector_load %arg11[%parallel_loop3A_782, %parallel_loop3A_783] {strides = array<i32>} : memref<16x1024xf32, #tpu.memory_space<vmem>>, vector<1x16xf32>,
        %parallel_loop3A_785 = vector.shape_cast %parallel_loop3A_784 : vector<1x16xf32> to vector<16xf32>
        %parallel_loop3A_786 = vector.shape_cast %parallel_loop3A_781 : vector<16xf32> to vector<1x16xf32>
        tpu.vector_store %arg11[%parallel_loop3A_782, %parallel_loop3A_783], %parallel_loop3A_786 {strides = array<i32>} : memref<16x1024xf32, #tpu.memory_space<vmem>>, vector<1x16xf32>,
        %parallel_loop3A_787 = arith.index_cast %parallel_loop3A_162 : i32 to index
        %parallel_loop3A_788 = arith.constant 832 : index
        %parallel_loop3A_789 = tpu.vector_load %arg7[%parallel_loop3A_787, %parallel_loop3A_788] {strides = array<i32>} : memref<16x1024xf32, #tpu.memory_space<vmem>>, vector<1x16xf32>,
        %parallel_loop3A_790 = vector.shape_cast %parallel_loop3A_789 : vector<1x16xf32> to vector<16xf32>
        %parallel_loop3A_791 = arith.constant 3.200000e+01 : f32
        %parallel_loop3A_792 = vector.broadcast %parallel_loop3A_791 : f32 to vector<16xf32>
        %parallel_loop3A_793 = arith.mulf %parallel_loop3A_790, %parallel_loop3A_792 : vector<16xf32>
        %parallel_loop3A_794 = arith.index_cast %parallel_loop3A_162 : i32 to index
        %parallel_loop3A_795 = arith.constant 832 : index
        %parallel_loop3A_796 = tpu.vector_load %arg11[%parallel_loop3A_794, %parallel_loop3A_795] {strides = array<i32>} : memref<16x1024xf32, #tpu.memory_space<vmem>>, vector<1x16xf32>,
        %parallel_loop3A_797 = vector.shape_cast %parallel_loop3A_796 : vector<1x16xf32> to vector<16xf32>
        %parallel_loop3A_798 = vector.shape_cast %parallel_loop3A_793 : vector<16xf32> to vector<1x16xf32>
        tpu.vector_store %arg11[%parallel_loop3A_794, %parallel_loop3A_795], %parallel_loop3A_798 {strides = array<i32>} : memref<16x1024xf32, #tpu.memory_space<vmem>>, vector<1x16xf32>,
        %parallel_loop3A_799 = arith.index_cast %parallel_loop3A_162 : i32 to index
        %parallel_loop3A_800 = arith.constant 848 : index
        %parallel_loop3A_801 = tpu.vector_load %arg7[%parallel_loop3A_799, %parallel_loop3A_800] {strides = array<i32>} : memref<16x1024xf32, #tpu.memory_space<vmem>>, vector<1x16xf32>,
        %parallel_loop3A_802 = vector.shape_cast %parallel_loop3A_801 : vector<1x16xf32> to vector<16xf32>
        %parallel_loop3A_803 = arith.constant 3.200000e+01 : f32
        %parallel_loop3A_804 = vector.broadcast %parallel_loop3A_803 : f32 to vector<16xf32>
        %parallel_loop3A_805 = arith.mulf %parallel_loop3A_802, %parallel_loop3A_804 : vector<16xf32>
        %parallel_loop3A_806 = arith.index_cast %parallel_loop3A_162 : i32 to index
        %parallel_loop3A_807 = arith.constant 848 : index
        %parallel_loop3A_808 = tpu.vector_load %arg11[%parallel_loop3A_806, %parallel_loop3A_807] {strides = array<i32>} : memref<16x1024xf32, #tpu.memory_space<vmem>>, vector<1x16xf32>,
        %parallel_loop3A_809 = vector.shape_cast %parallel_loop3A_808 : vector<1x16xf32> to vector<16xf32>
        %parallel_loop3A_810 = vector.shape_cast %parallel_loop3A_805 : vector<16xf32> to vector<1x16xf32>
        tpu.vector_store %arg11[%parallel_loop3A_806, %parallel_loop3A_807], %parallel_loop3A_810 {strides = array<i32>} : memref<16x1024xf32, #tpu.memory_space<vmem>>, vector<1x16xf32>,
        %parallel_loop3A_811 = arith.index_cast %parallel_loop3A_162 : i32 to index
        %parallel_loop3A_812 = arith.constant 864 : index
        %parallel_loop3A_813 = tpu.vector_load %arg7[%parallel_loop3A_811, %parallel_loop3A_812] {strides = array<i32>} : memref<16x1024xf32, #tpu.memory_space<vmem>>, vector<1x16xf32>,
        %parallel_loop3A_814 = vector.shape_cast %parallel_loop3A_813 : vector<1x16xf32> to vector<16xf32>
        %parallel_loop3A_815 = arith.constant 3.200000e+01 : f32
        %parallel_loop3A_816 = vector.broadcast %parallel_loop3A_815 : f32 to vector<16xf32>
        %parallel_loop3A_817 = arith.mulf %parallel_loop3A_814, %parallel_loop3A_816 : vector<16xf32>
        %parallel_loop3A_818 = arith.index_cast %parallel_loop3A_162 : i32 to index
        %parallel_loop3A_819 = arith.constant 864 : index
        %parallel_loop3A_820 = tpu.vector_load %arg11[%parallel_loop3A_818, %parallel_loop3A_819] {strides = array<i32>} : memref<16x1024xf32, #tpu.memory_space<vmem>>, vector<1x16xf32>,
        %parallel_loop3A_821 = vector.shape_cast %parallel_loop3A_820 : vector<1x16xf32> to vector<16xf32>
        %parallel_loop3A_822 = vector.shape_cast %parallel_loop3A_817 : vector<16xf32> to vector<1x16xf32>
        tpu.vector_store %arg11[%parallel_loop3A_818, %parallel_loop3A_819], %parallel_loop3A_822 {strides = array<i32>} : memref<16x1024xf32, #tpu.memory_space<vmem>>, vector<1x16xf32>,
        %parallel_loop3A_823 = arith.index_cast %parallel_loop3A_162 : i32 to index
        %parallel_loop3A_824 = arith.constant 880 : index
        %parallel_loop3A_825 = tpu.vector_load %arg7[%parallel_loop3A_823, %parallel_loop3A_824] {strides = array<i32>} : memref<16x1024xf32, #tpu.memory_space<vmem>>, vector<1x16xf32>,
        %parallel_loop3A_826 = vector.shape_cast %parallel_loop3A_825 : vector<1x16xf32> to vector<16xf32>
        %parallel_loop3A_827 = arith.constant 3.200000e+01 : f32
        %parallel_loop3A_828 = vector.broadcast %parallel_loop3A_827 : f32 to vector<16xf32>
        %parallel_loop3A_829 = arith.mulf %parallel_loop3A_826, %parallel_loop3A_828 : vector<16xf32>
        %parallel_loop3A_830 = arith.index_cast %parallel_loop3A_162 : i32 to index
        %parallel_loop3A_831 = arith.constant 880 : index
        %parallel_loop3A_832 = tpu.vector_load %arg11[%parallel_loop3A_830, %parallel_loop3A_831] {strides = array<i32>} : memref<16x1024xf32, #tpu.memory_space<vmem>>, vector<1x16xf32>,
        %parallel_loop3A_833 = vector.shape_cast %parallel_loop3A_832 : vector<1x16xf32> to vector<16xf32>
        %parallel_loop3A_834 = vector.shape_cast %parallel_loop3A_829 : vector<16xf32> to vector<1x16xf32>
        tpu.vector_store %arg11[%parallel_loop3A_830, %parallel_loop3A_831], %parallel_loop3A_834 {strides = array<i32>} : memref<16x1024xf32, #tpu.memory_space<vmem>>, vector<1x16xf32>,
        %parallel_loop3A_835 = arith.index_cast %parallel_loop3A_162 : i32 to index
        %parallel_loop3A_836 = arith.constant 896 : index
        %parallel_loop3A_837 = tpu.vector_load %arg7[%parallel_loop3A_835, %parallel_loop3A_836] {strides = array<i32>} : memref<16x1024xf32, #tpu.memory_space<vmem>>, vector<1x16xf32>,
        %parallel_loop3A_838 = vector.shape_cast %parallel_loop3A_837 : vector<1x16xf32> to vector<16xf32>
        %parallel_loop3A_839 = arith.constant 3.200000e+01 : f32
        %parallel_loop3A_840 = vector.broadcast %parallel_loop3A_839 : f32 to vector<16xf32>
        %parallel_loop3A_841 = arith.mulf %parallel_loop3A_838, %parallel_loop3A_840 : vector<16xf32>
        %parallel_loop3A_842 = arith.index_cast %parallel_loop3A_162 : i32 to index
        %parallel_loop3A_843 = arith.constant 896 : index
        %parallel_loop3A_844 = tpu.vector_load %arg11[%parallel_loop3A_842, %parallel_loop3A_843] {strides = array<i32>} : memref<16x1024xf32, #tpu.memory_space<vmem>>, vector<1x16xf32>,
        %parallel_loop3A_845 = vector.shape_cast %parallel_loop3A_844 : vector<1x16xf32> to vector<16xf32>
        %parallel_loop3A_846 = vector.shape_cast %parallel_loop3A_841 : vector<16xf32> to vector<1x16xf32>
        tpu.vector_store %arg11[%parallel_loop3A_842, %parallel_loop3A_843], %parallel_loop3A_846 {strides = array<i32>} : memref<16x1024xf32, #tpu.memory_space<vmem>>, vector<1x16xf32>,
        %parallel_loop3A_847 = arith.index_cast %parallel_loop3A_162 : i32 to index
        %parallel_loop3A_848 = arith.constant 912 : index
        %parallel_loop3A_849 = tpu.vector_load %arg7[%parallel_loop3A_847, %parallel_loop3A_848] {strides = array<i32>} : memref<16x1024xf32, #tpu.memory_space<vmem>>, vector<1x16xf32>,
        %parallel_loop3A_850 = vector.shape_cast %parallel_loop3A_849 : vector<1x16xf32> to vector<16xf32>
        %parallel_loop3A_851 = arith.constant 3.200000e+01 : f32
        %parallel_loop3A_852 = vector.broadcast %parallel_loop3A_851 : f32 to vector<16xf32>
        %parallel_loop3A_853 = arith.mulf %parallel_loop3A_850, %parallel_loop3A_852 : vector<16xf32>
        %parallel_loop3A_854 = arith.index_cast %parallel_loop3A_162 : i32 to index
        %parallel_loop3A_855 = arith.constant 912 : index
        %parallel_loop3A_856 = tpu.vector_load %arg11[%parallel_loop3A_854, %parallel_loop3A_855] {strides = array<i32>} : memref<16x1024xf32, #tpu.memory_space<vmem>>, vector<1x16xf32>,
        %parallel_loop3A_857 = vector.shape_cast %parallel_loop3A_856 : vector<1x16xf32> to vector<16xf32>
        %parallel_loop3A_858 = vector.shape_cast %parallel_loop3A_853 : vector<16xf32> to vector<1x16xf32>
        tpu.vector_store %arg11[%parallel_loop3A_854, %parallel_loop3A_855], %parallel_loop3A_858 {strides = array<i32>} : memref<16x1024xf32, #tpu.memory_space<vmem>>, vector<1x16xf32>,
        %parallel_loop3A_859 = arith.index_cast %parallel_loop3A_162 : i32 to index
        %parallel_loop3A_860 = arith.constant 928 : index
        %parallel_loop3A_861 = tpu.vector_load %arg7[%parallel_loop3A_859, %parallel_loop3A_860] {strides = array<i32>} : memref<16x1024xf32, #tpu.memory_space<vmem>>, vector<1x16xf32>,
        %parallel_loop3A_862 = vector.shape_cast %parallel_loop3A_861 : vector<1x16xf32> to vector<16xf32>
        %parallel_loop3A_863 = arith.constant 3.200000e+01 : f32
        %parallel_loop3A_864 = vector.broadcast %parallel_loop3A_863 : f32 to vector<16xf32>
        %parallel_loop3A_865 = arith.mulf %parallel_loop3A_862, %parallel_loop3A_864 : vector<16xf32>
        %parallel_loop3A_866 = arith.index_cast %parallel_loop3A_162 : i32 to index
        %parallel_loop3A_867 = arith.constant 928 : index
        %parallel_loop3A_868 = tpu.vector_load %arg11[%parallel_loop3A_866, %parallel_loop3A_867] {strides = array<i32>} : memref<16x1024xf32, #tpu.memory_space<vmem>>, vector<1x16xf32>,
        %parallel_loop3A_869 = vector.shape_cast %parallel_loop3A_868 : vector<1x16xf32> to vector<16xf32>
        %parallel_loop3A_870 = vector.shape_cast %parallel_loop3A_865 : vector<16xf32> to vector<1x16xf32>
        tpu.vector_store %arg11[%parallel_loop3A_866, %parallel_loop3A_867], %parallel_loop3A_870 {strides = array<i32>} : memref<16x1024xf32, #tpu.memory_space<vmem>>, vector<1x16xf32>,
        %parallel_loop3A_871 = arith.index_cast %parallel_loop3A_162 : i32 to index
        %parallel_loop3A_872 = arith.constant 944 : index
        %parallel_loop3A_873 = tpu.vector_load %arg7[%parallel_loop3A_871, %parallel_loop3A_872] {strides = array<i32>} : memref<16x1024xf32, #tpu.memory_space<vmem>>, vector<1x16xf32>,
        %parallel_loop3A_874 = vector.shape_cast %parallel_loop3A_873 : vector<1x16xf32> to vector<16xf32>
        %parallel_loop3A_875 = arith.constant 3.200000e+01 : f32
        %parallel_loop3A_876 = vector.broadcast %parallel_loop3A_875 : f32 to vector<16xf32>
        %parallel_loop3A_877 = arith.mulf %parallel_loop3A_874, %parallel_loop3A_876 : vector<16xf32>
        %parallel_loop3A_878 = arith.index_cast %parallel_loop3A_162 : i32 to index
        %parallel_loop3A_879 = arith.constant 944 : index
        %parallel_loop3A_880 = tpu.vector_load %arg11[%parallel_loop3A_878, %parallel_loop3A_879] {strides = array<i32>} : memref<16x1024xf32, #tpu.memory_space<vmem>>, vector<1x16xf32>,
        %parallel_loop3A_881 = vector.shape_cast %parallel_loop3A_880 : vector<1x16xf32> to vector<16xf32>
        %parallel_loop3A_882 = vector.shape_cast %parallel_loop3A_877 : vector<16xf32> to vector<1x16xf32>
        tpu.vector_store %arg11[%parallel_loop3A_878, %parallel_loop3A_879], %parallel_loop3A_882 {strides = array<i32>} : memref<16x1024xf32, #tpu.memory_space<vmem>>, vector<1x16xf32>,
        %parallel_loop3A_883 = arith.index_cast %parallel_loop3A_162 : i32 to index
        %parallel_loop3A_884 = arith.constant 960 : index
        %parallel_loop3A_885 = tpu.vector_load %arg7[%parallel_loop3A_883, %parallel_loop3A_884] {strides = array<i32>} : memref<16x1024xf32, #tpu.memory_space<vmem>>, vector<1x16xf32>,
        %parallel_loop3A_886 = vector.shape_cast %parallel_loop3A_885 : vector<1x16xf32> to vector<16xf32>
        %parallel_loop3A_887 = arith.constant 3.200000e+01 : f32
        %parallel_loop3A_888 = vector.broadcast %parallel_loop3A_887 : f32 to vector<16xf32>
        %parallel_loop3A_889 = arith.mulf %parallel_loop3A_886, %parallel_loop3A_888 : vector<16xf32>
        %parallel_loop3A_890 = arith.index_cast %parallel_loop3A_162 : i32 to index
        %parallel_loop3A_891 = arith.constant 960 : index
        %parallel_loop3A_892 = tpu.vector_load %arg11[%parallel_loop3A_890, %parallel_loop3A_891] {strides = array<i32>} : memref<16x1024xf32, #tpu.memory_space<vmem>>, vector<1x16xf32>,
        %parallel_loop3A_893 = vector.shape_cast %parallel_loop3A_892 : vector<1x16xf32> to vector<16xf32>
        %parallel_loop3A_894 = vector.shape_cast %parallel_loop3A_889 : vector<16xf32> to vector<1x16xf32>
        tpu.vector_store %arg11[%parallel_loop3A_890, %parallel_loop3A_891], %parallel_loop3A_894 {strides = array<i32>} : memref<16x1024xf32, #tpu.memory_space<vmem>>, vector<1x16xf32>,
        %parallel_loop3A_895 = arith.index_cast %parallel_loop3A_162 : i32 to index
        %parallel_loop3A_896 = arith.constant 976 : index
        %parallel_loop3A_897 = tpu.vector_load %arg7[%parallel_loop3A_895, %parallel_loop3A_896] {strides = array<i32>} : memref<16x1024xf32, #tpu.memory_space<vmem>>, vector<1x16xf32>,
        %parallel_loop3A_898 = vector.shape_cast %parallel_loop3A_897 : vector<1x16xf32> to vector<16xf32>
        %parallel_loop3A_899 = arith.constant 3.200000e+01 : f32
        %parallel_loop3A_900 = vector.broadcast %parallel_loop3A_899 : f32 to vector<16xf32>
        %parallel_loop3A_901 = arith.mulf %parallel_loop3A_898, %parallel_loop3A_900 : vector<16xf32>
        %parallel_loop3A_902 = arith.index_cast %parallel_loop3A_162 : i32 to index
        %parallel_loop3A_903 = arith.constant 976 : index
        %parallel_loop3A_904 = tpu.vector_load %arg11[%parallel_loop3A_902, %parallel_loop3A_903] {strides = array<i32>} : memref<16x1024xf32, #tpu.memory_space<vmem>>, vector<1x16xf32>,
        %parallel_loop3A_905 = vector.shape_cast %parallel_loop3A_904 : vector<1x16xf32> to vector<16xf32>
        %parallel_loop3A_906 = vector.shape_cast %parallel_loop3A_901 : vector<16xf32> to vector<1x16xf32>
        tpu.vector_store %arg11[%parallel_loop3A_902, %parallel_loop3A_903], %parallel_loop3A_906 {strides = array<i32>} : memref<16x1024xf32, #tpu.memory_space<vmem>>, vector<1x16xf32>,
        %parallel_loop3A_907 = arith.index_cast %parallel_loop3A_162 : i32 to index
        %parallel_loop3A_908 = arith.constant 992 : index
        %parallel_loop3A_909 = tpu.vector_load %arg7[%parallel_loop3A_907, %parallel_loop3A_908] {strides = array<i32>} : memref<16x1024xf32, #tpu.memory_space<vmem>>, vector<1x16xf32>,
        %parallel_loop3A_910 = vector.shape_cast %parallel_loop3A_909 : vector<1x16xf32> to vector<16xf32>
        %parallel_loop3A_911 = arith.constant 3.200000e+01 : f32
        %parallel_loop3A_912 = vector.broadcast %parallel_loop3A_911 : f32 to vector<16xf32>
        %parallel_loop3A_913 = arith.mulf %parallel_loop3A_910, %parallel_loop3A_912 : vector<16xf32>
        %parallel_loop3A_914 = arith.index_cast %parallel_loop3A_162 : i32 to index
        %parallel_loop3A_915 = arith.constant 992 : index
        %parallel_loop3A_916 = tpu.vector_load %arg11[%parallel_loop3A_914, %parallel_loop3A_915] {strides = array<i32>} : memref<16x1024xf32, #tpu.memory_space<vmem>>, vector<1x16xf32>,
        %parallel_loop3A_917 = vector.shape_cast %parallel_loop3A_916 : vector<1x16xf32> to vector<16xf32>
        %parallel_loop3A_918 = vector.shape_cast %parallel_loop3A_913 : vector<16xf32> to vector<1x16xf32>
        tpu.vector_store %arg11[%parallel_loop3A_914, %parallel_loop3A_915], %parallel_loop3A_918 {strides = array<i32>} : memref<16x1024xf32, #tpu.memory_space<vmem>>, vector<1x16xf32>,
        %parallel_loop3A_919 = arith.index_cast %parallel_loop3A_162 : i32 to index
        %parallel_loop3A_920 = arith.constant 1008 : index
        %parallel_loop3A_921 = tpu.vector_load %arg7[%parallel_loop3A_919, %parallel_loop3A_920] {strides = array<i32>} : memref<16x1024xf32, #tpu.memory_space<vmem>>, vector<1x16xf32>,
        %parallel_loop3A_922 = vector.shape_cast %parallel_loop3A_921 : vector<1x16xf32> to vector<16xf32>
        %parallel_loop3A_923 = arith.constant 3.200000e+01 : f32
        %parallel_loop3A_924 = vector.broadcast %parallel_loop3A_923 : f32 to vector<16xf32>
        %parallel_loop3A_925 = arith.mulf %parallel_loop3A_922, %parallel_loop3A_924 : vector<16xf32>
        %parallel_loop3A_926 = arith.index_cast %parallel_loop3A_162 : i32 to index
        %parallel_loop3A_927 = arith.constant 1008 : index
        %parallel_loop3A_928 = tpu.vector_load %arg11[%parallel_loop3A_926, %parallel_loop3A_927] {strides = array<i32>} : memref<16x1024xf32, #tpu.memory_space<vmem>>, vector<1x16xf32>,
        %parallel_loop3A_929 = vector.shape_cast %parallel_loop3A_928 : vector<1x16xf32> to vector<16xf32>
        %parallel_loop3A_930 = vector.shape_cast %parallel_loop3A_925 : vector<16xf32> to vector<1x16xf32>
        tpu.vector_store %arg11[%parallel_loop3A_926, %parallel_loop3A_927], %parallel_loop3A_930 {strides = array<i32>} : memref<16x1024xf32, #tpu.memory_space<vmem>>, vector<1x16xf32>,
      } {sc.loop_unroll_factor = 1 : i64, sc.parallel_access}
      %mul3A_84 = arith.constant 16 : i32
      %mul3A_85 = arith.muli %add3A_69, %mul3A_84 : i32
      %add3A_86 = arith.addi %mul3A_2, %mul3A_85 : i32
      %dma_start3A_87 = arith.constant 0 : i32
      %dma_start3A_88 = tpu.memref_slice %arg4[%add3A_86, %dma_start3A_87] : memref<8192x1024xf32, #tpu.memory_space<hbm>> -> memref<16x1024xf32, #tpu.memory_space<hbm>>
      %dma_start3A_89 = arith.constant 0 : i32
      %dma_start3A_90 = tpu.memref_slice %arg4[%add3A_86, %dma_start3A_89] : memref<8192x1024xf32, #tpu.memory_space<hbm>> -> memref<16x1024xf32, #tpu.memory_space<hbm>>
      tpu.enqueue_dma source(%arg11 : memref<16x1024xf32, #tpu.memory_space<vmem>>) target(%dma_start3A_90 : memref<16x1024xf32, #tpu.memory_space<hbm>>) target_semaphore(%arg17 : memref<!tpu.dma_semaphore, #tpu.memory_space<semaphore_mem>>)
      %add3A_91 = arith.constant 4 : i32
      %add3A_92 = arith.addi %add3A_69, %add3A_91 : i32
      %lt3A_93 = arith.constant 16 : i32
      %lt3A_94 = arith.cmpi slt, %add3A_92, %lt3A_93 : i32
      %convert_element_type3A_95 = arith.extui %lt3A_94 : i1 to i32
      %cond3A_96 = arith.constant 0 : i32
      %cond3A_97 = arith.cmpi ne, %convert_element_type3A_95, %cond3A_96 : i32
      scf.if %cond3A_97 {
        %add3A_162 = arith.constant 4 : i32
        %add3A_163 = arith.addi %add3A_69, %add3A_162 : i32
        %mul3A_164 = arith.constant 16 : i32
        %mul3A_165 = arith.muli %add3A_163, %mul3A_164 : i32
        %dma_start3A_166 = tpu.memref_slice %arg5[%mul3A_165] : memref<256xi32, #tpu.memory_space<vmem>> -> memref<16xi32, #tpu.memory_space<vmem>>
        %dma_start3A_167 = arith.constant 0 : i32
        %dma_start3A_168 = arith.constant 0 : i32
        %dma_start3A_169 = tpu.memref_slice %arg2[%dma_start3A_167, %dma_start3A_168] : memref<100000x1024xf32, #tpu.memory_space<hbm>> -> memref<100000x1024xf32, #tpu.memory_space<hbm>>
        tpu.enqueue_indirect_dma source(%dma_start3A_169 : memref<100000x1024xf32, #tpu.memory_space<hbm>>) target(%arg7 : memref<16x1024xf32, #tpu.memory_space<vmem>>) offsets(%dma_start3A_166 : memref<16xi32, #tpu.memory_space<vmem>>) semaphore(%arg13 : memref<!tpu.dma_semaphore, #tpu.memory_space<semaphore_mem>>)
      } else {
      }
      %mul3A_98 = arith.constant 4 : i32
      %mul3A_99 = arith.muli %scan3A_38, %mul3A_98 : i32
      %add3A_100 = arith.constant 2 : i32
      %add3A_101 = arith.addi %mul3A_99, %add3A_100 : i32
      %mul3A_102 = arith.constant 16 : i32
      %mul3A_103 = arith.muli %add3A_101, %mul3A_102 : i32
      %dma_wait3A_104 = tpu.memref_slice %arg5[%mul3A_103] : memref<256xi32, #tpu.memory_space<vmem>> -> memref<16xi32, #tpu.memory_space<vmem>>
      %dma_wait3A_105 = arith.constant 0 : i32
      %dma_wait3A_106 = arith.constant 0 : i32
      %dma_wait3A_107 = tpu.memref_slice %arg2[%dma_wait3A_105, %dma_wait3A_106] : memref<100000x1024xf32, #tpu.memory_space<hbm>> -> memref<100000x1024xf32, #tpu.memory_space<hbm>>
      tpu.wait_indirect_dma semaphore(%arg14 : memref<!tpu.dma_semaphore, #tpu.memory_space<semaphore_mem>>) src(%dma_wait3A_107 : memref<100000x1024xf32, #tpu.memory_space<hbm>>) dst(%arg8 : memref<16x1024xf32, #tpu.memory_space<vmem>>)
      %ge3A_108 = arith.constant 2 : i32
      %ge3A_109 = arith.cmpi sge, %add3A_101, %ge3A_108 : i32
      %convert_element_type3A_110 = arith.extui %ge3A_109 : i1 to i32
      %cond3A_111 = arith.constant 0 : i32
      %cond3A_112 = arith.cmpi ne, %convert_element_type3A_110, %cond3A_111 : i32
      scf.if %cond3A_112 {
        %mul3A_162 = arith.constant 16 : i32
        %mul3A_163 = arith.muli %add3A_101, %mul3A_162 : i32
        %add3A_164 = arith.addi %mul3A_2, %mul3A_163 : i32
        %dma_wait3A_165 = arith.constant 0 : i32
        %dma_wait3A_166 = tpu.memref_slice %arg4[%add3A_164, %dma_wait3A_165] : memref<8192x1024xf32, #tpu.memory_space<hbm>> -> memref<16x1024xf32, #tpu.memory_space<hbm>>
        %dma_wait3A_167 = arith.constant 0 : i32
        %dma_wait3A_168 = tpu.memref_slice %arg4[%add3A_164, %dma_wait3A_167] : memref<8192x1024xf32, #tpu.memory_space<hbm>> -> memref<16x1024xf32, #tpu.memory_space<hbm>>
        tpu.wait_dma2 semaphore(%arg16 : memref<!tpu.dma_semaphore, #tpu.memory_space<semaphore_mem>>) src(%arg10 : memref<16x1024xf32, #tpu.memory_space<vmem>>) dst(%dma_wait3A_168 : memref<16x1024xf32, #tpu.memory_space<hbm>>)
      } else {
      }
      %parallel_loop3A_113 = arith.constant 0 : i32
      %parallel_loop3A_114 = arith.constant 16 : i32
      %parallel_loop3A_115 = arith.constant 1 : i32
      scf.for %parallel_loop3A_162 = %parallel_loop3A_113 to %parallel_loop3A_114 step %parallel_loop3A_115  : i32 {
        %parallel_loop3A_163 = arith.index_cast %parallel_loop3A_162 : i32 to index
        %parallel_loop3A_164 = arith.constant 0 : index
        %parallel_loop3A_165 = tpu.vector_load %arg8[%parallel_loop3A_163, %parallel_loop3A_164] {strides = array<i32>} : memref<16x1024xf32, #tpu.memory_space<vmem>>, vector<1x16xf32>,
        %parallel_loop3A_166 = vector.shape_cast %parallel_loop3A_165 : vector<1x16xf32> to vector<16xf32>
        %parallel_loop3A_167 = arith.constant 3.200000e+01 : f32
        %parallel_loop3A_168 = vector.broadcast %parallel_loop3A_167 : f32 to vector<16xf32>
        %parallel_loop3A_169 = arith.mulf %parallel_loop3A_166, %parallel_loop3A_168 : vector<16xf32>
        %parallel_loop3A_170 = arith.index_cast %parallel_loop3A_162 : i32 to index
        %parallel_loop3A_171 = arith.constant 0 : index
        %parallel_loop3A_172 = tpu.vector_load %arg10[%parallel_loop3A_170, %parallel_loop3A_171] {strides = array<i32>} : memref<16x1024xf32, #tpu.memory_space<vmem>>, vector<1x16xf32>,
        %parallel_loop3A_173 = vector.shape_cast %parallel_loop3A_172 : vector<1x16xf32> to vector<16xf32>
        %parallel_loop3A_174 = vector.shape_cast %parallel_loop3A_169 : vector<16xf32> to vector<1x16xf32>
        tpu.vector_store %arg10[%parallel_loop3A_170, %parallel_loop3A_171], %parallel_loop3A_174 {strides = array<i32>} : memref<16x1024xf32, #tpu.memory_space<vmem>>, vector<1x16xf32>,
        %parallel_loop3A_175 = arith.index_cast %parallel_loop3A_162 : i32 to index
        %parallel_loop3A_176 = arith.constant 16 : index
        %parallel_loop3A_177 = tpu.vector_load %arg8[%parallel_loop3A_175, %parallel_loop3A_176] {strides = array<i32>} : memref<16x1024xf32, #tpu.memory_space<vmem>>, vector<1x16xf32>,
        %parallel_loop3A_178 = vector.shape_cast %parallel_loop3A_177 : vector<1x16xf32> to vector<16xf32>
        %parallel_loop3A_179 = arith.constant 3.200000e+01 : f32
        %parallel_loop3A_180 = vector.broadcast %parallel_loop3A_179 : f32 to vector<16xf32>
        %parallel_loop3A_181 = arith.mulf %parallel_loop3A_178, %parallel_loop3A_180 : vector<16xf32>
        %parallel_loop3A_182 = arith.index_cast %parallel_loop3A_162 : i32 to index
        %parallel_loop3A_183 = arith.constant 16 : index
        %parallel_loop3A_184 = tpu.vector_load %arg10[%parallel_loop3A_182, %parallel_loop3A_183] {strides = array<i32>} : memref<16x1024xf32, #tpu.memory_space<vmem>>, vector<1x16xf32>,
        %parallel_loop3A_185 = vector.shape_cast %parallel_loop3A_184 : vector<1x16xf32> to vector<16xf32>
        %parallel_loop3A_186 = vector.shape_cast %parallel_loop3A_181 : vector<16xf32> to vector<1x16xf32>
        tpu.vector_store %arg10[%parallel_loop3A_182, %parallel_loop3A_183], %parallel_loop3A_186 {strides = array<i32>} : memref<16x1024xf32, #tpu.memory_space<vmem>>, vector<1x16xf32>,
        %parallel_loop3A_187 = arith.index_cast %parallel_loop3A_162 : i32 to index
        %parallel_loop3A_188 = arith.constant 32 : index
        %parallel_loop3A_189 = tpu.vector_load %arg8[%parallel_loop3A_187, %parallel_loop3A_188] {strides = array<i32>} : memref<16x1024xf32, #tpu.memory_space<vmem>>, vector<1x16xf32>,
        %parallel_loop3A_190 = vector.shape_cast %parallel_loop3A_189 : vector<1x16xf32> to vector<16xf32>
        %parallel_loop3A_191 = arith.constant 3.200000e+01 : f32
        %parallel_loop3A_192 = vector.broadcast %parallel_loop3A_191 : f32 to vector<16xf32>
        %parallel_loop3A_193 = arith.mulf %parallel_loop3A_190, %parallel_loop3A_192 : vector<16xf32>
        %parallel_loop3A_194 = arith.index_cast %parallel_loop3A_162 : i32 to index
        %parallel_loop3A_195 = arith.constant 32 : index
        %parallel_loop3A_196 = tpu.vector_load %arg10[%parallel_loop3A_194, %parallel_loop3A_195] {strides = array<i32>} : memref<16x1024xf32, #tpu.memory_space<vmem>>, vector<1x16xf32>,
        %parallel_loop3A_197 = vector.shape_cast %parallel_loop3A_196 : vector<1x16xf32> to vector<16xf32>
        %parallel_loop3A_198 = vector.shape_cast %parallel_loop3A_193 : vector<16xf32> to vector<1x16xf32>
        tpu.vector_store %arg10[%parallel_loop3A_194, %parallel_loop3A_195], %parallel_loop3A_198 {strides = array<i32>} : memref<16x1024xf32, #tpu.memory_space<vmem>>, vector<1x16xf32>,
        %parallel_loop3A_199 = arith.index_cast %parallel_loop3A_162 : i32 to index
        %parallel_loop3A_200 = arith.constant 48 : index
        %parallel_loop3A_201 = tpu.vector_load %arg8[%parallel_loop3A_199, %parallel_loop3A_200] {strides = array<i32>} : memref<16x1024xf32, #tpu.memory_space<vmem>>, vector<1x16xf32>,
        %parallel_loop3A_202 = vector.shape_cast %parallel_loop3A_201 : vector<1x16xf32> to vector<16xf32>
        %parallel_loop3A_203 = arith.constant 3.200000e+01 : f32
        %parallel_loop3A_204 = vector.broadcast %parallel_loop3A_203 : f32 to vector<16xf32>
        %parallel_loop3A_205 = arith.mulf %parallel_loop3A_202, %parallel_loop3A_204 : vector<16xf32>
        %parallel_loop3A_206 = arith.index_cast %parallel_loop3A_162 : i32 to index
        %parallel_loop3A_207 = arith.constant 48 : index
        %parallel_loop3A_208 = tpu.vector_load %arg10[%parallel_loop3A_206, %parallel_loop3A_207] {strides = array<i32>} : memref<16x1024xf32, #tpu.memory_space<vmem>>, vector<1x16xf32>,
        %parallel_loop3A_209 = vector.shape_cast %parallel_loop3A_208 : vector<1x16xf32> to vector<16xf32>
        %parallel_loop3A_210 = vector.shape_cast %parallel_loop3A_205 : vector<16xf32> to vector<1x16xf32>
        tpu.vector_store %arg10[%parallel_loop3A_206, %parallel_loop3A_207], %parallel_loop3A_210 {strides = array<i32>} : memref<16x1024xf32, #tpu.memory_space<vmem>>, vector<1x16xf32>,
        %parallel_loop3A_211 = arith.index_cast %parallel_loop3A_162 : i32 to index
        %parallel_loop3A_212 = arith.constant 64 : index
        %parallel_loop3A_213 = tpu.vector_load %arg8[%parallel_loop3A_211, %parallel_loop3A_212] {strides = array<i32>} : memref<16x1024xf32, #tpu.memory_space<vmem>>, vector<1x16xf32>,
        %parallel_loop3A_214 = vector.shape_cast %parallel_loop3A_213 : vector<1x16xf32> to vector<16xf32>
        %parallel_loop3A_215 = arith.constant 3.200000e+01 : f32
        %parallel_loop3A_216 = vector.broadcast %parallel_loop3A_215 : f32 to vector<16xf32>
        %parallel_loop3A_217 = arith.mulf %parallel_loop3A_214, %parallel_loop3A_216 : vector<16xf32>
        %parallel_loop3A_218 = arith.index_cast %parallel_loop3A_162 : i32 to index
        %parallel_loop3A_219 = arith.constant 64 : index
        %parallel_loop3A_220 = tpu.vector_load %arg10[%parallel_loop3A_218, %parallel_loop3A_219] {strides = array<i32>} : memref<16x1024xf32, #tpu.memory_space<vmem>>, vector<1x16xf32>,
        %parallel_loop3A_221 = vector.shape_cast %parallel_loop3A_220 : vector<1x16xf32> to vector<16xf32>
        %parallel_loop3A_222 = vector.shape_cast %parallel_loop3A_217 : vector<16xf32> to vector<1x16xf32>
        tpu.vector_store %arg10[%parallel_loop3A_218, %parallel_loop3A_219], %parallel_loop3A_222 {strides = array<i32>} : memref<16x1024xf32, #tpu.memory_space<vmem>>, vector<1x16xf32>,
        %parallel_loop3A_223 = arith.index_cast %parallel_loop3A_162 : i32 to index
        %parallel_loop3A_224 = arith.constant 80 : index
        %parallel_loop3A_225 = tpu.vector_load %arg8[%parallel_loop3A_223, %parallel_loop3A_224] {strides = array<i32>} : memref<16x1024xf32, #tpu.memory_space<vmem>>, vector<1x16xf32>,
        %parallel_loop3A_226 = vector.shape_cast %parallel_loop3A_225 : vector<1x16xf32> to vector<16xf32>
        %parallel_loop3A_227 = arith.constant 3.200000e+01 : f32
        %parallel_loop3A_228 = vector.broadcast %parallel_loop3A_227 : f32 to vector<16xf32>
        %parallel_loop3A_229 = arith.mulf %parallel_loop3A_226, %parallel_loop3A_228 : vector<16xf32>
        %parallel_loop3A_230 = arith.index_cast %parallel_loop3A_162 : i32 to index
        %parallel_loop3A_231 = arith.constant 80 : index
        %parallel_loop3A_232 = tpu.vector_load %arg10[%parallel_loop3A_230, %parallel_loop3A_231] {strides = array<i32>} : memref<16x1024xf32, #tpu.memory_space<vmem>>, vector<1x16xf32>,
        %parallel_loop3A_233 = vector.shape_cast %parallel_loop3A_232 : vector<1x16xf32> to vector<16xf32>
        %parallel_loop3A_234 = vector.shape_cast %parallel_loop3A_229 : vector<16xf32> to vector<1x16xf32>
        tpu.vector_store %arg10[%parallel_loop3A_230, %parallel_loop3A_231], %parallel_loop3A_234 {strides = array<i32>} : memref<16x1024xf32, #tpu.memory_space<vmem>>, vector<1x16xf32>,
        %parallel_loop3A_235 = arith.index_cast %parallel_loop3A_162 : i32 to index
        %parallel_loop3A_236 = arith.constant 96 : index
        %parallel_loop3A_237 = tpu.vector_load %arg8[%parallel_loop3A_235, %parallel_loop3A_236] {strides = array<i32>} : memref<16x1024xf32, #tpu.memory_space<vmem>>, vector<1x16xf32>,
        %parallel_loop3A_238 = vector.shape_cast %parallel_loop3A_237 : vector<1x16xf32> to vector<16xf32>
        %parallel_loop3A_239 = arith.constant 3.200000e+01 : f32
        %parallel_loop3A_240 = vector.broadcast %parallel_loop3A_239 : f32 to vector<16xf32>
        %parallel_loop3A_241 = arith.mulf %parallel_loop3A_238, %parallel_loop3A_240 : vector<16xf32>
        %parallel_loop3A_242 = arith.index_cast %parallel_loop3A_162 : i32 to index
        %parallel_loop3A_243 = arith.constant 96 : index
        %parallel_loop3A_244 = tpu.vector_load %arg10[%parallel_loop3A_242, %parallel_loop3A_243] {strides = array<i32>} : memref<16x1024xf32, #tpu.memory_space<vmem>>, vector<1x16xf32>,
        %parallel_loop3A_245 = vector.shape_cast %parallel_loop3A_244 : vector<1x16xf32> to vector<16xf32>
        %parallel_loop3A_246 = vector.shape_cast %parallel_loop3A_241 : vector<16xf32> to vector<1x16xf32>
        tpu.vector_store %arg10[%parallel_loop3A_242, %parallel_loop3A_243], %parallel_loop3A_246 {strides = array<i32>} : memref<16x1024xf32, #tpu.memory_space<vmem>>, vector<1x16xf32>,
        %parallel_loop3A_247 = arith.index_cast %parallel_loop3A_162 : i32 to index
        %parallel_loop3A_248 = arith.constant 112 : index
        %parallel_loop3A_249 = tpu.vector_load %arg8[%parallel_loop3A_247, %parallel_loop3A_248] {strides = array<i32>} : memref<16x1024xf32, #tpu.memory_space<vmem>>, vector<1x16xf32>,
        %parallel_loop3A_250 = vector.shape_cast %parallel_loop3A_249 : vector<1x16xf32> to vector<16xf32>
        %parallel_loop3A_251 = arith.constant 3.200000e+01 : f32
        %parallel_loop3A_252 = vector.broadcast %parallel_loop3A_251 : f32 to vector<16xf32>
        %parallel_loop3A_253 = arith.mulf %parallel_loop3A_250, %parallel_loop3A_252 : vector<16xf32>
        %parallel_loop3A_254 = arith.index_cast %parallel_loop3A_162 : i32 to index
        %parallel_loop3A_255 = arith.constant 112 : index
        %parallel_loop3A_256 = tpu.vector_load %arg10[%parallel_loop3A_254, %parallel_loop3A_255] {strides = array<i32>} : memref<16x1024xf32, #tpu.memory_space<vmem>>, vector<1x16xf32>,
        %parallel_loop3A_257 = vector.shape_cast %parallel_loop3A_256 : vector<1x16xf32> to vector<16xf32>
        %parallel_loop3A_258 = vector.shape_cast %parallel_loop3A_253 : vector<16xf32> to vector<1x16xf32>
        tpu.vector_store %arg10[%parallel_loop3A_254, %parallel_loop3A_255], %parallel_loop3A_258 {strides = array<i32>} : memref<16x1024xf32, #tpu.memory_space<vmem>>, vector<1x16xf32>,
        %parallel_loop3A_259 = arith.index_cast %parallel_loop3A_162 : i32 to index
        %parallel_loop3A_260 = arith.constant 128 : index
        %parallel_loop3A_261 = tpu.vector_load %arg8[%parallel_loop3A_259, %parallel_loop3A_260] {strides = array<i32>} : memref<16x1024xf32, #tpu.memory_space<vmem>>, vector<1x16xf32>,
        %parallel_loop3A_262 = vector.shape_cast %parallel_loop3A_261 : vector<1x16xf32> to vector<16xf32>
        %parallel_loop3A_263 = arith.constant 3.200000e+01 : f32
        %parallel_loop3A_264 = vector.broadcast %parallel_loop3A_263 : f32 to vector<16xf32>
        %parallel_loop3A_265 = arith.mulf %parallel_loop3A_262, %parallel_loop3A_264 : vector<16xf32>
        %parallel_loop3A_266 = arith.index_cast %parallel_loop3A_162 : i32 to index
        %parallel_loop3A_267 = arith.constant 128 : index
        %parallel_loop3A_268 = tpu.vector_load %arg10[%parallel_loop3A_266, %parallel_loop3A_267] {strides = array<i32>} : memref<16x1024xf32, #tpu.memory_space<vmem>>, vector<1x16xf32>,
        %parallel_loop3A_269 = vector.shape_cast %parallel_loop3A_268 : vector<1x16xf32> to vector<16xf32>
        %parallel_loop3A_270 = vector.shape_cast %parallel_loop3A_265 : vector<16xf32> to vector<1x16xf32>
        tpu.vector_store %arg10[%parallel_loop3A_266, %parallel_loop3A_267], %parallel_loop3A_270 {strides = array<i32>} : memref<16x1024xf32, #tpu.memory_space<vmem>>, vector<1x16xf32>,
        %parallel_loop3A_271 = arith.index_cast %parallel_loop3A_162 : i32 to index
        %parallel_loop3A_272 = arith.constant 144 : index
        %parallel_loop3A_273 = tpu.vector_load %arg8[%parallel_loop3A_271, %parallel_loop3A_272] {strides = array<i32>} : memref<16x1024xf32, #tpu.memory_space<vmem>>, vector<1x16xf32>,
        %parallel_loop3A_274 = vector.shape_cast %parallel_loop3A_273 : vector<1x16xf32> to vector<16xf32>
        %parallel_loop3A_275 = arith.constant 3.200000e+01 : f32
        %parallel_loop3A_276 = vector.broadcast %parallel_loop3A_275 : f32 to vector<16xf32>
        %parallel_loop3A_277 = arith.mulf %parallel_loop3A_274, %parallel_loop3A_276 : vector<16xf32>
        %parallel_loop3A_278 = arith.index_cast %parallel_loop3A_162 : i32 to index
        %parallel_loop3A_279 = arith.constant 144 : index
        %parallel_loop3A_280 = tpu.vector_load %arg10[%parallel_loop3A_278, %parallel_loop3A_279] {strides = array<i32>} : memref<16x1024xf32, #tpu.memory_space<vmem>>, vector<1x16xf32>,
        %parallel_loop3A_281 = vector.shape_cast %parallel_loop3A_280 : vector<1x16xf32> to vector<16xf32>
        %parallel_loop3A_282 = vector.shape_cast %parallel_loop3A_277 : vector<16xf32> to vector<1x16xf32>
        tpu.vector_store %arg10[%parallel_loop3A_278, %parallel_loop3A_279], %parallel_loop3A_282 {strides = array<i32>} : memref<16x1024xf32, #tpu.memory_space<vmem>>, vector<1x16xf32>,
        %parallel_loop3A_283 = arith.index_cast %parallel_loop3A_162 : i32 to index
        %parallel_loop3A_284 = arith.constant 160 : index
        %parallel_loop3A_285 = tpu.vector_load %arg8[%parallel_loop3A_283, %parallel_loop3A_284] {strides = array<i32>} : memref<16x1024xf32, #tpu.memory_space<vmem>>, vector<1x16xf32>,
        %parallel_loop3A_286 = vector.shape_cast %parallel_loop3A_285 : vector<1x16xf32> to vector<16xf32>
        %parallel_loop3A_287 = arith.constant 3.200000e+01 : f32
        %parallel_loop3A_288 = vector.broadcast %parallel_loop3A_287 : f32 to vector<16xf32>
        %parallel_loop3A_289 = arith.mulf %parallel_loop3A_286, %parallel_loop3A_288 : vector<16xf32>
        %parallel_loop3A_290 = arith.index_cast %parallel_loop3A_162 : i32 to index
        %parallel_loop3A_291 = arith.constant 160 : index
        %parallel_loop3A_292 = tpu.vector_load %arg10[%parallel_loop3A_290, %parallel_loop3A_291] {strides = array<i32>} : memref<16x1024xf32, #tpu.memory_space<vmem>>, vector<1x16xf32>,
        %parallel_loop3A_293 = vector.shape_cast %parallel_loop3A_292 : vector<1x16xf32> to vector<16xf32>
        %parallel_loop3A_294 = vector.shape_cast %parallel_loop3A_289 : vector<16xf32> to vector<1x16xf32>
        tpu.vector_store %arg10[%parallel_loop3A_290, %parallel_loop3A_291], %parallel_loop3A_294 {strides = array<i32>} : memref<16x1024xf32, #tpu.memory_space<vmem>>, vector<1x16xf32>,
        %parallel_loop3A_295 = arith.index_cast %parallel_loop3A_162 : i32 to index
        %parallel_loop3A_296 = arith.constant 176 : index
        %parallel_loop3A_297 = tpu.vector_load %arg8[%parallel_loop3A_295, %parallel_loop3A_296] {strides = array<i32>} : memref<16x1024xf32, #tpu.memory_space<vmem>>, vector<1x16xf32>,
        %parallel_loop3A_298 = vector.shape_cast %parallel_loop3A_297 : vector<1x16xf32> to vector<16xf32>
        %parallel_loop3A_299 = arith.constant 3.200000e+01 : f32
        %parallel_loop3A_300 = vector.broadcast %parallel_loop3A_299 : f32 to vector<16xf32>
        %parallel_loop3A_301 = arith.mulf %parallel_loop3A_298, %parallel_loop3A_300 : vector<16xf32>
        %parallel_loop3A_302 = arith.index_cast %parallel_loop3A_162 : i32 to index
        %parallel_loop3A_303 = arith.constant 176 : index
        %parallel_loop3A_304 = tpu.vector_load %arg10[%parallel_loop3A_302, %parallel_loop3A_303] {strides = array<i32>} : memref<16x1024xf32, #tpu.memory_space<vmem>>, vector<1x16xf32>,
        %parallel_loop3A_305 = vector.shape_cast %parallel_loop3A_304 : vector<1x16xf32> to vector<16xf32>
        %parallel_loop3A_306 = vector.shape_cast %parallel_loop3A_301 : vector<16xf32> to vector<1x16xf32>
        tpu.vector_store %arg10[%parallel_loop3A_302, %parallel_loop3A_303], %parallel_loop3A_306 {strides = array<i32>} : memref<16x1024xf32, #tpu.memory_space<vmem>>, vector<1x16xf32>,
        %parallel_loop3A_307 = arith.index_cast %parallel_loop3A_162 : i32 to index
        %parallel_loop3A_308 = arith.constant 192 : index
        %parallel_loop3A_309 = tpu.vector_load %arg8[%parallel_loop3A_307, %parallel_loop3A_308] {strides = array<i32>} : memref<16x1024xf32, #tpu.memory_space<vmem>>, vector<1x16xf32>,
        %parallel_loop3A_310 = vector.shape_cast %parallel_loop3A_309 : vector<1x16xf32> to vector<16xf32>
        %parallel_loop3A_311 = arith.constant 3.200000e+01 : f32
        %parallel_loop3A_312 = vector.broadcast %parallel_loop3A_311 : f32 to vector<16xf32>
        %parallel_loop3A_313 = arith.mulf %parallel_loop3A_310, %parallel_loop3A_312 : vector<16xf32>
        %parallel_loop3A_314 = arith.index_cast %parallel_loop3A_162 : i32 to index
        %parallel_loop3A_315 = arith.constant 192 : index
        %parallel_loop3A_316 = tpu.vector_load %arg10[%parallel_loop3A_314, %parallel_loop3A_315] {strides = array<i32>} : memref<16x1024xf32, #tpu.memory_space<vmem>>, vector<1x16xf32>,
        %parallel_loop3A_317 = vector.shape_cast %parallel_loop3A_316 : vector<1x16xf32> to vector<16xf32>
        %parallel_loop3A_318 = vector.shape_cast %parallel_loop3A_313 : vector<16xf32> to vector<1x16xf32>
        tpu.vector_store %arg10[%parallel_loop3A_314, %parallel_loop3A_315], %parallel_loop3A_318 {strides = array<i32>} : memref<16x1024xf32, #tpu.memory_space<vmem>>, vector<1x16xf32>,
        %parallel_loop3A_319 = arith.index_cast %parallel_loop3A_162 : i32 to index
        %parallel_loop3A_320 = arith.constant 208 : index
        %parallel_loop3A_321 = tpu.vector_load %arg8[%parallel_loop3A_319, %parallel_loop3A_320] {strides = array<i32>} : memref<16x1024xf32, #tpu.memory_space<vmem>>, vector<1x16xf32>,
        %parallel_loop3A_322 = vector.shape_cast %parallel_loop3A_321 : vector<1x16xf32> to vector<16xf32>
        %parallel_loop3A_323 = arith.constant 3.200000e+01 : f32
        %parallel_loop3A_324 = vector.broadcast %parallel_loop3A_323 : f32 to vector<16xf32>
        %parallel_loop3A_325 = arith.mulf %parallel_loop3A_322, %parallel_loop3A_324 : vector<16xf32>
        %parallel_loop3A_326 = arith.index_cast %parallel_loop3A_162 : i32 to index
        %parallel_loop3A_327 = arith.constant 208 : index
        %parallel_loop3A_328 = tpu.vector_load %arg10[%parallel_loop3A_326, %parallel_loop3A_327] {strides = array<i32>} : memref<16x1024xf32, #tpu.memory_space<vmem>>, vector<1x16xf32>,
        %parallel_loop3A_329 = vector.shape_cast %parallel_loop3A_328 : vector<1x16xf32> to vector<16xf32>
        %parallel_loop3A_330 = vector.shape_cast %parallel_loop3A_325 : vector<16xf32> to vector<1x16xf32>
        tpu.vector_store %arg10[%parallel_loop3A_326, %parallel_loop3A_327], %parallel_loop3A_330 {strides = array<i32>} : memref<16x1024xf32, #tpu.memory_space<vmem>>, vector<1x16xf32>,
        %parallel_loop3A_331 = arith.index_cast %parallel_loop3A_162 : i32 to index
        %parallel_loop3A_332 = arith.constant 224 : index
        %parallel_loop3A_333 = tpu.vector_load %arg8[%parallel_loop3A_331, %parallel_loop3A_332] {strides = array<i32>} : memref<16x1024xf32, #tpu.memory_space<vmem>>, vector<1x16xf32>,
        %parallel_loop3A_334 = vector.shape_cast %parallel_loop3A_333 : vector<1x16xf32> to vector<16xf32>
        %parallel_loop3A_335 = arith.constant 3.200000e+01 : f32
        %parallel_loop3A_336 = vector.broadcast %parallel_loop3A_335 : f32 to vector<16xf32>
        %parallel_loop3A_337 = arith.mulf %parallel_loop3A_334, %parallel_loop3A_336 : vector<16xf32>
        %parallel_loop3A_338 = arith.index_cast %parallel_loop3A_162 : i32 to index
        %parallel_loop3A_339 = arith.constant 224 : index
        %parallel_loop3A_340 = tpu.vector_load %arg10[%parallel_loop3A_338, %parallel_loop3A_339] {strides = array<i32>} : memref<16x1024xf32, #tpu.memory_space<vmem>>, vector<1x16xf32>,
        %parallel_loop3A_341 = vector.shape_cast %parallel_loop3A_340 : vector<1x16xf32> to vector<16xf32>
        %parallel_loop3A_342 = vector.shape_cast %parallel_loop3A_337 : vector<16xf32> to vector<1x16xf32>
        tpu.vector_store %arg10[%parallel_loop3A_338, %parallel_loop3A_339], %parallel_loop3A_342 {strides = array<i32>} : memref<16x1024xf32, #tpu.memory_space<vmem>>, vector<1x16xf32>,
        %parallel_loop3A_343 = arith.index_cast %parallel_loop3A_162 : i32 to index
        %parallel_loop3A_344 = arith.constant 240 : index
        %parallel_loop3A_345 = tpu.vector_load %arg8[%parallel_loop3A_343, %parallel_loop3A_344] {strides = array<i32>} : memref<16x1024xf32, #tpu.memory_space<vmem>>, vector<1x16xf32>,
        %parallel_loop3A_346 = vector.shape_cast %parallel_loop3A_345 : vector<1x16xf32> to vector<16xf32>
        %parallel_loop3A_347 = arith.constant 3.200000e+01 : f32
        %parallel_loop3A_348 = vector.broadcast %parallel_loop3A_347 : f32 to vector<16xf32>
        %parallel_loop3A_349 = arith.mulf %parallel_loop3A_346, %parallel_loop3A_348 : vector<16xf32>
        %parallel_loop3A_350 = arith.index_cast %parallel_loop3A_162 : i32 to index
        %parallel_loop3A_351 = arith.constant 240 : index
        %parallel_loop3A_352 = tpu.vector_load %arg10[%parallel_loop3A_350, %parallel_loop3A_351] {strides = array<i32>} : memref<16x1024xf32, #tpu.memory_space<vmem>>, vector<1x16xf32>,
        %parallel_loop3A_353 = vector.shape_cast %parallel_loop3A_352 : vector<1x16xf32> to vector<16xf32>
        %parallel_loop3A_354 = vector.shape_cast %parallel_loop3A_349 : vector<16xf32> to vector<1x16xf32>
        tpu.vector_store %arg10[%parallel_loop3A_350, %parallel_loop3A_351], %parallel_loop3A_354 {strides = array<i32>} : memref<16x1024xf32, #tpu.memory_space<vmem>>, vector<1x16xf32>,
        %parallel_loop3A_355 = arith.index_cast %parallel_loop3A_162 : i32 to index
        %parallel_loop3A_356 = arith.constant 256 : index
        %parallel_loop3A_357 = tpu.vector_load %arg8[%parallel_loop3A_355, %parallel_loop3A_356] {strides = array<i32>} : memref<16x1024xf32, #tpu.memory_space<vmem>>, vector<1x16xf32>,
        %parallel_loop3A_358 = vector.shape_cast %parallel_loop3A_357 : vector<1x16xf32> to vector<16xf32>
        %parallel_loop3A_359 = arith.constant 3.200000e+01 : f32
        %parallel_loop3A_360 = vector.broadcast %parallel_loop3A_359 : f32 to vector<16xf32>
        %parallel_loop3A_361 = arith.mulf %parallel_loop3A_358, %parallel_loop3A_360 : vector<16xf32>
        %parallel_loop3A_362 = arith.index_cast %parallel_loop3A_162 : i32 to index
        %parallel_loop3A_363 = arith.constant 256 : index
        %parallel_loop3A_364 = tpu.vector_load %arg10[%parallel_loop3A_362, %parallel_loop3A_363] {strides = array<i32>} : memref<16x1024xf32, #tpu.memory_space<vmem>>, vector<1x16xf32>,
        %parallel_loop3A_365 = vector.shape_cast %parallel_loop3A_364 : vector<1x16xf32> to vector<16xf32>
        %parallel_loop3A_366 = vector.shape_cast %parallel_loop3A_361 : vector<16xf32> to vector<1x16xf32>
        tpu.vector_store %arg10[%parallel_loop3A_362, %parallel_loop3A_363], %parallel_loop3A_366 {strides = array<i32>} : memref<16x1024xf32, #tpu.memory_space<vmem>>, vector<1x16xf32>,
        %parallel_loop3A_367 = arith.index_cast %parallel_loop3A_162 : i32 to index
        %parallel_loop3A_368 = arith.constant 272 : index
        %parallel_loop3A_369 = tpu.vector_load %arg8[%parallel_loop3A_367, %parallel_loop3A_368] {strides = array<i32>} : memref<16x1024xf32, #tpu.memory_space<vmem>>, vector<1x16xf32>,
        %parallel_loop3A_370 = vector.shape_cast %parallel_loop3A_369 : vector<1x16xf32> to vector<16xf32>
        %parallel_loop3A_371 = arith.constant 3.200000e+01 : f32
        %parallel_loop3A_372 = vector.broadcast %parallel_loop3A_371 : f32 to vector<16xf32>
        %parallel_loop3A_373 = arith.mulf %parallel_loop3A_370, %parallel_loop3A_372 : vector<16xf32>
        %parallel_loop3A_374 = arith.index_cast %parallel_loop3A_162 : i32 to index
        %parallel_loop3A_375 = arith.constant 272 : index
        %parallel_loop3A_376 = tpu.vector_load %arg10[%parallel_loop3A_374, %parallel_loop3A_375] {strides = array<i32>} : memref<16x1024xf32, #tpu.memory_space<vmem>>, vector<1x16xf32>,
        %parallel_loop3A_377 = vector.shape_cast %parallel_loop3A_376 : vector<1x16xf32> to vector<16xf32>
        %parallel_loop3A_378 = vector.shape_cast %parallel_loop3A_373 : vector<16xf32> to vector<1x16xf32>
        tpu.vector_store %arg10[%parallel_loop3A_374, %parallel_loop3A_375], %parallel_loop3A_378 {strides = array<i32>} : memref<16x1024xf32, #tpu.memory_space<vmem>>, vector<1x16xf32>,
        %parallel_loop3A_379 = arith.index_cast %parallel_loop3A_162 : i32 to index
        %parallel_loop3A_380 = arith.constant 288 : index
        %parallel_loop3A_381 = tpu.vector_load %arg8[%parallel_loop3A_379, %parallel_loop3A_380] {strides = array<i32>} : memref<16x1024xf32, #tpu.memory_space<vmem>>, vector<1x16xf32>,
        %parallel_loop3A_382 = vector.shape_cast %parallel_loop3A_381 : vector<1x16xf32> to vector<16xf32>
        %parallel_loop3A_383 = arith.constant 3.200000e+01 : f32
        %parallel_loop3A_384 = vector.broadcast %parallel_loop3A_383 : f32 to vector<16xf32>
        %parallel_loop3A_385 = arith.mulf %parallel_loop3A_382, %parallel_loop3A_384 : vector<16xf32>
        %parallel_loop3A_386 = arith.index_cast %parallel_loop3A_162 : i32 to index
        %parallel_loop3A_387 = arith.constant 288 : index
        %parallel_loop3A_388 = tpu.vector_load %arg10[%parallel_loop3A_386, %parallel_loop3A_387] {strides = array<i32>} : memref<16x1024xf32, #tpu.memory_space<vmem>>, vector<1x16xf32>,
        %parallel_loop3A_389 = vector.shape_cast %parallel_loop3A_388 : vector<1x16xf32> to vector<16xf32>
        %parallel_loop3A_390 = vector.shape_cast %parallel_loop3A_385 : vector<16xf32> to vector<1x16xf32>
        tpu.vector_store %arg10[%parallel_loop3A_386, %parallel_loop3A_387], %parallel_loop3A_390 {strides = array<i32>} : memref<16x1024xf32, #tpu.memory_space<vmem>>, vector<1x16xf32>,
        %parallel_loop3A_391 = arith.index_cast %parallel_loop3A_162 : i32 to index
        %parallel_loop3A_392 = arith.constant 304 : index
        %parallel_loop3A_393 = tpu.vector_load %arg8[%parallel_loop3A_391, %parallel_loop3A_392] {strides = array<i32>} : memref<16x1024xf32, #tpu.memory_space<vmem>>, vector<1x16xf32>,
        %parallel_loop3A_394 = vector.shape_cast %parallel_loop3A_393 : vector<1x16xf32> to vector<16xf32>
        %parallel_loop3A_395 = arith.constant 3.200000e+01 : f32
        %parallel_loop3A_396 = vector.broadcast %parallel_loop3A_395 : f32 to vector<16xf32>
        %parallel_loop3A_397 = arith.mulf %parallel_loop3A_394, %parallel_loop3A_396 : vector<16xf32>
        %parallel_loop3A_398 = arith.index_cast %parallel_loop3A_162 : i32 to index
        %parallel_loop3A_399 = arith.constant 304 : index
        %parallel_loop3A_400 = tpu.vector_load %arg10[%parallel_loop3A_398, %parallel_loop3A_399] {strides = array<i32>} : memref<16x1024xf32, #tpu.memory_space<vmem>>, vector<1x16xf32>,
        %parallel_loop3A_401 = vector.shape_cast %parallel_loop3A_400 : vector<1x16xf32> to vector<16xf32>
        %parallel_loop3A_402 = vector.shape_cast %parallel_loop3A_397 : vector<16xf32> to vector<1x16xf32>
        tpu.vector_store %arg10[%parallel_loop3A_398, %parallel_loop3A_399], %parallel_loop3A_402 {strides = array<i32>} : memref<16x1024xf32, #tpu.memory_space<vmem>>, vector<1x16xf32>,
        %parallel_loop3A_403 = arith.index_cast %parallel_loop3A_162 : i32 to index
        %parallel_loop3A_404 = arith.constant 320 : index
        %parallel_loop3A_405 = tpu.vector_load %arg8[%parallel_loop3A_403, %parallel_loop3A_404] {strides = array<i32>} : memref<16x1024xf32, #tpu.memory_space<vmem>>, vector<1x16xf32>,
        %parallel_loop3A_406 = vector.shape_cast %parallel_loop3A_405 : vector<1x16xf32> to vector<16xf32>
        %parallel_loop3A_407 = arith.constant 3.200000e+01 : f32
        %parallel_loop3A_408 = vector.broadcast %parallel_loop3A_407 : f32 to vector<16xf32>
        %parallel_loop3A_409 = arith.mulf %parallel_loop3A_406, %parallel_loop3A_408 : vector<16xf32>
        %parallel_loop3A_410 = arith.index_cast %parallel_loop3A_162 : i32 to index
        %parallel_loop3A_411 = arith.constant 320 : index
        %parallel_loop3A_412 = tpu.vector_load %arg10[%parallel_loop3A_410, %parallel_loop3A_411] {strides = array<i32>} : memref<16x1024xf32, #tpu.memory_space<vmem>>, vector<1x16xf32>,
        %parallel_loop3A_413 = vector.shape_cast %parallel_loop3A_412 : vector<1x16xf32> to vector<16xf32>
        %parallel_loop3A_414 = vector.shape_cast %parallel_loop3A_409 : vector<16xf32> to vector<1x16xf32>
        tpu.vector_store %arg10[%parallel_loop3A_410, %parallel_loop3A_411], %parallel_loop3A_414 {strides = array<i32>} : memref<16x1024xf32, #tpu.memory_space<vmem>>, vector<1x16xf32>,
        %parallel_loop3A_415 = arith.index_cast %parallel_loop3A_162 : i32 to index
        %parallel_loop3A_416 = arith.constant 336 : index
        %parallel_loop3A_417 = tpu.vector_load %arg8[%parallel_loop3A_415, %parallel_loop3A_416] {strides = array<i32>} : memref<16x1024xf32, #tpu.memory_space<vmem>>, vector<1x16xf32>,
        %parallel_loop3A_418 = vector.shape_cast %parallel_loop3A_417 : vector<1x16xf32> to vector<16xf32>
        %parallel_loop3A_419 = arith.constant 3.200000e+01 : f32
        %parallel_loop3A_420 = vector.broadcast %parallel_loop3A_419 : f32 to vector<16xf32>
        %parallel_loop3A_421 = arith.mulf %parallel_loop3A_418, %parallel_loop3A_420 : vector<16xf32>
        %parallel_loop3A_422 = arith.index_cast %parallel_loop3A_162 : i32 to index
        %parallel_loop3A_423 = arith.constant 336 : index
        %parallel_loop3A_424 = tpu.vector_load %arg10[%parallel_loop3A_422, %parallel_loop3A_423] {strides = array<i32>} : memref<16x1024xf32, #tpu.memory_space<vmem>>, vector<1x16xf32>,
        %parallel_loop3A_425 = vector.shape_cast %parallel_loop3A_424 : vector<1x16xf32> to vector<16xf32>
        %parallel_loop3A_426 = vector.shape_cast %parallel_loop3A_421 : vector<16xf32> to vector<1x16xf32>
        tpu.vector_store %arg10[%parallel_loop3A_422, %parallel_loop3A_423], %parallel_loop3A_426 {strides = array<i32>} : memref<16x1024xf32, #tpu.memory_space<vmem>>, vector<1x16xf32>,
        %parallel_loop3A_427 = arith.index_cast %parallel_loop3A_162 : i32 to index
        %parallel_loop3A_428 = arith.constant 352 : index
        %parallel_loop3A_429 = tpu.vector_load %arg8[%parallel_loop3A_427, %parallel_loop3A_428] {strides = array<i32>} : memref<16x1024xf32, #tpu.memory_space<vmem>>, vector<1x16xf32>,
        %parallel_loop3A_430 = vector.shape_cast %parallel_loop3A_429 : vector<1x16xf32> to vector<16xf32>
        %parallel_loop3A_431 = arith.constant 3.200000e+01 : f32
        %parallel_loop3A_432 = vector.broadcast %parallel_loop3A_431 : f32 to vector<16xf32>
        %parallel_loop3A_433 = arith.mulf %parallel_loop3A_430, %parallel_loop3A_432 : vector<16xf32>
        %parallel_loop3A_434 = arith.index_cast %parallel_loop3A_162 : i32 to index
        %parallel_loop3A_435 = arith.constant 352 : index
        %parallel_loop3A_436 = tpu.vector_load %arg10[%parallel_loop3A_434, %parallel_loop3A_435] {strides = array<i32>} : memref<16x1024xf32, #tpu.memory_space<vmem>>, vector<1x16xf32>,
        %parallel_loop3A_437 = vector.shape_cast %parallel_loop3A_436 : vector<1x16xf32> to vector<16xf32>
        %parallel_loop3A_438 = vector.shape_cast %parallel_loop3A_433 : vector<16xf32> to vector<1x16xf32>
        tpu.vector_store %arg10[%parallel_loop3A_434, %parallel_loop3A_435], %parallel_loop3A_438 {strides = array<i32>} : memref<16x1024xf32, #tpu.memory_space<vmem>>, vector<1x16xf32>,
        %parallel_loop3A_439 = arith.index_cast %parallel_loop3A_162 : i32 to index
        %parallel_loop3A_440 = arith.constant 368 : index
        %parallel_loop3A_441 = tpu.vector_load %arg8[%parallel_loop3A_439, %parallel_loop3A_440] {strides = array<i32>} : memref<16x1024xf32, #tpu.memory_space<vmem>>, vector<1x16xf32>,
        %parallel_loop3A_442 = vector.shape_cast %parallel_loop3A_441 : vector<1x16xf32> to vector<16xf32>
        %parallel_loop3A_443 = arith.constant 3.200000e+01 : f32
        %parallel_loop3A_444 = vector.broadcast %parallel_loop3A_443 : f32 to vector<16xf32>
        %parallel_loop3A_445 = arith.mulf %parallel_loop3A_442, %parallel_loop3A_444 : vector<16xf32>
        %parallel_loop3A_446 = arith.index_cast %parallel_loop3A_162 : i32 to index
        %parallel_loop3A_447 = arith.constant 368 : index
        %parallel_loop3A_448 = tpu.vector_load %arg10[%parallel_loop3A_446, %parallel_loop3A_447] {strides = array<i32>} : memref<16x1024xf32, #tpu.memory_space<vmem>>, vector<1x16xf32>,
        %parallel_loop3A_449 = vector.shape_cast %parallel_loop3A_448 : vector<1x16xf32> to vector<16xf32>
        %parallel_loop3A_450 = vector.shape_cast %parallel_loop3A_445 : vector<16xf32> to vector<1x16xf32>
        tpu.vector_store %arg10[%parallel_loop3A_446, %parallel_loop3A_447], %parallel_loop3A_450 {strides = array<i32>} : memref<16x1024xf32, #tpu.memory_space<vmem>>, vector<1x16xf32>,
        %parallel_loop3A_451 = arith.index_cast %parallel_loop3A_162 : i32 to index
        %parallel_loop3A_452 = arith.constant 384 : index
        %parallel_loop3A_453 = tpu.vector_load %arg8[%parallel_loop3A_451, %parallel_loop3A_452] {strides = array<i32>} : memref<16x1024xf32, #tpu.memory_space<vmem>>, vector<1x16xf32>,
        %parallel_loop3A_454 = vector.shape_cast %parallel_loop3A_453 : vector<1x16xf32> to vector<16xf32>
        %parallel_loop3A_455 = arith.constant 3.200000e+01 : f32
        %parallel_loop3A_456 = vector.broadcast %parallel_loop3A_455 : f32 to vector<16xf32>
        %parallel_loop3A_457 = arith.mulf %parallel_loop3A_454, %parallel_loop3A_456 : vector<16xf32>
        %parallel_loop3A_458 = arith.index_cast %parallel_loop3A_162 : i32 to index
        %parallel_loop3A_459 = arith.constant 384 : index
        %parallel_loop3A_460 = tpu.vector_load %arg10[%parallel_loop3A_458, %parallel_loop3A_459] {strides = array<i32>} : memref<16x1024xf32, #tpu.memory_space<vmem>>, vector<1x16xf32>,
        %parallel_loop3A_461 = vector.shape_cast %parallel_loop3A_460 : vector<1x16xf32> to vector<16xf32>
        %parallel_loop3A_462 = vector.shape_cast %parallel_loop3A_457 : vector<16xf32> to vector<1x16xf32>
        tpu.vector_store %arg10[%parallel_loop3A_458, %parallel_loop3A_459], %parallel_loop3A_462 {strides = array<i32>} : memref<16x1024xf32, #tpu.memory_space<vmem>>, vector<1x16xf32>,
        %parallel_loop3A_463 = arith.index_cast %parallel_loop3A_162 : i32 to index
        %parallel_loop3A_464 = arith.constant 400 : index
        %parallel_loop3A_465 = tpu.vector_load %arg8[%parallel_loop3A_463, %parallel_loop3A_464] {strides = array<i32>} : memref<16x1024xf32, #tpu.memory_space<vmem>>, vector<1x16xf32>,
        %parallel_loop3A_466 = vector.shape_cast %parallel_loop3A_465 : vector<1x16xf32> to vector<16xf32>
        %parallel_loop3A_467 = arith.constant 3.200000e+01 : f32
        %parallel_loop3A_468 = vector.broadcast %parallel_loop3A_467 : f32 to vector<16xf32>
        %parallel_loop3A_469 = arith.mulf %parallel_loop3A_466, %parallel_loop3A_468 : vector<16xf32>
        %parallel_loop3A_470 = arith.index_cast %parallel_loop3A_162 : i32 to index
        %parallel_loop3A_471 = arith.constant 400 : index
        %parallel_loop3A_472 = tpu.vector_load %arg10[%parallel_loop3A_470, %parallel_loop3A_471] {strides = array<i32>} : memref<16x1024xf32, #tpu.memory_space<vmem>>, vector<1x16xf32>,
        %parallel_loop3A_473 = vector.shape_cast %parallel_loop3A_472 : vector<1x16xf32> to vector<16xf32>
        %parallel_loop3A_474 = vector.shape_cast %parallel_loop3A_469 : vector<16xf32> to vector<1x16xf32>
        tpu.vector_store %arg10[%parallel_loop3A_470, %parallel_loop3A_471], %parallel_loop3A_474 {strides = array<i32>} : memref<16x1024xf32, #tpu.memory_space<vmem>>, vector<1x16xf32>,
        %parallel_loop3A_475 = arith.index_cast %parallel_loop3A_162 : i32 to index
        %parallel_loop3A_476 = arith.constant 416 : index
        %parallel_loop3A_477 = tpu.vector_load %arg8[%parallel_loop3A_475, %parallel_loop3A_476] {strides = array<i32>} : memref<16x1024xf32, #tpu.memory_space<vmem>>, vector<1x16xf32>,
        %parallel_loop3A_478 = vector.shape_cast %parallel_loop3A_477 : vector<1x16xf32> to vector<16xf32>
        %parallel_loop3A_479 = arith.constant 3.200000e+01 : f32
        %parallel_loop3A_480 = vector.broadcast %parallel_loop3A_479 : f32 to vector<16xf32>
        %parallel_loop3A_481 = arith.mulf %parallel_loop3A_478, %parallel_loop3A_480 : vector<16xf32>
        %parallel_loop3A_482 = arith.index_cast %parallel_loop3A_162 : i32 to index
        %parallel_loop3A_483 = arith.constant 416 : index
        %parallel_loop3A_484 = tpu.vector_load %arg10[%parallel_loop3A_482, %parallel_loop3A_483] {strides = array<i32>} : memref<16x1024xf32, #tpu.memory_space<vmem>>, vector<1x16xf32>,
        %parallel_loop3A_485 = vector.shape_cast %parallel_loop3A_484 : vector<1x16xf32> to vector<16xf32>
        %parallel_loop3A_486 = vector.shape_cast %parallel_loop3A_481 : vector<16xf32> to vector<1x16xf32>
        tpu.vector_store %arg10[%parallel_loop3A_482, %parallel_loop3A_483], %parallel_loop3A_486 {strides = array<i32>} : memref<16x1024xf32, #tpu.memory_space<vmem>>, vector<1x16xf32>,
        %parallel_loop3A_487 = arith.index_cast %parallel_loop3A_162 : i32 to index
        %parallel_loop3A_488 = arith.constant 432 : index
        %parallel_loop3A_489 = tpu.vector_load %arg8[%parallel_loop3A_487, %parallel_loop3A_488] {strides = array<i32>} : memref<16x1024xf32, #tpu.memory_space<vmem>>, vector<1x16xf32>,
        %parallel_loop3A_490 = vector.shape_cast %parallel_loop3A_489 : vector<1x16xf32> to vector<16xf32>
        %parallel_loop3A_491 = arith.constant 3.200000e+01 : f32
        %parallel_loop3A_492 = vector.broadcast %parallel_loop3A_491 : f32 to vector<16xf32>
        %parallel_loop3A_493 = arith.mulf %parallel_loop3A_490, %parallel_loop3A_492 : vector<16xf32>
        %parallel_loop3A_494 = arith.index_cast %parallel_loop3A_162 : i32 to index
        %parallel_loop3A_495 = arith.constant 432 : index
        %parallel_loop3A_496 = tpu.vector_load %arg10[%parallel_loop3A_494, %parallel_loop3A_495] {strides = array<i32>} : memref<16x1024xf32, #tpu.memory_space<vmem>>, vector<1x16xf32>,
        %parallel_loop3A_497 = vector.shape_cast %parallel_loop3A_496 : vector<1x16xf32> to vector<16xf32>
        %parallel_loop3A_498 = vector.shape_cast %parallel_loop3A_493 : vector<16xf32> to vector<1x16xf32>
        tpu.vector_store %arg10[%parallel_loop3A_494, %parallel_loop3A_495], %parallel_loop3A_498 {strides = array<i32>} : memref<16x1024xf32, #tpu.memory_space<vmem>>, vector<1x16xf32>,
        %parallel_loop3A_499 = arith.index_cast %parallel_loop3A_162 : i32 to index
        %parallel_loop3A_500 = arith.constant 448 : index
        %parallel_loop3A_501 = tpu.vector_load %arg8[%parallel_loop3A_499, %parallel_loop3A_500] {strides = array<i32>} : memref<16x1024xf32, #tpu.memory_space<vmem>>, vector<1x16xf32>,
        %parallel_loop3A_502 = vector.shape_cast %parallel_loop3A_501 : vector<1x16xf32> to vector<16xf32>
        %parallel_loop3A_503 = arith.constant 3.200000e+01 : f32
        %parallel_loop3A_504 = vector.broadcast %parallel_loop3A_503 : f32 to vector<16xf32>
        %parallel_loop3A_505 = arith.mulf %parallel_loop3A_502, %parallel_loop3A_504 : vector<16xf32>
        %parallel_loop3A_506 = arith.index_cast %parallel_loop3A_162 : i32 to index
        %parallel_loop3A_507 = arith.constant 448 : index
        %parallel_loop3A_508 = tpu.vector_load %arg10[%parallel_loop3A_506, %parallel_loop3A_507] {strides = array<i32>} : memref<16x1024xf32, #tpu.memory_space<vmem>>, vector<1x16xf32>,
        %parallel_loop3A_509 = vector.shape_cast %parallel_loop3A_508 : vector<1x16xf32> to vector<16xf32>
        %parallel_loop3A_510 = vector.shape_cast %parallel_loop3A_505 : vector<16xf32> to vector<1x16xf32>
        tpu.vector_store %arg10[%parallel_loop3A_506, %parallel_loop3A_507], %parallel_loop3A_510 {strides = array<i32>} : memref<16x1024xf32, #tpu.memory_space<vmem>>, vector<1x16xf32>,
        %parallel_loop3A_511 = arith.index_cast %parallel_loop3A_162 : i32 to index
        %parallel_loop3A_512 = arith.constant 464 : index
        %parallel_loop3A_513 = tpu.vector_load %arg8[%parallel_loop3A_511, %parallel_loop3A_512] {strides = array<i32>} : memref<16x1024xf32, #tpu.memory_space<vmem>>, vector<1x16xf32>,
        %parallel_loop3A_514 = vector.shape_cast %parallel_loop3A_513 : vector<1x16xf32> to vector<16xf32>
        %parallel_loop3A_515 = arith.constant 3.200000e+01 : f32
        %parallel_loop3A_516 = vector.broadcast %parallel_loop3A_515 : f32 to vector<16xf32>
        %parallel_loop3A_517 = arith.mulf %parallel_loop3A_514, %parallel_loop3A_516 : vector<16xf32>
        %parallel_loop3A_518 = arith.index_cast %parallel_loop3A_162 : i32 to index
        %parallel_loop3A_519 = arith.constant 464 : index
        %parallel_loop3A_520 = tpu.vector_load %arg10[%parallel_loop3A_518, %parallel_loop3A_519] {strides = array<i32>} : memref<16x1024xf32, #tpu.memory_space<vmem>>, vector<1x16xf32>,
        %parallel_loop3A_521 = vector.shape_cast %parallel_loop3A_520 : vector<1x16xf32> to vector<16xf32>
        %parallel_loop3A_522 = vector.shape_cast %parallel_loop3A_517 : vector<16xf32> to vector<1x16xf32>
        tpu.vector_store %arg10[%parallel_loop3A_518, %parallel_loop3A_519], %parallel_loop3A_522 {strides = array<i32>} : memref<16x1024xf32, #tpu.memory_space<vmem>>, vector<1x16xf32>,
        %parallel_loop3A_523 = arith.index_cast %parallel_loop3A_162 : i32 to index
        %parallel_loop3A_524 = arith.constant 480 : index
        %parallel_loop3A_525 = tpu.vector_load %arg8[%parallel_loop3A_523, %parallel_loop3A_524] {strides = array<i32>} : memref<16x1024xf32, #tpu.memory_space<vmem>>, vector<1x16xf32>,
        %parallel_loop3A_526 = vector.shape_cast %parallel_loop3A_525 : vector<1x16xf32> to vector<16xf32>
        %parallel_loop3A_527 = arith.constant 3.200000e+01 : f32
        %parallel_loop3A_528 = vector.broadcast %parallel_loop3A_527 : f32 to vector<16xf32>
        %parallel_loop3A_529 = arith.mulf %parallel_loop3A_526, %parallel_loop3A_528 : vector<16xf32>
        %parallel_loop3A_530 = arith.index_cast %parallel_loop3A_162 : i32 to index
        %parallel_loop3A_531 = arith.constant 480 : index
        %parallel_loop3A_532 = tpu.vector_load %arg10[%parallel_loop3A_530, %parallel_loop3A_531] {strides = array<i32>} : memref<16x1024xf32, #tpu.memory_space<vmem>>, vector<1x16xf32>,
        %parallel_loop3A_533 = vector.shape_cast %parallel_loop3A_532 : vector<1x16xf32> to vector<16xf32>
        %parallel_loop3A_534 = vector.shape_cast %parallel_loop3A_529 : vector<16xf32> to vector<1x16xf32>
        tpu.vector_store %arg10[%parallel_loop3A_530, %parallel_loop3A_531], %parallel_loop3A_534 {strides = array<i32>} : memref<16x1024xf32, #tpu.memory_space<vmem>>, vector<1x16xf32>,
        %parallel_loop3A_535 = arith.index_cast %parallel_loop3A_162 : i32 to index
        %parallel_loop3A_536 = arith.constant 496 : index
        %parallel_loop3A_537 = tpu.vector_load %arg8[%parallel_loop3A_535, %parallel_loop3A_536] {strides = array<i32>} : memref<16x1024xf32, #tpu.memory_space<vmem>>, vector<1x16xf32>,
        %parallel_loop3A_538 = vector.shape_cast %parallel_loop3A_537 : vector<1x16xf32> to vector<16xf32>
        %parallel_loop3A_539 = arith.constant 3.200000e+01 : f32
        %parallel_loop3A_540 = vector.broadcast %parallel_loop3A_539 : f32 to vector<16xf32>
        %parallel_loop3A_541 = arith.mulf %parallel_loop3A_538, %parallel_loop3A_540 : vector<16xf32>
        %parallel_loop3A_542 = arith.index_cast %parallel_loop3A_162 : i32 to index
        %parallel_loop3A_543 = arith.constant 496 : index
        %parallel_loop3A_544 = tpu.vector_load %arg10[%parallel_loop3A_542, %parallel_loop3A_543] {strides = array<i32>} : memref<16x1024xf32, #tpu.memory_space<vmem>>, vector<1x16xf32>,
        %parallel_loop3A_545 = vector.shape_cast %parallel_loop3A_544 : vector<1x16xf32> to vector<16xf32>
        %parallel_loop3A_546 = vector.shape_cast %parallel_loop3A_541 : vector<16xf32> to vector<1x16xf32>
        tpu.vector_store %arg10[%parallel_loop3A_542, %parallel_loop3A_543], %parallel_loop3A_546 {strides = array<i32>} : memref<16x1024xf32, #tpu.memory_space<vmem>>, vector<1x16xf32>,
        %parallel_loop3A_547 = arith.index_cast %parallel_loop3A_162 : i32 to index
        %parallel_loop3A_548 = arith.constant 512 : index
        %parallel_loop3A_549 = tpu.vector_load %arg8[%parallel_loop3A_547, %parallel_loop3A_548] {strides = array<i32>} : memref<16x1024xf32, #tpu.memory_space<vmem>>, vector<1x16xf32>,
        %parallel_loop3A_550 = vector.shape_cast %parallel_loop3A_549 : vector<1x16xf32> to vector<16xf32>
        %parallel_loop3A_551 = arith.constant 3.200000e+01 : f32
        %parallel_loop3A_552 = vector.broadcast %parallel_loop3A_551 : f32 to vector<16xf32>
        %parallel_loop3A_553 = arith.mulf %parallel_loop3A_550, %parallel_loop3A_552 : vector<16xf32>
        %parallel_loop3A_554 = arith.index_cast %parallel_loop3A_162 : i32 to index
        %parallel_loop3A_555 = arith.constant 512 : index
        %parallel_loop3A_556 = tpu.vector_load %arg10[%parallel_loop3A_554, %parallel_loop3A_555] {strides = array<i32>} : memref<16x1024xf32, #tpu.memory_space<vmem>>, vector<1x16xf32>,
        %parallel_loop3A_557 = vector.shape_cast %parallel_loop3A_556 : vector<1x16xf32> to vector<16xf32>
        %parallel_loop3A_558 = vector.shape_cast %parallel_loop3A_553 : vector<16xf32> to vector<1x16xf32>
        tpu.vector_store %arg10[%parallel_loop3A_554, %parallel_loop3A_555], %parallel_loop3A_558 {strides = array<i32>} : memref<16x1024xf32, #tpu.memory_space<vmem>>, vector<1x16xf32>,
        %parallel_loop3A_559 = arith.index_cast %parallel_loop3A_162 : i32 to index
        %parallel_loop3A_560 = arith.constant 528 : index
        %parallel_loop3A_561 = tpu.vector_load %arg8[%parallel_loop3A_559, %parallel_loop3A_560] {strides = array<i32>} : memref<16x1024xf32, #tpu.memory_space<vmem>>, vector<1x16xf32>,
        %parallel_loop3A_562 = vector.shape_cast %parallel_loop3A_561 : vector<1x16xf32> to vector<16xf32>
        %parallel_loop3A_563 = arith.constant 3.200000e+01 : f32
        %parallel_loop3A_564 = vector.broadcast %parallel_loop3A_563 : f32 to vector<16xf32>
        %parallel_loop3A_565 = arith.mulf %parallel_loop3A_562, %parallel_loop3A_564 : vector<16xf32>
        %parallel_loop3A_566 = arith.index_cast %parallel_loop3A_162 : i32 to index
        %parallel_loop3A_567 = arith.constant 528 : index
        %parallel_loop3A_568 = tpu.vector_load %arg10[%parallel_loop3A_566, %parallel_loop3A_567] {strides = array<i32>} : memref<16x1024xf32, #tpu.memory_space<vmem>>, vector<1x16xf32>,
        %parallel_loop3A_569 = vector.shape_cast %parallel_loop3A_568 : vector<1x16xf32> to vector<16xf32>
        %parallel_loop3A_570 = vector.shape_cast %parallel_loop3A_565 : vector<16xf32> to vector<1x16xf32>
        tpu.vector_store %arg10[%parallel_loop3A_566, %parallel_loop3A_567], %parallel_loop3A_570 {strides = array<i32>} : memref<16x1024xf32, #tpu.memory_space<vmem>>, vector<1x16xf32>,
        %parallel_loop3A_571 = arith.index_cast %parallel_loop3A_162 : i32 to index
        %parallel_loop3A_572 = arith.constant 544 : index
        %parallel_loop3A_573 = tpu.vector_load %arg8[%parallel_loop3A_571, %parallel_loop3A_572] {strides = array<i32>} : memref<16x1024xf32, #tpu.memory_space<vmem>>, vector<1x16xf32>,
        %parallel_loop3A_574 = vector.shape_cast %parallel_loop3A_573 : vector<1x16xf32> to vector<16xf32>
        %parallel_loop3A_575 = arith.constant 3.200000e+01 : f32
        %parallel_loop3A_576 = vector.broadcast %parallel_loop3A_575 : f32 to vector<16xf32>
        %parallel_loop3A_577 = arith.mulf %parallel_loop3A_574, %parallel_loop3A_576 : vector<16xf32>
        %parallel_loop3A_578 = arith.index_cast %parallel_loop3A_162 : i32 to index
        %parallel_loop3A_579 = arith.constant 544 : index
        %parallel_loop3A_580 = tpu.vector_load %arg10[%parallel_loop3A_578, %parallel_loop3A_579] {strides = array<i32>} : memref<16x1024xf32, #tpu.memory_space<vmem>>, vector<1x16xf32>,
        %parallel_loop3A_581 = vector.shape_cast %parallel_loop3A_580 : vector<1x16xf32> to vector<16xf32>
        %parallel_loop3A_582 = vector.shape_cast %parallel_loop3A_577 : vector<16xf32> to vector<1x16xf32>
        tpu.vector_store %arg10[%parallel_loop3A_578, %parallel_loop3A_579], %parallel_loop3A_582 {strides = array<i32>} : memref<16x1024xf32, #tpu.memory_space<vmem>>, vector<1x16xf32>,
        %parallel_loop3A_583 = arith.index_cast %parallel_loop3A_162 : i32 to index
        %parallel_loop3A_584 = arith.constant 560 : index
        %parallel_loop3A_585 = tpu.vector_load %arg8[%parallel_loop3A_583, %parallel_loop3A_584] {strides = array<i32>} : memref<16x1024xf32, #tpu.memory_space<vmem>>, vector<1x16xf32>,
        %parallel_loop3A_586 = vector.shape_cast %parallel_loop3A_585 : vector<1x16xf32> to vector<16xf32>
        %parallel_loop3A_587 = arith.constant 3.200000e+01 : f32
        %parallel_loop3A_588 = vector.broadcast %parallel_loop3A_587 : f32 to vector<16xf32>
        %parallel_loop3A_589 = arith.mulf %parallel_loop3A_586, %parallel_loop3A_588 : vector<16xf32>
        %parallel_loop3A_590 = arith.index_cast %parallel_loop3A_162 : i32 to index
        %parallel_loop3A_591 = arith.constant 560 : index
        %parallel_loop3A_592 = tpu.vector_load %arg10[%parallel_loop3A_590, %parallel_loop3A_591] {strides = array<i32>} : memref<16x1024xf32, #tpu.memory_space<vmem>>, vector<1x16xf32>,
        %parallel_loop3A_593 = vector.shape_cast %parallel_loop3A_592 : vector<1x16xf32> to vector<16xf32>
        %parallel_loop3A_594 = vector.shape_cast %parallel_loop3A_589 : vector<16xf32> to vector<1x16xf32>
        tpu.vector_store %arg10[%parallel_loop3A_590, %parallel_loop3A_591], %parallel_loop3A_594 {strides = array<i32>} : memref<16x1024xf32, #tpu.memory_space<vmem>>, vector<1x16xf32>,
        %parallel_loop3A_595 = arith.index_cast %parallel_loop3A_162 : i32 to index
        %parallel_loop3A_596 = arith.constant 576 : index
        %parallel_loop3A_597 = tpu.vector_load %arg8[%parallel_loop3A_595, %parallel_loop3A_596] {strides = array<i32>} : memref<16x1024xf32, #tpu.memory_space<vmem>>, vector<1x16xf32>,
        %parallel_loop3A_598 = vector.shape_cast %parallel_loop3A_597 : vector<1x16xf32> to vector<16xf32>
        %parallel_loop3A_599 = arith.constant 3.200000e+01 : f32
        %parallel_loop3A_600 = vector.broadcast %parallel_loop3A_599 : f32 to vector<16xf32>
        %parallel_loop3A_601 = arith.mulf %parallel_loop3A_598, %parallel_loop3A_600 : vector<16xf32>
        %parallel_loop3A_602 = arith.index_cast %parallel_loop3A_162 : i32 to index
        %parallel_loop3A_603 = arith.constant 576 : index
        %parallel_loop3A_604 = tpu.vector_load %arg10[%parallel_loop3A_602, %parallel_loop3A_603] {strides = array<i32>} : memref<16x1024xf32, #tpu.memory_space<vmem>>, vector<1x16xf32>,
        %parallel_loop3A_605 = vector.shape_cast %parallel_loop3A_604 : vector<1x16xf32> to vector<16xf32>
        %parallel_loop3A_606 = vector.shape_cast %parallel_loop3A_601 : vector<16xf32> to vector<1x16xf32>
        tpu.vector_store %arg10[%parallel_loop3A_602, %parallel_loop3A_603], %parallel_loop3A_606 {strides = array<i32>} : memref<16x1024xf32, #tpu.memory_space<vmem>>, vector<1x16xf32>,
        %parallel_loop3A_607 = arith.index_cast %parallel_loop3A_162 : i32 to index
        %parallel_loop3A_608 = arith.constant 592 : index
        %parallel_loop3A_609 = tpu.vector_load %arg8[%parallel_loop3A_607, %parallel_loop3A_608] {strides = array<i32>} : memref<16x1024xf32, #tpu.memory_space<vmem>>, vector<1x16xf32>,
        %parallel_loop3A_610 = vector.shape_cast %parallel_loop3A_609 : vector<1x16xf32> to vector<16xf32>
        %parallel_loop3A_611 = arith.constant 3.200000e+01 : f32
        %parallel_loop3A_612 = vector.broadcast %parallel_loop3A_611 : f32 to vector<16xf32>
        %parallel_loop3A_613 = arith.mulf %parallel_loop3A_610, %parallel_loop3A_612 : vector<16xf32>
        %parallel_loop3A_614 = arith.index_cast %parallel_loop3A_162 : i32 to index
        %parallel_loop3A_615 = arith.constant 592 : index
        %parallel_loop3A_616 = tpu.vector_load %arg10[%parallel_loop3A_614, %parallel_loop3A_615] {strides = array<i32>} : memref<16x1024xf32, #tpu.memory_space<vmem>>, vector<1x16xf32>,
        %parallel_loop3A_617 = vector.shape_cast %parallel_loop3A_616 : vector<1x16xf32> to vector<16xf32>
        %parallel_loop3A_618 = vector.shape_cast %parallel_loop3A_613 : vector<16xf32> to vector<1x16xf32>
        tpu.vector_store %arg10[%parallel_loop3A_614, %parallel_loop3A_615], %parallel_loop3A_618 {strides = array<i32>} : memref<16x1024xf32, #tpu.memory_space<vmem>>, vector<1x16xf32>,
        %parallel_loop3A_619 = arith.index_cast %parallel_loop3A_162 : i32 to index
        %parallel_loop3A_620 = arith.constant 608 : index
        %parallel_loop3A_621 = tpu.vector_load %arg8[%parallel_loop3A_619, %parallel_loop3A_620] {strides = array<i32>} : memref<16x1024xf32, #tpu.memory_space<vmem>>, vector<1x16xf32>,
        %parallel_loop3A_622 = vector.shape_cast %parallel_loop3A_621 : vector<1x16xf32> to vector<16xf32>
        %parallel_loop3A_623 = arith.constant 3.200000e+01 : f32
        %parallel_loop3A_624 = vector.broadcast %parallel_loop3A_623 : f32 to vector<16xf32>
        %parallel_loop3A_625 = arith.mulf %parallel_loop3A_622, %parallel_loop3A_624 : vector<16xf32>
        %parallel_loop3A_626 = arith.index_cast %parallel_loop3A_162 : i32 to index
        %parallel_loop3A_627 = arith.constant 608 : index
        %parallel_loop3A_628 = tpu.vector_load %arg10[%parallel_loop3A_626, %parallel_loop3A_627] {strides = array<i32>} : memref<16x1024xf32, #tpu.memory_space<vmem>>, vector<1x16xf32>,
        %parallel_loop3A_629 = vector.shape_cast %parallel_loop3A_628 : vector<1x16xf32> to vector<16xf32>
        %parallel_loop3A_630 = vector.shape_cast %parallel_loop3A_625 : vector<16xf32> to vector<1x16xf32>
        tpu.vector_store %arg10[%parallel_loop3A_626, %parallel_loop3A_627], %parallel_loop3A_630 {strides = array<i32>} : memref<16x1024xf32, #tpu.memory_space<vmem>>, vector<1x16xf32>,
        %parallel_loop3A_631 = arith.index_cast %parallel_loop3A_162 : i32 to index
        %parallel_loop3A_632 = arith.constant 624 : index
        %parallel_loop3A_633 = tpu.vector_load %arg8[%parallel_loop3A_631, %parallel_loop3A_632] {strides = array<i32>} : memref<16x1024xf32, #tpu.memory_space<vmem>>, vector<1x16xf32>,
        %parallel_loop3A_634 = vector.shape_cast %parallel_loop3A_633 : vector<1x16xf32> to vector<16xf32>
        %parallel_loop3A_635 = arith.constant 3.200000e+01 : f32
        %parallel_loop3A_636 = vector.broadcast %parallel_loop3A_635 : f32 to vector<16xf32>
        %parallel_loop3A_637 = arith.mulf %parallel_loop3A_634, %parallel_loop3A_636 : vector<16xf32>
        %parallel_loop3A_638 = arith.index_cast %parallel_loop3A_162 : i32 to index
        %parallel_loop3A_639 = arith.constant 624 : index
        %parallel_loop3A_640 = tpu.vector_load %arg10[%parallel_loop3A_638, %parallel_loop3A_639] {strides = array<i32>} : memref<16x1024xf32, #tpu.memory_space<vmem>>, vector<1x16xf32>,
        %parallel_loop3A_641 = vector.shape_cast %parallel_loop3A_640 : vector<1x16xf32> to vector<16xf32>
        %parallel_loop3A_642 = vector.shape_cast %parallel_loop3A_637 : vector<16xf32> to vector<1x16xf32>
        tpu.vector_store %arg10[%parallel_loop3A_638, %parallel_loop3A_639], %parallel_loop3A_642 {strides = array<i32>} : memref<16x1024xf32, #tpu.memory_space<vmem>>, vector<1x16xf32>,
        %parallel_loop3A_643 = arith.index_cast %parallel_loop3A_162 : i32 to index
        %parallel_loop3A_644 = arith.constant 640 : index
        %parallel_loop3A_645 = tpu.vector_load %arg8[%parallel_loop3A_643, %parallel_loop3A_644] {strides = array<i32>} : memref<16x1024xf32, #tpu.memory_space<vmem>>, vector<1x16xf32>,
        %parallel_loop3A_646 = vector.shape_cast %parallel_loop3A_645 : vector<1x16xf32> to vector<16xf32>
        %parallel_loop3A_647 = arith.constant 3.200000e+01 : f32
        %parallel_loop3A_648 = vector.broadcast %parallel_loop3A_647 : f32 to vector<16xf32>
        %parallel_loop3A_649 = arith.mulf %parallel_loop3A_646, %parallel_loop3A_648 : vector<16xf32>
        %parallel_loop3A_650 = arith.index_cast %parallel_loop3A_162 : i32 to index
        %parallel_loop3A_651 = arith.constant 640 : index
        %parallel_loop3A_652 = tpu.vector_load %arg10[%parallel_loop3A_650, %parallel_loop3A_651] {strides = array<i32>} : memref<16x1024xf32, #tpu.memory_space<vmem>>, vector<1x16xf32>,
        %parallel_loop3A_653 = vector.shape_cast %parallel_loop3A_652 : vector<1x16xf32> to vector<16xf32>
        %parallel_loop3A_654 = vector.shape_cast %parallel_loop3A_649 : vector<16xf32> to vector<1x16xf32>
        tpu.vector_store %arg10[%parallel_loop3A_650, %parallel_loop3A_651], %parallel_loop3A_654 {strides = array<i32>} : memref<16x1024xf32, #tpu.memory_space<vmem>>, vector<1x16xf32>,
        %parallel_loop3A_655 = arith.index_cast %parallel_loop3A_162 : i32 to index
        %parallel_loop3A_656 = arith.constant 656 : index
        %parallel_loop3A_657 = tpu.vector_load %arg8[%parallel_loop3A_655, %parallel_loop3A_656] {strides = array<i32>} : memref<16x1024xf32, #tpu.memory_space<vmem>>, vector<1x16xf32>,
        %parallel_loop3A_658 = vector.shape_cast %parallel_loop3A_657 : vector<1x16xf32> to vector<16xf32>
        %parallel_loop3A_659 = arith.constant 3.200000e+01 : f32
        %parallel_loop3A_660 = vector.broadcast %parallel_loop3A_659 : f32 to vector<16xf32>
        %parallel_loop3A_661 = arith.mulf %parallel_loop3A_658, %parallel_loop3A_660 : vector<16xf32>
        %parallel_loop3A_662 = arith.index_cast %parallel_loop3A_162 : i32 to index
        %parallel_loop3A_663 = arith.constant 656 : index
        %parallel_loop3A_664 = tpu.vector_load %arg10[%parallel_loop3A_662, %parallel_loop3A_663] {strides = array<i32>} : memref<16x1024xf32, #tpu.memory_space<vmem>>, vector<1x16xf32>,
        %parallel_loop3A_665 = vector.shape_cast %parallel_loop3A_664 : vector<1x16xf32> to vector<16xf32>
        %parallel_loop3A_666 = vector.shape_cast %parallel_loop3A_661 : vector<16xf32> to vector<1x16xf32>
        tpu.vector_store %arg10[%parallel_loop3A_662, %parallel_loop3A_663], %parallel_loop3A_666 {strides = array<i32>} : memref<16x1024xf32, #tpu.memory_space<vmem>>, vector<1x16xf32>,
        %parallel_loop3A_667 = arith.index_cast %parallel_loop3A_162 : i32 to index
        %parallel_loop3A_668 = arith.constant 672 : index
        %parallel_loop3A_669 = tpu.vector_load %arg8[%parallel_loop3A_667, %parallel_loop3A_668] {strides = array<i32>} : memref<16x1024xf32, #tpu.memory_space<vmem>>, vector<1x16xf32>,
        %parallel_loop3A_670 = vector.shape_cast %parallel_loop3A_669 : vector<1x16xf32> to vector<16xf32>
        %parallel_loop3A_671 = arith.constant 3.200000e+01 : f32
        %parallel_loop3A_672 = vector.broadcast %parallel_loop3A_671 : f32 to vector<16xf32>
        %parallel_loop3A_673 = arith.mulf %parallel_loop3A_670, %parallel_loop3A_672 : vector<16xf32>
        %parallel_loop3A_674 = arith.index_cast %parallel_loop3A_162 : i32 to index
        %parallel_loop3A_675 = arith.constant 672 : index
        %parallel_loop3A_676 = tpu.vector_load %arg10[%parallel_loop3A_674, %parallel_loop3A_675] {strides = array<i32>} : memref<16x1024xf32, #tpu.memory_space<vmem>>, vector<1x16xf32>,
        %parallel_loop3A_677 = vector.shape_cast %parallel_loop3A_676 : vector<1x16xf32> to vector<16xf32>
        %parallel_loop3A_678 = vector.shape_cast %parallel_loop3A_673 : vector<16xf32> to vector<1x16xf32>
        tpu.vector_store %arg10[%parallel_loop3A_674, %parallel_loop3A_675], %parallel_loop3A_678 {strides = array<i32>} : memref<16x1024xf32, #tpu.memory_space<vmem>>, vector<1x16xf32>,
        %parallel_loop3A_679 = arith.index_cast %parallel_loop3A_162 : i32 to index
        %parallel_loop3A_680 = arith.constant 688 : index
        %parallel_loop3A_681 = tpu.vector_load %arg8[%parallel_loop3A_679, %parallel_loop3A_680] {strides = array<i32>} : memref<16x1024xf32, #tpu.memory_space<vmem>>, vector<1x16xf32>,
        %parallel_loop3A_682 = vector.shape_cast %parallel_loop3A_681 : vector<1x16xf32> to vector<16xf32>
        %parallel_loop3A_683 = arith.constant 3.200000e+01 : f32
        %parallel_loop3A_684 = vector.broadcast %parallel_loop3A_683 : f32 to vector<16xf32>
        %parallel_loop3A_685 = arith.mulf %parallel_loop3A_682, %parallel_loop3A_684 : vector<16xf32>
        %parallel_loop3A_686 = arith.index_cast %parallel_loop3A_162 : i32 to index
        %parallel_loop3A_687 = arith.constant 688 : index
        %parallel_loop3A_688 = tpu.vector_load %arg10[%parallel_loop3A_686, %parallel_loop3A_687] {strides = array<i32>} : memref<16x1024xf32, #tpu.memory_space<vmem>>, vector<1x16xf32>,
        %parallel_loop3A_689 = vector.shape_cast %parallel_loop3A_688 : vector<1x16xf32> to vector<16xf32>
        %parallel_loop3A_690 = vector.shape_cast %parallel_loop3A_685 : vector<16xf32> to vector<1x16xf32>
        tpu.vector_store %arg10[%parallel_loop3A_686, %parallel_loop3A_687], %parallel_loop3A_690 {strides = array<i32>} : memref<16x1024xf32, #tpu.memory_space<vmem>>, vector<1x16xf32>,
        %parallel_loop3A_691 = arith.index_cast %parallel_loop3A_162 : i32 to index
        %parallel_loop3A_692 = arith.constant 704 : index
        %parallel_loop3A_693 = tpu.vector_load %arg8[%parallel_loop3A_691, %parallel_loop3A_692] {strides = array<i32>} : memref<16x1024xf32, #tpu.memory_space<vmem>>, vector<1x16xf32>,
        %parallel_loop3A_694 = vector.shape_cast %parallel_loop3A_693 : vector<1x16xf32> to vector<16xf32>
        %parallel_loop3A_695 = arith.constant 3.200000e+01 : f32
        %parallel_loop3A_696 = vector.broadcast %parallel_loop3A_695 : f32 to vector<16xf32>
        %parallel_loop3A_697 = arith.mulf %parallel_loop3A_694, %parallel_loop3A_696 : vector<16xf32>
        %parallel_loop3A_698 = arith.index_cast %parallel_loop3A_162 : i32 to index
        %parallel_loop3A_699 = arith.constant 704 : index
        %parallel_loop3A_700 = tpu.vector_load %arg10[%parallel_loop3A_698, %parallel_loop3A_699] {strides = array<i32>} : memref<16x1024xf32, #tpu.memory_space<vmem>>, vector<1x16xf32>,
        %parallel_loop3A_701 = vector.shape_cast %parallel_loop3A_700 : vector<1x16xf32> to vector<16xf32>
        %parallel_loop3A_702 = vector.shape_cast %parallel_loop3A_697 : vector<16xf32> to vector<1x16xf32>
        tpu.vector_store %arg10[%parallel_loop3A_698, %parallel_loop3A_699], %parallel_loop3A_702 {strides = array<i32>} : memref<16x1024xf32, #tpu.memory_space<vmem>>, vector<1x16xf32>,
        %parallel_loop3A_703 = arith.index_cast %parallel_loop3A_162 : i32 to index
        %parallel_loop3A_704 = arith.constant 720 : index
        %parallel_loop3A_705 = tpu.vector_load %arg8[%parallel_loop3A_703, %parallel_loop3A_704] {strides = array<i32>} : memref<16x1024xf32, #tpu.memory_space<vmem>>, vector<1x16xf32>,
        %parallel_loop3A_706 = vector.shape_cast %parallel_loop3A_705 : vector<1x16xf32> to vector<16xf32>
        %parallel_loop3A_707 = arith.constant 3.200000e+01 : f32
        %parallel_loop3A_708 = vector.broadcast %parallel_loop3A_707 : f32 to vector<16xf32>
        %parallel_loop3A_709 = arith.mulf %parallel_loop3A_706, %parallel_loop3A_708 : vector<16xf32>
        %parallel_loop3A_710 = arith.index_cast %parallel_loop3A_162 : i32 to index
        %parallel_loop3A_711 = arith.constant 720 : index
        %parallel_loop3A_712 = tpu.vector_load %arg10[%parallel_loop3A_710, %parallel_loop3A_711] {strides = array<i32>} : memref<16x1024xf32, #tpu.memory_space<vmem>>, vector<1x16xf32>,
        %parallel_loop3A_713 = vector.shape_cast %parallel_loop3A_712 : vector<1x16xf32> to vector<16xf32>
        %parallel_loop3A_714 = vector.shape_cast %parallel_loop3A_709 : vector<16xf32> to vector<1x16xf32>
        tpu.vector_store %arg10[%parallel_loop3A_710, %parallel_loop3A_711], %parallel_loop3A_714 {strides = array<i32>} : memref<16x1024xf32, #tpu.memory_space<vmem>>, vector<1x16xf32>,
        %parallel_loop3A_715 = arith.index_cast %parallel_loop3A_162 : i32 to index
        %parallel_loop3A_716 = arith.constant 736 : index
        %parallel_loop3A_717 = tpu.vector_load %arg8[%parallel_loop3A_715, %parallel_loop3A_716] {strides = array<i32>} : memref<16x1024xf32, #tpu.memory_space<vmem>>, vector<1x16xf32>,
        %parallel_loop3A_718 = vector.shape_cast %parallel_loop3A_717 : vector<1x16xf32> to vector<16xf32>
        %parallel_loop3A_719 = arith.constant 3.200000e+01 : f32
        %parallel_loop3A_720 = vector.broadcast %parallel_loop3A_719 : f32 to vector<16xf32>
        %parallel_loop3A_721 = arith.mulf %parallel_loop3A_718, %parallel_loop3A_720 : vector<16xf32>
        %parallel_loop3A_722 = arith.index_cast %parallel_loop3A_162 : i32 to index
        %parallel_loop3A_723 = arith.constant 736 : index
        %parallel_loop3A_724 = tpu.vector_load %arg10[%parallel_loop3A_722, %parallel_loop3A_723] {strides = array<i32>} : memref<16x1024xf32, #tpu.memory_space<vmem>>, vector<1x16xf32>,
        %parallel_loop3A_725 = vector.shape_cast %parallel_loop3A_724 : vector<1x16xf32> to vector<16xf32>
        %parallel_loop3A_726 = vector.shape_cast %parallel_loop3A_721 : vector<16xf32> to vector<1x16xf32>
        tpu.vector_store %arg10[%parallel_loop3A_722, %parallel_loop3A_723], %parallel_loop3A_726 {strides = array<i32>} : memref<16x1024xf32, #tpu.memory_space<vmem>>, vector<1x16xf32>,
        %parallel_loop3A_727 = arith.index_cast %parallel_loop3A_162 : i32 to index
        %parallel_loop3A_728 = arith.constant 752 : index
        %parallel_loop3A_729 = tpu.vector_load %arg8[%parallel_loop3A_727, %parallel_loop3A_728] {strides = array<i32>} : memref<16x1024xf32, #tpu.memory_space<vmem>>, vector<1x16xf32>,
        %parallel_loop3A_730 = vector.shape_cast %parallel_loop3A_729 : vector<1x16xf32> to vector<16xf32>
        %parallel_loop3A_731 = arith.constant 3.200000e+01 : f32
        %parallel_loop3A_732 = vector.broadcast %parallel_loop3A_731 : f32 to vector<16xf32>
        %parallel_loop3A_733 = arith.mulf %parallel_loop3A_730, %parallel_loop3A_732 : vector<16xf32>
        %parallel_loop3A_734 = arith.index_cast %parallel_loop3A_162 : i32 to index
        %parallel_loop3A_735 = arith.constant 752 : index
        %parallel_loop3A_736 = tpu.vector_load %arg10[%parallel_loop3A_734, %parallel_loop3A_735] {strides = array<i32>} : memref<16x1024xf32, #tpu.memory_space<vmem>>, vector<1x16xf32>,
        %parallel_loop3A_737 = vector.shape_cast %parallel_loop3A_736 : vector<1x16xf32> to vector<16xf32>
        %parallel_loop3A_738 = vector.shape_cast %parallel_loop3A_733 : vector<16xf32> to vector<1x16xf32>
        tpu.vector_store %arg10[%parallel_loop3A_734, %parallel_loop3A_735], %parallel_loop3A_738 {strides = array<i32>} : memref<16x1024xf32, #tpu.memory_space<vmem>>, vector<1x16xf32>,
        %parallel_loop3A_739 = arith.index_cast %parallel_loop3A_162 : i32 to index
        %parallel_loop3A_740 = arith.constant 768 : index
        %parallel_loop3A_741 = tpu.vector_load %arg8[%parallel_loop3A_739, %parallel_loop3A_740] {strides = array<i32>} : memref<16x1024xf32, #tpu.memory_space<vmem>>, vector<1x16xf32>,
        %parallel_loop3A_742 = vector.shape_cast %parallel_loop3A_741 : vector<1x16xf32> to vector<16xf32>
        %parallel_loop3A_743 = arith.constant 3.200000e+01 : f32
        %parallel_loop3A_744 = vector.broadcast %parallel_loop3A_743 : f32 to vector<16xf32>
        %parallel_loop3A_745 = arith.mulf %parallel_loop3A_742, %parallel_loop3A_744 : vector<16xf32>
        %parallel_loop3A_746 = arith.index_cast %parallel_loop3A_162 : i32 to index
        %parallel_loop3A_747 = arith.constant 768 : index
        %parallel_loop3A_748 = tpu.vector_load %arg10[%parallel_loop3A_746, %parallel_loop3A_747] {strides = array<i32>} : memref<16x1024xf32, #tpu.memory_space<vmem>>, vector<1x16xf32>,
        %parallel_loop3A_749 = vector.shape_cast %parallel_loop3A_748 : vector<1x16xf32> to vector<16xf32>
        %parallel_loop3A_750 = vector.shape_cast %parallel_loop3A_745 : vector<16xf32> to vector<1x16xf32>
        tpu.vector_store %arg10[%parallel_loop3A_746, %parallel_loop3A_747], %parallel_loop3A_750 {strides = array<i32>} : memref<16x1024xf32, #tpu.memory_space<vmem>>, vector<1x16xf32>,
        %parallel_loop3A_751 = arith.index_cast %parallel_loop3A_162 : i32 to index
        %parallel_loop3A_752 = arith.constant 784 : index
        %parallel_loop3A_753 = tpu.vector_load %arg8[%parallel_loop3A_751, %parallel_loop3A_752] {strides = array<i32>} : memref<16x1024xf32, #tpu.memory_space<vmem>>, vector<1x16xf32>,
        %parallel_loop3A_754 = vector.shape_cast %parallel_loop3A_753 : vector<1x16xf32> to vector<16xf32>
        %parallel_loop3A_755 = arith.constant 3.200000e+01 : f32
        %parallel_loop3A_756 = vector.broadcast %parallel_loop3A_755 : f32 to vector<16xf32>
        %parallel_loop3A_757 = arith.mulf %parallel_loop3A_754, %parallel_loop3A_756 : vector<16xf32>
        %parallel_loop3A_758 = arith.index_cast %parallel_loop3A_162 : i32 to index
        %parallel_loop3A_759 = arith.constant 784 : index
        %parallel_loop3A_760 = tpu.vector_load %arg10[%parallel_loop3A_758, %parallel_loop3A_759] {strides = array<i32>} : memref<16x1024xf32, #tpu.memory_space<vmem>>, vector<1x16xf32>,
        %parallel_loop3A_761 = vector.shape_cast %parallel_loop3A_760 : vector<1x16xf32> to vector<16xf32>
        %parallel_loop3A_762 = vector.shape_cast %parallel_loop3A_757 : vector<16xf32> to vector<1x16xf32>
        tpu.vector_store %arg10[%parallel_loop3A_758, %parallel_loop3A_759], %parallel_loop3A_762 {strides = array<i32>} : memref<16x1024xf32, #tpu.memory_space<vmem>>, vector<1x16xf32>,
        %parallel_loop3A_763 = arith.index_cast %parallel_loop3A_162 : i32 to index
        %parallel_loop3A_764 = arith.constant 800 : index
        %parallel_loop3A_765 = tpu.vector_load %arg8[%parallel_loop3A_763, %parallel_loop3A_764] {strides = array<i32>} : memref<16x1024xf32, #tpu.memory_space<vmem>>, vector<1x16xf32>,
        %parallel_loop3A_766 = vector.shape_cast %parallel_loop3A_765 : vector<1x16xf32> to vector<16xf32>
        %parallel_loop3A_767 = arith.constant 3.200000e+01 : f32
        %parallel_loop3A_768 = vector.broadcast %parallel_loop3A_767 : f32 to vector<16xf32>
        %parallel_loop3A_769 = arith.mulf %parallel_loop3A_766, %parallel_loop3A_768 : vector<16xf32>
        %parallel_loop3A_770 = arith.index_cast %parallel_loop3A_162 : i32 to index
        %parallel_loop3A_771 = arith.constant 800 : index
        %parallel_loop3A_772 = tpu.vector_load %arg10[%parallel_loop3A_770, %parallel_loop3A_771] {strides = array<i32>} : memref<16x1024xf32, #tpu.memory_space<vmem>>, vector<1x16xf32>,
        %parallel_loop3A_773 = vector.shape_cast %parallel_loop3A_772 : vector<1x16xf32> to vector<16xf32>
        %parallel_loop3A_774 = vector.shape_cast %parallel_loop3A_769 : vector<16xf32> to vector<1x16xf32>
        tpu.vector_store %arg10[%parallel_loop3A_770, %parallel_loop3A_771], %parallel_loop3A_774 {strides = array<i32>} : memref<16x1024xf32, #tpu.memory_space<vmem>>, vector<1x16xf32>,
        %parallel_loop3A_775 = arith.index_cast %parallel_loop3A_162 : i32 to index
        %parallel_loop3A_776 = arith.constant 816 : index
        %parallel_loop3A_777 = tpu.vector_load %arg8[%parallel_loop3A_775, %parallel_loop3A_776] {strides = array<i32>} : memref<16x1024xf32, #tpu.memory_space<vmem>>, vector<1x16xf32>,
        %parallel_loop3A_778 = vector.shape_cast %parallel_loop3A_777 : vector<1x16xf32> to vector<16xf32>
        %parallel_loop3A_779 = arith.constant 3.200000e+01 : f32
        %parallel_loop3A_780 = vector.broadcast %parallel_loop3A_779 : f32 to vector<16xf32>
        %parallel_loop3A_781 = arith.mulf %parallel_loop3A_778, %parallel_loop3A_780 : vector<16xf32>
        %parallel_loop3A_782 = arith.index_cast %parallel_loop3A_162 : i32 to index
        %parallel_loop3A_783 = arith.constant 816 : index
        %parallel_loop3A_784 = tpu.vector_load %arg10[%parallel_loop3A_782, %parallel_loop3A_783] {strides = array<i32>} : memref<16x1024xf32, #tpu.memory_space<vmem>>, vector<1x16xf32>,
        %parallel_loop3A_785 = vector.shape_cast %parallel_loop3A_784 : vector<1x16xf32> to vector<16xf32>
        %parallel_loop3A_786 = vector.shape_cast %parallel_loop3A_781 : vector<16xf32> to vector<1x16xf32>
        tpu.vector_store %arg10[%parallel_loop3A_782, %parallel_loop3A_783], %parallel_loop3A_786 {strides = array<i32>} : memref<16x1024xf32, #tpu.memory_space<vmem>>, vector<1x16xf32>,
        %parallel_loop3A_787 = arith.index_cast %parallel_loop3A_162 : i32 to index
        %parallel_loop3A_788 = arith.constant 832 : index
        %parallel_loop3A_789 = tpu.vector_load %arg8[%parallel_loop3A_787, %parallel_loop3A_788] {strides = array<i32>} : memref<16x1024xf32, #tpu.memory_space<vmem>>, vector<1x16xf32>,
        %parallel_loop3A_790 = vector.shape_cast %parallel_loop3A_789 : vector<1x16xf32> to vector<16xf32>
        %parallel_loop3A_791 = arith.constant 3.200000e+01 : f32
        %parallel_loop3A_792 = vector.broadcast %parallel_loop3A_791 : f32 to vector<16xf32>
        %parallel_loop3A_793 = arith.mulf %parallel_loop3A_790, %parallel_loop3A_792 : vector<16xf32>
        %parallel_loop3A_794 = arith.index_cast %parallel_loop3A_162 : i32 to index
        %parallel_loop3A_795 = arith.constant 832 : index
        %parallel_loop3A_796 = tpu.vector_load %arg10[%parallel_loop3A_794, %parallel_loop3A_795] {strides = array<i32>} : memref<16x1024xf32, #tpu.memory_space<vmem>>, vector<1x16xf32>,
        %parallel_loop3A_797 = vector.shape_cast %parallel_loop3A_796 : vector<1x16xf32> to vector<16xf32>
        %parallel_loop3A_798 = vector.shape_cast %parallel_loop3A_793 : vector<16xf32> to vector<1x16xf32>
        tpu.vector_store %arg10[%parallel_loop3A_794, %parallel_loop3A_795], %parallel_loop3A_798 {strides = array<i32>} : memref<16x1024xf32, #tpu.memory_space<vmem>>, vector<1x16xf32>,
        %parallel_loop3A_799 = arith.index_cast %parallel_loop3A_162 : i32 to index
        %parallel_loop3A_800 = arith.constant 848 : index
        %parallel_loop3A_801 = tpu.vector_load %arg8[%parallel_loop3A_799, %parallel_loop3A_800] {strides = array<i32>} : memref<16x1024xf32, #tpu.memory_space<vmem>>, vector<1x16xf32>,
        %parallel_loop3A_802 = vector.shape_cast %parallel_loop3A_801 : vector<1x16xf32> to vector<16xf32>
        %parallel_loop3A_803 = arith.constant 3.200000e+01 : f32
        %parallel_loop3A_804 = vector.broadcast %parallel_loop3A_803 : f32 to vector<16xf32>
        %parallel_loop3A_805 = arith.mulf %parallel_loop3A_802, %parallel_loop3A_804 : vector<16xf32>
        %parallel_loop3A_806 = arith.index_cast %parallel_loop3A_162 : i32 to index
        %parallel_loop3A_807 = arith.constant 848 : index
        %parallel_loop3A_808 = tpu.vector_load %arg10[%parallel_loop3A_806, %parallel_loop3A_807] {strides = array<i32>} : memref<16x1024xf32, #tpu.memory_space<vmem>>, vector<1x16xf32>,
        %parallel_loop3A_809 = vector.shape_cast %parallel_loop3A_808 : vector<1x16xf32> to vector<16xf32>
        %parallel_loop3A_810 = vector.shape_cast %parallel_loop3A_805 : vector<16xf32> to vector<1x16xf32>
        tpu.vector_store %arg10[%parallel_loop3A_806, %parallel_loop3A_807], %parallel_loop3A_810 {strides = array<i32>} : memref<16x1024xf32, #tpu.memory_space<vmem>>, vector<1x16xf32>,
        %parallel_loop3A_811 = arith.index_cast %parallel_loop3A_162 : i32 to index
        %parallel_loop3A_812 = arith.constant 864 : index
        %parallel_loop3A_813 = tpu.vector_load %arg8[%parallel_loop3A_811, %parallel_loop3A_812] {strides = array<i32>} : memref<16x1024xf32, #tpu.memory_space<vmem>>, vector<1x16xf32>,
        %parallel_loop3A_814 = vector.shape_cast %parallel_loop3A_813 : vector<1x16xf32> to vector<16xf32>
        %parallel_loop3A_815 = arith.constant 3.200000e+01 : f32
        %parallel_loop3A_816 = vector.broadcast %parallel_loop3A_815 : f32 to vector<16xf32>
        %parallel_loop3A_817 = arith.mulf %parallel_loop3A_814, %parallel_loop3A_816 : vector<16xf32>
        %parallel_loop3A_818 = arith.index_cast %parallel_loop3A_162 : i32 to index
        %parallel_loop3A_819 = arith.constant 864 : index
        %parallel_loop3A_820 = tpu.vector_load %arg10[%parallel_loop3A_818, %parallel_loop3A_819] {strides = array<i32>} : memref<16x1024xf32, #tpu.memory_space<vmem>>, vector<1x16xf32>,
        %parallel_loop3A_821 = vector.shape_cast %parallel_loop3A_820 : vector<1x16xf32> to vector<16xf32>
        %parallel_loop3A_822 = vector.shape_cast %parallel_loop3A_817 : vector<16xf32> to vector<1x16xf32>
        tpu.vector_store %arg10[%parallel_loop3A_818, %parallel_loop3A_819], %parallel_loop3A_822 {strides = array<i32>} : memref<16x1024xf32, #tpu.memory_space<vmem>>, vector<1x16xf32>,
        %parallel_loop3A_823 = arith.index_cast %parallel_loop3A_162 : i32 to index
        %parallel_loop3A_824 = arith.constant 880 : index
        %parallel_loop3A_825 = tpu.vector_load %arg8[%parallel_loop3A_823, %parallel_loop3A_824] {strides = array<i32>} : memref<16x1024xf32, #tpu.memory_space<vmem>>, vector<1x16xf32>,
        %parallel_loop3A_826 = vector.shape_cast %parallel_loop3A_825 : vector<1x16xf32> to vector<16xf32>
        %parallel_loop3A_827 = arith.constant 3.200000e+01 : f32
        %parallel_loop3A_828 = vector.broadcast %parallel_loop3A_827 : f32 to vector<16xf32>
        %parallel_loop3A_829 = arith.mulf %parallel_loop3A_826, %parallel_loop3A_828 : vector<16xf32>
        %parallel_loop3A_830 = arith.index_cast %parallel_loop3A_162 : i32 to index
        %parallel_loop3A_831 = arith.constant 880 : index
        %parallel_loop3A_832 = tpu.vector_load %arg10[%parallel_loop3A_830, %parallel_loop3A_831] {strides = array<i32>} : memref<16x1024xf32, #tpu.memory_space<vmem>>, vector<1x16xf32>,
        %parallel_loop3A_833 = vector.shape_cast %parallel_loop3A_832 : vector<1x16xf32> to vector<16xf32>
        %parallel_loop3A_834 = vector.shape_cast %parallel_loop3A_829 : vector<16xf32> to vector<1x16xf32>
        tpu.vector_store %arg10[%parallel_loop3A_830, %parallel_loop3A_831], %parallel_loop3A_834 {strides = array<i32>} : memref<16x1024xf32, #tpu.memory_space<vmem>>, vector<1x16xf32>,
        %parallel_loop3A_835 = arith.index_cast %parallel_loop3A_162 : i32 to index
        %parallel_loop3A_836 = arith.constant 896 : index
        %parallel_loop3A_837 = tpu.vector_load %arg8[%parallel_loop3A_835, %parallel_loop3A_836] {strides = array<i32>} : memref<16x1024xf32, #tpu.memory_space<vmem>>, vector<1x16xf32>,
        %parallel_loop3A_838 = vector.shape_cast %parallel_loop3A_837 : vector<1x16xf32> to vector<16xf32>
        %parallel_loop3A_839 = arith.constant 3.200000e+01 : f32
        %parallel_loop3A_840 = vector.broadcast %parallel_loop3A_839 : f32 to vector<16xf32>
        %parallel_loop3A_841 = arith.mulf %parallel_loop3A_838, %parallel_loop3A_840 : vector<16xf32>
        %parallel_loop3A_842 = arith.index_cast %parallel_loop3A_162 : i32 to index
        %parallel_loop3A_843 = arith.constant 896 : index
        %parallel_loop3A_844 = tpu.vector_load %arg10[%parallel_loop3A_842, %parallel_loop3A_843] {strides = array<i32>} : memref<16x1024xf32, #tpu.memory_space<vmem>>, vector<1x16xf32>,
        %parallel_loop3A_845 = vector.shape_cast %parallel_loop3A_844 : vector<1x16xf32> to vector<16xf32>
        %parallel_loop3A_846 = vector.shape_cast %parallel_loop3A_841 : vector<16xf32> to vector<1x16xf32>
        tpu.vector_store %arg10[%parallel_loop3A_842, %parallel_loop3A_843], %parallel_loop3A_846 {strides = array<i32>} : memref<16x1024xf32, #tpu.memory_space<vmem>>, vector<1x16xf32>,
        %parallel_loop3A_847 = arith.index_cast %parallel_loop3A_162 : i32 to index
        %parallel_loop3A_848 = arith.constant 912 : index
        %parallel_loop3A_849 = tpu.vector_load %arg8[%parallel_loop3A_847, %parallel_loop3A_848] {strides = array<i32>} : memref<16x1024xf32, #tpu.memory_space<vmem>>, vector<1x16xf32>,
        %parallel_loop3A_850 = vector.shape_cast %parallel_loop3A_849 : vector<1x16xf32> to vector<16xf32>
        %parallel_loop3A_851 = arith.constant 3.200000e+01 : f32
        %parallel_loop3A_852 = vector.broadcast %parallel_loop3A_851 : f32 to vector<16xf32>
        %parallel_loop3A_853 = arith.mulf %parallel_loop3A_850, %parallel_loop3A_852 : vector<16xf32>
        %parallel_loop3A_854 = arith.index_cast %parallel_loop3A_162 : i32 to index
        %parallel_loop3A_855 = arith.constant 912 : index
        %parallel_loop3A_856 = tpu.vector_load %arg10[%parallel_loop3A_854, %parallel_loop3A_855] {strides = array<i32>} : memref<16x1024xf32, #tpu.memory_space<vmem>>, vector<1x16xf32>,
        %parallel_loop3A_857 = vector.shape_cast %parallel_loop3A_856 : vector<1x16xf32> to vector<16xf32>
        %parallel_loop3A_858 = vector.shape_cast %parallel_loop3A_853 : vector<16xf32> to vector<1x16xf32>
        tpu.vector_store %arg10[%parallel_loop3A_854, %parallel_loop3A_855], %parallel_loop3A_858 {strides = array<i32>} : memref<16x1024xf32, #tpu.memory_space<vmem>>, vector<1x16xf32>,
        %parallel_loop3A_859 = arith.index_cast %parallel_loop3A_162 : i32 to index
        %parallel_loop3A_860 = arith.constant 928 : index
        %parallel_loop3A_861 = tpu.vector_load %arg8[%parallel_loop3A_859, %parallel_loop3A_860] {strides = array<i32>} : memref<16x1024xf32, #tpu.memory_space<vmem>>, vector<1x16xf32>,
        %parallel_loop3A_862 = vector.shape_cast %parallel_loop3A_861 : vector<1x16xf32> to vector<16xf32>
        %parallel_loop3A_863 = arith.constant 3.200000e+01 : f32
        %parallel_loop3A_864 = vector.broadcast %parallel_loop3A_863 : f32 to vector<16xf32>
        %parallel_loop3A_865 = arith.mulf %parallel_loop3A_862, %parallel_loop3A_864 : vector<16xf32>
        %parallel_loop3A_866 = arith.index_cast %parallel_loop3A_162 : i32 to index
        %parallel_loop3A_867 = arith.constant 928 : index
        %parallel_loop3A_868 = tpu.vector_load %arg10[%parallel_loop3A_866, %parallel_loop3A_867] {strides = array<i32>} : memref<16x1024xf32, #tpu.memory_space<vmem>>, vector<1x16xf32>,
        %parallel_loop3A_869 = vector.shape_cast %parallel_loop3A_868 : vector<1x16xf32> to vector<16xf32>
        %parallel_loop3A_870 = vector.shape_cast %parallel_loop3A_865 : vector<16xf32> to vector<1x16xf32>
        tpu.vector_store %arg10[%parallel_loop3A_866, %parallel_loop3A_867], %parallel_loop3A_870 {strides = array<i32>} : memref<16x1024xf32, #tpu.memory_space<vmem>>, vector<1x16xf32>,
        %parallel_loop3A_871 = arith.index_cast %parallel_loop3A_162 : i32 to index
        %parallel_loop3A_872 = arith.constant 944 : index
        %parallel_loop3A_873 = tpu.vector_load %arg8[%parallel_loop3A_871, %parallel_loop3A_872] {strides = array<i32>} : memref<16x1024xf32, #tpu.memory_space<vmem>>, vector<1x16xf32>,
        %parallel_loop3A_874 = vector.shape_cast %parallel_loop3A_873 : vector<1x16xf32> to vector<16xf32>
        %parallel_loop3A_875 = arith.constant 3.200000e+01 : f32
        %parallel_loop3A_876 = vector.broadcast %parallel_loop3A_875 : f32 to vector<16xf32>
        %parallel_loop3A_877 = arith.mulf %parallel_loop3A_874, %parallel_loop3A_876 : vector<16xf32>
        %parallel_loop3A_878 = arith.index_cast %parallel_loop3A_162 : i32 to index
        %parallel_loop3A_879 = arith.constant 944 : index
        %parallel_loop3A_880 = tpu.vector_load %arg10[%parallel_loop3A_878, %parallel_loop3A_879] {strides = array<i32>} : memref<16x1024xf32, #tpu.memory_space<vmem>>, vector<1x16xf32>,
        %parallel_loop3A_881 = vector.shape_cast %parallel_loop3A_880 : vector<1x16xf32> to vector<16xf32>
        %parallel_loop3A_882 = vector.shape_cast %parallel_loop3A_877 : vector<16xf32> to vector<1x16xf32>
        tpu.vector_store %arg10[%parallel_loop3A_878, %parallel_loop3A_879], %parallel_loop3A_882 {strides = array<i32>} : memref<16x1024xf32, #tpu.memory_space<vmem>>, vector<1x16xf32>,
        %parallel_loop3A_883 = arith.index_cast %parallel_loop3A_162 : i32 to index
        %parallel_loop3A_884 = arith.constant 960 : index
        %parallel_loop3A_885 = tpu.vector_load %arg8[%parallel_loop3A_883, %parallel_loop3A_884] {strides = array<i32>} : memref<16x1024xf32, #tpu.memory_space<vmem>>, vector<1x16xf32>,
        %parallel_loop3A_886 = vector.shape_cast %parallel_loop3A_885 : vector<1x16xf32> to vector<16xf32>
        %parallel_loop3A_887 = arith.constant 3.200000e+01 : f32
        %parallel_loop3A_888 = vector.broadcast %parallel_loop3A_887 : f32 to vector<16xf32>
        %parallel_loop3A_889 = arith.mulf %parallel_loop3A_886, %parallel_loop3A_888 : vector<16xf32>
        %parallel_loop3A_890 = arith.index_cast %parallel_loop3A_162 : i32 to index
        %parallel_loop3A_891 = arith.constant 960 : index
        %parallel_loop3A_892 = tpu.vector_load %arg10[%parallel_loop3A_890, %parallel_loop3A_891] {strides = array<i32>} : memref<16x1024xf32, #tpu.memory_space<vmem>>, vector<1x16xf32>,
        %parallel_loop3A_893 = vector.shape_cast %parallel_loop3A_892 : vector<1x16xf32> to vector<16xf32>
        %parallel_loop3A_894 = vector.shape_cast %parallel_loop3A_889 : vector<16xf32> to vector<1x16xf32>
        tpu.vector_store %arg10[%parallel_loop3A_890, %parallel_loop3A_891], %parallel_loop3A_894 {strides = array<i32>} : memref<16x1024xf32, #tpu.memory_space<vmem>>, vector<1x16xf32>,
        %parallel_loop3A_895 = arith.index_cast %parallel_loop3A_162 : i32 to index
        %parallel_loop3A_896 = arith.constant 976 : index
        %parallel_loop3A_897 = tpu.vector_load %arg8[%parallel_loop3A_895, %parallel_loop3A_896] {strides = array<i32>} : memref<16x1024xf32, #tpu.memory_space<vmem>>, vector<1x16xf32>,
        %parallel_loop3A_898 = vector.shape_cast %parallel_loop3A_897 : vector<1x16xf32> to vector<16xf32>
        %parallel_loop3A_899 = arith.constant 3.200000e+01 : f32
        %parallel_loop3A_900 = vector.broadcast %parallel_loop3A_899 : f32 to vector<16xf32>
        %parallel_loop3A_901 = arith.mulf %parallel_loop3A_898, %parallel_loop3A_900 : vector<16xf32>
        %parallel_loop3A_902 = arith.index_cast %parallel_loop3A_162 : i32 to index
        %parallel_loop3A_903 = arith.constant 976 : index
        %parallel_loop3A_904 = tpu.vector_load %arg10[%parallel_loop3A_902, %parallel_loop3A_903] {strides = array<i32>} : memref<16x1024xf32, #tpu.memory_space<vmem>>, vector<1x16xf32>,
        %parallel_loop3A_905 = vector.shape_cast %parallel_loop3A_904 : vector<1x16xf32> to vector<16xf32>
        %parallel_loop3A_906 = vector.shape_cast %parallel_loop3A_901 : vector<16xf32> to vector<1x16xf32>
        tpu.vector_store %arg10[%parallel_loop3A_902, %parallel_loop3A_903], %parallel_loop3A_906 {strides = array<i32>} : memref<16x1024xf32, #tpu.memory_space<vmem>>, vector<1x16xf32>,
        %parallel_loop3A_907 = arith.index_cast %parallel_loop3A_162 : i32 to index
        %parallel_loop3A_908 = arith.constant 992 : index
        %parallel_loop3A_909 = tpu.vector_load %arg8[%parallel_loop3A_907, %parallel_loop3A_908] {strides = array<i32>} : memref<16x1024xf32, #tpu.memory_space<vmem>>, vector<1x16xf32>,
        %parallel_loop3A_910 = vector.shape_cast %parallel_loop3A_909 : vector<1x16xf32> to vector<16xf32>
        %parallel_loop3A_911 = arith.constant 3.200000e+01 : f32
        %parallel_loop3A_912 = vector.broadcast %parallel_loop3A_911 : f32 to vector<16xf32>
        %parallel_loop3A_913 = arith.mulf %parallel_loop3A_910, %parallel_loop3A_912 : vector<16xf32>
        %parallel_loop3A_914 = arith.index_cast %parallel_loop3A_162 : i32 to index
        %parallel_loop3A_915 = arith.constant 992 : index
        %parallel_loop3A_916 = tpu.vector_load %arg10[%parallel_loop3A_914, %parallel_loop3A_915] {strides = array<i32>} : memref<16x1024xf32, #tpu.memory_space<vmem>>, vector<1x16xf32>,
        %parallel_loop3A_917 = vector.shape_cast %parallel_loop3A_916 : vector<1x16xf32> to vector<16xf32>
        %parallel_loop3A_918 = vector.shape_cast %parallel_loop3A_913 : vector<16xf32> to vector<1x16xf32>
        tpu.vector_store %arg10[%parallel_loop3A_914, %parallel_loop3A_915], %parallel_loop3A_918 {strides = array<i32>} : memref<16x1024xf32, #tpu.memory_space<vmem>>, vector<1x16xf32>,
        %parallel_loop3A_919 = arith.index_cast %parallel_loop3A_162 : i32 to index
        %parallel_loop3A_920 = arith.constant 1008 : index
        %parallel_loop3A_921 = tpu.vector_load %arg8[%parallel_loop3A_919, %parallel_loop3A_920] {strides = array<i32>} : memref<16x1024xf32, #tpu.memory_space<vmem>>, vector<1x16xf32>,
        %parallel_loop3A_922 = vector.shape_cast %parallel_loop3A_921 : vector<1x16xf32> to vector<16xf32>
        %parallel_loop3A_923 = arith.constant 3.200000e+01 : f32
        %parallel_loop3A_924 = vector.broadcast %parallel_loop3A_923 : f32 to vector<16xf32>
        %parallel_loop3A_925 = arith.mulf %parallel_loop3A_922, %parallel_loop3A_924 : vector<16xf32>
        %parallel_loop3A_926 = arith.index_cast %parallel_loop3A_162 : i32 to index
        %parallel_loop3A_927 = arith.constant 1008 : index
        %parallel_loop3A_928 = tpu.vector_load %arg10[%parallel_loop3A_926, %parallel_loop3A_927] {strides = array<i32>} : memref<16x1024xf32, #tpu.memory_space<vmem>>, vector<1x16xf32>,
        %parallel_loop3A_929 = vector.shape_cast %parallel_loop3A_928 : vector<1x16xf32> to vector<16xf32>
        %parallel_loop3A_930 = vector.shape_cast %parallel_loop3A_925 : vector<16xf32> to vector<1x16xf32>
        tpu.vector_store %arg10[%parallel_loop3A_926, %parallel_loop3A_927], %parallel_loop3A_930 {strides = array<i32>} : memref<16x1024xf32, #tpu.memory_space<vmem>>, vector<1x16xf32>,
      } {sc.loop_unroll_factor = 1 : i64, sc.parallel_access}
      %mul3A_116 = arith.constant 16 : i32
      %mul3A_117 = arith.muli %add3A_101, %mul3A_116 : i32
      %add3A_118 = arith.addi %mul3A_2, %mul3A_117 : i32
      %dma_start3A_119 = arith.constant 0 : i32
      %dma_start3A_120 = tpu.memref_slice %arg4[%add3A_118, %dma_start3A_119] : memref<8192x1024xf32, #tpu.memory_space<hbm>> -> memref<16x1024xf32, #tpu.memory_space<hbm>>
      %dma_start3A_121 = arith.constant 0 : i32
      %dma_start3A_122 = tpu.memref_slice %arg4[%add3A_118, %dma_start3A_121] : memref<8192x1024xf32, #tpu.memory_space<hbm>> -> memref<16x1024xf32, #tpu.memory_space<hbm>>
      tpu.enqueue_dma source(%arg10 : memref<16x1024xf32, #tpu.memory_space<vmem>>) target(%dma_start3A_122 : memref<16x1024xf32, #tpu.memory_space<hbm>>) target_semaphore(%arg16 : memref<!tpu.dma_semaphore, #tpu.memory_space<semaphore_mem>>)
      %add3A_123 = arith.constant 4 : i32
      %add3A_124 = arith.addi %add3A_101, %add3A_123 : i32
      %lt3A_125 = arith.constant 16 : i32
      %lt3A_126 = arith.cmpi slt, %add3A_124, %lt3A_125 : i32
      %convert_element_type3A_127 = arith.extui %lt3A_126 : i1 to i32
      %cond3A_128 = arith.constant 0 : i32
      %cond3A_129 = arith.cmpi ne, %convert_element_type3A_127, %cond3A_128 : i32
      scf.if %cond3A_129 {
        %add3A_162 = arith.constant 4 : i32
        %add3A_163 = arith.addi %add3A_101, %add3A_162 : i32
        %mul3A_164 = arith.constant 16 : i32
        %mul3A_165 = arith.muli %add3A_163, %mul3A_164 : i32
        %dma_start3A_166 = tpu.memref_slice %arg5[%mul3A_165] : memref<256xi32, #tpu.memory_space<vmem>> -> memref<16xi32, #tpu.memory_space<vmem>>
        %dma_start3A_167 = arith.constant 0 : i32
        %dma_start3A_168 = arith.constant 0 : i32
        %dma_start3A_169 = tpu.memref_slice %arg2[%dma_start3A_167, %dma_start3A_168] : memref<100000x1024xf32, #tpu.memory_space<hbm>> -> memref<100000x1024xf32, #tpu.memory_space<hbm>>
        tpu.enqueue_indirect_dma source(%dma_start3A_169 : memref<100000x1024xf32, #tpu.memory_space<hbm>>) target(%arg8 : memref<16x1024xf32, #tpu.memory_space<vmem>>) offsets(%dma_start3A_166 : memref<16xi32, #tpu.memory_space<vmem>>) semaphore(%arg14 : memref<!tpu.dma_semaphore, #tpu.memory_space<semaphore_mem>>)
      } else {
      }
      %mul3A_130 = arith.constant 4 : i32
      %mul3A_131 = arith.muli %scan3A_38, %mul3A_130 : i32
      %add3A_132 = arith.constant 3 : i32
      %add3A_133 = arith.addi %mul3A_131, %add3A_132 : i32
      %mul3A_134 = arith.constant 16 : i32
      %mul3A_135 = arith.muli %add3A_133, %mul3A_134 : i32
      %dma_wait3A_136 = tpu.memref_slice %arg5[%mul3A_135] : memref<256xi32, #tpu.memory_space<vmem>> -> memref<16xi32, #tpu.memory_space<vmem>>
      %dma_wait3A_137 = arith.constant 0 : i32
      %dma_wait3A_138 = arith.constant 0 : i32
      %dma_wait3A_139 = tpu.memref_slice %arg2[%dma_wait3A_137, %dma_wait3A_138] : memref<100000x1024xf32, #tpu.memory_space<hbm>> -> memref<100000x1024xf32, #tpu.memory_space<hbm>>
      tpu.wait_indirect_dma semaphore(%arg15 : memref<!tpu.dma_semaphore, #tpu.memory_space<semaphore_mem>>) src(%dma_wait3A_139 : memref<100000x1024xf32, #tpu.memory_space<hbm>>) dst(%arg9 : memref<16x1024xf32, #tpu.memory_space<vmem>>)
      %ge3A_140 = arith.constant 2 : i32
      %ge3A_141 = arith.cmpi sge, %add3A_133, %ge3A_140 : i32
      %convert_element_type3A_142 = arith.extui %ge3A_141 : i1 to i32
      %cond3A_143 = arith.constant 0 : i32
      %cond3A_144 = arith.cmpi ne, %convert_element_type3A_142, %cond3A_143 : i32
      scf.if %cond3A_144 {
        %mul3A_162 = arith.constant 16 : i32
        %mul3A_163 = arith.muli %add3A_133, %mul3A_162 : i32
        %add3A_164 = arith.addi %mul3A_2, %mul3A_163 : i32
        %dma_wait3A_165 = arith.constant 0 : i32
        %dma_wait3A_166 = tpu.memref_slice %arg4[%add3A_164, %dma_wait3A_165] : memref<8192x1024xf32, #tpu.memory_space<hbm>> -> memref<16x1024xf32, #tpu.memory_space<hbm>>
        %dma_wait3A_167 = arith.constant 0 : i32
        %dma_wait3A_168 = tpu.memref_slice %arg4[%add3A_164, %dma_wait3A_167] : memref<8192x1024xf32, #tpu.memory_space<hbm>> -> memref<16x1024xf32, #tpu.memory_space<hbm>>
        tpu.wait_dma2 semaphore(%arg17 : memref<!tpu.dma_semaphore, #tpu.memory_space<semaphore_mem>>) src(%arg11 : memref<16x1024xf32, #tpu.memory_space<vmem>>) dst(%dma_wait3A_168 : memref<16x1024xf32, #tpu.memory_space<hbm>>)
      } else {
      }
      %parallel_loop3A_145 = arith.constant 0 : i32
      %parallel_loop3A_146 = arith.constant 16 : i32
      %parallel_loop3A_147 = arith.constant 1 : i32
      scf.for %parallel_loop3A_162 = %parallel_loop3A_145 to %parallel_loop3A_146 step %parallel_loop3A_147  : i32 {
        %parallel_loop3A_163 = arith.index_cast %parallel_loop3A_162 : i32 to index
        %parallel_loop3A_164 = arith.constant 0 : index
        %parallel_loop3A_165 = tpu.vector_load %arg9[%parallel_loop3A_163, %parallel_loop3A_164] {strides = array<i32>} : memref<16x1024xf32, #tpu.memory_space<vmem>>, vector<1x16xf32>,
        %parallel_loop3A_166 = vector.shape_cast %parallel_loop3A_165 : vector<1x16xf32> to vector<16xf32>
        %parallel_loop3A_167 = arith.constant 3.200000e+01 : f32
        %parallel_loop3A_168 = vector.broadcast %parallel_loop3A_167 : f32 to vector<16xf32>
        %parallel_loop3A_169 = arith.mulf %parallel_loop3A_166, %parallel_loop3A_168 : vector<16xf32>
        %parallel_loop3A_170 = arith.index_cast %parallel_loop3A_162 : i32 to index
        %parallel_loop3A_171 = arith.constant 0 : index
        %parallel_loop3A_172 = tpu.vector_load %arg11[%parallel_loop3A_170, %parallel_loop3A_171] {strides = array<i32>} : memref<16x1024xf32, #tpu.memory_space<vmem>>, vector<1x16xf32>,
        %parallel_loop3A_173 = vector.shape_cast %parallel_loop3A_172 : vector<1x16xf32> to vector<16xf32>
        %parallel_loop3A_174 = vector.shape_cast %parallel_loop3A_169 : vector<16xf32> to vector<1x16xf32>
        tpu.vector_store %arg11[%parallel_loop3A_170, %parallel_loop3A_171], %parallel_loop3A_174 {strides = array<i32>} : memref<16x1024xf32, #tpu.memory_space<vmem>>, vector<1x16xf32>,
        %parallel_loop3A_175 = arith.index_cast %parallel_loop3A_162 : i32 to index
        %parallel_loop3A_176 = arith.constant 16 : index
        %parallel_loop3A_177 = tpu.vector_load %arg9[%parallel_loop3A_175, %parallel_loop3A_176] {strides = array<i32>} : memref<16x1024xf32, #tpu.memory_space<vmem>>, vector<1x16xf32>,
        %parallel_loop3A_178 = vector.shape_cast %parallel_loop3A_177 : vector<1x16xf32> to vector<16xf32>
        %parallel_loop3A_179 = arith.constant 3.200000e+01 : f32
        %parallel_loop3A_180 = vector.broadcast %parallel_loop3A_179 : f32 to vector<16xf32>
        %parallel_loop3A_181 = arith.mulf %parallel_loop3A_178, %parallel_loop3A_180 : vector<16xf32>
        %parallel_loop3A_182 = arith.index_cast %parallel_loop3A_162 : i32 to index
        %parallel_loop3A_183 = arith.constant 16 : index
        %parallel_loop3A_184 = tpu.vector_load %arg11[%parallel_loop3A_182, %parallel_loop3A_183] {strides = array<i32>} : memref<16x1024xf32, #tpu.memory_space<vmem>>, vector<1x16xf32>,
        %parallel_loop3A_185 = vector.shape_cast %parallel_loop3A_184 : vector<1x16xf32> to vector<16xf32>
        %parallel_loop3A_186 = vector.shape_cast %parallel_loop3A_181 : vector<16xf32> to vector<1x16xf32>
        tpu.vector_store %arg11[%parallel_loop3A_182, %parallel_loop3A_183], %parallel_loop3A_186 {strides = array<i32>} : memref<16x1024xf32, #tpu.memory_space<vmem>>, vector<1x16xf32>,
        %parallel_loop3A_187 = arith.index_cast %parallel_loop3A_162 : i32 to index
        %parallel_loop3A_188 = arith.constant 32 : index
        %parallel_loop3A_189 = tpu.vector_load %arg9[%parallel_loop3A_187, %parallel_loop3A_188] {strides = array<i32>} : memref<16x1024xf32, #tpu.memory_space<vmem>>, vector<1x16xf32>,
        %parallel_loop3A_190 = vector.shape_cast %parallel_loop3A_189 : vector<1x16xf32> to vector<16xf32>
        %parallel_loop3A_191 = arith.constant 3.200000e+01 : f32
        %parallel_loop3A_192 = vector.broadcast %parallel_loop3A_191 : f32 to vector<16xf32>
        %parallel_loop3A_193 = arith.mulf %parallel_loop3A_190, %parallel_loop3A_192 : vector<16xf32>
        %parallel_loop3A_194 = arith.index_cast %parallel_loop3A_162 : i32 to index
        %parallel_loop3A_195 = arith.constant 32 : index
        %parallel_loop3A_196 = tpu.vector_load %arg11[%parallel_loop3A_194, %parallel_loop3A_195] {strides = array<i32>} : memref<16x1024xf32, #tpu.memory_space<vmem>>, vector<1x16xf32>,
        %parallel_loop3A_197 = vector.shape_cast %parallel_loop3A_196 : vector<1x16xf32> to vector<16xf32>
        %parallel_loop3A_198 = vector.shape_cast %parallel_loop3A_193 : vector<16xf32> to vector<1x16xf32>
        tpu.vector_store %arg11[%parallel_loop3A_194, %parallel_loop3A_195], %parallel_loop3A_198 {strides = array<i32>} : memref<16x1024xf32, #tpu.memory_space<vmem>>, vector<1x16xf32>,
        %parallel_loop3A_199 = arith.index_cast %parallel_loop3A_162 : i32 to index
        %parallel_loop3A_200 = arith.constant 48 : index
        %parallel_loop3A_201 = tpu.vector_load %arg9[%parallel_loop3A_199, %parallel_loop3A_200] {strides = array<i32>} : memref<16x1024xf32, #tpu.memory_space<vmem>>, vector<1x16xf32>,
        %parallel_loop3A_202 = vector.shape_cast %parallel_loop3A_201 : vector<1x16xf32> to vector<16xf32>
        %parallel_loop3A_203 = arith.constant 3.200000e+01 : f32
        %parallel_loop3A_204 = vector.broadcast %parallel_loop3A_203 : f32 to vector<16xf32>
        %parallel_loop3A_205 = arith.mulf %parallel_loop3A_202, %parallel_loop3A_204 : vector<16xf32>
        %parallel_loop3A_206 = arith.index_cast %parallel_loop3A_162 : i32 to index
        %parallel_loop3A_207 = arith.constant 48 : index
        %parallel_loop3A_208 = tpu.vector_load %arg11[%parallel_loop3A_206, %parallel_loop3A_207] {strides = array<i32>} : memref<16x1024xf32, #tpu.memory_space<vmem>>, vector<1x16xf32>,
        %parallel_loop3A_209 = vector.shape_cast %parallel_loop3A_208 : vector<1x16xf32> to vector<16xf32>
        %parallel_loop3A_210 = vector.shape_cast %parallel_loop3A_205 : vector<16xf32> to vector<1x16xf32>
        tpu.vector_store %arg11[%parallel_loop3A_206, %parallel_loop3A_207], %parallel_loop3A_210 {strides = array<i32>} : memref<16x1024xf32, #tpu.memory_space<vmem>>, vector<1x16xf32>,
        %parallel_loop3A_211 = arith.index_cast %parallel_loop3A_162 : i32 to index
        %parallel_loop3A_212 = arith.constant 64 : index
        %parallel_loop3A_213 = tpu.vector_load %arg9[%parallel_loop3A_211, %parallel_loop3A_212] {strides = array<i32>} : memref<16x1024xf32, #tpu.memory_space<vmem>>, vector<1x16xf32>,
        %parallel_loop3A_214 = vector.shape_cast %parallel_loop3A_213 : vector<1x16xf32> to vector<16xf32>
        %parallel_loop3A_215 = arith.constant 3.200000e+01 : f32
        %parallel_loop3A_216 = vector.broadcast %parallel_loop3A_215 : f32 to vector<16xf32>
        %parallel_loop3A_217 = arith.mulf %parallel_loop3A_214, %parallel_loop3A_216 : vector<16xf32>
        %parallel_loop3A_218 = arith.index_cast %parallel_loop3A_162 : i32 to index
        %parallel_loop3A_219 = arith.constant 64 : index
        %parallel_loop3A_220 = tpu.vector_load %arg11[%parallel_loop3A_218, %parallel_loop3A_219] {strides = array<i32>} : memref<16x1024xf32, #tpu.memory_space<vmem>>, vector<1x16xf32>,
        %parallel_loop3A_221 = vector.shape_cast %parallel_loop3A_220 : vector<1x16xf32> to vector<16xf32>
        %parallel_loop3A_222 = vector.shape_cast %parallel_loop3A_217 : vector<16xf32> to vector<1x16xf32>
        tpu.vector_store %arg11[%parallel_loop3A_218, %parallel_loop3A_219], %parallel_loop3A_222 {strides = array<i32>} : memref<16x1024xf32, #tpu.memory_space<vmem>>, vector<1x16xf32>,
        %parallel_loop3A_223 = arith.index_cast %parallel_loop3A_162 : i32 to index
        %parallel_loop3A_224 = arith.constant 80 : index
        %parallel_loop3A_225 = tpu.vector_load %arg9[%parallel_loop3A_223, %parallel_loop3A_224] {strides = array<i32>} : memref<16x1024xf32, #tpu.memory_space<vmem>>, vector<1x16xf32>,
        %parallel_loop3A_226 = vector.shape_cast %parallel_loop3A_225 : vector<1x16xf32> to vector<16xf32>
        %parallel_loop3A_227 = arith.constant 3.200000e+01 : f32
        %parallel_loop3A_228 = vector.broadcast %parallel_loop3A_227 : f32 to vector<16xf32>
        %parallel_loop3A_229 = arith.mulf %parallel_loop3A_226, %parallel_loop3A_228 : vector<16xf32>
        %parallel_loop3A_230 = arith.index_cast %parallel_loop3A_162 : i32 to index
        %parallel_loop3A_231 = arith.constant 80 : index
        %parallel_loop3A_232 = tpu.vector_load %arg11[%parallel_loop3A_230, %parallel_loop3A_231] {strides = array<i32>} : memref<16x1024xf32, #tpu.memory_space<vmem>>, vector<1x16xf32>,
        %parallel_loop3A_233 = vector.shape_cast %parallel_loop3A_232 : vector<1x16xf32> to vector<16xf32>
        %parallel_loop3A_234 = vector.shape_cast %parallel_loop3A_229 : vector<16xf32> to vector<1x16xf32>
        tpu.vector_store %arg11[%parallel_loop3A_230, %parallel_loop3A_231], %parallel_loop3A_234 {strides = array<i32>} : memref<16x1024xf32, #tpu.memory_space<vmem>>, vector<1x16xf32>,
        %parallel_loop3A_235 = arith.index_cast %parallel_loop3A_162 : i32 to index
        %parallel_loop3A_236 = arith.constant 96 : index
        %parallel_loop3A_237 = tpu.vector_load %arg9[%parallel_loop3A_235, %parallel_loop3A_236] {strides = array<i32>} : memref<16x1024xf32, #tpu.memory_space<vmem>>, vector<1x16xf32>,
        %parallel_loop3A_238 = vector.shape_cast %parallel_loop3A_237 : vector<1x16xf32> to vector<16xf32>
        %parallel_loop3A_239 = arith.constant 3.200000e+01 : f32
        %parallel_loop3A_240 = vector.broadcast %parallel_loop3A_239 : f32 to vector<16xf32>
        %parallel_loop3A_241 = arith.mulf %parallel_loop3A_238, %parallel_loop3A_240 : vector<16xf32>
        %parallel_loop3A_242 = arith.index_cast %parallel_loop3A_162 : i32 to index
        %parallel_loop3A_243 = arith.constant 96 : index
        %parallel_loop3A_244 = tpu.vector_load %arg11[%parallel_loop3A_242, %parallel_loop3A_243] {strides = array<i32>} : memref<16x1024xf32, #tpu.memory_space<vmem>>, vector<1x16xf32>,
        %parallel_loop3A_245 = vector.shape_cast %parallel_loop3A_244 : vector<1x16xf32> to vector<16xf32>
        %parallel_loop3A_246 = vector.shape_cast %parallel_loop3A_241 : vector<16xf32> to vector<1x16xf32>
        tpu.vector_store %arg11[%parallel_loop3A_242, %parallel_loop3A_243], %parallel_loop3A_246 {strides = array<i32>} : memref<16x1024xf32, #tpu.memory_space<vmem>>, vector<1x16xf32>,
        %parallel_loop3A_247 = arith.index_cast %parallel_loop3A_162 : i32 to index
        %parallel_loop3A_248 = arith.constant 112 : index
        %parallel_loop3A_249 = tpu.vector_load %arg9[%parallel_loop3A_247, %parallel_loop3A_248] {strides = array<i32>} : memref<16x1024xf32, #tpu.memory_space<vmem>>, vector<1x16xf32>,
        %parallel_loop3A_250 = vector.shape_cast %parallel_loop3A_249 : vector<1x16xf32> to vector<16xf32>
        %parallel_loop3A_251 = arith.constant 3.200000e+01 : f32
        %parallel_loop3A_252 = vector.broadcast %parallel_loop3A_251 : f32 to vector<16xf32>
        %parallel_loop3A_253 = arith.mulf %parallel_loop3A_250, %parallel_loop3A_252 : vector<16xf32>
        %parallel_loop3A_254 = arith.index_cast %parallel_loop3A_162 : i32 to index
        %parallel_loop3A_255 = arith.constant 112 : index
        %parallel_loop3A_256 = tpu.vector_load %arg11[%parallel_loop3A_254, %parallel_loop3A_255] {strides = array<i32>} : memref<16x1024xf32, #tpu.memory_space<vmem>>, vector<1x16xf32>,
        %parallel_loop3A_257 = vector.shape_cast %parallel_loop3A_256 : vector<1x16xf32> to vector<16xf32>
        %parallel_loop3A_258 = vector.shape_cast %parallel_loop3A_253 : vector<16xf32> to vector<1x16xf32>
        tpu.vector_store %arg11[%parallel_loop3A_254, %parallel_loop3A_255], %parallel_loop3A_258 {strides = array<i32>} : memref<16x1024xf32, #tpu.memory_space<vmem>>, vector<1x16xf32>,
        %parallel_loop3A_259 = arith.index_cast %parallel_loop3A_162 : i32 to index
        %parallel_loop3A_260 = arith.constant 128 : index
        %parallel_loop3A_261 = tpu.vector_load %arg9[%parallel_loop3A_259, %parallel_loop3A_260] {strides = array<i32>} : memref<16x1024xf32, #tpu.memory_space<vmem>>, vector<1x16xf32>,
        %parallel_loop3A_262 = vector.shape_cast %parallel_loop3A_261 : vector<1x16xf32> to vector<16xf32>
        %parallel_loop3A_263 = arith.constant 3.200000e+01 : f32
        %parallel_loop3A_264 = vector.broadcast %parallel_loop3A_263 : f32 to vector<16xf32>
        %parallel_loop3A_265 = arith.mulf %parallel_loop3A_262, %parallel_loop3A_264 : vector<16xf32>
        %parallel_loop3A_266 = arith.index_cast %parallel_loop3A_162 : i32 to index
        %parallel_loop3A_267 = arith.constant 128 : index
        %parallel_loop3A_268 = tpu.vector_load %arg11[%parallel_loop3A_266, %parallel_loop3A_267] {strides = array<i32>} : memref<16x1024xf32, #tpu.memory_space<vmem>>, vector<1x16xf32>,
        %parallel_loop3A_269 = vector.shape_cast %parallel_loop3A_268 : vector<1x16xf32> to vector<16xf32>
        %parallel_loop3A_270 = vector.shape_cast %parallel_loop3A_265 : vector<16xf32> to vector<1x16xf32>
        tpu.vector_store %arg11[%parallel_loop3A_266, %parallel_loop3A_267], %parallel_loop3A_270 {strides = array<i32>} : memref<16x1024xf32, #tpu.memory_space<vmem>>, vector<1x16xf32>,
        %parallel_loop3A_271 = arith.index_cast %parallel_loop3A_162 : i32 to index
        %parallel_loop3A_272 = arith.constant 144 : index
        %parallel_loop3A_273 = tpu.vector_load %arg9[%parallel_loop3A_271, %parallel_loop3A_272] {strides = array<i32>} : memref<16x1024xf32, #tpu.memory_space<vmem>>, vector<1x16xf32>,
        %parallel_loop3A_274 = vector.shape_cast %parallel_loop3A_273 : vector<1x16xf32> to vector<16xf32>
        %parallel_loop3A_275 = arith.constant 3.200000e+01 : f32
        %parallel_loop3A_276 = vector.broadcast %parallel_loop3A_275 : f32 to vector<16xf32>
        %parallel_loop3A_277 = arith.mulf %parallel_loop3A_274, %parallel_loop3A_276 : vector<16xf32>
        %parallel_loop3A_278 = arith.index_cast %parallel_loop3A_162 : i32 to index
        %parallel_loop3A_279 = arith.constant 144 : index
        %parallel_loop3A_280 = tpu.vector_load %arg11[%parallel_loop3A_278, %parallel_loop3A_279] {strides = array<i32>} : memref<16x1024xf32, #tpu.memory_space<vmem>>, vector<1x16xf32>,
        %parallel_loop3A_281 = vector.shape_cast %parallel_loop3A_280 : vector<1x16xf32> to vector<16xf32>
        %parallel_loop3A_282 = vector.shape_cast %parallel_loop3A_277 : vector<16xf32> to vector<1x16xf32>
        tpu.vector_store %arg11[%parallel_loop3A_278, %parallel_loop3A_279], %parallel_loop3A_282 {strides = array<i32>} : memref<16x1024xf32, #tpu.memory_space<vmem>>, vector<1x16xf32>,
        %parallel_loop3A_283 = arith.index_cast %parallel_loop3A_162 : i32 to index
        %parallel_loop3A_284 = arith.constant 160 : index
        %parallel_loop3A_285 = tpu.vector_load %arg9[%parallel_loop3A_283, %parallel_loop3A_284] {strides = array<i32>} : memref<16x1024xf32, #tpu.memory_space<vmem>>, vector<1x16xf32>,
        %parallel_loop3A_286 = vector.shape_cast %parallel_loop3A_285 : vector<1x16xf32> to vector<16xf32>
        %parallel_loop3A_287 = arith.constant 3.200000e+01 : f32
        %parallel_loop3A_288 = vector.broadcast %parallel_loop3A_287 : f32 to vector<16xf32>
        %parallel_loop3A_289 = arith.mulf %parallel_loop3A_286, %parallel_loop3A_288 : vector<16xf32>
        %parallel_loop3A_290 = arith.index_cast %parallel_loop3A_162 : i32 to index
        %parallel_loop3A_291 = arith.constant 160 : index
        %parallel_loop3A_292 = tpu.vector_load %arg11[%parallel_loop3A_290, %parallel_loop3A_291] {strides = array<i32>} : memref<16x1024xf32, #tpu.memory_space<vmem>>, vector<1x16xf32>,
        %parallel_loop3A_293 = vector.shape_cast %parallel_loop3A_292 : vector<1x16xf32> to vector<16xf32>
        %parallel_loop3A_294 = vector.shape_cast %parallel_loop3A_289 : vector<16xf32> to vector<1x16xf32>
        tpu.vector_store %arg11[%parallel_loop3A_290, %parallel_loop3A_291], %parallel_loop3A_294 {strides = array<i32>} : memref<16x1024xf32, #tpu.memory_space<vmem>>, vector<1x16xf32>,
        %parallel_loop3A_295 = arith.index_cast %parallel_loop3A_162 : i32 to index
        %parallel_loop3A_296 = arith.constant 176 : index
        %parallel_loop3A_297 = tpu.vector_load %arg9[%parallel_loop3A_295, %parallel_loop3A_296] {strides = array<i32>} : memref<16x1024xf32, #tpu.memory_space<vmem>>, vector<1x16xf32>,
        %parallel_loop3A_298 = vector.shape_cast %parallel_loop3A_297 : vector<1x16xf32> to vector<16xf32>
        %parallel_loop3A_299 = arith.constant 3.200000e+01 : f32
        %parallel_loop3A_300 = vector.broadcast %parallel_loop3A_299 : f32 to vector<16xf32>
        %parallel_loop3A_301 = arith.mulf %parallel_loop3A_298, %parallel_loop3A_300 : vector<16xf32>
        %parallel_loop3A_302 = arith.index_cast %parallel_loop3A_162 : i32 to index
        %parallel_loop3A_303 = arith.constant 176 : index
        %parallel_loop3A_304 = tpu.vector_load %arg11[%parallel_loop3A_302, %parallel_loop3A_303] {strides = array<i32>} : memref<16x1024xf32, #tpu.memory_space<vmem>>, vector<1x16xf32>,
        %parallel_loop3A_305 = vector.shape_cast %parallel_loop3A_304 : vector<1x16xf32> to vector<16xf32>
        %parallel_loop3A_306 = vector.shape_cast %parallel_loop3A_301 : vector<16xf32> to vector<1x16xf32>
        tpu.vector_store %arg11[%parallel_loop3A_302, %parallel_loop3A_303], %parallel_loop3A_306 {strides = array<i32>} : memref<16x1024xf32, #tpu.memory_space<vmem>>, vector<1x16xf32>,
        %parallel_loop3A_307 = arith.index_cast %parallel_loop3A_162 : i32 to index
        %parallel_loop3A_308 = arith.constant 192 : index
        %parallel_loop3A_309 = tpu.vector_load %arg9[%parallel_loop3A_307, %parallel_loop3A_308] {strides = array<i32>} : memref<16x1024xf32, #tpu.memory_space<vmem>>, vector<1x16xf32>,
        %parallel_loop3A_310 = vector.shape_cast %parallel_loop3A_309 : vector<1x16xf32> to vector<16xf32>
        %parallel_loop3A_311 = arith.constant 3.200000e+01 : f32
        %parallel_loop3A_312 = vector.broadcast %parallel_loop3A_311 : f32 to vector<16xf32>
        %parallel_loop3A_313 = arith.mulf %parallel_loop3A_310, %parallel_loop3A_312 : vector<16xf32>
        %parallel_loop3A_314 = arith.index_cast %parallel_loop3A_162 : i32 to index
        %parallel_loop3A_315 = arith.constant 192 : index
        %parallel_loop3A_316 = tpu.vector_load %arg11[%parallel_loop3A_314, %parallel_loop3A_315] {strides = array<i32>} : memref<16x1024xf32, #tpu.memory_space<vmem>>, vector<1x16xf32>,
        %parallel_loop3A_317 = vector.shape_cast %parallel_loop3A_316 : vector<1x16xf32> to vector<16xf32>
        %parallel_loop3A_318 = vector.shape_cast %parallel_loop3A_313 : vector<16xf32> to vector<1x16xf32>
        tpu.vector_store %arg11[%parallel_loop3A_314, %parallel_loop3A_315], %parallel_loop3A_318 {strides = array<i32>} : memref<16x1024xf32, #tpu.memory_space<vmem>>, vector<1x16xf32>,
        %parallel_loop3A_319 = arith.index_cast %parallel_loop3A_162 : i32 to index
        %parallel_loop3A_320 = arith.constant 208 : index
        %parallel_loop3A_321 = tpu.vector_load %arg9[%parallel_loop3A_319, %parallel_loop3A_320] {strides = array<i32>} : memref<16x1024xf32, #tpu.memory_space<vmem>>, vector<1x16xf32>,
        %parallel_loop3A_322 = vector.shape_cast %parallel_loop3A_321 : vector<1x16xf32> to vector<16xf32>
        %parallel_loop3A_323 = arith.constant 3.200000e+01 : f32
        %parallel_loop3A_324 = vector.broadcast %parallel_loop3A_323 : f32 to vector<16xf32>
        %parallel_loop3A_325 = arith.mulf %parallel_loop3A_322, %parallel_loop3A_324 : vector<16xf32>
        %parallel_loop3A_326 = arith.index_cast %parallel_loop3A_162 : i32 to index
        %parallel_loop3A_327 = arith.constant 208 : index
        %parallel_loop3A_328 = tpu.vector_load %arg11[%parallel_loop3A_326, %parallel_loop3A_327] {strides = array<i32>} : memref<16x1024xf32, #tpu.memory_space<vmem>>, vector<1x16xf32>,
        %parallel_loop3A_329 = vector.shape_cast %parallel_loop3A_328 : vector<1x16xf32> to vector<16xf32>
        %parallel_loop3A_330 = vector.shape_cast %parallel_loop3A_325 : vector<16xf32> to vector<1x16xf32>
        tpu.vector_store %arg11[%parallel_loop3A_326, %parallel_loop3A_327], %parallel_loop3A_330 {strides = array<i32>} : memref<16x1024xf32, #tpu.memory_space<vmem>>, vector<1x16xf32>,
        %parallel_loop3A_331 = arith.index_cast %parallel_loop3A_162 : i32 to index
        %parallel_loop3A_332 = arith.constant 224 : index
        %parallel_loop3A_333 = tpu.vector_load %arg9[%parallel_loop3A_331, %parallel_loop3A_332] {strides = array<i32>} : memref<16x1024xf32, #tpu.memory_space<vmem>>, vector<1x16xf32>,
        %parallel_loop3A_334 = vector.shape_cast %parallel_loop3A_333 : vector<1x16xf32> to vector<16xf32>
        %parallel_loop3A_335 = arith.constant 3.200000e+01 : f32
        %parallel_loop3A_336 = vector.broadcast %parallel_loop3A_335 : f32 to vector<16xf32>
        %parallel_loop3A_337 = arith.mulf %parallel_loop3A_334, %parallel_loop3A_336 : vector<16xf32>
        %parallel_loop3A_338 = arith.index_cast %parallel_loop3A_162 : i32 to index
        %parallel_loop3A_339 = arith.constant 224 : index
        %parallel_loop3A_340 = tpu.vector_load %arg11[%parallel_loop3A_338, %parallel_loop3A_339] {strides = array<i32>} : memref<16x1024xf32, #tpu.memory_space<vmem>>, vector<1x16xf32>,
        %parallel_loop3A_341 = vector.shape_cast %parallel_loop3A_340 : vector<1x16xf32> to vector<16xf32>
        %parallel_loop3A_342 = vector.shape_cast %parallel_loop3A_337 : vector<16xf32> to vector<1x16xf32>
        tpu.vector_store %arg11[%parallel_loop3A_338, %parallel_loop3A_339], %parallel_loop3A_342 {strides = array<i32>} : memref<16x1024xf32, #tpu.memory_space<vmem>>, vector<1x16xf32>,
        %parallel_loop3A_343 = arith.index_cast %parallel_loop3A_162 : i32 to index
        %parallel_loop3A_344 = arith.constant 240 : index
        %parallel_loop3A_345 = tpu.vector_load %arg9[%parallel_loop3A_343, %parallel_loop3A_344] {strides = array<i32>} : memref<16x1024xf32, #tpu.memory_space<vmem>>, vector<1x16xf32>,
        %parallel_loop3A_346 = vector.shape_cast %parallel_loop3A_345 : vector<1x16xf32> to vector<16xf32>
        %parallel_loop3A_347 = arith.constant 3.200000e+01 : f32
        %parallel_loop3A_348 = vector.broadcast %parallel_loop3A_347 : f32 to vector<16xf32>
        %parallel_loop3A_349 = arith.mulf %parallel_loop3A_346, %parallel_loop3A_348 : vector<16xf32>
        %parallel_loop3A_350 = arith.index_cast %parallel_loop3A_162 : i32 to index
        %parallel_loop3A_351 = arith.constant 240 : index
        %parallel_loop3A_352 = tpu.vector_load %arg11[%parallel_loop3A_350, %parallel_loop3A_351] {strides = array<i32>} : memref<16x1024xf32, #tpu.memory_space<vmem>>, vector<1x16xf32>,
        %parallel_loop3A_353 = vector.shape_cast %parallel_loop3A_352 : vector<1x16xf32> to vector<16xf32>
        %parallel_loop3A_354 = vector.shape_cast %parallel_loop3A_349 : vector<16xf32> to vector<1x16xf32>
        tpu.vector_store %arg11[%parallel_loop3A_350, %parallel_loop3A_351], %parallel_loop3A_354 {strides = array<i32>} : memref<16x1024xf32, #tpu.memory_space<vmem>>, vector<1x16xf32>,
        %parallel_loop3A_355 = arith.index_cast %parallel_loop3A_162 : i32 to index
        %parallel_loop3A_356 = arith.constant 256 : index
        %parallel_loop3A_357 = tpu.vector_load %arg9[%parallel_loop3A_355, %parallel_loop3A_356] {strides = array<i32>} : memref<16x1024xf32, #tpu.memory_space<vmem>>, vector<1x16xf32>,
        %parallel_loop3A_358 = vector.shape_cast %parallel_loop3A_357 : vector<1x16xf32> to vector<16xf32>
        %parallel_loop3A_359 = arith.constant 3.200000e+01 : f32
        %parallel_loop3A_360 = vector.broadcast %parallel_loop3A_359 : f32 to vector<16xf32>
        %parallel_loop3A_361 = arith.mulf %parallel_loop3A_358, %parallel_loop3A_360 : vector<16xf32>
        %parallel_loop3A_362 = arith.index_cast %parallel_loop3A_162 : i32 to index
        %parallel_loop3A_363 = arith.constant 256 : index
        %parallel_loop3A_364 = tpu.vector_load %arg11[%parallel_loop3A_362, %parallel_loop3A_363] {strides = array<i32>} : memref<16x1024xf32, #tpu.memory_space<vmem>>, vector<1x16xf32>,
        %parallel_loop3A_365 = vector.shape_cast %parallel_loop3A_364 : vector<1x16xf32> to vector<16xf32>
        %parallel_loop3A_366 = vector.shape_cast %parallel_loop3A_361 : vector<16xf32> to vector<1x16xf32>
        tpu.vector_store %arg11[%parallel_loop3A_362, %parallel_loop3A_363], %parallel_loop3A_366 {strides = array<i32>} : memref<16x1024xf32, #tpu.memory_space<vmem>>, vector<1x16xf32>,
        %parallel_loop3A_367 = arith.index_cast %parallel_loop3A_162 : i32 to index
        %parallel_loop3A_368 = arith.constant 272 : index
        %parallel_loop3A_369 = tpu.vector_load %arg9[%parallel_loop3A_367, %parallel_loop3A_368] {strides = array<i32>} : memref<16x1024xf32, #tpu.memory_space<vmem>>, vector<1x16xf32>,
        %parallel_loop3A_370 = vector.shape_cast %parallel_loop3A_369 : vector<1x16xf32> to vector<16xf32>
        %parallel_loop3A_371 = arith.constant 3.200000e+01 : f32
        %parallel_loop3A_372 = vector.broadcast %parallel_loop3A_371 : f32 to vector<16xf32>
        %parallel_loop3A_373 = arith.mulf %parallel_loop3A_370, %parallel_loop3A_372 : vector<16xf32>
        %parallel_loop3A_374 = arith.index_cast %parallel_loop3A_162 : i32 to index
        %parallel_loop3A_375 = arith.constant 272 : index
        %parallel_loop3A_376 = tpu.vector_load %arg11[%parallel_loop3A_374, %parallel_loop3A_375] {strides = array<i32>} : memref<16x1024xf32, #tpu.memory_space<vmem>>, vector<1x16xf32>,
        %parallel_loop3A_377 = vector.shape_cast %parallel_loop3A_376 : vector<1x16xf32> to vector<16xf32>
        %parallel_loop3A_378 = vector.shape_cast %parallel_loop3A_373 : vector<16xf32> to vector<1x16xf32>
        tpu.vector_store %arg11[%parallel_loop3A_374, %parallel_loop3A_375], %parallel_loop3A_378 {strides = array<i32>} : memref<16x1024xf32, #tpu.memory_space<vmem>>, vector<1x16xf32>,
        %parallel_loop3A_379 = arith.index_cast %parallel_loop3A_162 : i32 to index
        %parallel_loop3A_380 = arith.constant 288 : index
        %parallel_loop3A_381 = tpu.vector_load %arg9[%parallel_loop3A_379, %parallel_loop3A_380] {strides = array<i32>} : memref<16x1024xf32, #tpu.memory_space<vmem>>, vector<1x16xf32>,
        %parallel_loop3A_382 = vector.shape_cast %parallel_loop3A_381 : vector<1x16xf32> to vector<16xf32>
        %parallel_loop3A_383 = arith.constant 3.200000e+01 : f32
        %parallel_loop3A_384 = vector.broadcast %parallel_loop3A_383 : f32 to vector<16xf32>
        %parallel_loop3A_385 = arith.mulf %parallel_loop3A_382, %parallel_loop3A_384 : vector<16xf32>
        %parallel_loop3A_386 = arith.index_cast %parallel_loop3A_162 : i32 to index
        %parallel_loop3A_387 = arith.constant 288 : index
        %parallel_loop3A_388 = tpu.vector_load %arg11[%parallel_loop3A_386, %parallel_loop3A_387] {strides = array<i32>} : memref<16x1024xf32, #tpu.memory_space<vmem>>, vector<1x16xf32>,
        %parallel_loop3A_389 = vector.shape_cast %parallel_loop3A_388 : vector<1x16xf32> to vector<16xf32>
        %parallel_loop3A_390 = vector.shape_cast %parallel_loop3A_385 : vector<16xf32> to vector<1x16xf32>
        tpu.vector_store %arg11[%parallel_loop3A_386, %parallel_loop3A_387], %parallel_loop3A_390 {strides = array<i32>} : memref<16x1024xf32, #tpu.memory_space<vmem>>, vector<1x16xf32>,
        %parallel_loop3A_391 = arith.index_cast %parallel_loop3A_162 : i32 to index
        %parallel_loop3A_392 = arith.constant 304 : index
        %parallel_loop3A_393 = tpu.vector_load %arg9[%parallel_loop3A_391, %parallel_loop3A_392] {strides = array<i32>} : memref<16x1024xf32, #tpu.memory_space<vmem>>, vector<1x16xf32>,
        %parallel_loop3A_394 = vector.shape_cast %parallel_loop3A_393 : vector<1x16xf32> to vector<16xf32>
        %parallel_loop3A_395 = arith.constant 3.200000e+01 : f32
        %parallel_loop3A_396 = vector.broadcast %parallel_loop3A_395 : f32 to vector<16xf32>
        %parallel_loop3A_397 = arith.mulf %parallel_loop3A_394, %parallel_loop3A_396 : vector<16xf32>
        %parallel_loop3A_398 = arith.index_cast %parallel_loop3A_162 : i32 to index
        %parallel_loop3A_399 = arith.constant 304 : index
        %parallel_loop3A_400 = tpu.vector_load %arg11[%parallel_loop3A_398, %parallel_loop3A_399] {strides = array<i32>} : memref<16x1024xf32, #tpu.memory_space<vmem>>, vector<1x16xf32>,
        %parallel_loop3A_401 = vector.shape_cast %parallel_loop3A_400 : vector<1x16xf32> to vector<16xf32>
        %parallel_loop3A_402 = vector.shape_cast %parallel_loop3A_397 : vector<16xf32> to vector<1x16xf32>
        tpu.vector_store %arg11[%parallel_loop3A_398, %parallel_loop3A_399], %parallel_loop3A_402 {strides = array<i32>} : memref<16x1024xf32, #tpu.memory_space<vmem>>, vector<1x16xf32>,
        %parallel_loop3A_403 = arith.index_cast %parallel_loop3A_162 : i32 to index
        %parallel_loop3A_404 = arith.constant 320 : index
        %parallel_loop3A_405 = tpu.vector_load %arg9[%parallel_loop3A_403, %parallel_loop3A_404] {strides = array<i32>} : memref<16x1024xf32, #tpu.memory_space<vmem>>, vector<1x16xf32>,
        %parallel_loop3A_406 = vector.shape_cast %parallel_loop3A_405 : vector<1x16xf32> to vector<16xf32>
        %parallel_loop3A_407 = arith.constant 3.200000e+01 : f32
        %parallel_loop3A_408 = vector.broadcast %parallel_loop3A_407 : f32 to vector<16xf32>
        %parallel_loop3A_409 = arith.mulf %parallel_loop3A_406, %parallel_loop3A_408 : vector<16xf32>
        %parallel_loop3A_410 = arith.index_cast %parallel_loop3A_162 : i32 to index
        %parallel_loop3A_411 = arith.constant 320 : index
        %parallel_loop3A_412 = tpu.vector_load %arg11[%parallel_loop3A_410, %parallel_loop3A_411] {strides = array<i32>} : memref<16x1024xf32, #tpu.memory_space<vmem>>, vector<1x16xf32>,
        %parallel_loop3A_413 = vector.shape_cast %parallel_loop3A_412 : vector<1x16xf32> to vector<16xf32>
        %parallel_loop3A_414 = vector.shape_cast %parallel_loop3A_409 : vector<16xf32> to vector<1x16xf32>
        tpu.vector_store %arg11[%parallel_loop3A_410, %parallel_loop3A_411], %parallel_loop3A_414 {strides = array<i32>} : memref<16x1024xf32, #tpu.memory_space<vmem>>, vector<1x16xf32>,
        %parallel_loop3A_415 = arith.index_cast %parallel_loop3A_162 : i32 to index
        %parallel_loop3A_416 = arith.constant 336 : index
        %parallel_loop3A_417 = tpu.vector_load %arg9[%parallel_loop3A_415, %parallel_loop3A_416] {strides = array<i32>} : memref<16x1024xf32, #tpu.memory_space<vmem>>, vector<1x16xf32>,
        %parallel_loop3A_418 = vector.shape_cast %parallel_loop3A_417 : vector<1x16xf32> to vector<16xf32>
        %parallel_loop3A_419 = arith.constant 3.200000e+01 : f32
        %parallel_loop3A_420 = vector.broadcast %parallel_loop3A_419 : f32 to vector<16xf32>
        %parallel_loop3A_421 = arith.mulf %parallel_loop3A_418, %parallel_loop3A_420 : vector<16xf32>
        %parallel_loop3A_422 = arith.index_cast %parallel_loop3A_162 : i32 to index
        %parallel_loop3A_423 = arith.constant 336 : index
        %parallel_loop3A_424 = tpu.vector_load %arg11[%parallel_loop3A_422, %parallel_loop3A_423] {strides = array<i32>} : memref<16x1024xf32, #tpu.memory_space<vmem>>, vector<1x16xf32>,
        %parallel_loop3A_425 = vector.shape_cast %parallel_loop3A_424 : vector<1x16xf32> to vector<16xf32>
        %parallel_loop3A_426 = vector.shape_cast %parallel_loop3A_421 : vector<16xf32> to vector<1x16xf32>
        tpu.vector_store %arg11[%parallel_loop3A_422, %parallel_loop3A_423], %parallel_loop3A_426 {strides = array<i32>} : memref<16x1024xf32, #tpu.memory_space<vmem>>, vector<1x16xf32>,
        %parallel_loop3A_427 = arith.index_cast %parallel_loop3A_162 : i32 to index
        %parallel_loop3A_428 = arith.constant 352 : index
        %parallel_loop3A_429 = tpu.vector_load %arg9[%parallel_loop3A_427, %parallel_loop3A_428] {strides = array<i32>} : memref<16x1024xf32, #tpu.memory_space<vmem>>, vector<1x16xf32>,
        %parallel_loop3A_430 = vector.shape_cast %parallel_loop3A_429 : vector<1x16xf32> to vector<16xf32>
        %parallel_loop3A_431 = arith.constant 3.200000e+01 : f32
        %parallel_loop3A_432 = vector.broadcast %parallel_loop3A_431 : f32 to vector<16xf32>
        %parallel_loop3A_433 = arith.mulf %parallel_loop3A_430, %parallel_loop3A_432 : vector<16xf32>
        %parallel_loop3A_434 = arith.index_cast %parallel_loop3A_162 : i32 to index
        %parallel_loop3A_435 = arith.constant 352 : index
        %parallel_loop3A_436 = tpu.vector_load %arg11[%parallel_loop3A_434, %parallel_loop3A_435] {strides = array<i32>} : memref<16x1024xf32, #tpu.memory_space<vmem>>, vector<1x16xf32>,
        %parallel_loop3A_437 = vector.shape_cast %parallel_loop3A_436 : vector<1x16xf32> to vector<16xf32>
        %parallel_loop3A_438 = vector.shape_cast %parallel_loop3A_433 : vector<16xf32> to vector<1x16xf32>
        tpu.vector_store %arg11[%parallel_loop3A_434, %parallel_loop3A_435], %parallel_loop3A_438 {strides = array<i32>} : memref<16x1024xf32, #tpu.memory_space<vmem>>, vector<1x16xf32>,
        %parallel_loop3A_439 = arith.index_cast %parallel_loop3A_162 : i32 to index
        %parallel_loop3A_440 = arith.constant 368 : index
        %parallel_loop3A_441 = tpu.vector_load %arg9[%parallel_loop3A_439, %parallel_loop3A_440] {strides = array<i32>} : memref<16x1024xf32, #tpu.memory_space<vmem>>, vector<1x16xf32>,
        %parallel_loop3A_442 = vector.shape_cast %parallel_loop3A_441 : vector<1x16xf32> to vector<16xf32>
        %parallel_loop3A_443 = arith.constant 3.200000e+01 : f32
        %parallel_loop3A_444 = vector.broadcast %parallel_loop3A_443 : f32 to vector<16xf32>
        %parallel_loop3A_445 = arith.mulf %parallel_loop3A_442, %parallel_loop3A_444 : vector<16xf32>
        %parallel_loop3A_446 = arith.index_cast %parallel_loop3A_162 : i32 to index
        %parallel_loop3A_447 = arith.constant 368 : index
        %parallel_loop3A_448 = tpu.vector_load %arg11[%parallel_loop3A_446, %parallel_loop3A_447] {strides = array<i32>} : memref<16x1024xf32, #tpu.memory_space<vmem>>, vector<1x16xf32>,
        %parallel_loop3A_449 = vector.shape_cast %parallel_loop3A_448 : vector<1x16xf32> to vector<16xf32>
        %parallel_loop3A_450 = vector.shape_cast %parallel_loop3A_445 : vector<16xf32> to vector<1x16xf32>
        tpu.vector_store %arg11[%parallel_loop3A_446, %parallel_loop3A_447], %parallel_loop3A_450 {strides = array<i32>} : memref<16x1024xf32, #tpu.memory_space<vmem>>, vector<1x16xf32>,
        %parallel_loop3A_451 = arith.index_cast %parallel_loop3A_162 : i32 to index
        %parallel_loop3A_452 = arith.constant 384 : index
        %parallel_loop3A_453 = tpu.vector_load %arg9[%parallel_loop3A_451, %parallel_loop3A_452] {strides = array<i32>} : memref<16x1024xf32, #tpu.memory_space<vmem>>, vector<1x16xf32>,
        %parallel_loop3A_454 = vector.shape_cast %parallel_loop3A_453 : vector<1x16xf32> to vector<16xf32>
        %parallel_loop3A_455 = arith.constant 3.200000e+01 : f32
        %parallel_loop3A_456 = vector.broadcast %parallel_loop3A_455 : f32 to vector<16xf32>
        %parallel_loop3A_457 = arith.mulf %parallel_loop3A_454, %parallel_loop3A_456 : vector<16xf32>
        %parallel_loop3A_458 = arith.index_cast %parallel_loop3A_162 : i32 to index
        %parallel_loop3A_459 = arith.constant 384 : index
        %parallel_loop3A_460 = tpu.vector_load %arg11[%parallel_loop3A_458, %parallel_loop3A_459] {strides = array<i32>} : memref<16x1024xf32, #tpu.memory_space<vmem>>, vector<1x16xf32>,
        %parallel_loop3A_461 = vector.shape_cast %parallel_loop3A_460 : vector<1x16xf32> to vector<16xf32>
        %parallel_loop3A_462 = vector.shape_cast %parallel_loop3A_457 : vector<16xf32> to vector<1x16xf32>
        tpu.vector_store %arg11[%parallel_loop3A_458, %parallel_loop3A_459], %parallel_loop3A_462 {strides = array<i32>} : memref<16x1024xf32, #tpu.memory_space<vmem>>, vector<1x16xf32>,
        %parallel_loop3A_463 = arith.index_cast %parallel_loop3A_162 : i32 to index
        %parallel_loop3A_464 = arith.constant 400 : index
        %parallel_loop3A_465 = tpu.vector_load %arg9[%parallel_loop3A_463, %parallel_loop3A_464] {strides = array<i32>} : memref<16x1024xf32, #tpu.memory_space<vmem>>, vector<1x16xf32>,
        %parallel_loop3A_466 = vector.shape_cast %parallel_loop3A_465 : vector<1x16xf32> to vector<16xf32>
        %parallel_loop3A_467 = arith.constant 3.200000e+01 : f32
        %parallel_loop3A_468 = vector.broadcast %parallel_loop3A_467 : f32 to vector<16xf32>
        %parallel_loop3A_469 = arith.mulf %parallel_loop3A_466, %parallel_loop3A_468 : vector<16xf32>
        %parallel_loop3A_470 = arith.index_cast %parallel_loop3A_162 : i32 to index
        %parallel_loop3A_471 = arith.constant 400 : index
        %parallel_loop3A_472 = tpu.vector_load %arg11[%parallel_loop3A_470, %parallel_loop3A_471] {strides = array<i32>} : memref<16x1024xf32, #tpu.memory_space<vmem>>, vector<1x16xf32>,
        %parallel_loop3A_473 = vector.shape_cast %parallel_loop3A_472 : vector<1x16xf32> to vector<16xf32>
        %parallel_loop3A_474 = vector.shape_cast %parallel_loop3A_469 : vector<16xf32> to vector<1x16xf32>
        tpu.vector_store %arg11[%parallel_loop3A_470, %parallel_loop3A_471], %parallel_loop3A_474 {strides = array<i32>} : memref<16x1024xf32, #tpu.memory_space<vmem>>, vector<1x16xf32>,
        %parallel_loop3A_475 = arith.index_cast %parallel_loop3A_162 : i32 to index
        %parallel_loop3A_476 = arith.constant 416 : index
        %parallel_loop3A_477 = tpu.vector_load %arg9[%parallel_loop3A_475, %parallel_loop3A_476] {strides = array<i32>} : memref<16x1024xf32, #tpu.memory_space<vmem>>, vector<1x16xf32>,
        %parallel_loop3A_478 = vector.shape_cast %parallel_loop3A_477 : vector<1x16xf32> to vector<16xf32>
        %parallel_loop3A_479 = arith.constant 3.200000e+01 : f32
        %parallel_loop3A_480 = vector.broadcast %parallel_loop3A_479 : f32 to vector<16xf32>
        %parallel_loop3A_481 = arith.mulf %parallel_loop3A_478, %parallel_loop3A_480 : vector<16xf32>
        %parallel_loop3A_482 = arith.index_cast %parallel_loop3A_162 : i32 to index
        %parallel_loop3A_483 = arith.constant 416 : index
        %parallel_loop3A_484 = tpu.vector_load %arg11[%parallel_loop3A_482, %parallel_loop3A_483] {strides = array<i32>} : memref<16x1024xf32, #tpu.memory_space<vmem>>, vector<1x16xf32>,
        %parallel_loop3A_485 = vector.shape_cast %parallel_loop3A_484 : vector<1x16xf32> to vector<16xf32>
        %parallel_loop3A_486 = vector.shape_cast %parallel_loop3A_481 : vector<16xf32> to vector<1x16xf32>
        tpu.vector_store %arg11[%parallel_loop3A_482, %parallel_loop3A_483], %parallel_loop3A_486 {strides = array<i32>} : memref<16x1024xf32, #tpu.memory_space<vmem>>, vector<1x16xf32>,
        %parallel_loop3A_487 = arith.index_cast %parallel_loop3A_162 : i32 to index
        %parallel_loop3A_488 = arith.constant 432 : index
        %parallel_loop3A_489 = tpu.vector_load %arg9[%parallel_loop3A_487, %parallel_loop3A_488] {strides = array<i32>} : memref<16x1024xf32, #tpu.memory_space<vmem>>, vector<1x16xf32>,
        %parallel_loop3A_490 = vector.shape_cast %parallel_loop3A_489 : vector<1x16xf32> to vector<16xf32>
        %parallel_loop3A_491 = arith.constant 3.200000e+01 : f32
        %parallel_loop3A_492 = vector.broadcast %parallel_loop3A_491 : f32 to vector<16xf32>
        %parallel_loop3A_493 = arith.mulf %parallel_loop3A_490, %parallel_loop3A_492 : vector<16xf32>
        %parallel_loop3A_494 = arith.index_cast %parallel_loop3A_162 : i32 to index
        %parallel_loop3A_495 = arith.constant 432 : index
        %parallel_loop3A_496 = tpu.vector_load %arg11[%parallel_loop3A_494, %parallel_loop3A_495] {strides = array<i32>} : memref<16x1024xf32, #tpu.memory_space<vmem>>, vector<1x16xf32>,
        %parallel_loop3A_497 = vector.shape_cast %parallel_loop3A_496 : vector<1x16xf32> to vector<16xf32>
        %parallel_loop3A_498 = vector.shape_cast %parallel_loop3A_493 : vector<16xf32> to vector<1x16xf32>
        tpu.vector_store %arg11[%parallel_loop3A_494, %parallel_loop3A_495], %parallel_loop3A_498 {strides = array<i32>} : memref<16x1024xf32, #tpu.memory_space<vmem>>, vector<1x16xf32>,
        %parallel_loop3A_499 = arith.index_cast %parallel_loop3A_162 : i32 to index
        %parallel_loop3A_500 = arith.constant 448 : index
        %parallel_loop3A_501 = tpu.vector_load %arg9[%parallel_loop3A_499, %parallel_loop3A_500] {strides = array<i32>} : memref<16x1024xf32, #tpu.memory_space<vmem>>, vector<1x16xf32>,
        %parallel_loop3A_502 = vector.shape_cast %parallel_loop3A_501 : vector<1x16xf32> to vector<16xf32>
        %parallel_loop3A_503 = arith.constant 3.200000e+01 : f32
        %parallel_loop3A_504 = vector.broadcast %parallel_loop3A_503 : f32 to vector<16xf32>
        %parallel_loop3A_505 = arith.mulf %parallel_loop3A_502, %parallel_loop3A_504 : vector<16xf32>
        %parallel_loop3A_506 = arith.index_cast %parallel_loop3A_162 : i32 to index
        %parallel_loop3A_507 = arith.constant 448 : index
        %parallel_loop3A_508 = tpu.vector_load %arg11[%parallel_loop3A_506, %parallel_loop3A_507] {strides = array<i32>} : memref<16x1024xf32, #tpu.memory_space<vmem>>, vector<1x16xf32>,
        %parallel_loop3A_509 = vector.shape_cast %parallel_loop3A_508 : vector<1x16xf32> to vector<16xf32>
        %parallel_loop3A_510 = vector.shape_cast %parallel_loop3A_505 : vector<16xf32> to vector<1x16xf32>
        tpu.vector_store %arg11[%parallel_loop3A_506, %parallel_loop3A_507], %parallel_loop3A_510 {strides = array<i32>} : memref<16x1024xf32, #tpu.memory_space<vmem>>, vector<1x16xf32>,
        %parallel_loop3A_511 = arith.index_cast %parallel_loop3A_162 : i32 to index
        %parallel_loop3A_512 = arith.constant 464 : index
        %parallel_loop3A_513 = tpu.vector_load %arg9[%parallel_loop3A_511, %parallel_loop3A_512] {strides = array<i32>} : memref<16x1024xf32, #tpu.memory_space<vmem>>, vector<1x16xf32>,
        %parallel_loop3A_514 = vector.shape_cast %parallel_loop3A_513 : vector<1x16xf32> to vector<16xf32>
        %parallel_loop3A_515 = arith.constant 3.200000e+01 : f32
        %parallel_loop3A_516 = vector.broadcast %parallel_loop3A_515 : f32 to vector<16xf32>
        %parallel_loop3A_517 = arith.mulf %parallel_loop3A_514, %parallel_loop3A_516 : vector<16xf32>
        %parallel_loop3A_518 = arith.index_cast %parallel_loop3A_162 : i32 to index
        %parallel_loop3A_519 = arith.constant 464 : index
        %parallel_loop3A_520 = tpu.vector_load %arg11[%parallel_loop3A_518, %parallel_loop3A_519] {strides = array<i32>} : memref<16x1024xf32, #tpu.memory_space<vmem>>, vector<1x16xf32>,
        %parallel_loop3A_521 = vector.shape_cast %parallel_loop3A_520 : vector<1x16xf32> to vector<16xf32>
        %parallel_loop3A_522 = vector.shape_cast %parallel_loop3A_517 : vector<16xf32> to vector<1x16xf32>
        tpu.vector_store %arg11[%parallel_loop3A_518, %parallel_loop3A_519], %parallel_loop3A_522 {strides = array<i32>} : memref<16x1024xf32, #tpu.memory_space<vmem>>, vector<1x16xf32>,
        %parallel_loop3A_523 = arith.index_cast %parallel_loop3A_162 : i32 to index
        %parallel_loop3A_524 = arith.constant 480 : index
        %parallel_loop3A_525 = tpu.vector_load %arg9[%parallel_loop3A_523, %parallel_loop3A_524] {strides = array<i32>} : memref<16x1024xf32, #tpu.memory_space<vmem>>, vector<1x16xf32>,
        %parallel_loop3A_526 = vector.shape_cast %parallel_loop3A_525 : vector<1x16xf32> to vector<16xf32>
        %parallel_loop3A_527 = arith.constant 3.200000e+01 : f32
        %parallel_loop3A_528 = vector.broadcast %parallel_loop3A_527 : f32 to vector<16xf32>
        %parallel_loop3A_529 = arith.mulf %parallel_loop3A_526, %parallel_loop3A_528 : vector<16xf32>
        %parallel_loop3A_530 = arith.index_cast %parallel_loop3A_162 : i32 to index
        %parallel_loop3A_531 = arith.constant 480 : index
        %parallel_loop3A_532 = tpu.vector_load %arg11[%parallel_loop3A_530, %parallel_loop3A_531] {strides = array<i32>} : memref<16x1024xf32, #tpu.memory_space<vmem>>, vector<1x16xf32>,
        %parallel_loop3A_533 = vector.shape_cast %parallel_loop3A_532 : vector<1x16xf32> to vector<16xf32>
        %parallel_loop3A_534 = vector.shape_cast %parallel_loop3A_529 : vector<16xf32> to vector<1x16xf32>
        tpu.vector_store %arg11[%parallel_loop3A_530, %parallel_loop3A_531], %parallel_loop3A_534 {strides = array<i32>} : memref<16x1024xf32, #tpu.memory_space<vmem>>, vector<1x16xf32>,
        %parallel_loop3A_535 = arith.index_cast %parallel_loop3A_162 : i32 to index
        %parallel_loop3A_536 = arith.constant 496 : index
        %parallel_loop3A_537 = tpu.vector_load %arg9[%parallel_loop3A_535, %parallel_loop3A_536] {strides = array<i32>} : memref<16x1024xf32, #tpu.memory_space<vmem>>, vector<1x16xf32>,
        %parallel_loop3A_538 = vector.shape_cast %parallel_loop3A_537 : vector<1x16xf32> to vector<16xf32>
        %parallel_loop3A_539 = arith.constant 3.200000e+01 : f32
        %parallel_loop3A_540 = vector.broadcast %parallel_loop3A_539 : f32 to vector<16xf32>
        %parallel_loop3A_541 = arith.mulf %parallel_loop3A_538, %parallel_loop3A_540 : vector<16xf32>
        %parallel_loop3A_542 = arith.index_cast %parallel_loop3A_162 : i32 to index
        %parallel_loop3A_543 = arith.constant 496 : index
        %parallel_loop3A_544 = tpu.vector_load %arg11[%parallel_loop3A_542, %parallel_loop3A_543] {strides = array<i32>} : memref<16x1024xf32, #tpu.memory_space<vmem>>, vector<1x16xf32>,
        %parallel_loop3A_545 = vector.shape_cast %parallel_loop3A_544 : vector<1x16xf32> to vector<16xf32>
        %parallel_loop3A_546 = vector.shape_cast %parallel_loop3A_541 : vector<16xf32> to vector<1x16xf32>
        tpu.vector_store %arg11[%parallel_loop3A_542, %parallel_loop3A_543], %parallel_loop3A_546 {strides = array<i32>} : memref<16x1024xf32, #tpu.memory_space<vmem>>, vector<1x16xf32>,
        %parallel_loop3A_547 = arith.index_cast %parallel_loop3A_162 : i32 to index
        %parallel_loop3A_548 = arith.constant 512 : index
        %parallel_loop3A_549 = tpu.vector_load %arg9[%parallel_loop3A_547, %parallel_loop3A_548] {strides = array<i32>} : memref<16x1024xf32, #tpu.memory_space<vmem>>, vector<1x16xf32>,
        %parallel_loop3A_550 = vector.shape_cast %parallel_loop3A_549 : vector<1x16xf32> to vector<16xf32>
        %parallel_loop3A_551 = arith.constant 3.200000e+01 : f32
        %parallel_loop3A_552 = vector.broadcast %parallel_loop3A_551 : f32 to vector<16xf32>
        %parallel_loop3A_553 = arith.mulf %parallel_loop3A_550, %parallel_loop3A_552 : vector<16xf32>
        %parallel_loop3A_554 = arith.index_cast %parallel_loop3A_162 : i32 to index
        %parallel_loop3A_555 = arith.constant 512 : index
        %parallel_loop3A_556 = tpu.vector_load %arg11[%parallel_loop3A_554, %parallel_loop3A_555] {strides = array<i32>} : memref<16x1024xf32, #tpu.memory_space<vmem>>, vector<1x16xf32>,
        %parallel_loop3A_557 = vector.shape_cast %parallel_loop3A_556 : vector<1x16xf32> to vector<16xf32>
        %parallel_loop3A_558 = vector.shape_cast %parallel_loop3A_553 : vector<16xf32> to vector<1x16xf32>
        tpu.vector_store %arg11[%parallel_loop3A_554, %parallel_loop3A_555], %parallel_loop3A_558 {strides = array<i32>} : memref<16x1024xf32, #tpu.memory_space<vmem>>, vector<1x16xf32>,
        %parallel_loop3A_559 = arith.index_cast %parallel_loop3A_162 : i32 to index
        %parallel_loop3A_560 = arith.constant 528 : index
        %parallel_loop3A_561 = tpu.vector_load %arg9[%parallel_loop3A_559, %parallel_loop3A_560] {strides = array<i32>} : memref<16x1024xf32, #tpu.memory_space<vmem>>, vector<1x16xf32>,
        %parallel_loop3A_562 = vector.shape_cast %parallel_loop3A_561 : vector<1x16xf32> to vector<16xf32>
        %parallel_loop3A_563 = arith.constant 3.200000e+01 : f32
        %parallel_loop3A_564 = vector.broadcast %parallel_loop3A_563 : f32 to vector<16xf32>
        %parallel_loop3A_565 = arith.mulf %parallel_loop3A_562, %parallel_loop3A_564 : vector<16xf32>
        %parallel_loop3A_566 = arith.index_cast %parallel_loop3A_162 : i32 to index
        %parallel_loop3A_567 = arith.constant 528 : index
        %parallel_loop3A_568 = tpu.vector_load %arg11[%parallel_loop3A_566, %parallel_loop3A_567] {strides = array<i32>} : memref<16x1024xf32, #tpu.memory_space<vmem>>, vector<1x16xf32>,
        %parallel_loop3A_569 = vector.shape_cast %parallel_loop3A_568 : vector<1x16xf32> to vector<16xf32>
        %parallel_loop3A_570 = vector.shape_cast %parallel_loop3A_565 : vector<16xf32> to vector<1x16xf32>
        tpu.vector_store %arg11[%parallel_loop3A_566, %parallel_loop3A_567], %parallel_loop3A_570 {strides = array<i32>} : memref<16x1024xf32, #tpu.memory_space<vmem>>, vector<1x16xf32>,
        %parallel_loop3A_571 = arith.index_cast %parallel_loop3A_162 : i32 to index
        %parallel_loop3A_572 = arith.constant 544 : index
        %parallel_loop3A_573 = tpu.vector_load %arg9[%parallel_loop3A_571, %parallel_loop3A_572] {strides = array<i32>} : memref<16x1024xf32, #tpu.memory_space<vmem>>, vector<1x16xf32>,
        %parallel_loop3A_574 = vector.shape_cast %parallel_loop3A_573 : vector<1x16xf32> to vector<16xf32>
        %parallel_loop3A_575 = arith.constant 3.200000e+01 : f32
        %parallel_loop3A_576 = vector.broadcast %parallel_loop3A_575 : f32 to vector<16xf32>
        %parallel_loop3A_577 = arith.mulf %parallel_loop3A_574, %parallel_loop3A_576 : vector<16xf32>
        %parallel_loop3A_578 = arith.index_cast %parallel_loop3A_162 : i32 to index
        %parallel_loop3A_579 = arith.constant 544 : index
        %parallel_loop3A_580 = tpu.vector_load %arg11[%parallel_loop3A_578, %parallel_loop3A_579] {strides = array<i32>} : memref<16x1024xf32, #tpu.memory_space<vmem>>, vector<1x16xf32>,
        %parallel_loop3A_581 = vector.shape_cast %parallel_loop3A_580 : vector<1x16xf32> to vector<16xf32>
        %parallel_loop3A_582 = vector.shape_cast %parallel_loop3A_577 : vector<16xf32> to vector<1x16xf32>
        tpu.vector_store %arg11[%parallel_loop3A_578, %parallel_loop3A_579], %parallel_loop3A_582 {strides = array<i32>} : memref<16x1024xf32, #tpu.memory_space<vmem>>, vector<1x16xf32>,
        %parallel_loop3A_583 = arith.index_cast %parallel_loop3A_162 : i32 to index
        %parallel_loop3A_584 = arith.constant 560 : index
        %parallel_loop3A_585 = tpu.vector_load %arg9[%parallel_loop3A_583, %parallel_loop3A_584] {strides = array<i32>} : memref<16x1024xf32, #tpu.memory_space<vmem>>, vector<1x16xf32>,
        %parallel_loop3A_586 = vector.shape_cast %parallel_loop3A_585 : vector<1x16xf32> to vector<16xf32>
        %parallel_loop3A_587 = arith.constant 3.200000e+01 : f32
        %parallel_loop3A_588 = vector.broadcast %parallel_loop3A_587 : f32 to vector<16xf32>
        %parallel_loop3A_589 = arith.mulf %parallel_loop3A_586, %parallel_loop3A_588 : vector<16xf32>
        %parallel_loop3A_590 = arith.index_cast %parallel_loop3A_162 : i32 to index
        %parallel_loop3A_591 = arith.constant 560 : index
        %parallel_loop3A_592 = tpu.vector_load %arg11[%parallel_loop3A_590, %parallel_loop3A_591] {strides = array<i32>} : memref<16x1024xf32, #tpu.memory_space<vmem>>, vector<1x16xf32>,
        %parallel_loop3A_593 = vector.shape_cast %parallel_loop3A_592 : vector<1x16xf32> to vector<16xf32>
        %parallel_loop3A_594 = vector.shape_cast %parallel_loop3A_589 : vector<16xf32> to vector<1x16xf32>
        tpu.vector_store %arg11[%parallel_loop3A_590, %parallel_loop3A_591], %parallel_loop3A_594 {strides = array<i32>} : memref<16x1024xf32, #tpu.memory_space<vmem>>, vector<1x16xf32>,
        %parallel_loop3A_595 = arith.index_cast %parallel_loop3A_162 : i32 to index
        %parallel_loop3A_596 = arith.constant 576 : index
        %parallel_loop3A_597 = tpu.vector_load %arg9[%parallel_loop3A_595, %parallel_loop3A_596] {strides = array<i32>} : memref<16x1024xf32, #tpu.memory_space<vmem>>, vector<1x16xf32>,
        %parallel_loop3A_598 = vector.shape_cast %parallel_loop3A_597 : vector<1x16xf32> to vector<16xf32>
        %parallel_loop3A_599 = arith.constant 3.200000e+01 : f32
        %parallel_loop3A_600 = vector.broadcast %parallel_loop3A_599 : f32 to vector<16xf32>
        %parallel_loop3A_601 = arith.mulf %parallel_loop3A_598, %parallel_loop3A_600 : vector<16xf32>
        %parallel_loop3A_602 = arith.index_cast %parallel_loop3A_162 : i32 to index
        %parallel_loop3A_603 = arith.constant 576 : index
        %parallel_loop3A_604 = tpu.vector_load %arg11[%parallel_loop3A_602, %parallel_loop3A_603] {strides = array<i32>} : memref<16x1024xf32, #tpu.memory_space<vmem>>, vector<1x16xf32>,
        %parallel_loop3A_605 = vector.shape_cast %parallel_loop3A_604 : vector<1x16xf32> to vector<16xf32>
        %parallel_loop3A_606 = vector.shape_cast %parallel_loop3A_601 : vector<16xf32> to vector<1x16xf32>
        tpu.vector_store %arg11[%parallel_loop3A_602, %parallel_loop3A_603], %parallel_loop3A_606 {strides = array<i32>} : memref<16x1024xf32, #tpu.memory_space<vmem>>, vector<1x16xf32>,
        %parallel_loop3A_607 = arith.index_cast %parallel_loop3A_162 : i32 to index
        %parallel_loop3A_608 = arith.constant 592 : index
        %parallel_loop3A_609 = tpu.vector_load %arg9[%parallel_loop3A_607, %parallel_loop3A_608] {strides = array<i32>} : memref<16x1024xf32, #tpu.memory_space<vmem>>, vector<1x16xf32>,
        %parallel_loop3A_610 = vector.shape_cast %parallel_loop3A_609 : vector<1x16xf32> to vector<16xf32>
        %parallel_loop3A_611 = arith.constant 3.200000e+01 : f32
        %parallel_loop3A_612 = vector.broadcast %parallel_loop3A_611 : f32 to vector<16xf32>
        %parallel_loop3A_613 = arith.mulf %parallel_loop3A_610, %parallel_loop3A_612 : vector<16xf32>
        %parallel_loop3A_614 = arith.index_cast %parallel_loop3A_162 : i32 to index
        %parallel_loop3A_615 = arith.constant 592 : index
        %parallel_loop3A_616 = tpu.vector_load %arg11[%parallel_loop3A_614, %parallel_loop3A_615] {strides = array<i32>} : memref<16x1024xf32, #tpu.memory_space<vmem>>, vector<1x16xf32>,
        %parallel_loop3A_617 = vector.shape_cast %parallel_loop3A_616 : vector<1x16xf32> to vector<16xf32>
        %parallel_loop3A_618 = vector.shape_cast %parallel_loop3A_613 : vector<16xf32> to vector<1x16xf32>
        tpu.vector_store %arg11[%parallel_loop3A_614, %parallel_loop3A_615], %parallel_loop3A_618 {strides = array<i32>} : memref<16x1024xf32, #tpu.memory_space<vmem>>, vector<1x16xf32>,
        %parallel_loop3A_619 = arith.index_cast %parallel_loop3A_162 : i32 to index
        %parallel_loop3A_620 = arith.constant 608 : index
        %parallel_loop3A_621 = tpu.vector_load %arg9[%parallel_loop3A_619, %parallel_loop3A_620] {strides = array<i32>} : memref<16x1024xf32, #tpu.memory_space<vmem>>, vector<1x16xf32>,
        %parallel_loop3A_622 = vector.shape_cast %parallel_loop3A_621 : vector<1x16xf32> to vector<16xf32>
        %parallel_loop3A_623 = arith.constant 3.200000e+01 : f32
        %parallel_loop3A_624 = vector.broadcast %parallel_loop3A_623 : f32 to vector<16xf32>
        %parallel_loop3A_625 = arith.mulf %parallel_loop3A_622, %parallel_loop3A_624 : vector<16xf32>
        %parallel_loop3A_626 = arith.index_cast %parallel_loop3A_162 : i32 to index
        %parallel_loop3A_627 = arith.constant 608 : index
        %parallel_loop3A_628 = tpu.vector_load %arg11[%parallel_loop3A_626, %parallel_loop3A_627] {strides = array<i32>} : memref<16x1024xf32, #tpu.memory_space<vmem>>, vector<1x16xf32>,
        %parallel_loop3A_629 = vector.shape_cast %parallel_loop3A_628 : vector<1x16xf32> to vector<16xf32>
        %parallel_loop3A_630 = vector.shape_cast %parallel_loop3A_625 : vector<16xf32> to vector<1x16xf32>
        tpu.vector_store %arg11[%parallel_loop3A_626, %parallel_loop3A_627], %parallel_loop3A_630 {strides = array<i32>} : memref<16x1024xf32, #tpu.memory_space<vmem>>, vector<1x16xf32>,
        %parallel_loop3A_631 = arith.index_cast %parallel_loop3A_162 : i32 to index
        %parallel_loop3A_632 = arith.constant 624 : index
        %parallel_loop3A_633 = tpu.vector_load %arg9[%parallel_loop3A_631, %parallel_loop3A_632] {strides = array<i32>} : memref<16x1024xf32, #tpu.memory_space<vmem>>, vector<1x16xf32>,
        %parallel_loop3A_634 = vector.shape_cast %parallel_loop3A_633 : vector<1x16xf32> to vector<16xf32>
        %parallel_loop3A_635 = arith.constant 3.200000e+01 : f32
        %parallel_loop3A_636 = vector.broadcast %parallel_loop3A_635 : f32 to vector<16xf32>
        %parallel_loop3A_637 = arith.mulf %parallel_loop3A_634, %parallel_loop3A_636 : vector<16xf32>
        %parallel_loop3A_638 = arith.index_cast %parallel_loop3A_162 : i32 to index
        %parallel_loop3A_639 = arith.constant 624 : index
        %parallel_loop3A_640 = tpu.vector_load %arg11[%parallel_loop3A_638, %parallel_loop3A_639] {strides = array<i32>} : memref<16x1024xf32, #tpu.memory_space<vmem>>, vector<1x16xf32>,
        %parallel_loop3A_641 = vector.shape_cast %parallel_loop3A_640 : vector<1x16xf32> to vector<16xf32>
        %parallel_loop3A_642 = vector.shape_cast %parallel_loop3A_637 : vector<16xf32> to vector<1x16xf32>
        tpu.vector_store %arg11[%parallel_loop3A_638, %parallel_loop3A_639], %parallel_loop3A_642 {strides = array<i32>} : memref<16x1024xf32, #tpu.memory_space<vmem>>, vector<1x16xf32>,
        %parallel_loop3A_643 = arith.index_cast %parallel_loop3A_162 : i32 to index
        %parallel_loop3A_644 = arith.constant 640 : index
        %parallel_loop3A_645 = tpu.vector_load %arg9[%parallel_loop3A_643, %parallel_loop3A_644] {strides = array<i32>} : memref<16x1024xf32, #tpu.memory_space<vmem>>, vector<1x16xf32>,
        %parallel_loop3A_646 = vector.shape_cast %parallel_loop3A_645 : vector<1x16xf32> to vector<16xf32>
        %parallel_loop3A_647 = arith.constant 3.200000e+01 : f32
        %parallel_loop3A_648 = vector.broadcast %parallel_loop3A_647 : f32 to vector<16xf32>
        %parallel_loop3A_649 = arith.mulf %parallel_loop3A_646, %parallel_loop3A_648 : vector<16xf32>
        %parallel_loop3A_650 = arith.index_cast %parallel_loop3A_162 : i32 to index
        %parallel_loop3A_651 = arith.constant 640 : index
        %parallel_loop3A_652 = tpu.vector_load %arg11[%parallel_loop3A_650, %parallel_loop3A_651] {strides = array<i32>} : memref<16x1024xf32, #tpu.memory_space<vmem>>, vector<1x16xf32>,
        %parallel_loop3A_653 = vector.shape_cast %parallel_loop3A_652 : vector<1x16xf32> to vector<16xf32>
        %parallel_loop3A_654 = vector.shape_cast %parallel_loop3A_649 : vector<16xf32> to vector<1x16xf32>
        tpu.vector_store %arg11[%parallel_loop3A_650, %parallel_loop3A_651], %parallel_loop3A_654 {strides = array<i32>} : memref<16x1024xf32, #tpu.memory_space<vmem>>, vector<1x16xf32>,
        %parallel_loop3A_655 = arith.index_cast %parallel_loop3A_162 : i32 to index
        %parallel_loop3A_656 = arith.constant 656 : index
        %parallel_loop3A_657 = tpu.vector_load %arg9[%parallel_loop3A_655, %parallel_loop3A_656] {strides = array<i32>} : memref<16x1024xf32, #tpu.memory_space<vmem>>, vector<1x16xf32>,
        %parallel_loop3A_658 = vector.shape_cast %parallel_loop3A_657 : vector<1x16xf32> to vector<16xf32>
        %parallel_loop3A_659 = arith.constant 3.200000e+01 : f32
        %parallel_loop3A_660 = vector.broadcast %parallel_loop3A_659 : f32 to vector<16xf32>
        %parallel_loop3A_661 = arith.mulf %parallel_loop3A_658, %parallel_loop3A_660 : vector<16xf32>
        %parallel_loop3A_662 = arith.index_cast %parallel_loop3A_162 : i32 to index
        %parallel_loop3A_663 = arith.constant 656 : index
        %parallel_loop3A_664 = tpu.vector_load %arg11[%parallel_loop3A_662, %parallel_loop3A_663] {strides = array<i32>} : memref<16x1024xf32, #tpu.memory_space<vmem>>, vector<1x16xf32>,
        %parallel_loop3A_665 = vector.shape_cast %parallel_loop3A_664 : vector<1x16xf32> to vector<16xf32>
        %parallel_loop3A_666 = vector.shape_cast %parallel_loop3A_661 : vector<16xf32> to vector<1x16xf32>
        tpu.vector_store %arg11[%parallel_loop3A_662, %parallel_loop3A_663], %parallel_loop3A_666 {strides = array<i32>} : memref<16x1024xf32, #tpu.memory_space<vmem>>, vector<1x16xf32>,
        %parallel_loop3A_667 = arith.index_cast %parallel_loop3A_162 : i32 to index
        %parallel_loop3A_668 = arith.constant 672 : index
        %parallel_loop3A_669 = tpu.vector_load %arg9[%parallel_loop3A_667, %parallel_loop3A_668] {strides = array<i32>} : memref<16x1024xf32, #tpu.memory_space<vmem>>, vector<1x16xf32>,
        %parallel_loop3A_670 = vector.shape_cast %parallel_loop3A_669 : vector<1x16xf32> to vector<16xf32>
        %parallel_loop3A_671 = arith.constant 3.200000e+01 : f32
        %parallel_loop3A_672 = vector.broadcast %parallel_loop3A_671 : f32 to vector<16xf32>
        %parallel_loop3A_673 = arith.mulf %parallel_loop3A_670, %parallel_loop3A_672 : vector<16xf32>
        %parallel_loop3A_674 = arith.index_cast %parallel_loop3A_162 : i32 to index
        %parallel_loop3A_675 = arith.constant 672 : index
        %parallel_loop3A_676 = tpu.vector_load %arg11[%parallel_loop3A_674, %parallel_loop3A_675] {strides = array<i32>} : memref<16x1024xf32, #tpu.memory_space<vmem>>, vector<1x16xf32>,
        %parallel_loop3A_677 = vector.shape_cast %parallel_loop3A_676 : vector<1x16xf32> to vector<16xf32>
        %parallel_loop3A_678 = vector.shape_cast %parallel_loop3A_673 : vector<16xf32> to vector<1x16xf32>
        tpu.vector_store %arg11[%parallel_loop3A_674, %parallel_loop3A_675], %parallel_loop3A_678 {strides = array<i32>} : memref<16x1024xf32, #tpu.memory_space<vmem>>, vector<1x16xf32>,
        %parallel_loop3A_679 = arith.index_cast %parallel_loop3A_162 : i32 to index
        %parallel_loop3A_680 = arith.constant 688 : index
        %parallel_loop3A_681 = tpu.vector_load %arg9[%parallel_loop3A_679, %parallel_loop3A_680] {strides = array<i32>} : memref<16x1024xf32, #tpu.memory_space<vmem>>, vector<1x16xf32>,
        %parallel_loop3A_682 = vector.shape_cast %parallel_loop3A_681 : vector<1x16xf32> to vector<16xf32>
        %parallel_loop3A_683 = arith.constant 3.200000e+01 : f32
        %parallel_loop3A_684 = vector.broadcast %parallel_loop3A_683 : f32 to vector<16xf32>
        %parallel_loop3A_685 = arith.mulf %parallel_loop3A_682, %parallel_loop3A_684 : vector<16xf32>
        %parallel_loop3A_686 = arith.index_cast %parallel_loop3A_162 : i32 to index
        %parallel_loop3A_687 = arith.constant 688 : index
        %parallel_loop3A_688 = tpu.vector_load %arg11[%parallel_loop3A_686, %parallel_loop3A_687] {strides = array<i32>} : memref<16x1024xf32, #tpu.memory_space<vmem>>, vector<1x16xf32>,
        %parallel_loop3A_689 = vector.shape_cast %parallel_loop3A_688 : vector<1x16xf32> to vector<16xf32>
        %parallel_loop3A_690 = vector.shape_cast %parallel_loop3A_685 : vector<16xf32> to vector<1x16xf32>
        tpu.vector_store %arg11[%parallel_loop3A_686, %parallel_loop3A_687], %parallel_loop3A_690 {strides = array<i32>} : memref<16x1024xf32, #tpu.memory_space<vmem>>, vector<1x16xf32>,
        %parallel_loop3A_691 = arith.index_cast %parallel_loop3A_162 : i32 to index
        %parallel_loop3A_692 = arith.constant 704 : index
        %parallel_loop3A_693 = tpu.vector_load %arg9[%parallel_loop3A_691, %parallel_loop3A_692] {strides = array<i32>} : memref<16x1024xf32, #tpu.memory_space<vmem>>, vector<1x16xf32>,
        %parallel_loop3A_694 = vector.shape_cast %parallel_loop3A_693 : vector<1x16xf32> to vector<16xf32>
        %parallel_loop3A_695 = arith.constant 3.200000e+01 : f32
        %parallel_loop3A_696 = vector.broadcast %parallel_loop3A_695 : f32 to vector<16xf32>
        %parallel_loop3A_697 = arith.mulf %parallel_loop3A_694, %parallel_loop3A_696 : vector<16xf32>
        %parallel_loop3A_698 = arith.index_cast %parallel_loop3A_162 : i32 to index
        %parallel_loop3A_699 = arith.constant 704 : index
        %parallel_loop3A_700 = tpu.vector_load %arg11[%parallel_loop3A_698, %parallel_loop3A_699] {strides = array<i32>} : memref<16x1024xf32, #tpu.memory_space<vmem>>, vector<1x16xf32>,
        %parallel_loop3A_701 = vector.shape_cast %parallel_loop3A_700 : vector<1x16xf32> to vector<16xf32>
        %parallel_loop3A_702 = vector.shape_cast %parallel_loop3A_697 : vector<16xf32> to vector<1x16xf32>
        tpu.vector_store %arg11[%parallel_loop3A_698, %parallel_loop3A_699], %parallel_loop3A_702 {strides = array<i32>} : memref<16x1024xf32, #tpu.memory_space<vmem>>, vector<1x16xf32>,
        %parallel_loop3A_703 = arith.index_cast %parallel_loop3A_162 : i32 to index
        %parallel_loop3A_704 = arith.constant 720 : index
        %parallel_loop3A_705 = tpu.vector_load %arg9[%parallel_loop3A_703, %parallel_loop3A_704] {strides = array<i32>} : memref<16x1024xf32, #tpu.memory_space<vmem>>, vector<1x16xf32>,
        %parallel_loop3A_706 = vector.shape_cast %parallel_loop3A_705 : vector<1x16xf32> to vector<16xf32>
        %parallel_loop3A_707 = arith.constant 3.200000e+01 : f32
        %parallel_loop3A_708 = vector.broadcast %parallel_loop3A_707 : f32 to vector<16xf32>
        %parallel_loop3A_709 = arith.mulf %parallel_loop3A_706, %parallel_loop3A_708 : vector<16xf32>
        %parallel_loop3A_710 = arith.index_cast %parallel_loop3A_162 : i32 to index
        %parallel_loop3A_711 = arith.constant 720 : index
        %parallel_loop3A_712 = tpu.vector_load %arg11[%parallel_loop3A_710, %parallel_loop3A_711] {strides = array<i32>} : memref<16x1024xf32, #tpu.memory_space<vmem>>, vector<1x16xf32>,
        %parallel_loop3A_713 = vector.shape_cast %parallel_loop3A_712 : vector<1x16xf32> to vector<16xf32>
        %parallel_loop3A_714 = vector.shape_cast %parallel_loop3A_709 : vector<16xf32> to vector<1x16xf32>
        tpu.vector_store %arg11[%parallel_loop3A_710, %parallel_loop3A_711], %parallel_loop3A_714 {strides = array<i32>} : memref<16x1024xf32, #tpu.memory_space<vmem>>, vector<1x16xf32>,
        %parallel_loop3A_715 = arith.index_cast %parallel_loop3A_162 : i32 to index
        %parallel_loop3A_716 = arith.constant 736 : index
        %parallel_loop3A_717 = tpu.vector_load %arg9[%parallel_loop3A_715, %parallel_loop3A_716] {strides = array<i32>} : memref<16x1024xf32, #tpu.memory_space<vmem>>, vector<1x16xf32>,
        %parallel_loop3A_718 = vector.shape_cast %parallel_loop3A_717 : vector<1x16xf32> to vector<16xf32>
        %parallel_loop3A_719 = arith.constant 3.200000e+01 : f32
        %parallel_loop3A_720 = vector.broadcast %parallel_loop3A_719 : f32 to vector<16xf32>
        %parallel_loop3A_721 = arith.mulf %parallel_loop3A_718, %parallel_loop3A_720 : vector<16xf32>
        %parallel_loop3A_722 = arith.index_cast %parallel_loop3A_162 : i32 to index
        %parallel_loop3A_723 = arith.constant 736 : index
        %parallel_loop3A_724 = tpu.vector_load %arg11[%parallel_loop3A_722, %parallel_loop3A_723] {strides = array<i32>} : memref<16x1024xf32, #tpu.memory_space<vmem>>, vector<1x16xf32>,
        %parallel_loop3A_725 = vector.shape_cast %parallel_loop3A_724 : vector<1x16xf32> to vector<16xf32>
        %parallel_loop3A_726 = vector.shape_cast %parallel_loop3A_721 : vector<16xf32> to vector<1x16xf32>
        tpu.vector_store %arg11[%parallel_loop3A_722, %parallel_loop3A_723], %parallel_loop3A_726 {strides = array<i32>} : memref<16x1024xf32, #tpu.memory_space<vmem>>, vector<1x16xf32>,
        %parallel_loop3A_727 = arith.index_cast %parallel_loop3A_162 : i32 to index
        %parallel_loop3A_728 = arith.constant 752 : index
        %parallel_loop3A_729 = tpu.vector_load %arg9[%parallel_loop3A_727, %parallel_loop3A_728] {strides = array<i32>} : memref<16x1024xf32, #tpu.memory_space<vmem>>, vector<1x16xf32>,
        %parallel_loop3A_730 = vector.shape_cast %parallel_loop3A_729 : vector<1x16xf32> to vector<16xf32>
        %parallel_loop3A_731 = arith.constant 3.200000e+01 : f32
        %parallel_loop3A_732 = vector.broadcast %parallel_loop3A_731 : f32 to vector<16xf32>
        %parallel_loop3A_733 = arith.mulf %parallel_loop3A_730, %parallel_loop3A_732 : vector<16xf32>
        %parallel_loop3A_734 = arith.index_cast %parallel_loop3A_162 : i32 to index
        %parallel_loop3A_735 = arith.constant 752 : index
        %parallel_loop3A_736 = tpu.vector_load %arg11[%parallel_loop3A_734, %parallel_loop3A_735] {strides = array<i32>} : memref<16x1024xf32, #tpu.memory_space<vmem>>, vector<1x16xf32>,
        %parallel_loop3A_737 = vector.shape_cast %parallel_loop3A_736 : vector<1x16xf32> to vector<16xf32>
        %parallel_loop3A_738 = vector.shape_cast %parallel_loop3A_733 : vector<16xf32> to vector<1x16xf32>
        tpu.vector_store %arg11[%parallel_loop3A_734, %parallel_loop3A_735], %parallel_loop3A_738 {strides = array<i32>} : memref<16x1024xf32, #tpu.memory_space<vmem>>, vector<1x16xf32>,
        %parallel_loop3A_739 = arith.index_cast %parallel_loop3A_162 : i32 to index
        %parallel_loop3A_740 = arith.constant 768 : index
        %parallel_loop3A_741 = tpu.vector_load %arg9[%parallel_loop3A_739, %parallel_loop3A_740] {strides = array<i32>} : memref<16x1024xf32, #tpu.memory_space<vmem>>, vector<1x16xf32>,
        %parallel_loop3A_742 = vector.shape_cast %parallel_loop3A_741 : vector<1x16xf32> to vector<16xf32>
        %parallel_loop3A_743 = arith.constant 3.200000e+01 : f32
        %parallel_loop3A_744 = vector.broadcast %parallel_loop3A_743 : f32 to vector<16xf32>
        %parallel_loop3A_745 = arith.mulf %parallel_loop3A_742, %parallel_loop3A_744 : vector<16xf32>
        %parallel_loop3A_746 = arith.index_cast %parallel_loop3A_162 : i32 to index
        %parallel_loop3A_747 = arith.constant 768 : index
        %parallel_loop3A_748 = tpu.vector_load %arg11[%parallel_loop3A_746, %parallel_loop3A_747] {strides = array<i32>} : memref<16x1024xf32, #tpu.memory_space<vmem>>, vector<1x16xf32>,
        %parallel_loop3A_749 = vector.shape_cast %parallel_loop3A_748 : vector<1x16xf32> to vector<16xf32>
        %parallel_loop3A_750 = vector.shape_cast %parallel_loop3A_745 : vector<16xf32> to vector<1x16xf32>
        tpu.vector_store %arg11[%parallel_loop3A_746, %parallel_loop3A_747], %parallel_loop3A_750 {strides = array<i32>} : memref<16x1024xf32, #tpu.memory_space<vmem>>, vector<1x16xf32>,
        %parallel_loop3A_751 = arith.index_cast %parallel_loop3A_162 : i32 to index
        %parallel_loop3A_752 = arith.constant 784 : index
        %parallel_loop3A_753 = tpu.vector_load %arg9[%parallel_loop3A_751, %parallel_loop3A_752] {strides = array<i32>} : memref<16x1024xf32, #tpu.memory_space<vmem>>, vector<1x16xf32>,
        %parallel_loop3A_754 = vector.shape_cast %parallel_loop3A_753 : vector<1x16xf32> to vector<16xf32>
        %parallel_loop3A_755 = arith.constant 3.200000e+01 : f32
        %parallel_loop3A_756 = vector.broadcast %parallel_loop3A_755 : f32 to vector<16xf32>
        %parallel_loop3A_757 = arith.mulf %parallel_loop3A_754, %parallel_loop3A_756 : vector<16xf32>
        %parallel_loop3A_758 = arith.index_cast %parallel_loop3A_162 : i32 to index
        %parallel_loop3A_759 = arith.constant 784 : index
        %parallel_loop3A_760 = tpu.vector_load %arg11[%parallel_loop3A_758, %parallel_loop3A_759] {strides = array<i32>} : memref<16x1024xf32, #tpu.memory_space<vmem>>, vector<1x16xf32>,
        %parallel_loop3A_761 = vector.shape_cast %parallel_loop3A_760 : vector<1x16xf32> to vector<16xf32>
        %parallel_loop3A_762 = vector.shape_cast %parallel_loop3A_757 : vector<16xf32> to vector<1x16xf32>
        tpu.vector_store %arg11[%parallel_loop3A_758, %parallel_loop3A_759], %parallel_loop3A_762 {strides = array<i32>} : memref<16x1024xf32, #tpu.memory_space<vmem>>, vector<1x16xf32>,
        %parallel_loop3A_763 = arith.index_cast %parallel_loop3A_162 : i32 to index
        %parallel_loop3A_764 = arith.constant 800 : index
        %parallel_loop3A_765 = tpu.vector_load %arg9[%parallel_loop3A_763, %parallel_loop3A_764] {strides = array<i32>} : memref<16x1024xf32, #tpu.memory_space<vmem>>, vector<1x16xf32>,
        %parallel_loop3A_766 = vector.shape_cast %parallel_loop3A_765 : vector<1x16xf32> to vector<16xf32>
        %parallel_loop3A_767 = arith.constant 3.200000e+01 : f32
        %parallel_loop3A_768 = vector.broadcast %parallel_loop3A_767 : f32 to vector<16xf32>
        %parallel_loop3A_769 = arith.mulf %parallel_loop3A_766, %parallel_loop3A_768 : vector<16xf32>
        %parallel_loop3A_770 = arith.index_cast %parallel_loop3A_162 : i32 to index
        %parallel_loop3A_771 = arith.constant 800 : index
        %parallel_loop3A_772 = tpu.vector_load %arg11[%parallel_loop3A_770, %parallel_loop3A_771] {strides = array<i32>} : memref<16x1024xf32, #tpu.memory_space<vmem>>, vector<1x16xf32>,
        %parallel_loop3A_773 = vector.shape_cast %parallel_loop3A_772 : vector<1x16xf32> to vector<16xf32>
        %parallel_loop3A_774 = vector.shape_cast %parallel_loop3A_769 : vector<16xf32> to vector<1x16xf32>
        tpu.vector_store %arg11[%parallel_loop3A_770, %parallel_loop3A_771], %parallel_loop3A_774 {strides = array<i32>} : memref<16x1024xf32, #tpu.memory_space<vmem>>, vector<1x16xf32>,
        %parallel_loop3A_775 = arith.index_cast %parallel_loop3A_162 : i32 to index
        %parallel_loop3A_776 = arith.constant 816 : index
        %parallel_loop3A_777 = tpu.vector_load %arg9[%parallel_loop3A_775, %parallel_loop3A_776] {strides = array<i32>} : memref<16x1024xf32, #tpu.memory_space<vmem>>, vector<1x16xf32>,
        %parallel_loop3A_778 = vector.shape_cast %parallel_loop3A_777 : vector<1x16xf32> to vector<16xf32>
        %parallel_loop3A_779 = arith.constant 3.200000e+01 : f32
        %parallel_loop3A_780 = vector.broadcast %parallel_loop3A_779 : f32 to vector<16xf32>
        %parallel_loop3A_781 = arith.mulf %parallel_loop3A_778, %parallel_loop3A_780 : vector<16xf32>
        %parallel_loop3A_782 = arith.index_cast %parallel_loop3A_162 : i32 to index
        %parallel_loop3A_783 = arith.constant 816 : index
        %parallel_loop3A_784 = tpu.vector_load %arg11[%parallel_loop3A_782, %parallel_loop3A_783] {strides = array<i32>} : memref<16x1024xf32, #tpu.memory_space<vmem>>, vector<1x16xf32>,
        %parallel_loop3A_785 = vector.shape_cast %parallel_loop3A_784 : vector<1x16xf32> to vector<16xf32>
        %parallel_loop3A_786 = vector.shape_cast %parallel_loop3A_781 : vector<16xf32> to vector<1x16xf32>
        tpu.vector_store %arg11[%parallel_loop3A_782, %parallel_loop3A_783], %parallel_loop3A_786 {strides = array<i32>} : memref<16x1024xf32, #tpu.memory_space<vmem>>, vector<1x16xf32>,
        %parallel_loop3A_787 = arith.index_cast %parallel_loop3A_162 : i32 to index
        %parallel_loop3A_788 = arith.constant 832 : index
        %parallel_loop3A_789 = tpu.vector_load %arg9[%parallel_loop3A_787, %parallel_loop3A_788] {strides = array<i32>} : memref<16x1024xf32, #tpu.memory_space<vmem>>, vector<1x16xf32>,
        %parallel_loop3A_790 = vector.shape_cast %parallel_loop3A_789 : vector<1x16xf32> to vector<16xf32>
        %parallel_loop3A_791 = arith.constant 3.200000e+01 : f32
        %parallel_loop3A_792 = vector.broadcast %parallel_loop3A_791 : f32 to vector<16xf32>
        %parallel_loop3A_793 = arith.mulf %parallel_loop3A_790, %parallel_loop3A_792 : vector<16xf32>
        %parallel_loop3A_794 = arith.index_cast %parallel_loop3A_162 : i32 to index
        %parallel_loop3A_795 = arith.constant 832 : index
        %parallel_loop3A_796 = tpu.vector_load %arg11[%parallel_loop3A_794, %parallel_loop3A_795] {strides = array<i32>} : memref<16x1024xf32, #tpu.memory_space<vmem>>, vector<1x16xf32>,
        %parallel_loop3A_797 = vector.shape_cast %parallel_loop3A_796 : vector<1x16xf32> to vector<16xf32>
        %parallel_loop3A_798 = vector.shape_cast %parallel_loop3A_793 : vector<16xf32> to vector<1x16xf32>
        tpu.vector_store %arg11[%parallel_loop3A_794, %parallel_loop3A_795], %parallel_loop3A_798 {strides = array<i32>} : memref<16x1024xf32, #tpu.memory_space<vmem>>, vector<1x16xf32>,
        %parallel_loop3A_799 = arith.index_cast %parallel_loop3A_162 : i32 to index
        %parallel_loop3A_800 = arith.constant 848 : index
        %parallel_loop3A_801 = tpu.vector_load %arg9[%parallel_loop3A_799, %parallel_loop3A_800] {strides = array<i32>} : memref<16x1024xf32, #tpu.memory_space<vmem>>, vector<1x16xf32>,
        %parallel_loop3A_802 = vector.shape_cast %parallel_loop3A_801 : vector<1x16xf32> to vector<16xf32>
        %parallel_loop3A_803 = arith.constant 3.200000e+01 : f32
        %parallel_loop3A_804 = vector.broadcast %parallel_loop3A_803 : f32 to vector<16xf32>
        %parallel_loop3A_805 = arith.mulf %parallel_loop3A_802, %parallel_loop3A_804 : vector<16xf32>
        %parallel_loop3A_806 = arith.index_cast %parallel_loop3A_162 : i32 to index
        %parallel_loop3A_807 = arith.constant 848 : index
        %parallel_loop3A_808 = tpu.vector_load %arg11[%parallel_loop3A_806, %parallel_loop3A_807] {strides = array<i32>} : memref<16x1024xf32, #tpu.memory_space<vmem>>, vector<1x16xf32>,
        %parallel_loop3A_809 = vector.shape_cast %parallel_loop3A_808 : vector<1x16xf32> to vector<16xf32>
        %parallel_loop3A_810 = vector.shape_cast %parallel_loop3A_805 : vector<16xf32> to vector<1x16xf32>
        tpu.vector_store %arg11[%parallel_loop3A_806, %parallel_loop3A_807], %parallel_loop3A_810 {strides = array<i32>} : memref<16x1024xf32, #tpu.memory_space<vmem>>, vector<1x16xf32>,
        %parallel_loop3A_811 = arith.index_cast %parallel_loop3A_162 : i32 to index
        %parallel_loop3A_812 = arith.constant 864 : index
        %parallel_loop3A_813 = tpu.vector_load %arg9[%parallel_loop3A_811, %parallel_loop3A_812] {strides = array<i32>} : memref<16x1024xf32, #tpu.memory_space<vmem>>, vector<1x16xf32>,
        %parallel_loop3A_814 = vector.shape_cast %parallel_loop3A_813 : vector<1x16xf32> to vector<16xf32>
        %parallel_loop3A_815 = arith.constant 3.200000e+01 : f32
        %parallel_loop3A_816 = vector.broadcast %parallel_loop3A_815 : f32 to vector<16xf32>
        %parallel_loop3A_817 = arith.mulf %parallel_loop3A_814, %parallel_loop3A_816 : vector<16xf32>
        %parallel_loop3A_818 = arith.index_cast %parallel_loop3A_162 : i32 to index
        %parallel_loop3A_819 = arith.constant 864 : index
        %parallel_loop3A_820 = tpu.vector_load %arg11[%parallel_loop3A_818, %parallel_loop3A_819] {strides = array<i32>} : memref<16x1024xf32, #tpu.memory_space<vmem>>, vector<1x16xf32>,
        %parallel_loop3A_821 = vector.shape_cast %parallel_loop3A_820 : vector<1x16xf32> to vector<16xf32>
        %parallel_loop3A_822 = vector.shape_cast %parallel_loop3A_817 : vector<16xf32> to vector<1x16xf32>
        tpu.vector_store %arg11[%parallel_loop3A_818, %parallel_loop3A_819], %parallel_loop3A_822 {strides = array<i32>} : memref<16x1024xf32, #tpu.memory_space<vmem>>, vector<1x16xf32>,
        %parallel_loop3A_823 = arith.index_cast %parallel_loop3A_162 : i32 to index
        %parallel_loop3A_824 = arith.constant 880 : index
        %parallel_loop3A_825 = tpu.vector_load %arg9[%parallel_loop3A_823, %parallel_loop3A_824] {strides = array<i32>} : memref<16x1024xf32, #tpu.memory_space<vmem>>, vector<1x16xf32>,
        %parallel_loop3A_826 = vector.shape_cast %parallel_loop3A_825 : vector<1x16xf32> to vector<16xf32>
        %parallel_loop3A_827 = arith.constant 3.200000e+01 : f32
        %parallel_loop3A_828 = vector.broadcast %parallel_loop3A_827 : f32 to vector<16xf32>
        %parallel_loop3A_829 = arith.mulf %parallel_loop3A_826, %parallel_loop3A_828 : vector<16xf32>
        %parallel_loop3A_830 = arith.index_cast %parallel_loop3A_162 : i32 to index
        %parallel_loop3A_831 = arith.constant 880 : index
        %parallel_loop3A_832 = tpu.vector_load %arg11[%parallel_loop3A_830, %parallel_loop3A_831] {strides = array<i32>} : memref<16x1024xf32, #tpu.memory_space<vmem>>, vector<1x16xf32>,
        %parallel_loop3A_833 = vector.shape_cast %parallel_loop3A_832 : vector<1x16xf32> to vector<16xf32>
        %parallel_loop3A_834 = vector.shape_cast %parallel_loop3A_829 : vector<16xf32> to vector<1x16xf32>
        tpu.vector_store %arg11[%parallel_loop3A_830, %parallel_loop3A_831], %parallel_loop3A_834 {strides = array<i32>} : memref<16x1024xf32, #tpu.memory_space<vmem>>, vector<1x16xf32>,
        %parallel_loop3A_835 = arith.index_cast %parallel_loop3A_162 : i32 to index
        %parallel_loop3A_836 = arith.constant 896 : index
        %parallel_loop3A_837 = tpu.vector_load %arg9[%parallel_loop3A_835, %parallel_loop3A_836] {strides = array<i32>} : memref<16x1024xf32, #tpu.memory_space<vmem>>, vector<1x16xf32>,
        %parallel_loop3A_838 = vector.shape_cast %parallel_loop3A_837 : vector<1x16xf32> to vector<16xf32>
        %parallel_loop3A_839 = arith.constant 3.200000e+01 : f32
        %parallel_loop3A_840 = vector.broadcast %parallel_loop3A_839 : f32 to vector<16xf32>
        %parallel_loop3A_841 = arith.mulf %parallel_loop3A_838, %parallel_loop3A_840 : vector<16xf32>
        %parallel_loop3A_842 = arith.index_cast %parallel_loop3A_162 : i32 to index
        %parallel_loop3A_843 = arith.constant 896 : index
        %parallel_loop3A_844 = tpu.vector_load %arg11[%parallel_loop3A_842, %parallel_loop3A_843] {strides = array<i32>} : memref<16x1024xf32, #tpu.memory_space<vmem>>, vector<1x16xf32>,
        %parallel_loop3A_845 = vector.shape_cast %parallel_loop3A_844 : vector<1x16xf32> to vector<16xf32>
        %parallel_loop3A_846 = vector.shape_cast %parallel_loop3A_841 : vector<16xf32> to vector<1x16xf32>
        tpu.vector_store %arg11[%parallel_loop3A_842, %parallel_loop3A_843], %parallel_loop3A_846 {strides = array<i32>} : memref<16x1024xf32, #tpu.memory_space<vmem>>, vector<1x16xf32>,
        %parallel_loop3A_847 = arith.index_cast %parallel_loop3A_162 : i32 to index
        %parallel_loop3A_848 = arith.constant 912 : index
        %parallel_loop3A_849 = tpu.vector_load %arg9[%parallel_loop3A_847, %parallel_loop3A_848] {strides = array<i32>} : memref<16x1024xf32, #tpu.memory_space<vmem>>, vector<1x16xf32>,
        %parallel_loop3A_850 = vector.shape_cast %parallel_loop3A_849 : vector<1x16xf32> to vector<16xf32>
        %parallel_loop3A_851 = arith.constant 3.200000e+01 : f32
        %parallel_loop3A_852 = vector.broadcast %parallel_loop3A_851 : f32 to vector<16xf32>
        %parallel_loop3A_853 = arith.mulf %parallel_loop3A_850, %parallel_loop3A_852 : vector<16xf32>
        %parallel_loop3A_854 = arith.index_cast %parallel_loop3A_162 : i32 to index
        %parallel_loop3A_855 = arith.constant 912 : index
        %parallel_loop3A_856 = tpu.vector_load %arg11[%parallel_loop3A_854, %parallel_loop3A_855] {strides = array<i32>} : memref<16x1024xf32, #tpu.memory_space<vmem>>, vector<1x16xf32>,
        %parallel_loop3A_857 = vector.shape_cast %parallel_loop3A_856 : vector<1x16xf32> to vector<16xf32>
        %parallel_loop3A_858 = vector.shape_cast %parallel_loop3A_853 : vector<16xf32> to vector<1x16xf32>
        tpu.vector_store %arg11[%parallel_loop3A_854, %parallel_loop3A_855], %parallel_loop3A_858 {strides = array<i32>} : memref<16x1024xf32, #tpu.memory_space<vmem>>, vector<1x16xf32>,
        %parallel_loop3A_859 = arith.index_cast %parallel_loop3A_162 : i32 to index
        %parallel_loop3A_860 = arith.constant 928 : index
        %parallel_loop3A_861 = tpu.vector_load %arg9[%parallel_loop3A_859, %parallel_loop3A_860] {strides = array<i32>} : memref<16x1024xf32, #tpu.memory_space<vmem>>, vector<1x16xf32>,
        %parallel_loop3A_862 = vector.shape_cast %parallel_loop3A_861 : vector<1x16xf32> to vector<16xf32>
        %parallel_loop3A_863 = arith.constant 3.200000e+01 : f32
        %parallel_loop3A_864 = vector.broadcast %parallel_loop3A_863 : f32 to vector<16xf32>
        %parallel_loop3A_865 = arith.mulf %parallel_loop3A_862, %parallel_loop3A_864 : vector<16xf32>
        %parallel_loop3A_866 = arith.index_cast %parallel_loop3A_162 : i32 to index
        %parallel_loop3A_867 = arith.constant 928 : index
        %parallel_loop3A_868 = tpu.vector_load %arg11[%parallel_loop3A_866, %parallel_loop3A_867] {strides = array<i32>} : memref<16x1024xf32, #tpu.memory_space<vmem>>, vector<1x16xf32>,
        %parallel_loop3A_869 = vector.shape_cast %parallel_loop3A_868 : vector<1x16xf32> to vector<16xf32>
        %parallel_loop3A_870 = vector.shape_cast %parallel_loop3A_865 : vector<16xf32> to vector<1x16xf32>
        tpu.vector_store %arg11[%parallel_loop3A_866, %parallel_loop3A_867], %parallel_loop3A_870 {strides = array<i32>} : memref<16x1024xf32, #tpu.memory_space<vmem>>, vector<1x16xf32>,
        %parallel_loop3A_871 = arith.index_cast %parallel_loop3A_162 : i32 to index
        %parallel_loop3A_872 = arith.constant 944 : index
        %parallel_loop3A_873 = tpu.vector_load %arg9[%parallel_loop3A_871, %parallel_loop3A_872] {strides = array<i32>} : memref<16x1024xf32, #tpu.memory_space<vmem>>, vector<1x16xf32>,
        %parallel_loop3A_874 = vector.shape_cast %parallel_loop3A_873 : vector<1x16xf32> to vector<16xf32>
        %parallel_loop3A_875 = arith.constant 3.200000e+01 : f32
        %parallel_loop3A_876 = vector.broadcast %parallel_loop3A_875 : f32 to vector<16xf32>
        %parallel_loop3A_877 = arith.mulf %parallel_loop3A_874, %parallel_loop3A_876 : vector<16xf32>
        %parallel_loop3A_878 = arith.index_cast %parallel_loop3A_162 : i32 to index
        %parallel_loop3A_879 = arith.constant 944 : index
        %parallel_loop3A_880 = tpu.vector_load %arg11[%parallel_loop3A_878, %parallel_loop3A_879] {strides = array<i32>} : memref<16x1024xf32, #tpu.memory_space<vmem>>, vector<1x16xf32>,
        %parallel_loop3A_881 = vector.shape_cast %parallel_loop3A_880 : vector<1x16xf32> to vector<16xf32>
        %parallel_loop3A_882 = vector.shape_cast %parallel_loop3A_877 : vector<16xf32> to vector<1x16xf32>
        tpu.vector_store %arg11[%parallel_loop3A_878, %parallel_loop3A_879], %parallel_loop3A_882 {strides = array<i32>} : memref<16x1024xf32, #tpu.memory_space<vmem>>, vector<1x16xf32>,
        %parallel_loop3A_883 = arith.index_cast %parallel_loop3A_162 : i32 to index
        %parallel_loop3A_884 = arith.constant 960 : index
        %parallel_loop3A_885 = tpu.vector_load %arg9[%parallel_loop3A_883, %parallel_loop3A_884] {strides = array<i32>} : memref<16x1024xf32, #tpu.memory_space<vmem>>, vector<1x16xf32>,
        %parallel_loop3A_886 = vector.shape_cast %parallel_loop3A_885 : vector<1x16xf32> to vector<16xf32>
        %parallel_loop3A_887 = arith.constant 3.200000e+01 : f32
        %parallel_loop3A_888 = vector.broadcast %parallel_loop3A_887 : f32 to vector<16xf32>
        %parallel_loop3A_889 = arith.mulf %parallel_loop3A_886, %parallel_loop3A_888 : vector<16xf32>
        %parallel_loop3A_890 = arith.index_cast %parallel_loop3A_162 : i32 to index
        %parallel_loop3A_891 = arith.constant 960 : index
        %parallel_loop3A_892 = tpu.vector_load %arg11[%parallel_loop3A_890, %parallel_loop3A_891] {strides = array<i32>} : memref<16x1024xf32, #tpu.memory_space<vmem>>, vector<1x16xf32>,
        %parallel_loop3A_893 = vector.shape_cast %parallel_loop3A_892 : vector<1x16xf32> to vector<16xf32>
        %parallel_loop3A_894 = vector.shape_cast %parallel_loop3A_889 : vector<16xf32> to vector<1x16xf32>
        tpu.vector_store %arg11[%parallel_loop3A_890, %parallel_loop3A_891], %parallel_loop3A_894 {strides = array<i32>} : memref<16x1024xf32, #tpu.memory_space<vmem>>, vector<1x16xf32>,
        %parallel_loop3A_895 = arith.index_cast %parallel_loop3A_162 : i32 to index
        %parallel_loop3A_896 = arith.constant 976 : index
        %parallel_loop3A_897 = tpu.vector_load %arg9[%parallel_loop3A_895, %parallel_loop3A_896] {strides = array<i32>} : memref<16x1024xf32, #tpu.memory_space<vmem>>, vector<1x16xf32>,
        %parallel_loop3A_898 = vector.shape_cast %parallel_loop3A_897 : vector<1x16xf32> to vector<16xf32>
        %parallel_loop3A_899 = arith.constant 3.200000e+01 : f32
        %parallel_loop3A_900 = vector.broadcast %parallel_loop3A_899 : f32 to vector<16xf32>
        %parallel_loop3A_901 = arith.mulf %parallel_loop3A_898, %parallel_loop3A_900 : vector<16xf32>
        %parallel_loop3A_902 = arith.index_cast %parallel_loop3A_162 : i32 to index
        %parallel_loop3A_903 = arith.constant 976 : index
        %parallel_loop3A_904 = tpu.vector_load %arg11[%parallel_loop3A_902, %parallel_loop3A_903] {strides = array<i32>} : memref<16x1024xf32, #tpu.memory_space<vmem>>, vector<1x16xf32>,
        %parallel_loop3A_905 = vector.shape_cast %parallel_loop3A_904 : vector<1x16xf32> to vector<16xf32>
        %parallel_loop3A_906 = vector.shape_cast %parallel_loop3A_901 : vector<16xf32> to vector<1x16xf32>
        tpu.vector_store %arg11[%parallel_loop3A_902, %parallel_loop3A_903], %parallel_loop3A_906 {strides = array<i32>} : memref<16x1024xf32, #tpu.memory_space<vmem>>, vector<1x16xf32>,
        %parallel_loop3A_907 = arith.index_cast %parallel_loop3A_162 : i32 to index
        %parallel_loop3A_908 = arith.constant 992 : index
        %parallel_loop3A_909 = tpu.vector_load %arg9[%parallel_loop3A_907, %parallel_loop3A_908] {strides = array<i32>} : memref<16x1024xf32, #tpu.memory_space<vmem>>, vector<1x16xf32>,
        %parallel_loop3A_910 = vector.shape_cast %parallel_loop3A_909 : vector<1x16xf32> to vector<16xf32>
        %parallel_loop3A_911 = arith.constant 3.200000e+01 : f32
        %parallel_loop3A_912 = vector.broadcast %parallel_loop3A_911 : f32 to vector<16xf32>
        %parallel_loop3A_913 = arith.mulf %parallel_loop3A_910, %parallel_loop3A_912 : vector<16xf32>
        %parallel_loop3A_914 = arith.index_cast %parallel_loop3A_162 : i32 to index
        %parallel_loop3A_915 = arith.constant 992 : index
        %parallel_loop3A_916 = tpu.vector_load %arg11[%parallel_loop3A_914, %parallel_loop3A_915] {strides = array<i32>} : memref<16x1024xf32, #tpu.memory_space<vmem>>, vector<1x16xf32>,
        %parallel_loop3A_917 = vector.shape_cast %parallel_loop3A_916 : vector<1x16xf32> to vector<16xf32>
        %parallel_loop3A_918 = vector.shape_cast %parallel_loop3A_913 : vector<16xf32> to vector<1x16xf32>
        tpu.vector_store %arg11[%parallel_loop3A_914, %parallel_loop3A_915], %parallel_loop3A_918 {strides = array<i32>} : memref<16x1024xf32, #tpu.memory_space<vmem>>, vector<1x16xf32>,
        %parallel_loop3A_919 = arith.index_cast %parallel_loop3A_162 : i32 to index
        %parallel_loop3A_920 = arith.constant 1008 : index
        %parallel_loop3A_921 = tpu.vector_load %arg9[%parallel_loop3A_919, %parallel_loop3A_920] {strides = array<i32>} : memref<16x1024xf32, #tpu.memory_space<vmem>>, vector<1x16xf32>,
        %parallel_loop3A_922 = vector.shape_cast %parallel_loop3A_921 : vector<1x16xf32> to vector<16xf32>
        %parallel_loop3A_923 = arith.constant 3.200000e+01 : f32
        %parallel_loop3A_924 = vector.broadcast %parallel_loop3A_923 : f32 to vector<16xf32>
        %parallel_loop3A_925 = arith.mulf %parallel_loop3A_922, %parallel_loop3A_924 : vector<16xf32>
        %parallel_loop3A_926 = arith.index_cast %parallel_loop3A_162 : i32 to index
        %parallel_loop3A_927 = arith.constant 1008 : index
        %parallel_loop3A_928 = tpu.vector_load %arg11[%parallel_loop3A_926, %parallel_loop3A_927] {strides = array<i32>} : memref<16x1024xf32, #tpu.memory_space<vmem>>, vector<1x16xf32>,
        %parallel_loop3A_929 = vector.shape_cast %parallel_loop3A_928 : vector<1x16xf32> to vector<16xf32>
        %parallel_loop3A_930 = vector.shape_cast %parallel_loop3A_925 : vector<16xf32> to vector<1x16xf32>
        tpu.vector_store %arg11[%parallel_loop3A_926, %parallel_loop3A_927], %parallel_loop3A_930 {strides = array<i32>} : memref<16x1024xf32, #tpu.memory_space<vmem>>, vector<1x16xf32>,
      } {sc.loop_unroll_factor = 1 : i64, sc.parallel_access}
      %mul3A_148 = arith.constant 16 : i32
      %mul3A_149 = arith.muli %add3A_133, %mul3A_148 : i32
      %add3A_150 = arith.addi %mul3A_2, %mul3A_149 : i32
      %dma_start3A_151 = arith.constant 0 : i32
      %dma_start3A_152 = tpu.memref_slice %arg4[%add3A_150, %dma_start3A_151] : memref<8192x1024xf32, #tpu.memory_space<hbm>> -> memref<16x1024xf32, #tpu.memory_space<hbm>>
      %dma_start3A_153 = arith.constant 0 : i32
      %dma_start3A_154 = tpu.memref_slice %arg4[%add3A_150, %dma_start3A_153] : memref<8192x1024xf32, #tpu.memory_space<hbm>> -> memref<16x1024xf32, #tpu.memory_space<hbm>>
      tpu.enqueue_dma source(%arg11 : memref<16x1024xf32, #tpu.memory_space<vmem>>) target(%dma_start3A_154 : memref<16x1024xf32, #tpu.memory_space<hbm>>) target_semaphore(%arg17 : memref<!tpu.dma_semaphore, #tpu.memory_space<semaphore_mem>>)
      %add3A_155 = arith.constant 4 : i32
      %add3A_156 = arith.addi %add3A_133, %add3A_155 : i32
      %lt3A_157 = arith.constant 16 : i32
      %lt3A_158 = arith.cmpi slt, %add3A_156, %lt3A_157 : i32
      %convert_element_type3A_159 = arith.extui %lt3A_158 : i1 to i32
      %cond3A_160 = arith.constant 0 : i32
      %cond3A_161 = arith.cmpi ne, %convert_element_type3A_159, %cond3A_160 : i32
      scf.if %cond3A_161 {
        %add3A_162 = arith.constant 4 : i32
        %add3A_163 = arith.addi %add3A_133, %add3A_162 : i32
        %mul3A_164 = arith.constant 16 : i32
        %mul3A_165 = arith.muli %add3A_163, %mul3A_164 : i32
        %dma_start3A_166 = tpu.memref_slice %arg5[%mul3A_165] : memref<256xi32, #tpu.memory_space<vmem>> -> memref<16xi32, #tpu.memory_space<vmem>>
        %dma_start3A_167 = arith.constant 0 : i32
        %dma_start3A_168 = arith.constant 0 : i32
        %dma_start3A_169 = tpu.memref_slice %arg2[%dma_start3A_167, %dma_start3A_168] : memref<100000x1024xf32, #tpu.memory_space<hbm>> -> memref<100000x1024xf32, #tpu.memory_space<hbm>>
        tpu.enqueue_indirect_dma source(%dma_start3A_169 : memref<100000x1024xf32, #tpu.memory_space<hbm>>) target(%arg9 : memref<16x1024xf32, #tpu.memory_space<vmem>>) offsets(%dma_start3A_166 : memref<16xi32, #tpu.memory_space<vmem>>) semaphore(%arg15 : memref<!tpu.dma_semaphore, #tpu.memory_space<semaphore_mem>>)
      } else {
      }
    }
    %scan3A_26 = arith.constant 4 : i32
    %add3A_27 = arith.constant 0 : i32
    %add3A_28 = arith.addi %mul3A_2, %add3A_27 : i32
    %dma_wait3A = arith.constant 0 : i32
    %dma_wait3A_29 = tpu.memref_slice %arg4[%add3A_28, %dma_wait3A] : memref<8192x1024xf32, #tpu.memory_space<hbm>> -> memref<16x1024xf32, #tpu.memory_space<hbm>>
    %dma_wait3A_30 = arith.constant 0 : i32
    %dma_wait3A_31 = tpu.memref_slice %arg4[%add3A_28, %dma_wait3A_30] : memref<8192x1024xf32, #tpu.memory_space<hbm>> -> memref<16x1024xf32, #tpu.memory_space<hbm>>
    tpu.wait_dma2 semaphore(%arg16 : memref<!tpu.dma_semaphore, #tpu.memory_space<semaphore_mem>>) src(%arg10 : memref<16x1024xf32, #tpu.memory_space<vmem>>) dst(%dma_wait3A_31 : memref<16x1024xf32, #tpu.memory_space<hbm>>)
    %add3A_32 = arith.constant 0 : i32
    %add3A_33 = arith.addi %mul3A_2, %add3A_32 : i32
    %dma_wait3A_34 = arith.constant 0 : i32
    %dma_wait3A_35 = tpu.memref_slice %arg4[%add3A_33, %dma_wait3A_34] : memref<8192x1024xf32, #tpu.memory_space<hbm>> -> memref<16x1024xf32, #tpu.memory_space<hbm>>
    %dma_wait3A_36 = arith.constant 0 : i32
    %dma_wait3A_37 = tpu.memref_slice %arg4[%add3A_33, %dma_wait3A_36] : memref<8192x1024xf32, #tpu.memory_space<hbm>> -> memref<16x1024xf32, #tpu.memory_space<hbm>>
    tpu.wait_dma2 semaphore(%arg17 : memref<!tpu.dma_semaphore, #tpu.memory_space<semaphore_mem>>) src(%arg11 : memref<16x1024xf32, #tpu.memory_space<vmem>>) dst(%dma_wait3A_37 : memref<16x1024xf32, #tpu.memory_space<hbm>>)
    return
  }
}

</mosaic_0001>

<sc_bundles>
// kernel: kernel.3.cloned.1.call-start
scs
__scs_entry_jumppad:
0x0: {  	(pc) =	sbr.rel $0x88, $3  }
0x1: {  	(tag) =	ssettag $0x0;
	lr =	simm.s32 $0x1  }
0x2: {  	[smem:$0x3F9F] =	sst lr;
	_ =	strace $0xD0000000  }
0x3: {  	_ = 	snop  }
0x4: {  	_ = 	snop  }
0x5: {  	_ = 	snop  }
0x6: {  	_ = 	snop  }
0x7: {  	_ = 	snop  }
__scs_overlays_trampoline_lowered:
0x8: {  	[smem:$0x3FAE] =	sst s0  }
0x9: {  	[smem:$0x3FAF] =	sst s1  }
0xa: {  	[smem:$0x3FB0] =	sst s2  }
0xb: {  	[smem:$0x3FB1] =	sst s3  }
0xc: {  	[smem:$0x3FB2] =	sst s4  }
0xd: {  	[smem:$0x3FB3] =	sst s5  }
0xe: {  	[smem:$0x3FB4] =	sst s6  }
0xf: {  	[smem:$0x3FB5] =	sst s7  }
0x10: {  	[smem:$0x3FB6] =	sst s8  }
0x11: {  	[smem:$0x3FB7] =	sst s9;
	s0 =	simm.s32 @!p0 $0x0  }
0x12: {  	s1 =	sld [smem:$0x3F9D];
	s0 =	simm.s32 @p0 $0x1  }
0x13: {  	[smem:$0x3FB8] =	sst s0;
	s0 =	simm.s32 @!p1 $0x0  }
0x14: {  	s2 =	sld [smem:$0x3F9C];
	s0 =	simm.s32 @p1 $0x1  }
0x15: {  	[smem:$0x3FB9] =	sst s0;
	s0 =	simm.s32 @!p2 $0x0  }
0x16: {  	s3 =	sld [smem:$0x3FDB];
	s0 =	simm.s32 @p2 $0x1  }
0x17: {  	s4 =	simm.s32 $0x1BF5;
	[smem:$0x3FBB] =	sst s0  }
0x18: {  	s0 =	sld [smem:$0x3F9E];
	_ =	swait.ge [sflag:s4], $0x0  }
0x19: {  	s7 =	sld [smem:$0x3F9F]  }
0x1a: {  	s8 =	sadd.s32 $0xFFFFE003, lr  }
0x1b: {  	s9 =	sadd.s32 $0xFFFFFEF7, lr;
	s5 =	simm.s32 $0xFFFFFFFF;
	p2 =	slt.u32 s8, $0xFFFFF086  }
0x1c: {  	p1 =	slt.u32 s9, $0xF7A;
	s5 =	simm.s32 @!p2 $0x0  }
0x1d: {  	s5 =	simm.s32 @p1 $0x1;
	p0 =	seq.s32 s7, s2  }
0x1e: {  	s7 =	smul.u32 @!p0 $0xF7A, s2;
	p2 =	seq.s32 @!p0 s5, $0x0  }
0x1f: {  	s9 =	smul.u32 $0xF7A, s1;
	s8 =	simm.s32 @!p0 $0x1BF5;
	p2 =	por !p2, p0  }
0x20: {  	[sflag:s8] =	ssyncset.s32 @!p0 $0xFFFFF086;
	s6 =	sadd.s32 @!p0 s3, s7;
	s7 =	simm.s32 @!p0 $0x108  }
0x21: {  	s3 =	sadd.s32 s3, s9;
	s6 =	sadd.s32 @!p0 $0x88, s6;
	s7 =	simm.s32 @p2 $0x1082  }
0x22: {  	[simem:s7], [sflag:s8] =	dma.local @!p0 [hbm:s6], $0xF7A  }
0x23: {  	s9 =	sor.u32 $0xD0000000, s2;
	s6 =	simm.s32 $0x108;
	_ =	swait.ge @!p0 [sflag:s8], $0x0  }
0x24: {  	s3 =	sadd.s32 $0x88, s3;
	s6 =	simm.s32 @!p1 $0x1082;
	[sflag:s4] =	ssyncset.s32 $0xFFFFF086  }
0x25: {  	[simem:s6], [sflag:s4] =	dma.local [hbm:s3], $0xF7A  }
0x26: {  	[smem:$0x3F9F] =	sst s1;
	(tag) =	ssettag s2;
	_ =	strace s9  }
0x27: {  	s1 =	sld [smem:$0x3FAF]  }
0x28: {  	s2 =	sld [smem:$0x3FB0]  }
0x29: {  	s4 =	sld [smem:$0x3FB2]  }
0x2a: {  	p0 =	seq.s32 s5, $0x0;
	s5 =	sld [smem:$0x3FB3]  }
0x2b: {  	s6 =	sld [smem:$0x3FB4]  }
0x2c: {  	s7 =	sld [smem:$0x3FB5]  }
0x2d: {  	s3 =	simm.s32 $0x108;
	s8 =	sld [smem:$0x3FB6]  }
0x2e: {  	s3 =	simm.s32 @!p0 $0x1082;
	s9 =	sld [smem:$0x3FB7]  }
0x2f: {  	lr =	sadd.s32 s0, s3;
	s0 =	sld [smem:$0x3FAE]  }
0x30: {  	s3 =	sld [smem:$0x3FB1]  }
0x31: {  	[smem:$0x3FBA] =	sst s10  }
0x32: {  	s10 =	sld [smem:$0x3FB8];
	_ =	sdelay $0x3  }
0x33: {  	p0 =	seq.s32 s10, $0x1;
	s10 =	sld [smem:$0x3FBA];
	_ =	sdelay $0x3  }
0x34: {  	[smem:$0x3FBA] =	sst s10  }
0x35: {  	s10 =	sld [smem:$0x3FB9];
	_ =	sdelay $0x3  }
0x36: {  	p1 =	seq.s32 s10, $0x1;
	s10 =	sld [smem:$0x3FBA];
	_ =	sdelay $0x3  }
0x37: {  	[smem:$0x3FBA] =	sst s10  }
0x38: {  	s10 =	sld [smem:$0x3FBB]  }
0x39: {  	_ = 	snop;
	(pc) =	sbr.ind lr, $3  }
0x3a: {  	_ = 	snop  }
0x3b: {  	_ = 	snop  }
0x3c: {  	p2 =	seq.s32 s10, $0x1;
	s10 =	sld [smem:$0x3FBA]  }
0x3d: {  	_ =	shalt  }
0x3e: {  	_ =	shalt  }
0x3f: {  	_ =	shalt  }
0x40: {  	_ =	shalt  }
0x41: {  	_ =	shalt  }
0x42: {  	_ =	shalt  }
0x43: {  	_ =	shalt  }
0x44: {  	_ =	shalt  }
0x45: {  	_ =	shalt  }
0x46: {  	_ =	shalt  }
0x47: {  	_ =	shalt  }
0x48: {  	_ =	shalt  }
0x49: {  	_ =	shalt  }
0x4a: {  	_ =	shalt  }
0x4b: {  	_ =	shalt  }
0x4c: {  	_ =	shalt  }
0x4d: {  	_ =	shalt  }
0x4e: {  	_ =	shalt  }
0x4f: {  	_ =	shalt  }
0x50: {  	_ =	shalt  }
0x51: {  	_ =	shalt  }
0x52: {  	_ =	shalt  }
0x53: {  	_ =	shalt  }
0x54: {  	_ =	shalt  }
0x55: {  	_ =	shalt  }
0x56: {  	_ =	shalt  }
0x57: {  	_ =	shalt  }
0x58: {  	_ =	shalt  }
0x59: {  	_ =	shalt  }
0x5a: {  	_ =	shalt  }
0x5b: {  	_ =	shalt  }
0x5c: {  	_ =	shalt  }
0x5d: {  	_ =	shalt  }
0x5e: {  	_ =	shalt  }
0x5f: {  	_ =	shalt  }
0x60: {  	_ =	shalt  }
0x61: {  	_ =	shalt  }
0x62: {  	_ =	shalt  }
0x63: {  	_ =	shalt  }
0x64: {  	_ =	shalt  }
0x65: {  	_ =	shalt  }
0x66: {  	_ =	shalt  }
0x67: {  	_ =	shalt  }
0x68: {  	_ =	shalt  }
0x69: {  	_ =	shalt  }
0x6a: {  	_ =	shalt  }
0x6b: {  	_ =	shalt  }
0x6c: {  	_ =	shalt  }
0x6d: {  	_ =	shalt  }
0x6e: {  	_ =	shalt  }
0x6f: {  	_ =	shalt  }
0x70: {  	_ =	shalt  }
0x71: {  	_ =	shalt  }
0x72: {  	_ =	shalt  }
0x73: {  	_ =	shalt  }
0x74: {  	_ =	shalt  }
0x75: {  	_ =	shalt  }
0x76: {  	_ =	shalt  }
0x77: {  	_ =	shalt  }
0x78: {  	_ =	shalt  }
0x79: {  	_ =	shalt  }
0x7a: {  	_ =	shalt  }
0x7b: {  	_ =	shalt  }
0x7c: {  	_ =	shalt  }
0x7d: {  	_ =	shalt  }
0x7e: {  	_ =	shalt  }
0x7f: {  	_ =	shalt  }
0x80: {  	_ =	shalt  }
0x81: {  	_ =	shalt  }
0x82: {  	_ =	shalt  }
0x83: {  	_ =	shalt  }
0x84: {  	_ =	shalt  }
0x85: {  	_ =	shalt  }
0x86: {  	_ =	shalt  }
0x87: {  	_ =	shalt  }
.Lfunc_end0:
.L_simem_size_0:
called_computation_lowered:
.L_overlay_start_0:
0x88: {  	s2 =	sld [smem:$0x3FD9]  }
0x89: {  	s3 =	sld [smem:$0x3FFE];
	_ =	sdelay $0x1  }
0x8a: {  	s1 =	srdreg.scid  }
0x8b: {  	s0 =	sand.u32 $0x1, s1  }
0x8c: {  	s17 =	sshll.u32 s0, $0xA;
	s2 =	sadd.s32 s3, s2  }
0x8d: {  	s2 =	sadd.s32 s2, s17  }
0x8e: {  	[smem:$0x3FC6] =	sst s2  }
0x8f: {  	_ = 	snop  }
0x90: {  	s2 =	sld [smem:$0x3FC8]  }
0x91: {  	s18 =	sld [smem:$0x3FD0];
	(tm) =	ssettm $0x1  }
0x92: {  	s4 =	sld [smem:$0x3FFB];
	_ =	sdelay $0x3  }
0x93: {  	_ =	strace s4  }
0x94: {  	s4 =	sld [smem:$0x3FFC];
	_ =	sdelay $0x3  }
0x95: {  	_ =	strace s4  }
0x96: {  	s4 =	sld [smem:$0x3FFD];
	_ =	sdelay $0x3  }
0x97: {  	_ =	strace s4  }
0x98: {  	_ =	strace $0x8FFFFFFF  }
0x99: {  	s19 =	sld [smem:$0x3FDB];
	_ =	sdelay $0x1  }
0x9a: {  	s5 =	simm.s32 $_scs_section_size  }
0x9b: {  	s6 =	simm.s32 $_size__tile_overlayer_lowered;
	s7 =	simm.s32 $_tile_overlayer_lowered  }
0x9c: {  	s22 =	simm.s32 $0x1BFF;
	s21 =	sshll.u32 s7, $0x1;
	s4 =	sadd.s32 s5, s19  }
0x9d: {  	s8 =	simm.s32 $0x0;
	s20 =	sshll.u32 s6, $0x1;
	s6 =	sadd.s32 s21, s4  }
0x9e: {  	[timem:s8], [sflag:s22] =	dma.local [hbm:s6], s20  }
0x9f: {  	_ =	swait.ge [sflag:s22], s20  }
0xa0: {  	s5 =	ssub.s32 $0x0, s20;
	[sflag:s22] =	ssyncset.done $0x0  }
0xa1: {  	[sflag:s22] =	ssyncadd.s32 s5;
	_ =	sdelay $0x1  }
0xa2: {  	s23 =	simm.s32 $0x1B8B  }
0xa3: {  	_ =	swait.ge [sflag:s23], $0x1  }
0xa4: {  	[sflag:s23] =	ssyncset.done $0x0  }
0xa5: {  	s25 =	simm.s32 $0x1B8E;
	s24 =	sld [smem:$0x3FFE];
	[sflag:s23] =	ssyncadd.s32 $0xFFFFFFFF  }
0xa6: {  	s26 =	simm.s32 $execute0_lowered;
	[smem:$0x3FD2] =	sst s25  }
0xa7: {  	s6 =	sshll.u32 s26, $0x1;
	_ =	strace $0x80000046;
	[dreg:$0x1] =	wrdreg $0xFFFFFFFF  }
0xa8: {  	s28 =	simm.s32 $_size_execute0_lowered;
	s4 =	sadd.s32 s4, s6;
	[dreg:$0x0] =	wrdreg $0x0  }
0xa9: {  	s6 =	sshll.u32 s28, $0x1;
	[dreg:$0x2] =	wrdreg s4  }
0xaa: {  	[dreg:$0x3] =	wrdreg s6  }
0xab: {  	[dreg:$0x4] =	wrdreg $0xC0  }
0xac: {  	_ =	task [dreg:s8], $0x5FFFF  }
0xad: {  	[dreg:$0x1] =	wrdreg $0xFFFFFFFF  }
0xae: {  	[dreg:$0x0] =	wrdreg $0x60  }
0xaf: {  	[dreg:$0x2] =	wrdreg s2  }
0xb0: {  	[dreg:$0x3] =	wrdreg s24  }
0xb1: {  	[dreg:$0x4] =	wrdreg s18  }
0xb2: {  	[dreg:$0x5] =	wrdreg $0x9  }
0xb3: {  	_ =	task.clear_ibuf [dreg:s8], $0x6FFFF;
	_ =	strace $0x90000046  }
0xb4: {  	s29 =	simm.s32 $0x9;
	_ =	strace $0x80000048  }
0xb5: {  	_ =	swait.ge [sflag:s29], $0x1  }
0xb6: {  	[sflag:s29] =	ssyncadd.s32 $0xFFFFFFFF  }
0xb7: {  	_ =	strace $0x90000048  }
0xb8: {  	_ =	sfence  }
0xb9: {  	s30 =	sld [smem:$0x0];
	_ =	sdelay $0x2  }
0xba: {  	s31 =	sshll.u32 s1, $0xD;
	s1 =	sshrl.u32 s1, $0x2  }
0xbb: {  	s3 =	sand.u32 $0x4000, s31;
	s1 =	sadd.s32 s1, s30  }
0xbc: {  	s0 =	sor.u32 s3, s0;
	s1 =	sshll.u32 s1, $0x11  }
0xbd: {  	s0 =	sor.u32 s1, s0  }
0xbe: {  	s0 =	sadd.s32 $0x8F2B, s0  }
0xbf: {  	[sflag:s0] =	ssyncadd.remote.s32 $0x1  }
0xc0: {  	_ =	sfence.sel $0xFFFF  }
0xc1: {  	[dreg:$0x0] =	wrdreg $0xFFFFFFFF;
	(pc) =	sbr.abs _section_cstart, $3  }
0xc2: {  	[dreg:$0x1] =	wrdreg $0xFFFFFFFF  }
0xc3: {  	_ =	task.clear_ibuf [dreg:s8], $0x2FFFF;
	_ =	strace $0x9FFFFFFF  }
0xc4: {  	(tm) =	ssettm $0x7FFFFFFF  }
0xc5: {  	_ =	shalt  }
tec
execute0_lowered:
.L_overlay_start_1:
0x0: {  	(tag) =	ssettag $0x1  }
0x1: {  	s1 =	rddreg [dreg:$0x0]  }
0x2: {  	s0 =	srdreg.scid;
	s2 =	rddreg [dreg:$0x1]  }
0x3: {  	s3 =	stileid.u32;
	s6 =	rddreg [dreg:$0x2];
	s5 =	simm.s32 $0x0  }
0x4: {  	s31 =	simm.s32 $0xE900;
	s21 =	simm.s32 $0x1;
	s22 =	simm.s32 $0x10100  }
0x5: {  	s23 =	simm.s32 $0x2;
	s24 =	simm.s32 $0x6;
	s11 =	simm.s32 $0x3  }
0x6: {  	s12 =	simm.s32 $0x5;
	s13 =	simm.s32 $0x4;
	s14 =	simm.s32 $0x0  }
0x7: {  	s0 =	sand.u32 $0x1, s0;
	s3 =	sshll.u32 s3, $0x9;
	[smem:$0x7FF] =	sst s5  }
0x8: {  	s7 =	sadd.s32 $0x100, s1;
	s8 =	sadd.s32 $0x200, s1;
	s9 =	sadd.s32 $0x300, s1  }
0x9: {  	s4 =	sshll.u32 s0, $0x8;
	s0 =	ssub.s32 $0x2, s0;
	_ =	strace $0x80000047  }
.Ltmp0:
0xa: {  	s4 =	sor.u32 s4, s3;
	s29 =	sshrl.u32 s0, $0x1;
	(pc) =	sbr.rel .LBB2_1-.Ltmp0, $4  }
0xb: {  	s3 =	sshrl.u32 s4, $0x3;
	s0 =	ssub.s32 s0, s29;
	s30 =	sshll.u32 s4, $0x7  }
0xc: {  	v2 =	vlaneseq.u32;
	s2 =	sadd.s32 s3, s2;
	s10 =	sadd.s32 s6, s30;
	s0 =	smax.u32 s0, $0x1  }
0xd: {  	vm0 =	vmmov $0xffff;
	v1 =	vshrl.u32 v2, $0x3;
	s6 =	simm.s32 $0x14100;
	s2 =	sadd.s32 $0x400, s2;
	[dreg:$0x5] =	wrdreg s0  }
0xe: {  	v0 =	vand.u32 $0x7, v2;
	v2 =	vor.u32 $0x8, v2;
	v1 =	vmul.u32 $0x8, v1;
	s0 =	simm.s32 $0xF900;
	[dreg:$0x4] =	wrdreg s2;
	s2 =	simm.s32 $0xF100  }
.LBB2_16:
0xf: {  	_ =	swait.ge [sflag:s12], $0x4000  }
0x10: {  	[sflag:s12] =	ssyncset.done $0x0  }
0x11: {  	[sflag:s12] =	ssyncadd.s32 $0xFFFFC000  }
0x12: {  	_ =	swait.ge [sflag:s24], $0x4000  }
0x13: {  	s14 =	rddreg [dreg:$0x6]  }
0x14: {  	s3 =	rddreg [dreg:$0x5];
	s14 =	sadd.s32 $0x1, s14  }
0x15: {  	p0 =	sne.s32 s14, s3  }
.Ltmp1:
0x16: {  	_ = 	snop;
	(pc) =	sbr.rel @!p0 .LBB2_17-.Ltmp1, $3  }
0x17: {  	_ =	sdelay $0x1  }
0x18: {  	[sflag:s24] =	ssyncset.done $0x0  }
0x19: {  	[sflag:s24] =	ssyncadd.s32 $0xFFFFC000  }
.LBB2_1:
0x1a: {  	[dreg:$0x6] =	wrdreg s14  }
0x1b: {  	s3 =	rddreg [dreg:$0x4];
	s20 =	simm.s32 $0x7  }
0x1c: {  	[tilespmem:s5], [sflag:$0x7] =	stream.linear.gather [hbm4b:s3+s5], $0x100, $0x38;
	[tilespmem:$0x18100] =	vst v63  }
0x1d: {  	_ =	swait.ge [sflag:s20], $0x100  }
0x1e: {  	[sflag:s20] =	ssyncset.done $0x0  }
0x1f: {  	[sflag:s20] =	ssyncadd.s32 $0xFFFFFF00  }
0x20: {  	v3 =	vld [tilespmem:$0x0];
	_ =	sdelay $0x4  }
0x21: {  	v4 =	vshll.u32 v3, $0x3  }
0x22: {  	v3 =	vand.u32 $0x7, v3;
	v4 =	vand.u32 $0xFFFFFFC0, v4  }
0x23: {  	v3 =	vor.u32 v3, v4  }
0x24: {  	v4 =	vperm.xlane v3, v0;
	_ =	sdelay $0x1  }
0x25: {  	v4 =	vadd.s32 v1, v4;
	_ =	sdelay $0x3  }
0x26: {  	s25 =	simm.s32 $0x100  }
0x27: {  	[tilespmem:s25], [sflag:$0x1] =	stream.indirect_vreg.gather [hbm4b:s1+s5], $0x80, v4, vm0, $0xb8;
	[tilespmem:$0x18100] =	vst v63  }
0x28: {  	s26 =	simm.s32 $0x900;
	v3 =	vperm.xlane v3, v2  }
0x29: {  	[tilespmem:s26], [sflag:$0x1] =	stream.indirect_vreg.gather [hbm4b:s7+s5], $0x80, v4, vm0, $0xb8;
	[tilespmem:$0x18100] =	vst v63  }
0x2a: {  	s28 =	simm.s32 $0x1100;
	v3 =	vadd.s32 v1, v3  }
0x2b: {  	[tilespmem:s28], [sflag:$0x1] =	stream.indirect_vreg.gather [hbm4b:s8+s5], $0x80, v4, vm0, $0xb8;
	[tilespmem:$0x18100] =	vst v63  }
0x2c: {  	s29 =	simm.s32 $0x1900  }
0x2d: {  	[tilespmem:s29], [sflag:$0x1] =	stream.indirect_vreg.gather [hbm4b:s9+s5], $0x80, v4, vm0, $0xb8;
	[tilespmem:$0x18100] =	vst v63  }
0x2e: {  	s30 =	simm.s32 $0x2100  }
0x2f: {  	[tilespmem:s30], [sflag:$0x1] =	stream.indirect_vreg.gather [hbm4b:s1+s5], $0x80, v3, vm0, $0xb8;
	[tilespmem:$0x18100] =	vst v63  }
0x30: {  	s14 =	simm.s32 $0x2900  }
0x31: {  	[tilespmem:s14], [sflag:$0x1] =	stream.indirect_vreg.gather [hbm4b:s7+s5], $0x80, v3, vm0, $0xb8;
	[tilespmem:$0x18100] =	vst v63  }
0x32: {  	s15 =	simm.s32 $0x3100  }
0x33: {  	[tilespmem:s15], [sflag:$0x1] =	stream.indirect_vreg.gather [hbm4b:s8+s5], $0x80, v3, vm0, $0xb8;
	[tilespmem:$0x18100] =	vst v63  }
0x34: {  	s16 =	simm.s32 $0x3900  }
0x35: {  	[tilespmem:s16], [sflag:$0x1] =	stream.indirect_vreg.gather [hbm4b:s9+s5], $0x80, v3, vm0, $0xb8;
	[tilespmem:$0x18100] =	vst v63  }
0x36: {  	v3 =	vld [tilespmem:$0x10];
	_ =	sdelay $0x4  }
0x37: {  	v61 =	vshll.u32 v3, $0x3  }
0x38: {  	v3 =	vand.u32 $0x7, v3;
	v4 =	vand.u32 $0xFFFFFFC0, v61  }
0x39: {  	v3 =	vor.u32 v3, v4  }
0x3a: {  	v4 =	vperm.xlane v3, v0;
	_ =	sdelay $0x1  }
0x3b: {  	v4 =	vadd.s32 v1, v4;
	_ =	sdelay $0x3  }
0x3c: {  	s17 =	simm.s32 $0x4100  }
0x3d: {  	[tilespmem:s17], [sflag:$0x2] =	stream.indirect_vreg.gather [hbm4b:s1+s5], $0x80, v4, vm0, $0xb8;
	[tilespmem:$0x18100] =	vst v63  }
0x3e: {  	s18 =	simm.s32 $0x4900;
	v3 =	vperm.xlane v3, v2  }
0x3f: {  	[tilespmem:s18], [sflag:$0x2] =	stream.indirect_vreg.gather [hbm4b:s7+s5], $0x80, v4, vm0, $0xb8;
	[tilespmem:$0x18100] =	vst v63  }
0x40: {  	s19 =	simm.s32 $0x5100;
	v3 =	vadd.s32 v1, v3  }
0x41: {  	[tilespmem:s19], [sflag:$0x2] =	stream.indirect_vreg.gather [hbm4b:s8+s5], $0x80, v4, vm0, $0xb8;
	[tilespmem:$0x18100] =	vst v63  }
0x42: {  	s20 =	simm.s32 $0x5900  }
0x43: {  	[tilespmem:s20], [sflag:$0x2] =	stream.indirect_vreg.gather [hbm4b:s9+s5], $0x80, v4, vm0, $0xb8;
	[tilespmem:$0x18100] =	vst v63  }
0x44: {  	s25 =	simm.s32 $0x6100  }
0x45: {  	[tilespmem:s25], [sflag:$0x2] =	stream.indirect_vreg.gather [hbm4b:s1+s5], $0x80, v3, vm0, $0xb8;
	[tilespmem:$0x18100] =	vst v63  }
0x46: {  	s26 =	simm.s32 $0x6900  }
0x47: {  	[tilespmem:s26], [sflag:$0x2] =	stream.indirect_vreg.gather [hbm4b:s7+s5], $0x80, v3, vm0, $0xb8;
	[tilespmem:$0x18100] =	vst v63  }
0x48: {  	s28 =	simm.s32 $0x7100  }
0x49: {  	[tilespmem:s28], [sflag:$0x2] =	stream.indirect_vreg.gather [hbm4b:s8+s5], $0x80, v3, vm0, $0xb8;
	[tilespmem:$0x18100] =	vst v63  }
0x4a: {  	s29 =	simm.s32 $0x7900  }
0x4b: {  	[tilespmem:s29], [sflag:$0x2] =	stream.indirect_vreg.gather [hbm4b:s9+s5], $0x80, v3, vm0, $0xb8;
	[tilespmem:$0x18100] =	vst v63  }
0x4c: {  	v3 =	vld [tilespmem:$0x20];
	_ =	sdelay $0x4  }
0x4d: {  	v62 =	vshll.u32 v3, $0x3  }
0x4e: {  	v3 =	vand.u32 $0x7, v3;
	v4 =	vand.u32 $0xFFFFFFC0, v62  }
0x4f: {  	v3 =	vor.u32 v3, v4  }
0x50: {  	v4 =	vperm.xlane v3, v0;
	_ =	sdelay $0x1  }
0x51: {  	v4 =	vadd.s32 v1, v4;
	_ =	sdelay $0x3  }
0x52: {  	s30 =	simm.s32 $0x8100  }
0x53: {  	[tilespmem:s30], [sflag:$0x3] =	stream.indirect_vreg.gather [hbm4b:s1+s5], $0x80, v4, vm0, $0xb8;
	[tilespmem:$0x18100] =	vst v63  }
0x54: {  	s14 =	simm.s32 $0x8900;
	v3 =	vperm.xlane v3, v2  }
0x55: {  	[tilespmem:s14], [sflag:$0x3] =	stream.indirect_vreg.gather [hbm4b:s7+s5], $0x80, v4, vm0, $0xb8;
	[tilespmem:$0x18100] =	vst v63  }
0x56: {  	s15 =	simm.s32 $0x9100;
	v3 =	vadd.s32 v1, v3  }
0x57: {  	[tilespmem:s15], [sflag:$0x3] =	stream.indirect_vreg.gather [hbm4b:s8+s5], $0x80, v4, vm0, $0xb8;
	[tilespmem:$0x18100] =	vst v63  }
0x58: {  	s16 =	simm.s32 $0x9900  }
0x59: {  	[tilespmem:s16], [sflag:$0x3] =	stream.indirect_vreg.gather [hbm4b:s9+s5], $0x80, v4, vm0, $0xb8;
	[tilespmem:$0x18100] =	vst v63  }
0x5a: {  	s17 =	simm.s32 $0xA100  }
0x5b: {  	[tilespmem:s17], [sflag:$0x3] =	stream.indirect_vreg.gather [hbm4b:s1+s5], $0x80, v3, vm0, $0xb8;
	[tilespmem:$0x18100] =	vst v63  }
0x5c: {  	s18 =	simm.s32 $0xA900  }
0x5d: {  	[tilespmem:s18], [sflag:$0x3] =	stream.indirect_vreg.gather [hbm4b:s7+s5], $0x80, v3, vm0, $0xb8;
	[tilespmem:$0x18100] =	vst v63  }
0x5e: {  	s19 =	simm.s32 $0xB100  }
0x5f: {  	[tilespmem:s19], [sflag:$0x3] =	stream.indirect_vreg.gather [hbm4b:s8+s5], $0x80, v3, vm0, $0xb8;
	[tilespmem:$0x18100] =	vst v63  }
0x60: {  	s20 =	simm.s32 $0xB900  }
0x61: {  	[tilespmem:s20], [sflag:$0x3] =	stream.indirect_vreg.gather [hbm4b:s9+s5], $0x80, v3, vm0, $0xb8;
	[tilespmem:$0x18100] =	vst v63  }
0x62: {  	v3 =	vld [tilespmem:$0x30];
	_ =	sdelay $0x4  }
0x63: {  	v63 =	vshll.u32 v3, $0x3  }
0x64: {  	v3 =	vand.u32 $0x7, v3;
	v4 =	vand.u32 $0xFFFFFFC0, v63  }
0x65: {  	v3 =	vor.u32 v3, v4  }
0x66: {  	v4 =	vperm.xlane v3, v0;
	_ =	sdelay $0x1  }
0x67: {  	v4 =	vadd.s32 v1, v4;
	_ =	sdelay $0x3  }
0x68: {  	s25 =	simm.s32 $0xC100  }
0x69: {  	[tilespmem:s25], [sflag:$0x4] =	stream.indirect_vreg.gather [hbm4b:s1+s5], $0x80, v4, vm0, $0xb8;
	[tilespmem:$0x18100] =	vst v63  }
0x6a: {  	s26 =	simm.s32 $0xC900;
	v3 =	vperm.xlane v3, v2  }
0x6b: {  	[tilespmem:s26], [sflag:$0x4] =	stream.indirect_vreg.gather [hbm4b:s7+s5], $0x80, v4, vm0, $0xb8;
	[tilespmem:$0x18100] =	vst v63  }
0x6c: {  	s28 =	simm.s32 $0xD100;
	v3 =	vadd.s32 v1, v3  }
0x6d: {  	[tilespmem:s28], [sflag:$0x4] =	stream.indirect_vreg.gather [hbm4b:s8+s5], $0x80, v4, vm0, $0xb8;
	[tilespmem:$0x18100] =	vst v63  }
0x6e: {  	s29 =	simm.s32 $0xD900  }
0x6f: {  	[tilespmem:s29], [sflag:$0x4] =	stream.indirect_vreg.gather [hbm4b:s9+s5], $0x80, v4, vm0, $0xb8;
	[tilespmem:$0x18100] =	vst v63  }
0x70: {  	s30 =	simm.s32 $0xE100  }
0x71: {  	[tilespmem:s30], [sflag:$0x4] =	stream.indirect_vreg.gather [hbm4b:s1+s5], $0x80, v3, vm0, $0xb8;
	[tilespmem:$0x18100] =	vst v63  }
0x72: {  	_ = 	snop  }
0x73: {  	[tilespmem:s31], [sflag:$0x4] =	stream.indirect_vreg.gather [hbm4b:s7+s5], $0x80, v3, vm0, $0xb8;
	[tilespmem:$0x18100] =	vst v63  }
0x74: {  	_ = 	snop  }
0x75: {  	[tilespmem:s2], [sflag:$0x4] =	stream.indirect_vreg.gather [hbm4b:s8+s5], $0x80, v3, vm0, $0xb8;
	[tilespmem:$0x18100] =	vst v63  }
0x76: {  	s14 =	simm.s32 $0x0  }
0x77: {  	[tilespmem:s0], [sflag:$0x4] =	stream.indirect_vreg.gather [hbm4b:s9+s5], $0x80, v3, vm0, $0xb8;
	[tilespmem:$0x18100] =	vst v63  }
.LBB2_2:
0x78: {  	_ =	swait.ge [sflag:s21], $0x4000  }
0x79: {  	p0 =	seq.s32 s14, $0x0;
	[sflag:s21] =	ssyncset.done $0x0  }
0x7a: {  	s3 =	simm.s32 @!p0 $0x5;
	[sflag:s21] =	ssyncadd.s32 $0xFFFFC000  }
0x7b: {  	s16 =	simm.s32 $0x0;
	s15 =	simm.s32 $0x0;
	_ =	swait.ge @!p0 [sflag:s3], $0x4000  }
0x7c: {  	s15 =	sand.u32 $0x2000, s15;
	s17 =	sand.u32 $0x380, s16;
	[sflag:s3] =	ssyncset.done @!p0 $0x0  }
0x7d: {  	s29 =	sor.u32 s17, s15;
	[sflag:s3] =	ssyncadd.s32 @!p0 $0xFFFFC000  }
0x7e: {  	v3 =	vld [tilespmem:s29+$0x100]  }
0x7f: {  	v4 =	vld [tilespmem:s29+$0x110]  }
0x80: {  	v5 =	vld [tilespmem:s29+$0x120]  }
0x81: {  	v6 =	vld [tilespmem:s29+$0x130]  }
0x82: {  	v7 =	vld [tilespmem:s29+$0x140]  }
0x83: {  	v8 =	vld [tilespmem:s29+$0x150];
	v3 =	vmul.f32 $3.200000000e+01, v3  }
0x84: {  	v9 =	vld [tilespmem:s29+$0x160];
	v4 =	vmul.f32 $3.200000000e+01, v4  }
0x85: {  	s30 =	simm.s32 $0x80;
	s18 =	simm.s32 $0x400;
	v10 =	vld [tilespmem:s29+$0x170];
	[tilespmem:s29+$0x10100] =	vst v3;
	v3 =	vmul.f32 $3.200000000e+01, v5  }
0x86: {  	s17 =	sand.u32 $0x2000, s18;
	s15 =	sand.u32 $0x380, s30;
	v11 =	vld [tilespmem:s29+$0x500];
	[tilespmem:s29+$0x10110] =	vst v4;
	v4 =	vmul.f32 $3.200000000e+01, v6  }
0x87: {  	s17 =	sor.u32 s15, s17;
	v12 =	vld [tilespmem:s29+$0x510];
	[tilespmem:s29+$0x10120] =	vst v3;
	v3 =	vmul.f32 $3.200000000e+01, v7  }
0x88: {  	v61 =	vld [tilespmem:s17+$0x160];
	[tilespmem:s29+$0x10130] =	vst v4;
	v4 =	vmul.f32 $3.200000000e+01, v8  }
0x89: {  	v5 =	vld [tilespmem:s29+$0x520];
	[tilespmem:s29+$0x10140] =	vst v3;
	v3 =	vmul.f32 $3.200000000e+01, v9  }
0x8a: {  	v6 =	vld [tilespmem:s29+$0x530];
	[tilespmem:s29+$0x10150] =	vst v4;
	v4 =	vmul.f32 $3.200000000e+01, v10  }
0x8b: {  	v62 =	vld [tilespmem:s29+$0x1560];
	[tilespmem:s29+$0x10160] =	vst v3;
	v3 =	vmul.f32 $3.200000000e+01, v11  }
0x8c: {  	v7 =	vld [tilespmem:s29+$0x540];
	[tilespmem:s29+$0x10170] =	vst v4;
	v4 =	vmul.f32 $3.200000000e+01, v12  }
0x8d: {  	v8 =	vld [tilespmem:s29+$0x550];
	v12 =	vmul.f32 $3.200000000e+01, v61;
	[tilespmem:s29+$0x10500] =	vst v3  }
0x8e: {  	v9 =	vld [tilespmem:s29+$0x560];
	v3 =	vmul.f32 $3.200000000e+01, v5;
	[tilespmem:s29+$0x10510] =	vst v4  }
0x8f: {  	v10 =	vld [tilespmem:s29+$0x570];
	v4 =	vmul.f32 $3.200000000e+01, v6;
	[tilespmem:s17+$0x10160] =	vst v12  }
0x90: {  	v11 =	vld [tilespmem:s29+$0x900];
	v12 =	vmul.f32 $3.200000000e+01, v62;
	[tilespmem:s29+$0x10520] =	vst v3  }
0x91: {  	v57 =	vld [tilespmem:s29+$0x910];
	v3 =	vmul.f32 $3.200000000e+01, v7;
	[tilespmem:s29+$0x10530] =	vst v4  }
0x92: {  	v5 =	vld [tilespmem:s29+$0x920];
	v4 =	vmul.f32 $3.200000000e+01, v8;
	[tilespmem:s29+$0x11560] =	vst v12  }
0x93: {  	v6 =	vld [tilespmem:s29+$0x930];
	[tilespmem:s29+$0x10540] =	vst v3;
	v3 =	vmul.f32 $3.200000000e+01, v9  }
0x94: {  	v7 =	vld [tilespmem:s29+$0x940];
	[tilespmem:s29+$0x10550] =	vst v4;
	v4 =	vmul.f32 $3.200000000e+01, v10  }
0x95: {  	v8 =	vld [tilespmem:s29+$0x950];
	[tilespmem:s29+$0x10560] =	vst v3;
	v3 =	vmul.f32 $3.200000000e+01, v11  }
0x96: {  	v9 =	vld [tilespmem:s29+$0x960];
	[tilespmem:s29+$0x10570] =	vst v4;
	v4 =	vmul.f32 $3.200000000e+01, v57  }
0x97: {  	v10 =	vld [tilespmem:s29+$0x970];
	[tilespmem:s29+$0x10900] =	vst v3;
	v3 =	vmul.f32 $3.200000000e+01, v5  }
0x98: {  	v11 =	vld [tilespmem:s29+$0xD00];
	[tilespmem:s29+$0x10910] =	vst v4;
	v4 =	vmul.f32 $3.200000000e+01, v6  }
0x99: {  	v58 =	vld [tilespmem:s29+$0xD10];
	[tilespmem:s29+$0x10920] =	vst v3;
	v3 =	vmul.f32 $3.200000000e+01, v7  }
0x9a: {  	v5 =	vld [tilespmem:s29+$0xD20];
	[tilespmem:s29+$0x10930] =	vst v4;
	v4 =	vmul.f32 $3.200000000e+01, v8  }
0x9b: {  	v6 =	vld [tilespmem:s29+$0xD30];
	[tilespmem:s29+$0x10940] =	vst v3;
	v3 =	vmul.f32 $3.200000000e+01, v9  }
0x9c: {  	v7 =	vld [tilespmem:s29+$0xD40];
	[tilespmem:s29+$0x10950] =	vst v4;
	v4 =	vmul.f32 $3.200000000e+01, v10  }
0x9d: {  	v8 =	vld [tilespmem:s29+$0xD50];
	[tilespmem:s29+$0x10960] =	vst v3;
	v3 =	vmul.f32 $3.200000000e+01, v11  }
0x9e: {  	v9 =	vld [tilespmem:s29+$0xD60];
	[tilespmem:s29+$0x10970] =	vst v4;
	v4 =	vmul.f32 $3.200000000e+01, v58  }
0x9f: {  	v10 =	vld [tilespmem:s29+$0xD70];
	[tilespmem:s29+$0x10D00] =	vst v3;
	v3 =	vmul.f32 $3.200000000e+01, v5  }
0xa0: {  	v11 =	vld [tilespmem:s29+$0x1100];
	[tilespmem:s29+$0x10D10] =	vst v4;
	v4 =	vmul.f32 $3.200000000e+01, v6  }
0xa1: {  	v59 =	vld [tilespmem:s29+$0x1110];
	[tilespmem:s29+$0x10D20] =	vst v3;
	v3 =	vmul.f32 $3.200000000e+01, v7  }
0xa2: {  	[tilespmem:s29+$0x10D30] =	vst v4;
	v4 =	vmul.f32 $3.200000000e+01, v8;
	v8 =	vld [tilespmem:s29+$0x1150]  }
0xa3: {  	v5 =	vld [tilespmem:s29+$0x1120];
	[tilespmem:s29+$0x10D40] =	vst v3;
	v3 =	vmul.f32 $3.200000000e+01, v9  }
0xa4: {  	v6 =	vld [tilespmem:s29+$0x1130];
	[tilespmem:s29+$0x10D50] =	vst v4;
	v4 =	vmul.f32 $3.200000000e+01, v10  }
0xa5: {  	v9 =	vld [tilespmem:s29+$0x1160];
	[tilespmem:s29+$0x10D60] =	vst v3;
	v3 =	vmul.f32 $3.200000000e+01, v11  }
0xa6: {  	v10 =	vld [tilespmem:s29+$0x1170];
	[tilespmem:s29+$0x10D70] =	vst v4;
	v4 =	vmul.f32 $3.200000000e+01, v59  }
0xa7: {  	v7 =	vld [tilespmem:s29+$0x1140];
	v8 =	vmul.f32 $3.200000000e+01, v8;
	[tilespmem:s29+$0x11100] =	vst v3  }
0xa8: {  	v11 =	vld [tilespmem:s17+$0x100];
	v3 =	vmul.f32 $3.200000000e+01, v5;
	[tilespmem:s29+$0x11110] =	vst v4  }
0xa9: {  	v60 =	vld [tilespmem:s17+$0x110];
	v4 =	vmul.f32 $3.200000000e+01, v6;
	[tilespmem:s29+$0x11150] =	vst v8  }
0xaa: {  	v6 =	vld [tilespmem:s17+$0x130];
	v9 =	vmul.f32 $3.200000000e+01, v9;
	[tilespmem:s29+$0x11120] =	vst v3  }
0xab: {  	v5 =	vld [tilespmem:s17+$0x120];
	v10 =	vmul.f32 $3.200000000e+01, v10;
	[tilespmem:s29+$0x11130] =	vst v4  }
0xac: {  	v3 =	vmul.f32 $3.200000000e+01, v7;
	v7 =	vld [tilespmem:s17+$0x140];
	[tilespmem:s29+$0x11160] =	vst v9  }
0xad: {  	v4 =	vmul.f32 $3.200000000e+01, v11;
	v11 =	vld [tilespmem:s17+$0x150];
	[tilespmem:s29+$0x11170] =	vst v10  }
0xae: {  	v10 =	vld [tilespmem:s17+$0x510];
	[tilespmem:s29+$0x11140] =	vst v3;
	v3 =	vmul.f32 $3.200000000e+01, v60  }
0xaf: {  	[tilespmem:s17+$0x10100] =	vst v4;
	v4 =	vld [tilespmem:s29+$0x1500];
	v6 =	vmul.f32 $3.200000000e+01, v6  }
0xb0: {  	v5 =	vmul.f32 $3.200000000e+01, v5;
	[tilespmem:s17+$0x10110] =	vst v3;
	v3 =	vld [tilespmem:s29+$0x1510]  }
0xb1: {  	[tilespmem:s17+$0x10130] =	vst v6;
	v6 =	vld [tilespmem:s29+$0x1530];
	v7 =	vmul.f32 $3.200000000e+01, v7  }
0xb2: {  	[tilespmem:s17+$0x10120] =	vst v5;
	v5 =	vld [tilespmem:s29+$0x1520];
	v11 =	vmul.f32 $3.200000000e+01, v11  }
0xb3: {  	v9 =	vld [tilespmem:s17+$0x500];
	v10 =	vmul.f32 $3.200000000e+01, v10;
	[tilespmem:s17+$0x10140] =	vst v7  }
0xb4: {  	v7 =	vld [tilespmem:s29+$0x1540];
	v4 =	vmul.f32 $3.200000000e+01, v4;
	[tilespmem:s17+$0x10150] =	vst v11  }
0xb5: {  	v8 =	vld [tilespmem:s17+$0x170];
	[tilespmem:s17+$0x10510] =	vst v10;
	v3 =	vmul.f32 $3.200000000e+01, v3  }
0xb6: {  	v11 =	vld [tilespmem:s29+$0x1550];
	[tilespmem:s29+$0x11500] =	vst v4;
	v6 =	vmul.f32 $3.200000000e+01, v6  }
0xb7: {  	v4 =	vld [tilespmem:s17+$0x520];
	[tilespmem:s29+$0x11510] =	vst v3;
	v3 =	vmul.f32 $3.200000000e+01, v5  }
0xb8: {  	v5 =	vld [tilespmem:s17+$0x530];
	[tilespmem:s29+$0x11530] =	vst v6;
	v6 =	vmul.f32 $3.200000000e+01, v9  }
0xb9: {  	v9 =	vld [tilespmem:s17+$0x550];
	v7 =	vmul.f32 $3.200000000e+01, v7;
	[tilespmem:s29+$0x11520] =	vst v3  }
0xba: {  	v3 =	vmul.f32 $3.200000000e+01, v8;
	v8 =	vld [tilespmem:s17+$0x540];
	[tilespmem:s17+$0x10500] =	vst v6  }
0xbb: {  	v11 =	vmul.f32 $3.200000000e+01, v11;
	v6 =	vld [tilespmem:s29+$0x1900];
	[tilespmem:s29+$0x11540] =	vst v7  }
0xbc: {  	[tilespmem:s17+$0x10170] =	vst v3;
	v3 =	vld [tilespmem:s29+$0x1570];
	v4 =	vmul.f32 $3.200000000e+01, v4  }
0xbd: {  	v10 =	vld [tilespmem:s29+$0x1910];
	[tilespmem:s29+$0x11550] =	vst v11;
	v5 =	vmul.f32 $3.200000000e+01, v5  }
0xbe: {  	[tilespmem:s17+$0x10520] =	vst v4;
	v4 =	vld [tilespmem:s29+$0x1920];
	v9 =	vmul.f32 $3.200000000e+01, v9  }
0xbf: {  	v7 =	vld [tilespmem:s17+$0x560];
	[tilespmem:s17+$0x10530] =	vst v5;
	v8 =	vmul.f32 $3.200000000e+01, v8  }
0xc0: {  	v11 =	vld [tilespmem:s17+$0x570];
	v6 =	vmul.f32 $3.200000000e+01, v6;
	[tilespmem:s17+$0x10550] =	vst v9  }
0xc1: {  	v63 =	vld [tilespmem:s17+$0x900];
	v3 =	vmul.f32 $3.200000000e+01, v3;
	[tilespmem:s17+$0x10540] =	vst v8  }
0xc2: {  	v5 =	vld [tilespmem:s29+$0x1930];
	[tilespmem:s29+$0x11900] =	vst v6;
	v6 =	vmul.f32 $3.200000000e+01, v10  }
0xc3: {  	v9 =	vld [tilespmem:s29+$0x1950];
	[tilespmem:s29+$0x11570] =	vst v3;
	v4 =	vmul.f32 $3.200000000e+01, v4  }
0xc4: {  	v3 =	vld [tilespmem:s17+$0x910];
	[tilespmem:s29+$0x11910] =	vst v6;
	v6 =	vmul.f32 $3.200000000e+01, v7  }
0xc5: {  	v8 =	vld [tilespmem:s29+$0x1940];
	[tilespmem:s29+$0x11920] =	vst v4;
	v4 =	vmul.f32 $3.200000000e+01, v11  }
0xc6: {  	v10 =	vld [tilespmem:s17+$0x920];
	[tilespmem:s17+$0x10560] =	vst v6;
	v6 =	vmul.f32 $3.200000000e+01, v63  }
0xc7: {  	v5 =	vmul.f32 $3.200000000e+01, v5;
	[tilespmem:s17+$0x10570] =	vst v4;
	v4 =	vld [tilespmem:s29+$0x1960]  }
0xc8: {  	v9 =	vmul.f32 $3.200000000e+01, v9;
	[tilespmem:s17+$0x10900] =	vst v6;
	v6 =	vld [tilespmem:s29+$0x1970]  }
0xc9: {  	v7 =	vld [tilespmem:s17+$0x930];
	[tilespmem:s29+$0x11930] =	vst v5;
	v3 =	vmul.f32 $3.200000000e+01, v3  }
0xca: {  	v8 =	vmul.f32 $3.200000000e+01, v8;
	[tilespmem:s29+$0x11950] =	vst v9  }
0xcb: {  	[tilespmem:s17+$0x10910] =	vst v3;
	v3 =	vmul.f32 $3.200000000e+01, v10  }
0xcc: {  	s19 =	sand.u32 $0x7, s16;
	[tilespmem:s29+$0x11940] =	vst v8;
	v4 =	vmul.f32 $3.200000000e+01, v4  }
0xcd: {  	s15 =	sshll.u32 s19, $0x7;
	[tilespmem:s17+$0x10920] =	vst v3;
	v3 =	vmul.f32 $3.200000000e+01, v6  }
0xce: {  	s18 =	sadd.s32 $0x0, s15;
	v7 =	vmul.f32 $3.200000000e+01, v7;
	[tilespmem:s29+$0x11960] =	vst v4  }
0xcf: {  	s20 =	sor.u32 $0x1C00, s18;
	[tilespmem:s29+$0x11970] =	vst v3  }
0xd0: {  	[tilespmem:s17+$0x10930] =	vst v7;
	v7 =	vld [tilespmem:s20+$0x100];
	_ =	sdelay $0x1  }
0xd1: {  	v8 =	vld [tilespmem:s17+$0x960]  }
0xd2: {  	v11 =	vld [tilespmem:s17+$0x940];
	_ =	sdelay $0x1  }
0xd3: {  	v7 =	vmul.f32 $3.200000000e+01, v7;
	_ =	sdelay $0x1  }
0xd4: {  	s25 =	sor.u32 $0x1C10, s18;
	v8 =	vmul.f32 $3.200000000e+01, v8;
	v3 =	vld [tilespmem:s17+$0xD10];
	[tilespmem:s20+$0x10100] =	vst v7  }
0xd5: {  	v6 =	vmul.f32 $3.200000000e+01, v11;
	v7 =	vld [tilespmem:s25+$0x100]  }
0xd6: {  	[tilespmem:s17+$0x10960] =	vst v8;
	v8 =	vld [tilespmem:s17+$0xD40]  }
0xd7: {  	[tilespmem:s17+$0x10940] =	vst v6;
	v6 =	vld [tilespmem:s17+$0xD20];
	_ =	sdelay $0x1  }
0xd8: {  	v3 =	vmul.f32 $3.200000000e+01, v3  }
0xd9: {  	v5 =	vld [tilespmem:s17+$0x950];
	v7 =	vmul.f32 $3.200000000e+01, v7  }
0xda: {  	v8 =	vmul.f32 $3.200000000e+01, v8;
	[tilespmem:s17+$0x10D10] =	vst v3;
	v3 =	vld [tilespmem:s17+$0xD70]  }
0xdb: {  	s26 =	sor.u32 $0x1C20, s18;
	v9 =	vld [tilespmem:s17+$0x970];
	v6 =	vmul.f32 $3.200000000e+01, v6;
	[tilespmem:s25+$0x10100] =	vst v7  }
0xdc: {  	[tilespmem:s17+$0x10D40] =	vst v8;
	v8 =	vld [tilespmem:s26+$0x100]  }
0xdd: {  	[tilespmem:s17+$0x10D20] =	vst v6;
	v6 =	vld [tilespmem:s17+$0x1100]  }
0xde: {  	v5 =	vmul.f32 $3.200000000e+01, v5  }
0xdf: {  	v3 =	vmul.f32 $3.200000000e+01, v3  }
0xe0: {  	[tilespmem:s17+$0x10950] =	vst v5;
	v5 =	vmul.f32 $3.200000000e+01, v9  }
0xe1: {  	v4 =	vld [tilespmem:s17+$0xD00];
	[tilespmem:s17+$0x10D70] =	vst v3;
	v3 =	vmul.f32 $3.200000000e+01, v8  }
0xe2: {  	[tilespmem:s17+$0x10970] =	vst v5;
	v5 =	vld [tilespmem:s17+$0xD50];
	v6 =	vmul.f32 $3.200000000e+01, v6  }
0xe3: {  	s28 =	sor.u32 $0x1C30, s18;
	v10 =	vld [tilespmem:s17+$0xD30];
	[tilespmem:s26+$0x10100] =	vst v3  }
0xe4: {  	[tilespmem:s17+$0x11100] =	vst v6;
	v6 =	vld [tilespmem:s28+$0x100];
	_ =	sdelay $0x1  }
0xe5: {  	v4 =	vmul.f32 $3.200000000e+01, v4;
	v7 =	vld [tilespmem:s17+$0x1120]  }
0xe6: {  	v5 =	vmul.f32 $3.200000000e+01, v5  }
0xe7: {  	v9 =	vmul.f32 $3.200000000e+01, v10;
	[tilespmem:s17+$0x10D00] =	vst v4;
	v4 =	vld [tilespmem:s17+$0xD60]  }
0xe8: {  	[tilespmem:s17+$0x10D50] =	vst v5;
	v5 =	vld [tilespmem:s17+$0x1130];
	v6 =	vmul.f32 $3.200000000e+01, v6  }
0xe9: {  	[tilespmem:s17+$0x10D30] =	vst v9;
	v9 =	vld [tilespmem:s17+$0x1110]  }
0xea: {  	s29 =	sor.u32 $0x1C40, s18;
	v7 =	vmul.f32 $3.200000000e+01, v7;
	v8 =	vld [tilespmem:s17+$0x1150];
	[tilespmem:s28+$0x10100] =	vst v6  }
0xeb: {  	v6 =	vld [tilespmem:s29+$0x100]  }
0xec: {  	v4 =	vmul.f32 $3.200000000e+01, v4;
	[tilespmem:s17+$0x11120] =	vst v7;
	v7 =	vld [tilespmem:s17+$0x1500]  }
0xed: {  	v5 =	vmul.f32 $3.200000000e+01, v5;
	v3 =	vld [tilespmem:s17+$0x1160]  }
0xee: {  	v9 =	vmul.f32 $3.200000000e+01, v9;
	[tilespmem:s17+$0x10D60] =	vst v4;
	v4 =	vld [tilespmem:s17+$0x1140]  }
0xef: {  	[tilespmem:s17+$0x11130] =	vst v5;
	v5 =	vmul.f32 $3.200000000e+01, v8  }
0xf0: {  	[tilespmem:s17+$0x11110] =	vst v9;
	v9 =	vld [tilespmem:s17+$0x1170];
	v6 =	vmul.f32 $3.200000000e+01, v6  }
0xf1: {  	v7 =	vmul.f32 $3.200000000e+01, v7;
	[tilespmem:s17+$0x11150] =	vst v5;
	v5 =	vld [tilespmem:s17+$0x1530]  }
0xf2: {  	s30 =	sor.u32 $0x1C50, s18;
	v10 =	vld [tilespmem:s17+$0x1510];
	v3 =	vmul.f32 $3.200000000e+01, v3;
	[tilespmem:s29+$0x10100] =	vst v6  }
0xf3: {  	v4 =	vmul.f32 $3.200000000e+01, v4;
	[tilespmem:s17+$0x11500] =	vst v7;
	v7 =	vld [tilespmem:s30+$0x100]  }
0xf4: {  	[tilespmem:s17+$0x11160] =	vst v3;
	v3 =	vld [tilespmem:s17+$0x1540]  }
0xf5: {  	[tilespmem:s17+$0x11140] =	vst v4;
	v4 =	vld [tilespmem:s17+$0x1520];
	v8 =	vmul.f32 $3.200000000e+01, v9  }
0xf6: {  	v5 =	vmul.f32 $3.200000000e+01, v5  }
0xf7: {  	v9 =	vmul.f32 $3.200000000e+01, v10;
	[tilespmem:s17+$0x11170] =	vst v8;
	v8 =	vld [tilespmem:s17+$0x1550]  }
0xf8: {  	[tilespmem:s17+$0x11530] =	vst v5;
	v6 =	vld [tilespmem:s17+$0x1560];
	v5 =	vmul.f32 $3.200000000e+01, v7  }
0xf9: {  	[tilespmem:s17+$0x11510] =	vst v9;
	v9 =	vld [tilespmem:s17+$0x1570];
	v3 =	vmul.f32 $3.200000000e+01, v3  }
0xfa: {  	s25 =	sor.u32 $0x1C60, s18;
	v4 =	vmul.f32 $3.200000000e+01, v4;
	v10 =	vld [tilespmem:s17+$0x1900];
	[tilespmem:s30+$0x10100] =	vst v5  }
0xfb: {  	[tilespmem:s17+$0x11540] =	vst v3;
	v3 =	vld [tilespmem:s25+$0x100]  }
0xfc: {  	[tilespmem:s17+$0x11520] =	vst v4;
	v4 =	vld [tilespmem:s17+$0x1910];
	v7 =	vmul.f32 $3.200000000e+01, v8  }
0xfd: {  	v6 =	vmul.f32 $3.200000000e+01, v6;
	v8 =	vld [tilespmem:s17+$0x1920]  }
0xfe: {  	[tilespmem:s17+$0x11550] =	vst v7;
	v5 =	vld [tilespmem:s17+$0x1930];
	v7 =	vmul.f32 $3.200000000e+01, v9  }
0xff: {  	s19 =	simm.s32 $0x0;
	[tilespmem:s17+$0x11560] =	vst v6;
	v6 =	vld [tilespmem:s17+$0x1940];
	v9 =	vmul.f32 $3.200000000e+01, v10  }
0x100: {  	s15 =	sshll.u32 s14, $0x8;
	s3 =	simm.s32 $0xFFFFC800;
	s20 =	simm.s32 $0x100;
	[tilespmem:s17+$0x11570] =	vst v7;
	v7 =	vld [tilespmem:s17+$0x1950];
	v3 =	vmul.f32 $3.200000000e+01, v3  }
.LBB2_3:
0x101: {  	s26 =	sadd.s32 $0x4000, s3;
	p1 =	sne.s32 s20, $0x780;
	[tilespmem:s17+$0x11900] =	vst v9;
	v4 =	vmul.f32 $3.200000000e+01, v4;
	v9 =	vld [tilespmem:s17+$0x1960]  }
0x102: {  	s28 =	sand.u32 $0x380, s20;
	s26 =	sand.u32 $0x2000, s26;
	v8 =	vmul.f32 $3.200000000e+01, v8;
	v10 =	vld [tilespmem:s17+$0x1970];
	[tilespmem:s25+$0x10100] =	vst v3;
	s25 =	sor.u32 $0x1C70, s18  }
0x103: {  	s26 =	sor.u32 s28, s26;
	[tilespmem:s17+$0x11910] =	vst v4;
	v3 =	vmul.f32 $3.200000000e+01, v5;
	v4 =	vld [tilespmem:s25+$0x100]  }
0x104: {  	v5 =	vld [tilespmem:s26+$0x100];
	[tilespmem:s17+$0x11920] =	vst v8;
	v6 =	vmul.f32 $3.200000000e+01, v6  }
0x105: {  	v8 =	vld [tilespmem:s26+$0x110];
	[tilespmem:s17+$0x11930] =	vst v3;
	v3 =	vmul.f32 $3.200000000e+01, v7  }
0x106: {  	s16 =	sadd.s32 $0x1, s16;
	v7 =	vld [tilespmem:s26+$0x120];
	[tilespmem:s17+$0x11940] =	vst v6;
	v6 =	vmul.f32 $3.200000000e+01, v9  }
0x107: {  	s18 =	sand.u32 $0x7, s16;
	v9 =	vld [tilespmem:s26+$0x130];
	[tilespmem:s17+$0x11950] =	vst v3;
	v3 =	vmul.f32 $3.200000000e+01, v10  }
0x108: {  	s19 =	sadd.s32 $0x400, s19;
	s18 =	sshll.u32 s18, $0x7;
	v10 =	vld [tilespmem:s26+$0x140];
	[tilespmem:s17+$0x11960] =	vst v6;
	v4 =	vmul.f32 $3.200000000e+01, v4  }
0x109: {  	s18 =	sadd.s32 s18, s19;
	v5 =	vmul.f32 $3.200000000e+01, v5;
	v6 =	vld [tilespmem:s26+$0x150];
	[tilespmem:s17+$0x11970] =	vst v3;
	s17 =	smov.u32 s26  }
0x10a: {  	s26 =	sor.u32 $0x1C00, s18;
	v3 =	vmul.f32 $3.200000000e+01, v8;
	v8 =	vld [tilespmem:s17+$0x160];
	[tilespmem:s25+$0x10100] =	vst v4  }
0x10b: {  	[tilespmem:s17+$0x10100] =	vst v5;
	v4 =	vmul.f32 $3.200000000e+01, v7;
	v5 =	vld [tilespmem:s26+$0x100]  }
0x10c: {  	[tilespmem:s17+$0x10110] =	vst v3;
	v3 =	vmul.f32 $3.200000000e+01, v9;
	v7 =	vld [tilespmem:s17+$0x170]  }
0x10d: {  	[tilespmem:s17+$0x10120] =	vst v4;
	v4 =	vmul.f32 $3.200000000e+01, v10;
	v9 =	vld [tilespmem:s17+$0x500]  }
0x10e: {  	[tilespmem:s17+$0x10130] =	vst v3;
	v3 =	vmul.f32 $3.200000000e+01, v6;
	v6 =	vld [tilespmem:s17+$0x510]  }
0x10f: {  	[tilespmem:s17+$0x10140] =	vst v4;
	v4 =	vmul.f32 $3.200000000e+01, v8;
	v8 =	vld [tilespmem:s17+$0x520]  }
0x110: {  	[tilespmem:s17+$0x10150] =	vst v3;
	v3 =	vld [tilespmem:s17+$0x530];
	v5 =	vmul.f32 $3.200000000e+01, v5  }
0x111: {  	[tilespmem:s17+$0x10160] =	vst v4;
	v4 =	vmul.f32 $3.200000000e+01, v7;
	v7 =	vld [tilespmem:s17+$0x540]  }
0x112: {  	s25 =	sor.u32 $0x1C10, s18;
	v9 =	vmul.f32 $3.200000000e+01, v9;
	v10 =	vld [tilespmem:s17+$0x550];
	[tilespmem:s26+$0x10100] =	vst v5  }
0x113: {  	[tilespmem:s17+$0x10170] =	vst v4;
	v4 =	vmul.f32 $3.200000000e+01, v6;
	v5 =	vld [tilespmem:s25+$0x100]  }
0x114: {  	[tilespmem:s17+$0x10500] =	vst v9;
	v6 =	vmul.f32 $3.200000000e+01, v8;
	v8 =	vld [tilespmem:s17+$0x560]  }
0x115: {  	[tilespmem:s17+$0x10510] =	vst v4;
	v3 =	vmul.f32 $3.200000000e+01, v3;
	v4 =	vld [tilespmem:s17+$0x570]  }
0x116: {  	[tilespmem:s17+$0x10520] =	vst v6;
	v6 =	vmul.f32 $3.200000000e+01, v7;
	v7 =	vld [tilespmem:s17+$0x900]  }
0x117: {  	[tilespmem:s17+$0x10530] =	vst v3;
	v3 =	vmul.f32 $3.200000000e+01, v10;
	v9 =	vld [tilespmem:s17+$0x910]  }
0x118: {  	[tilespmem:s17+$0x10540] =	vst v6;
	v6 =	vld [tilespmem:s17+$0x920];
	v5 =	vmul.f32 $3.200000000e+01, v5  }
0x119: {  	[tilespmem:s17+$0x10550] =	vst v3;
	v3 =	vmul.f32 $3.200000000e+01, v8;
	v8 =	vld [tilespmem:s17+$0x930]  }
0x11a: {  	v4 =	vmul.f32 $3.200000000e+01, v4;
	v10 =	vld [tilespmem:s17+$0x940];
	[tilespmem:s25+$0x10100] =	vst v5;
	s25 =	sor.u32 $0x1C20, s18  }
0x11b: {  	[tilespmem:s17+$0x10560] =	vst v3;
	v3 =	vmul.f32 $3.200000000e+01, v7;
	v5 =	vld [tilespmem:s25+$0x100]  }
0x11c: {  	[tilespmem:s17+$0x10570] =	vst v4;
	v4 =	vmul.f32 $3.200000000e+01, v9;
	v7 =	vld [tilespmem:s17+$0x950]  }
0x11d: {  	[tilespmem:s17+$0x10900] =	vst v3;
	v3 =	vmul.f32 $3.200000000e+01, v6;
	v6 =	vld [tilespmem:s17+$0x960]  }
0x11e: {  	[tilespmem:s17+$0x10910] =	vst v4;
	v4 =	vmul.f32 $3.200000000e+01, v8;
	v8 =	vld [tilespmem:s17+$0x970]  }
0x11f: {  	[tilespmem:s17+$0x10920] =	vst v3;
	v3 =	vmul.f32 $3.200000000e+01, v10;
	v9 =	vld [tilespmem:s17+$0xD00]  }
0x120: {  	[tilespmem:s17+$0x10930] =	vst v4;
	v4 =	vld [tilespmem:s17+$0xD10];
	v5 =	vmul.f32 $3.200000000e+01, v5  }
0x121: {  	[tilespmem:s17+$0x10940] =	vst v3;
	v3 =	vmul.f32 $3.200000000e+01, v7;
	v7 =	vld [tilespmem:s17+$0xD20]  }
0x122: {  	v6 =	vmul.f32 $3.200000000e+01, v6;
	v10 =	vld [tilespmem:s17+$0xD30];
	[tilespmem:s25+$0x10100] =	vst v5;
	s25 =	sor.u32 $0x1C30, s18  }
0x123: {  	[tilespmem:s17+$0x10950] =	vst v3;
	v3 =	vmul.f32 $3.200000000e+01, v8;
	v5 =	vld [tilespmem:s25+$0x100]  }
0x124: {  	[tilespmem:s17+$0x10960] =	vst v6;
	v6 =	vmul.f32 $3.200000000e+01, v9;
	v8 =	vld [tilespmem:s17+$0xD40]  }
0x125: {  	[tilespmem:s17+$0x10970] =	vst v3;
	v3 =	vmul.f32 $3.200000000e+01, v4;
	v4 =	vld [tilespmem:s17+$0xD50]  }
0x126: {  	[tilespmem:s17+$0x10D00] =	vst v6;
	v6 =	vmul.f32 $3.200000000e+01, v7;
	v7 =	vld [tilespmem:s17+$0xD60]  }
0x127: {  	[tilespmem:s17+$0x10D10] =	vst v3;
	v3 =	vmul.f32 $3.200000000e+01, v10;
	v9 =	vld [tilespmem:s17+$0xD70]  }
0x128: {  	[tilespmem:s17+$0x10D20] =	vst v6;
	v6 =	vld [tilespmem:s17+$0x1100];
	v5 =	vmul.f32 $3.200000000e+01, v5  }
0x129: {  	[tilespmem:s17+$0x10D30] =	vst v3;
	v3 =	vmul.f32 $3.200000000e+01, v8;
	v8 =	vld [tilespmem:s17+$0x1110]  }
0x12a: {  	v4 =	vmul.f32 $3.200000000e+01, v4;
	v10 =	vld [tilespmem:s17+$0x1120];
	[tilespmem:s25+$0x10100] =	vst v5;
	s25 =	sor.u32 $0x1C40, s18  }
0x12b: {  	[tilespmem:s17+$0x10D40] =	vst v3;
	v3 =	vmul.f32 $3.200000000e+01, v7;
	v5 =	vld [tilespmem:s25+$0x100]  }
0x12c: {  	[tilespmem:s17+$0x10D50] =	vst v4;
	v4 =	vmul.f32 $3.200000000e+01, v9;
	v7 =	vld [tilespmem:s17+$0x1130]  }
0x12d: {  	[tilespmem:s17+$0x10D60] =	vst v3;
	v3 =	vmul.f32 $3.200000000e+01, v6;
	v6 =	vld [tilespmem:s17+$0x1140]  }
0x12e: {  	[tilespmem:s17+$0x10D70] =	vst v4;
	v4 =	vmul.f32 $3.200000000e+01, v8;
	v8 =	vld [tilespmem:s17+$0x1150]  }
0x12f: {  	[tilespmem:s17+$0x11100] =	vst v3;
	v3 =	vmul.f32 $3.200000000e+01, v10;
	v9 =	vld [tilespmem:s17+$0x1160]  }
0x130: {  	[tilespmem:s17+$0x11110] =	vst v4;
	v4 =	vld [tilespmem:s17+$0x1170];
	v5 =	vmul.f32 $3.200000000e+01, v5  }
0x131: {  	[tilespmem:s17+$0x11120] =	vst v3;
	v3 =	vmul.f32 $3.200000000e+01, v7;
	v7 =	vld [tilespmem:s17+$0x1500]  }
0x132: {  	v6 =	vmul.f32 $3.200000000e+01, v6;
	v10 =	vld [tilespmem:s17+$0x1510];
	[tilespmem:s25+$0x10100] =	vst v5;
	s25 =	sor.u32 $0x1C50, s18  }
0x133: {  	[tilespmem:s17+$0x11130] =	vst v3;
	v3 =	vmul.f32 $3.200000000e+01, v8;
	v5 =	vld [tilespmem:s25+$0x100]  }
0x134: {  	[tilespmem:s17+$0x11140] =	vst v6;
	v6 =	vmul.f32 $3.200000000e+01, v9;
	v8 =	vld [tilespmem:s17+$0x1520]  }
0x135: {  	[tilespmem:s17+$0x11150] =	vst v3;
	v3 =	vmul.f32 $3.200000000e+01, v4;
	v4 =	vld [tilespmem:s17+$0x1530]  }
0x136: {  	[tilespmem:s17+$0x11160] =	vst v6;
	v6 =	vmul.f32 $3.200000000e+01, v7;
	v7 =	vld [tilespmem:s17+$0x1540]  }
0x137: {  	[tilespmem:s17+$0x11170] =	vst v3;
	v3 =	vmul.f32 $3.200000000e+01, v10;
	v9 =	vld [tilespmem:s17+$0x1550]  }
0x138: {  	[tilespmem:s17+$0x11500] =	vst v6;
	v6 =	vld [tilespmem:s17+$0x1560];
	v5 =	vmul.f32 $3.200000000e+01, v5  }
0x139: {  	[tilespmem:s17+$0x11510] =	vst v3;
	v3 =	vmul.f32 $3.200000000e+01, v8;
	v10 =	vld [tilespmem:s17+$0x1570]  }
0x13a: {  	v4 =	vmul.f32 $3.200000000e+01, v4;
	v11 =	vld [tilespmem:s17+$0x1900];
	[tilespmem:s25+$0x10100] =	vst v5;
	s25 =	sor.u32 $0x1C60, s18  }
0x13b: {  	[tilespmem:s17+$0x11520] =	vst v3;
	v3 =	vmul.f32 $3.200000000e+01, v7;
	v12 =	vld [tilespmem:s25+$0x100]  }
.Ltmp2:
0x13c: {  	[tilespmem:s17+$0x11530] =	vst v4;
	v5 =	vmul.f32 $3.200000000e+01, v9;
	v4 =	vld [tilespmem:s17+$0x1910];
	(pc) =	sbr.rel @p1 .LBB2_3-.Ltmp2, $4  }
0x13d: {  	[tilespmem:s17+$0x11540] =	vst v3;
	v3 =	vmul.f32 $3.200000000e+01, v6;
	v8 =	vld [tilespmem:s17+$0x1920]  }
0x13e: {  	[tilespmem:s17+$0x11550] =	vst v5;
	v7 =	vmul.f32 $3.200000000e+01, v10;
	v5 =	vld [tilespmem:s17+$0x1930]  }
0x13f: {  	[tilespmem:s17+$0x11560] =	vst v3;
	v9 =	vmul.f32 $3.200000000e+01, v11;
	v6 =	vld [tilespmem:s17+$0x1940]  }
0x140: {  	s3 =	sadd.s32 $0x400, s3;
	s20 =	sadd.s32 $0x80, s20;
	[tilespmem:s17+$0x11570] =	vst v7;
	v7 =	vld [tilespmem:s17+$0x1950];
	v3 =	vmul.f32 $3.200000000e+01, v12  }
0x141: {  	v4 =	vmul.f32 $3.200000000e+01, v4;
	v58 =	vld [tilespmem:s17+$0x1960]  }
0x142: {  	[tilespmem:s17+$0x11900] =	vst v9;
	v10 =	vld [tilespmem:s17+$0x1970];
	v8 =	vmul.f32 $3.200000000e+01, v8  }
0x143: {  	[tilespmem:s17+$0x11910] =	vst v4;
	v59 =	vmul.f32 $3.200000000e+01, v5  }
0x144: {  	[tilespmem:s17+$0x11920] =	vst v8;
	v60 =	vmul.f32 $3.200000000e+01, v6  }
0x145: {  	s3 =	sadd.s32 $0x1, s16;
	[tilespmem:s17+$0x11930] =	vst v59;
	v61 =	vmul.f32 $3.200000000e+01, v7  }
0x146: {  	s3 =	sand.u32 $0x7, s3;
	[tilespmem:s17+$0x11940] =	vst v60;
	v62 =	vmul.f32 $3.200000000e+01, v58  }
0x147: {  	s28 =	sadd.s32 $0x400, s19;
	s3 =	sshll.u32 s3, $0x7;
	v63 =	vmul.f32 $3.200000000e+01, v10;
	[tilespmem:s17+$0x11950] =	vst v61  }
0x148: {  	s3 =	sadd.s32 s3, s28;
	[tilespmem:s17+$0x11960] =	vst v62  }
0x149: {  	s16 =	sor.u32 $0x1C00, s3;
	[tilespmem:s17+$0x11970] =	vst v63  }
0x14a: {  	v4 =	vld [tilespmem:s16+$0x100];
	_ =	sdelay $0x4  }
0x14b: {  	v4 =	vmul.f32 $3.200000000e+01, v4;
	_ =	sdelay $0x1  }
0x14c: {  	s29 =	sor.u32 $0x1C10, s3;
	[tilespmem:s16+$0x10100] =	vst v4  }
0x14d: {  	v4 =	vld [tilespmem:s29+$0x100];
	_ =	sdelay $0x4  }
0x14e: {  	v4 =	vmul.f32 $3.200000000e+01, v4;
	_ =	sdelay $0x1  }
0x14f: {  	s30 =	sor.u32 $0x1C20, s3;
	[tilespmem:s29+$0x10100] =	vst v4  }
0x150: {  	v4 =	vld [tilespmem:s30+$0x100];
	_ =	sdelay $0x4  }
0x151: {  	v4 =	vmul.f32 $3.200000000e+01, v4;
	_ =	sdelay $0x1  }
0x152: {  	s17 =	sor.u32 $0x1C30, s3;
	[tilespmem:s30+$0x10100] =	vst v4  }
0x153: {  	v4 =	vld [tilespmem:s17+$0x100];
	_ =	sdelay $0x4  }
0x154: {  	v4 =	vmul.f32 $3.200000000e+01, v4;
	_ =	sdelay $0x1  }
0x155: {  	s19 =	sor.u32 $0x1C40, s3;
	[tilespmem:s17+$0x10100] =	vst v4  }
0x156: {  	v4 =	vld [tilespmem:s19+$0x100];
	_ =	sdelay $0x4  }
0x157: {  	v4 =	vmul.f32 $3.200000000e+01, v4;
	_ =	sdelay $0x1  }
0x158: {  	s20 =	sor.u32 $0x1C50, s3;
	[tilespmem:s19+$0x10100] =	vst v4  }
0x159: {  	v4 =	vld [tilespmem:s20+$0x100];
	_ =	sdelay $0x4  }
0x15a: {  	v4 =	vmul.f32 $3.200000000e+01, v4;
	_ =	sdelay $0x1  }
0x15b: {  	s26 =	sor.u32 $0x1C60, s3;
	[tilespmem:s20+$0x10100] =	vst v4  }
0x15c: {  	v4 =	vld [tilespmem:s26+$0x100];
	_ =	sdelay $0x4  }
0x15d: {  	v4 =	vmul.f32 $3.200000000e+01, v4  }
0x15e: {  	[tilespmem:s25+$0x10100] =	vst v3;
	s28 =	sor.u32 $0x1C70, s18  }
0x15f: {  	v3 =	vld [tilespmem:s28+$0x100];
	s3 =	sor.u32 $0x1C70, s3;
	[tilespmem:s26+$0x10100] =	vst v4  }
0x160: {  	v4 =	vld [tilespmem:s3+$0x100];
	_ =	sdelay $0x2  }
0x161: {  	p1 =	sne.s32 s14, $0x3  }
.Ltmp3:
0x162: {  	v3 =	vmul.f32 $3.200000000e+01, v3;
	(pc) =	sbr.rel @p1 .LBB2_6-.Ltmp3, $4  }
0x163: {  	v4 =	vmul.f32 $3.200000000e+01, v4  }
0x164: {  	[tilespmem:s28+$0x10100] =	vst v3;
	s29 =	sshll.u32 s14, $0xD  }
0x165: {  	s30 =	sadd.s32 s29, s10;
	[tilespmem:s3+$0x10100] =	vst v4  }
0x166: {  	[hbm4b:s30+s5] =	stream.linear.scatter [tilespmem:s22], [sflag:$0x5], $0x4000, $0x38;
	[tilespmem:$0x18100] =	vst v63  }
.Ltmp4:
0x167: {  	(pc) =	sbr.rel .LBB2_7-.Ltmp4, $4  }
0x168: {  	_ = 	snop  }
0x169: {  	_ =	swait.ge [sflag:s23], $0x4000  }
0x16a: {  	[sflag:s23] =	ssyncset.done $0x0  }
0x16b: {  	[sflag:s23] =	ssyncadd.s32 $0xFFFFC000  }
.LBB2_6:
0x16c: {  	s3 =	sshrl.u32 s15, $0x2  }
0x16d: {  	v3 =	vld [tilespmem:s3+$0x40];
	_ =	sdelay $0x4  }
0x16e: {  	v4 =	vshll.u32 v3, $0x3  }
0x16f: {  	v3 =	vand.u32 $0x7, v3;
	v4 =	vand.u32 $0xFFFFFFC0, v4  }
0x170: {  	v3 =	vor.u32 v3, v4  }
0x171: {  	v4 =	vperm.xlane v3, v0;
	_ =	sdelay $0x1  }
0x172: {  	v4 =	vadd.s32 v1, v4;
	_ =	sdelay $0x3  }
0x173: {  	s18 =	simm.s32 $0x100  }
0x174: {  	[tilespmem:s18], [sflag:$0x1] =	stream.indirect_vreg.gather [hbm4b:s1+s5], $0x80, v4, vm0, $0xb8;
	[tilespmem:$0x18100] =	vst v63  }
0x175: {  	s19 =	simm.s32 $0x900;
	v3 =	vperm.xlane v3, v2  }
0x176: {  	[tilespmem:s19], [sflag:$0x1] =	stream.indirect_vreg.gather [hbm4b:s7+s5], $0x80, v4, vm0, $0xb8;
	[tilespmem:$0x18100] =	vst v63  }
0x177: {  	s20 =	simm.s32 $0x1100;
	v3 =	vadd.s32 v1, v3  }
0x178: {  	[tilespmem:s20], [sflag:$0x1] =	stream.indirect_vreg.gather [hbm4b:s8+s5], $0x80, v4, vm0, $0xb8;
	[tilespmem:$0x18100] =	vst v63  }
0x179: {  	s25 =	simm.s32 $0x1900  }
0x17a: {  	[tilespmem:s25], [sflag:$0x1] =	stream.indirect_vreg.gather [hbm4b:s9+s5], $0x80, v4, vm0, $0xb8;
	[tilespmem:$0x18100] =	vst v63  }
0x17b: {  	s26 =	simm.s32 $0x2100  }
0x17c: {  	[tilespmem:s26], [sflag:$0x1] =	stream.indirect_vreg.gather [hbm4b:s1+s5], $0x80, v3, vm0, $0xb8;
	[tilespmem:$0x18100] =	vst v63  }
0x17d: {  	s28 =	simm.s32 $0x2900  }
0x17e: {  	[tilespmem:s28], [sflag:$0x1] =	stream.indirect_vreg.gather [hbm4b:s7+s5], $0x80, v3, vm0, $0xb8;
	[tilespmem:$0x18100] =	vst v63  }
0x17f: {  	s29 =	simm.s32 $0x3100  }
0x180: {  	[tilespmem:s29], [sflag:$0x1] =	stream.indirect_vreg.gather [hbm4b:s8+s5], $0x80, v3, vm0, $0xb8;
	[tilespmem:$0x18100] =	vst v63  }
.Ltmp5:
0x181: {  	s30 =	simm.s32 $0x3900;
	(pc) =	sbr.rel @p0 .LBB2_8-.Ltmp5, $4  }
0x182: {  	[tilespmem:s30], [sflag:$0x1] =	stream.indirect_vreg.gather [hbm4b:s9+s5], $0x80, v3, vm0, $0xb8;
	[tilespmem:$0x18100] =	vst v63  }
0x183: {  	_ =	swait.ge [sflag:s23], $0x4000  }
0x184: {  	[sflag:s23] =	ssyncset.done $0x0  }
0x185: {  	[sflag:s23] =	ssyncadd.s32 $0xFFFFC000  }
.LBB2_7:
0x186: {  	_ =	swait.ge [sflag:s24], $0x4000  }
0x187: {  	[sflag:s24] =	ssyncset.done $0x0  }
0x188: {  	[sflag:s24] =	ssyncadd.s32 $0xFFFFC000  }
.LBB2_8:
0x189: {  	s16 =	simm.s32 $0x0;
	s3 =	simm.s32 $0x0  }
0x18a: {  	s3 =	sand.u32 $0x2000, s3;
	s17 =	sand.u32 $0x380, s16  }
0x18b: {  	s3 =	sor.u32 s17, s3  }
0x18c: {  	v3 =	vld [tilespmem:s3+$0x4100]  }
0x18d: {  	v4 =	vld [tilespmem:s3+$0x4110]  }
0x18e: {  	v5 =	vld [tilespmem:s3+$0x4120]  }
0x18f: {  	v6 =	vld [tilespmem:s3+$0x4130]  }
0x190: {  	v7 =	vld [tilespmem:s3+$0x4140]  }
0x191: {  	v8 =	vld [tilespmem:s3+$0x4150];
	v3 =	vmul.f32 $3.200000000e+01, v3  }
0x192: {  	v9 =	vld [tilespmem:s3+$0x4160];
	v4 =	vmul.f32 $3.200000000e+01, v4  }
0x193: {  	s30 =	simm.s32 $0x80;
	s18 =	simm.s32 $0x400;
	v10 =	vld [tilespmem:s3+$0x4170];
	[tilespmem:s3+$0x14100] =	vst v3;
	v3 =	vmul.f32 $3.200000000e+01, v5  }
0x194: {  	s18 =	sand.u32 $0x2000, s18;
	s17 =	sand.u32 $0x380, s30;
	v11 =	vld [tilespmem:s3+$0x4500];
	[tilespmem:s3+$0x14110] =	vst v4;
	v4 =	vmul.f32 $3.200000000e+01, v6  }
0x195: {  	v12 =	vld [tilespmem:s3+$0x4510];
	s17 =	sor.u32 s17, s18;
	[tilespmem:s3+$0x14120] =	vst v3;
	v3 =	vmul.f32 $3.200000000e+01, v7  }
0x196: {  	v61 =	vld [tilespmem:s17+$0x4160];
	[tilespmem:s3+$0x14130] =	vst v4;
	v4 =	vmul.f32 $3.200000000e+01, v8  }
0x197: {  	v5 =	vld [tilespmem:s3+$0x4520];
	[tilespmem:s3+$0x14140] =	vst v3;
	v3 =	vmul.f32 $3.200000000e+01, v9  }
0x198: {  	v6 =	vld [tilespmem:s3+$0x4530];
	[tilespmem:s3+$0x14150] =	vst v4;
	v4 =	vmul.f32 $3.200000000e+01, v10  }
0x199: {  	v62 =	vld [tilespmem:s3+$0x5560];
	[tilespmem:s3+$0x14160] =	vst v3;
	v3 =	vmul.f32 $3.200000000e+01, v11  }
0x19a: {  	v7 =	vld [tilespmem:s3+$0x4540];
	[tilespmem:s3+$0x14170] =	vst v4;
	v4 =	vmul.f32 $3.200000000e+01, v12  }
0x19b: {  	v8 =	vld [tilespmem:s3+$0x4550];
	v12 =	vmul.f32 $3.200000000e+01, v61;
	[tilespmem:s3+$0x14500] =	vst v3  }
0x19c: {  	v9 =	vld [tilespmem:s3+$0x4560];
	v3 =	vmul.f32 $3.200000000e+01, v5;
	[tilespmem:s3+$0x14510] =	vst v4  }
0x19d: {  	v10 =	vld [tilespmem:s3+$0x4570];
	v4 =	vmul.f32 $3.200000000e+01, v6;
	[tilespmem:s17+$0x14160] =	vst v12  }
0x19e: {  	v11 =	vld [tilespmem:s3+$0x4900];
	v12 =	vmul.f32 $3.200000000e+01, v62;
	[tilespmem:s3+$0x14520] =	vst v3  }
0x19f: {  	v57 =	vld [tilespmem:s3+$0x4910];
	v3 =	vmul.f32 $3.200000000e+01, v7;
	[tilespmem:s3+$0x14530] =	vst v4  }
0x1a0: {  	v5 =	vld [tilespmem:s3+$0x4920];
	v4 =	vmul.f32 $3.200000000e+01, v8;
	[tilespmem:s3+$0x15560] =	vst v12  }
0x1a1: {  	v6 =	vld [tilespmem:s3+$0x4930];
	[tilespmem:s3+$0x14540] =	vst v3;
	v3 =	vmul.f32 $3.200000000e+01, v9  }
0x1a2: {  	v7 =	vld [tilespmem:s3+$0x4940];
	[tilespmem:s3+$0x14550] =	vst v4;
	v4 =	vmul.f32 $3.200000000e+01, v10  }
0x1a3: {  	v8 =	vld [tilespmem:s3+$0x4950];
	[tilespmem:s3+$0x14560] =	vst v3;
	v3 =	vmul.f32 $3.200000000e+01, v11  }
0x1a4: {  	v9 =	vld [tilespmem:s3+$0x4960];
	[tilespmem:s3+$0x14570] =	vst v4;
	v4 =	vmul.f32 $3.200000000e+01, v57  }
0x1a5: {  	v10 =	vld [tilespmem:s3+$0x4970];
	[tilespmem:s3+$0x14900] =	vst v3;
	v3 =	vmul.f32 $3.200000000e+01, v5  }
0x1a6: {  	v11 =	vld [tilespmem:s3+$0x4D00];
	[tilespmem:s3+$0x14910] =	vst v4;
	v4 =	vmul.f32 $3.200000000e+01, v6  }
0x1a7: {  	v58 =	vld [tilespmem:s3+$0x4D10];
	[tilespmem:s3+$0x14920] =	vst v3;
	v3 =	vmul.f32 $3.200000000e+01, v7  }
0x1a8: {  	v5 =	vld [tilespmem:s3+$0x4D20];
	[tilespmem:s3+$0x14930] =	vst v4;
	v4 =	vmul.f32 $3.200000000e+01, v8  }
0x1a9: {  	v6 =	vld [tilespmem:s3+$0x4D30];
	[tilespmem:s3+$0x14940] =	vst v3;
	v3 =	vmul.f32 $3.200000000e+01, v9  }
0x1aa: {  	v7 =	vld [tilespmem:s3+$0x4D40];
	[tilespmem:s3+$0x14950] =	vst v4;
	v4 =	vmul.f32 $3.200000000e+01, v10  }
0x1ab: {  	v8 =	vld [tilespmem:s3+$0x4D50];
	[tilespmem:s3+$0x14960] =	vst v3;
	v3 =	vmul.f32 $3.200000000e+01, v11  }
0x1ac: {  	v9 =	vld [tilespmem:s3+$0x4D60];
	[tilespmem:s3+$0x14970] =	vst v4;
	v4 =	vmul.f32 $3.200000000e+01, v58  }
0x1ad: {  	v10 =	vld [tilespmem:s3+$0x4D70];
	[tilespmem:s3+$0x14D00] =	vst v3;
	v3 =	vmul.f32 $3.200000000e+01, v5  }
0x1ae: {  	v11 =	vld [tilespmem:s3+$0x5100];
	[tilespmem:s3+$0x14D10] =	vst v4;
	v4 =	vmul.f32 $3.200000000e+01, v6  }
0x1af: {  	v59 =	vld [tilespmem:s3+$0x5110];
	[tilespmem:s3+$0x14D20] =	vst v3;
	v3 =	vmul.f32 $3.200000000e+01, v7  }
0x1b0: {  	[tilespmem:s3+$0x14D30] =	vst v4;
	v4 =	vmul.f32 $3.200000000e+01, v8;
	v8 =	vld [tilespmem:s3+$0x5150]  }
0x1b1: {  	v5 =	vld [tilespmem:s3+$0x5120];
	[tilespmem:s3+$0x14D40] =	vst v3;
	v3 =	vmul.f32 $3.200000000e+01, v9  }
0x1b2: {  	v6 =	vld [tilespmem:s3+$0x5130];
	[tilespmem:s3+$0x14D50] =	vst v4;
	v4 =	vmul.f32 $3.200000000e+01, v10  }
0x1b3: {  	v9 =	vld [tilespmem:s3+$0x5160];
	[tilespmem:s3+$0x14D60] =	vst v3;
	v3 =	vmul.f32 $3.200000000e+01, v11  }
0x1b4: {  	v10 =	vld [tilespmem:s3+$0x5170];
	[tilespmem:s3+$0x14D70] =	vst v4;
	v4 =	vmul.f32 $3.200000000e+01, v59  }
0x1b5: {  	v7 =	vld [tilespmem:s3+$0x5140];
	v8 =	vmul.f32 $3.200000000e+01, v8;
	[tilespmem:s3+$0x15100] =	vst v3  }
0x1b6: {  	v11 =	vld [tilespmem:s17+$0x4100];
	v3 =	vmul.f32 $3.200000000e+01, v5;
	[tilespmem:s3+$0x15110] =	vst v4  }
0x1b7: {  	v60 =	vld [tilespmem:s17+$0x4110];
	v4 =	vmul.f32 $3.200000000e+01, v6;
	[tilespmem:s3+$0x15150] =	vst v8  }
0x1b8: {  	v6 =	vld [tilespmem:s17+$0x4130];
	v9 =	vmul.f32 $3.200000000e+01, v9;
	[tilespmem:s3+$0x15120] =	vst v3  }
0x1b9: {  	v5 =	vld [tilespmem:s17+$0x4120];
	v10 =	vmul.f32 $3.200000000e+01, v10;
	[tilespmem:s3+$0x15130] =	vst v4  }
0x1ba: {  	v3 =	vmul.f32 $3.200000000e+01, v7;
	v7 =	vld [tilespmem:s17+$0x4140];
	[tilespmem:s3+$0x15160] =	vst v9  }
0x1bb: {  	v4 =	vmul.f32 $3.200000000e+01, v11;
	v11 =	vld [tilespmem:s17+$0x4150];
	[tilespmem:s3+$0x15170] =	vst v10  }
0x1bc: {  	v10 =	vld [tilespmem:s17+$0x4510];
	[tilespmem:s3+$0x15140] =	vst v3;
	v3 =	vmul.f32 $3.200000000e+01, v60  }
0x1bd: {  	[tilespmem:s17+$0x14100] =	vst v4;
	v4 =	vld [tilespmem:s3+$0x5500];
	v6 =	vmul.f32 $3.200000000e+01, v6  }
0x1be: {  	v5 =	vmul.f32 $3.200000000e+01, v5;
	[tilespmem:s17+$0x14110] =	vst v3;
	v3 =	vld [tilespmem:s3+$0x5510]  }
0x1bf: {  	[tilespmem:s17+$0x14130] =	vst v6;
	v6 =	vld [tilespmem:s3+$0x5530];
	v7 =	vmul.f32 $3.200000000e+01, v7  }
0x1c0: {  	[tilespmem:s17+$0x14120] =	vst v5;
	v5 =	vld [tilespmem:s3+$0x5520];
	v11 =	vmul.f32 $3.200000000e+01, v11  }
0x1c1: {  	v9 =	vld [tilespmem:s17+$0x4500];
	v10 =	vmul.f32 $3.200000000e+01, v10;
	[tilespmem:s17+$0x14140] =	vst v7  }
0x1c2: {  	v7 =	vld [tilespmem:s3+$0x5540];
	v4 =	vmul.f32 $3.200000000e+01, v4;
	[tilespmem:s17+$0x14150] =	vst v11  }
0x1c3: {  	v8 =	vld [tilespmem:s17+$0x4170];
	[tilespmem:s17+$0x14510] =	vst v10;
	v3 =	vmul.f32 $3.200000000e+01, v3  }
0x1c4: {  	v11 =	vld [tilespmem:s3+$0x5550];
	[tilespmem:s3+$0x15500] =	vst v4;
	v6 =	vmul.f32 $3.200000000e+01, v6  }
0x1c5: {  	v4 =	vld [tilespmem:s17+$0x4520];
	[tilespmem:s3+$0x15510] =	vst v3;
	v3 =	vmul.f32 $3.200000000e+01, v5  }
0x1c6: {  	v5 =	vld [tilespmem:s17+$0x4530];
	[tilespmem:s3+$0x15530] =	vst v6;
	v6 =	vmul.f32 $3.200000000e+01, v9  }
0x1c7: {  	v9 =	vld [tilespmem:s17+$0x4550];
	v7 =	vmul.f32 $3.200000000e+01, v7;
	[tilespmem:s3+$0x15520] =	vst v3  }
0x1c8: {  	v3 =	vmul.f32 $3.200000000e+01, v8;
	v8 =	vld [tilespmem:s17+$0x4540];
	[tilespmem:s17+$0x14500] =	vst v6  }
0x1c9: {  	v11 =	vmul.f32 $3.200000000e+01, v11;
	v6 =	vld [tilespmem:s3+$0x5900];
	[tilespmem:s3+$0x15540] =	vst v7  }
0x1ca: {  	[tilespmem:s17+$0x14170] =	vst v3;
	v3 =	vld [tilespmem:s3+$0x5570];
	v4 =	vmul.f32 $3.200000000e+01, v4  }
0x1cb: {  	v10 =	vld [tilespmem:s3+$0x5910];
	[tilespmem:s3+$0x15550] =	vst v11;
	v5 =	vmul.f32 $3.200000000e+01, v5  }
0x1cc: {  	[tilespmem:s17+$0x14520] =	vst v4;
	v4 =	vld [tilespmem:s3+$0x5920];
	v9 =	vmul.f32 $3.200000000e+01, v9  }
0x1cd: {  	v7 =	vld [tilespmem:s17+$0x4560];
	[tilespmem:s17+$0x14530] =	vst v5;
	v8 =	vmul.f32 $3.200000000e+01, v8  }
0x1ce: {  	v11 =	vld [tilespmem:s17+$0x4570];
	v6 =	vmul.f32 $3.200000000e+01, v6;
	[tilespmem:s17+$0x14550] =	vst v9  }
0x1cf: {  	v63 =	vld [tilespmem:s17+$0x4900];
	v3 =	vmul.f32 $3.200000000e+01, v3;
	[tilespmem:s17+$0x14540] =	vst v8  }
0x1d0: {  	v5 =	vld [tilespmem:s3+$0x5930];
	[tilespmem:s3+$0x15900] =	vst v6;
	v6 =	vmul.f32 $3.200000000e+01, v10  }
0x1d1: {  	v9 =	vld [tilespmem:s3+$0x5950];
	[tilespmem:s3+$0x15570] =	vst v3;
	v4 =	vmul.f32 $3.200000000e+01, v4  }
0x1d2: {  	v3 =	vld [tilespmem:s17+$0x4910];
	[tilespmem:s3+$0x15910] =	vst v6;
	v6 =	vmul.f32 $3.200000000e+01, v7  }
0x1d3: {  	v8 =	vld [tilespmem:s3+$0x5940];
	[tilespmem:s3+$0x15920] =	vst v4;
	v4 =	vmul.f32 $3.200000000e+01, v11  }
0x1d4: {  	v10 =	vld [tilespmem:s17+$0x4920];
	[tilespmem:s17+$0x14560] =	vst v6;
	v6 =	vmul.f32 $3.200000000e+01, v63  }
0x1d5: {  	v5 =	vmul.f32 $3.200000000e+01, v5;
	[tilespmem:s17+$0x14570] =	vst v4;
	v4 =	vld [tilespmem:s3+$0x5960]  }
0x1d6: {  	v9 =	vmul.f32 $3.200000000e+01, v9;
	[tilespmem:s17+$0x14900] =	vst v6;
	v6 =	vld [tilespmem:s3+$0x5970]  }
0x1d7: {  	v7 =	vld [tilespmem:s17+$0x4930];
	[tilespmem:s3+$0x15930] =	vst v5;
	v3 =	vmul.f32 $3.200000000e+01, v3  }
0x1d8: {  	v8 =	vmul.f32 $3.200000000e+01, v8;
	[tilespmem:s3+$0x15950] =	vst v9  }
0x1d9: {  	[tilespmem:s17+$0x14910] =	vst v3;
	v3 =	vmul.f32 $3.200000000e+01, v10  }
0x1da: {  	s19 =	sand.u32 $0x7, s16;
	[tilespmem:s3+$0x15940] =	vst v8;
	v4 =	vmul.f32 $3.200000000e+01, v4  }
0x1db: {  	s18 =	sshll.u32 s19, $0x7;
	[tilespmem:s17+$0x14920] =	vst v3;
	v3 =	vmul.f32 $3.200000000e+01, v6  }
0x1dc: {  	s18 =	sadd.s32 $0x0, s18;
	v7 =	vmul.f32 $3.200000000e+01, v7;
	[tilespmem:s3+$0x15960] =	vst v4  }
0x1dd: {  	s20 =	sor.u32 $0x1C00, s18;
	[tilespmem:s3+$0x15970] =	vst v3  }
0x1de: {  	[tilespmem:s17+$0x14930] =	vst v7;
	v7 =	vld [tilespmem:s20+$0x4100];
	_ =	sdelay $0x1  }
0x1df: {  	v8 =	vld [tilespmem:s17+$0x4960]  }
0x1e0: {  	v11 =	vld [tilespmem:s17+$0x4940];
	_ =	sdelay $0x1  }
0x1e1: {  	v7 =	vmul.f32 $3.200000000e+01, v7;
	_ =	sdelay $0x1  }
0x1e2: {  	s25 =	sor.u32 $0x1C10, s18;
	v8 =	vmul.f32 $3.200000000e+01, v8;
	v3 =	vld [tilespmem:s17+$0x4D10];
	[tilespmem:s20+$0x14100] =	vst v7  }
0x1e3: {  	v6 =	vmul.f32 $3.200000000e+01, v11;
	v7 =	vld [tilespmem:s25+$0x4100]  }
0x1e4: {  	[tilespmem:s17+$0x14960] =	vst v8;
	v8 =	vld [tilespmem:s17+$0x4D40]  }
0x1e5: {  	[tilespmem:s17+$0x14940] =	vst v6;
	v6 =	vld [tilespmem:s17+$0x4D20];
	_ =	sdelay $0x1  }
0x1e6: {  	v3 =	vmul.f32 $3.200000000e+01, v3  }
0x1e7: {  	v5 =	vld [tilespmem:s17+$0x4950];
	v7 =	vmul.f32 $3.200000000e+01, v7  }
0x1e8: {  	v8 =	vmul.f32 $3.200000000e+01, v8;
	[tilespmem:s17+$0x14D10] =	vst v3;
	v3 =	vld [tilespmem:s17+$0x4D70]  }
0x1e9: {  	s26 =	sor.u32 $0x1C20, s18;
	v9 =	vld [tilespmem:s17+$0x4970];
	v6 =	vmul.f32 $3.200000000e+01, v6;
	[tilespmem:s25+$0x14100] =	vst v7  }
0x1ea: {  	[tilespmem:s17+$0x14D40] =	vst v8;
	v8 =	vld [tilespmem:s26+$0x4100]  }
0x1eb: {  	[tilespmem:s17+$0x14D20] =	vst v6;
	v6 =	vld [tilespmem:s17+$0x5100]  }
0x1ec: {  	v5 =	vmul.f32 $3.200000000e+01, v5  }
0x1ed: {  	v3 =	vmul.f32 $3.200000000e+01, v3  }
0x1ee: {  	[tilespmem:s17+$0x14950] =	vst v5;
	v5 =	vmul.f32 $3.200000000e+01, v9  }
0x1ef: {  	v4 =	vld [tilespmem:s17+$0x4D00];
	[tilespmem:s17+$0x14D70] =	vst v3;
	v3 =	vmul.f32 $3.200000000e+01, v8  }
0x1f0: {  	[tilespmem:s17+$0x14970] =	vst v5;
	v5 =	vld [tilespmem:s17+$0x4D50];
	v6 =	vmul.f32 $3.200000000e+01, v6  }
0x1f1: {  	s28 =	sor.u32 $0x1C30, s18;
	v10 =	vld [tilespmem:s17+$0x4D30];
	[tilespmem:s26+$0x14100] =	vst v3  }
0x1f2: {  	[tilespmem:s17+$0x15100] =	vst v6;
	v6 =	vld [tilespmem:s28+$0x4100];
	_ =	sdelay $0x1  }
0x1f3: {  	v4 =	vmul.f32 $3.200000000e+01, v4;
	v7 =	vld [tilespmem:s17+$0x5120]  }
0x1f4: {  	v5 =	vmul.f32 $3.200000000e+01, v5  }
0x1f5: {  	v9 =	vmul.f32 $3.200000000e+01, v10;
	[tilespmem:s17+$0x14D00] =	vst v4;
	v4 =	vld [tilespmem:s17+$0x4D60]  }
0x1f6: {  	[tilespmem:s17+$0x14D50] =	vst v5;
	v5 =	vld [tilespmem:s17+$0x5130];
	v6 =	vmul.f32 $3.200000000e+01, v6  }
0x1f7: {  	[tilespmem:s17+$0x14D30] =	vst v9;
	v9 =	vld [tilespmem:s17+$0x5110]  }
0x1f8: {  	s29 =	sor.u32 $0x1C40, s18;
	v7 =	vmul.f32 $3.200000000e+01, v7;
	v8 =	vld [tilespmem:s17+$0x5150];
	[tilespmem:s28+$0x14100] =	vst v6  }
0x1f9: {  	v6 =	vld [tilespmem:s29+$0x4100]  }
0x1fa: {  	v4 =	vmul.f32 $3.200000000e+01, v4;
	[tilespmem:s17+$0x15120] =	vst v7;
	v7 =	vld [tilespmem:s17+$0x5500]  }
0x1fb: {  	v5 =	vmul.f32 $3.200000000e+01, v5;
	v3 =	vld [tilespmem:s17+$0x5160]  }
0x1fc: {  	v9 =	vmul.f32 $3.200000000e+01, v9;
	[tilespmem:s17+$0x14D60] =	vst v4;
	v4 =	vld [tilespmem:s17+$0x5140]  }
0x1fd: {  	[tilespmem:s17+$0x15130] =	vst v5;
	v5 =	vmul.f32 $3.200000000e+01, v8  }
0x1fe: {  	[tilespmem:s17+$0x15110] =	vst v9;
	v9 =	vld [tilespmem:s17+$0x5170];
	v6 =	vmul.f32 $3.200000000e+01, v6  }
0x1ff: {  	v7 =	vmul.f32 $3.200000000e+01, v7;
	[tilespmem:s17+$0x15150] =	vst v5;
	v5 =	vld [tilespmem:s17+$0x5530]  }
0x200: {  	s30 =	sor.u32 $0x1C50, s18;
	v10 =	vld [tilespmem:s17+$0x5510];
	v3 =	vmul.f32 $3.200000000e+01, v3;
	[tilespmem:s29+$0x14100] =	vst v6  }
0x201: {  	v4 =	vmul.f32 $3.200000000e+01, v4;
	[tilespmem:s17+$0x15500] =	vst v7;
	v7 =	vld [tilespmem:s30+$0x4100]  }
0x202: {  	[tilespmem:s17+$0x15160] =	vst v3;
	v3 =	vld [tilespmem:s17+$0x5540]  }
0x203: {  	[tilespmem:s17+$0x15140] =	vst v4;
	v4 =	vld [tilespmem:s17+$0x5520];
	v8 =	vmul.f32 $3.200000000e+01, v9  }
0x204: {  	v5 =	vmul.f32 $3.200000000e+01, v5  }
0x205: {  	v9 =	vmul.f32 $3.200000000e+01, v10;
	[tilespmem:s17+$0x15170] =	vst v8;
	v8 =	vld [tilespmem:s17+$0x5550]  }
0x206: {  	[tilespmem:s17+$0x15530] =	vst v5;
	v6 =	vld [tilespmem:s17+$0x5560];
	v5 =	vmul.f32 $3.200000000e+01, v7  }
0x207: {  	[tilespmem:s17+$0x15510] =	vst v9;
	v9 =	vld [tilespmem:s17+$0x5570];
	v3 =	vmul.f32 $3.200000000e+01, v3  }
0x208: {  	s25 =	sor.u32 $0x1C60, s18;
	v4 =	vmul.f32 $3.200000000e+01, v4;
	v10 =	vld [tilespmem:s17+$0x5900];
	[tilespmem:s30+$0x14100] =	vst v5  }
0x209: {  	[tilespmem:s17+$0x15540] =	vst v3;
	v3 =	vld [tilespmem:s25+$0x4100]  }
0x20a: {  	[tilespmem:s17+$0x15520] =	vst v4;
	v4 =	vld [tilespmem:s17+$0x5910];
	v7 =	vmul.f32 $3.200000000e+01, v8  }
0x20b: {  	v6 =	vmul.f32 $3.200000000e+01, v6;
	v8 =	vld [tilespmem:s17+$0x5920]  }
0x20c: {  	[tilespmem:s17+$0x15550] =	vst v7;
	v5 =	vld [tilespmem:s17+$0x5930];
	v7 =	vmul.f32 $3.200000000e+01, v9  }
0x20d: {  	[tilespmem:s17+$0x15560] =	vst v6;
	v6 =	vld [tilespmem:s17+$0x5940];
	v9 =	vmul.f32 $3.200000000e+01, v10  }
0x20e: {  	s19 =	simm.s32 $0x0;
	s3 =	simm.s32 $0xFFFFC800;
	s20 =	simm.s32 $0x100;
	[tilespmem:s17+$0x15570] =	vst v7;
	v7 =	vld [tilespmem:s17+$0x5950];
	v3 =	vmul.f32 $3.200000000e+01, v3  }
.LBB2_9:
0x20f: {  	s26 =	sadd.s32 $0x4000, s3;
	p0 =	sne.s32 s20, $0x780;
	[tilespmem:s17+$0x15900] =	vst v9;
	v4 =	vmul.f32 $3.200000000e+01, v4;
	v9 =	vld [tilespmem:s17+$0x5960]  }
0x210: {  	s28 =	sand.u32 $0x380, s20;
	s26 =	sand.u32 $0x2000, s26;
	v8 =	vmul.f32 $3.200000000e+01, v8;
	v10 =	vld [tilespmem:s17+$0x5970];
	[tilespmem:s25+$0x14100] =	vst v3;
	s25 =	sor.u32 $0x1C70, s18  }
0x211: {  	s26 =	sor.u32 s28, s26;
	[tilespmem:s17+$0x15910] =	vst v4;
	v3 =	vmul.f32 $3.200000000e+01, v5;
	v4 =	vld [tilespmem:s25+$0x4100]  }
0x212: {  	v5 =	vld [tilespmem:s26+$0x4100];
	[tilespmem:s17+$0x15920] =	vst v8;
	v6 =	vmul.f32 $3.200000000e+01, v6  }
0x213: {  	v8 =	vld [tilespmem:s26+$0x4110];
	[tilespmem:s17+$0x15930] =	vst v3;
	v3 =	vmul.f32 $3.200000000e+01, v7  }
0x214: {  	s16 =	sadd.s32 $0x1, s16;
	v7 =	vld [tilespmem:s26+$0x4120];
	[tilespmem:s17+$0x15940] =	vst v6;
	v6 =	vmul.f32 $3.200000000e+01, v9  }
0x215: {  	s18 =	sand.u32 $0x7, s16;
	v9 =	vld [tilespmem:s26+$0x4130];
	[tilespmem:s17+$0x15950] =	vst v3;
	v3 =	vmul.f32 $3.200000000e+01, v10  }
0x216: {  	s19 =	sadd.s32 $0x400, s19;
	s18 =	sshll.u32 s18, $0x7;
	v10 =	vld [tilespmem:s26+$0x4140];
	[tilespmem:s17+$0x15960] =	vst v6;
	v4 =	vmul.f32 $3.200000000e+01, v4  }
0x217: {  	s18 =	sadd.s32 s18, s19;
	v5 =	vmul.f32 $3.200000000e+01, v5;
	v6 =	vld [tilespmem:s26+$0x4150];
	[tilespmem:s17+$0x15970] =	vst v3;
	s17 =	smov.u32 s26  }
0x218: {  	s26 =	sor.u32 $0x1C00, s18;
	v3 =	vmul.f32 $3.200000000e+01, v8;
	v8 =	vld [tilespmem:s17+$0x4160];
	[tilespmem:s25+$0x14100] =	vst v4  }
0x219: {  	[tilespmem:s17+$0x14100] =	vst v5;
	v4 =	vmul.f32 $3.200000000e+01, v7;
	v5 =	vld [tilespmem:s26+$0x4100]  }
0x21a: {  	[tilespmem:s17+$0x14110] =	vst v3;
	v3 =	vmul.f32 $3.200000000e+01, v9;
	v7 =	vld [tilespmem:s17+$0x4170]  }
0x21b: {  	[tilespmem:s17+$0x14120] =	vst v4;
	v4 =	vmul.f32 $3.200000000e+01, v10;
	v9 =	vld [tilespmem:s17+$0x4500]  }
0x21c: {  	[tilespmem:s17+$0x14130] =	vst v3;
	v3 =	vmul.f32 $3.200000000e+01, v6;
	v6 =	vld [tilespmem:s17+$0x4510]  }
0x21d: {  	[tilespmem:s17+$0x14140] =	vst v4;
	v4 =	vmul.f32 $3.200000000e+01, v8;
	v8 =	vld [tilespmem:s17+$0x4520]  }
0x21e: {  	[tilespmem:s17+$0x14150] =	vst v3;
	v3 =	vld [tilespmem:s17+$0x4530];
	v5 =	vmul.f32 $3.200000000e+01, v5  }
0x21f: {  	[tilespmem:s17+$0x14160] =	vst v4;
	v4 =	vmul.f32 $3.200000000e+01, v7;
	v7 =	vld [tilespmem:s17+$0x4540]  }
0x220: {  	s25 =	sor.u32 $0x1C10, s18;
	v9 =	vmul.f32 $3.200000000e+01, v9;
	v10 =	vld [tilespmem:s17+$0x4550];
	[tilespmem:s26+$0x14100] =	vst v5  }
0x221: {  	[tilespmem:s17+$0x14170] =	vst v4;
	v4 =	vmul.f32 $3.200000000e+01, v6;
	v5 =	vld [tilespmem:s25+$0x4100]  }
0x222: {  	[tilespmem:s17+$0x14500] =	vst v9;
	v6 =	vmul.f32 $3.200000000e+01, v8;
	v8 =	vld [tilespmem:s17+$0x4560]  }
0x223: {  	[tilespmem:s17+$0x14510] =	vst v4;
	v3 =	vmul.f32 $3.200000000e+01, v3;
	v4 =	vld [tilespmem:s17+$0x4570]  }
0x224: {  	[tilespmem:s17+$0x14520] =	vst v6;
	v6 =	vmul.f32 $3.200000000e+01, v7;
	v7 =	vld [tilespmem:s17+$0x4900]  }
0x225: {  	[tilespmem:s17+$0x14530] =	vst v3;
	v3 =	vmul.f32 $3.200000000e+01, v10;
	v9 =	vld [tilespmem:s17+$0x4910]  }
0x226: {  	[tilespmem:s17+$0x14540] =	vst v6;
	v6 =	vld [tilespmem:s17+$0x4920];
	v5 =	vmul.f32 $3.200000000e+01, v5  }
0x227: {  	[tilespmem:s17+$0x14550] =	vst v3;
	v3 =	vmul.f32 $3.200000000e+01, v8;
	v8 =	vld [tilespmem:s17+$0x4930]  }
0x228: {  	v4 =	vmul.f32 $3.200000000e+01, v4;
	v10 =	vld [tilespmem:s17+$0x4940];
	[tilespmem:s25+$0x14100] =	vst v5;
	s25 =	sor.u32 $0x1C20, s18  }
0x229: {  	[tilespmem:s17+$0x14560] =	vst v3;
	v3 =	vmul.f32 $3.200000000e+01, v7;
	v5 =	vld [tilespmem:s25+$0x4100]  }
0x22a: {  	[tilespmem:s17+$0x14570] =	vst v4;
	v4 =	vmul.f32 $3.200000000e+01, v9;
	v7 =	vld [tilespmem:s17+$0x4950]  }
0x22b: {  	[tilespmem:s17+$0x14900] =	vst v3;
	v3 =	vmul.f32 $3.200000000e+01, v6;
	v6 =	vld [tilespmem:s17+$0x4960]  }
0x22c: {  	[tilespmem:s17+$0x14910] =	vst v4;
	v4 =	vmul.f32 $3.200000000e+01, v8;
	v8 =	vld [tilespmem:s17+$0x4970]  }
0x22d: {  	[tilespmem:s17+$0x14920] =	vst v3;
	v3 =	vmul.f32 $3.200000000e+01, v10;
	v9 =	vld [tilespmem:s17+$0x4D00]  }
0x22e: {  	[tilespmem:s17+$0x14930] =	vst v4;
	v4 =	vld [tilespmem:s17+$0x4D10];
	v5 =	vmul.f32 $3.200000000e+01, v5  }
0x22f: {  	[tilespmem:s17+$0x14940] =	vst v3;
	v3 =	vmul.f32 $3.200000000e+01, v7;
	v7 =	vld [tilespmem:s17+$0x4D20]  }
0x230: {  	v6 =	vmul.f32 $3.200000000e+01, v6;
	v10 =	vld [tilespmem:s17+$0x4D30];
	[tilespmem:s25+$0x14100] =	vst v5;
	s25 =	sor.u32 $0x1C30, s18  }
0x231: {  	[tilespmem:s17+$0x14950] =	vst v3;
	v3 =	vmul.f32 $3.200000000e+01, v8;
	v5 =	vld [tilespmem:s25+$0x4100]  }
0x232: {  	[tilespmem:s17+$0x14960] =	vst v6;
	v6 =	vmul.f32 $3.200000000e+01, v9;
	v8 =	vld [tilespmem:s17+$0x4D40]  }
0x233: {  	[tilespmem:s17+$0x14970] =	vst v3;
	v3 =	vmul.f32 $3.200000000e+01, v4;
	v4 =	vld [tilespmem:s17+$0x4D50]  }
0x234: {  	[tilespmem:s17+$0x14D00] =	vst v6;
	v6 =	vmul.f32 $3.200000000e+01, v7;
	v7 =	vld [tilespmem:s17+$0x4D60]  }
0x235: {  	[tilespmem:s17+$0x14D10] =	vst v3;
	v3 =	vmul.f32 $3.200000000e+01, v10;
	v9 =	vld [tilespmem:s17+$0x4D70]  }
0x236: {  	[tilespmem:s17+$0x14D20] =	vst v6;
	v6 =	vld [tilespmem:s17+$0x5100];
	v5 =	vmul.f32 $3.200000000e+01, v5  }
0x237: {  	[tilespmem:s17+$0x14D30] =	vst v3;
	v3 =	vmul.f32 $3.200000000e+01, v8;
	v8 =	vld [tilespmem:s17+$0x5110]  }
0x238: {  	v4 =	vmul.f32 $3.200000000e+01, v4;
	v10 =	vld [tilespmem:s17+$0x5120];
	[tilespmem:s25+$0x14100] =	vst v5;
	s25 =	sor.u32 $0x1C40, s18  }
0x239: {  	[tilespmem:s17+$0x14D40] =	vst v3;
	v3 =	vmul.f32 $3.200000000e+01, v7;
	v5 =	vld [tilespmem:s25+$0x4100]  }
0x23a: {  	[tilespmem:s17+$0x14D50] =	vst v4;
	v4 =	vmul.f32 $3.200000000e+01, v9;
	v7 =	vld [tilespmem:s17+$0x5130]  }
0x23b: {  	[tilespmem:s17+$0x14D60] =	vst v3;
	v3 =	vmul.f32 $3.200000000e+01, v6;
	v6 =	vld [tilespmem:s17+$0x5140]  }
0x23c: {  	[tilespmem:s17+$0x14D70] =	vst v4;
	v4 =	vmul.f32 $3.200000000e+01, v8;
	v8 =	vld [tilespmem:s17+$0x5150]  }
0x23d: {  	[tilespmem:s17+$0x15100] =	vst v3;
	v3 =	vmul.f32 $3.200000000e+01, v10;
	v9 =	vld [tilespmem:s17+$0x5160]  }
0x23e: {  	[tilespmem:s17+$0x15110] =	vst v4;
	v4 =	vld [tilespmem:s17+$0x5170];
	v5 =	vmul.f32 $3.200000000e+01, v5  }
0x23f: {  	[tilespmem:s17+$0x15120] =	vst v3;
	v3 =	vmul.f32 $3.200000000e+01, v7;
	v7 =	vld [tilespmem:s17+$0x5500]  }
0x240: {  	v6 =	vmul.f32 $3.200000000e+01, v6;
	v10 =	vld [tilespmem:s17+$0x5510];
	[tilespmem:s25+$0x14100] =	vst v5;
	s25 =	sor.u32 $0x1C50, s18  }
0x241: {  	[tilespmem:s17+$0x15130] =	vst v3;
	v3 =	vmul.f32 $3.200000000e+01, v8;
	v5 =	vld [tilespmem:s25+$0x4100]  }
0x242: {  	[tilespmem:s17+$0x15140] =	vst v6;
	v6 =	vmul.f32 $3.200000000e+01, v9;
	v8 =	vld [tilespmem:s17+$0x5520]  }
0x243: {  	[tilespmem:s17+$0x15150] =	vst v3;
	v3 =	vmul.f32 $3.200000000e+01, v4;
	v4 =	vld [tilespmem:s17+$0x5530]  }
0x244: {  	[tilespmem:s17+$0x15160] =	vst v6;
	v6 =	vmul.f32 $3.200000000e+01, v7;
	v7 =	vld [tilespmem:s17+$0x5540]  }
0x245: {  	[tilespmem:s17+$0x15170] =	vst v3;
	v3 =	vmul.f32 $3.200000000e+01, v10;
	v9 =	vld [tilespmem:s17+$0x5550]  }
0x246: {  	[tilespmem:s17+$0x15500] =	vst v6;
	v6 =	vld [tilespmem:s17+$0x5560];
	v5 =	vmul.f32 $3.200000000e+01, v5  }
0x247: {  	[tilespmem:s17+$0x15510] =	vst v3;
	v3 =	vmul.f32 $3.200000000e+01, v8;
	v10 =	vld [tilespmem:s17+$0x5570]  }
0x248: {  	v4 =	vmul.f32 $3.200000000e+01, v4;
	v11 =	vld [tilespmem:s17+$0x5900];
	[tilespmem:s25+$0x14100] =	vst v5;
	s25 =	sor.u32 $0x1C60, s18  }
0x249: {  	[tilespmem:s17+$0x15520] =	vst v3;
	v3 =	vmul.f32 $3.200000000e+01, v7;
	v12 =	vld [tilespmem:s25+$0x4100]  }
.Ltmp6:
0x24a: {  	[tilespmem:s17+$0x15530] =	vst v4;
	v5 =	vmul.f32 $3.200000000e+01, v9;
	v4 =	vld [tilespmem:s17+$0x5910];
	(pc) =	sbr.rel @p0 .LBB2_9-.Ltmp6, $4  }
0x24b: {  	[tilespmem:s17+$0x15540] =	vst v3;
	v3 =	vmul.f32 $3.200000000e+01, v6;
	v8 =	vld [tilespmem:s17+$0x5920]  }
0x24c: {  	[tilespmem:s17+$0x15550] =	vst v5;
	v7 =	vmul.f32 $3.200000000e+01, v10;
	v5 =	vld [tilespmem:s17+$0x5930]  }
0x24d: {  	[tilespmem:s17+$0x15560] =	vst v3;
	v9 =	vmul.f32 $3.200000000e+01, v11;
	v6 =	vld [tilespmem:s17+$0x5940]  }
0x24e: {  	s3 =	sadd.s32 $0x400, s3;
	s20 =	sadd.s32 $0x80, s20;
	[tilespmem:s17+$0x15570] =	vst v7;
	v7 =	vld [tilespmem:s17+$0x5950];
	v3 =	vmul.f32 $3.200000000e+01, v12  }
0x24f: {  	[tilespmem:s17+$0x15900] =	vst v9;
	v4 =	vmul.f32 $3.200000000e+01, v4;
	v9 =	vld [tilespmem:s17+$0x5960]  }
0x250: {  	v10 =	vld [tilespmem:s17+$0x5970];
	v8 =	vmul.f32 $3.200000000e+01, v8  }
0x251: {  	[tilespmem:s17+$0x15910] =	vst v4;
	v4 =	vmul.f32 $3.200000000e+01, v5  }
0x252: {  	[tilespmem:s17+$0x15920] =	vst v8;
	v5 =	vmul.f32 $3.200000000e+01, v6  }
0x253: {  	s3 =	sadd.s32 $0x1, s16;
	[tilespmem:s17+$0x15930] =	vst v4;
	v4 =	vmul.f32 $3.200000000e+01, v7  }
0x254: {  	s3 =	sand.u32 $0x7, s3;
	[tilespmem:s17+$0x15940] =	vst v5;
	v5 =	vmul.f32 $3.200000000e+01, v9  }
0x255: {  	s20 =	sadd.s32 $0x400, s19;
	s3 =	sshll.u32 s3, $0x7;
	[tilespmem:s17+$0x15950] =	vst v4;
	v4 =	vmul.f32 $3.200000000e+01, v10  }
0x256: {  	s3 =	sadd.s32 s3, s20;
	[tilespmem:s17+$0x15960] =	vst v5  }
0x257: {  	s16 =	sor.u32 $0x1C00, s3;
	[tilespmem:s17+$0x15970] =	vst v4  }
0x258: {  	v4 =	vld [tilespmem:s16+$0x4100];
	_ =	sdelay $0x4  }
0x259: {  	v4 =	vmul.f32 $3.200000000e+01, v4;
	_ =	sdelay $0x1  }
0x25a: {  	s26 =	sor.u32 $0x1C10, s3;
	[tilespmem:s16+$0x14100] =	vst v4  }
0x25b: {  	v4 =	vld [tilespmem:s26+$0x4100];
	_ =	sdelay $0x4  }
0x25c: {  	v4 =	vmul.f32 $3.200000000e+01, v4;
	_ =	sdelay $0x1  }
0x25d: {  	s29 =	sor.u32 $0x1C20, s3;
	[tilespmem:s26+$0x14100] =	vst v4  }
0x25e: {  	v4 =	vld [tilespmem:s29+$0x4100];
	_ =	sdelay $0x4  }
0x25f: {  	v4 =	vmul.f32 $3.200000000e+01, v4;
	_ =	sdelay $0x1  }
0x260: {  	s30 =	sor.u32 $0x1C30, s3;
	[tilespmem:s29+$0x14100] =	vst v4  }
0x261: {  	v4 =	vld [tilespmem:s30+$0x4100];
	_ =	sdelay $0x4  }
0x262: {  	v4 =	vmul.f32 $3.200000000e+01, v4;
	_ =	sdelay $0x1  }
0x263: {  	s17 =	sor.u32 $0x1C40, s3;
	[tilespmem:s30+$0x14100] =	vst v4  }
0x264: {  	v4 =	vld [tilespmem:s17+$0x4100];
	_ =	sdelay $0x4  }
0x265: {  	v4 =	vmul.f32 $3.200000000e+01, v4;
	_ =	sdelay $0x1  }
0x266: {  	s19 =	sor.u32 $0x1C50, s3;
	[tilespmem:s17+$0x14100] =	vst v4  }
0x267: {  	v4 =	vld [tilespmem:s19+$0x4100];
	_ =	sdelay $0x4  }
0x268: {  	v4 =	vmul.f32 $3.200000000e+01, v4;
	_ =	sdelay $0x1  }
0x269: {  	s20 =	sor.u32 $0x1C60, s3;
	[tilespmem:s19+$0x14100] =	vst v4  }
0x26a: {  	v4 =	vld [tilespmem:s20+$0x4100];
	_ =	sdelay $0x4  }
0x26b: {  	v4 =	vmul.f32 $3.200000000e+01, v4  }
0x26c: {  	[tilespmem:s25+$0x14100] =	vst v3;
	s26 =	sor.u32 $0x1C70, s18  }
0x26d: {  	s3 =	sor.u32 $0x1C70, s3;
	v3 =	vld [tilespmem:s26+$0x4100];
	[tilespmem:s20+$0x14100] =	vst v4  }
0x26e: {  	v4 =	vld [tilespmem:s3+$0x4100];
	_ =	sdelay $0x2  }
0x26f: {  	s29 =	sshll.u32 s14, $0x6  }
0x270: {  	v3 =	vmul.f32 $3.200000000e+01, v3;
	s16 =	sadd.s32 s29, s4  }
0x271: {  	s16 =	sshll.u32 s16, $0x7;
	s30 =	rddreg [dreg:$0x2];
	v4 =	vmul.f32 $3.200000000e+01, v4  }
0x272: {  	p0 =	seq.s32 s14, $0x3;
	[tilespmem:s26+$0x14100] =	vst v3;
	s16 =	sadd.s32 s30, s16  }
0x273: {  	s18 =	sadd.s32 $0x800, s16;
	s17 =	sshrl.u32 @!p0 s15, $0x2;
	[tilespmem:s3+$0x14100] =	vst v4  }
0x274: {  	[hbm4b:s18+s5] =	stream.linear.scatter [tilespmem:s6], [sflag:$0x6], $0x4000, $0x38;
	[tilespmem:$0x18100] =	vst v63  }
0x275: {  	v3 =	vld @!p0 [tilespmem:s17+$0x50];
	_ =	sdelay $0x4  }
0x276: {  	v4 =	vshll.u32 @!p0 v3, $0x3  }
0x277: {  	v5 =	vlaneseq.u32 @!p0;
	v3 =	vand.u32 @!p0 $0x7, v3;
	v4 =	vand.u32 @!p0 $0xFFFFFFC0, v4  }
0x278: {  	v6 =	vshrl.u32 @!p0 v5, $0x3;
	v3 =	vor.u32 @!p0 v3, v4;
	v4 =	vand.u32 @!p0 $0x7, v5  }
0x279: {  	v6 =	vmul.u32 @!p0 $0x8, v6;
	v4 =	vperm.xlane @!p0 v3, v4;
	_ =	sdelay $0x1  }
0x27a: {  	v4 =	vadd.s32 @!p0 v6, v4;
	_ =	sdelay $0x3  }
0x27b: {  	vm1 =	vmmov @!p0 $0xffff;
	s3 =	simm.s32 @!p0 $0x0;
	s18 =	simm.s32 @!p0 $0x4100  }
0x27c: {  	v5 =	vor.u32 @!p0 $0x8, v5;
	[tilespmem:s18], [sflag:$0x2] =	stream.indirect_vreg.gather @!p0 [hbm4b:s1+s3], $0x80, v4, vm1, $0xb8;
	[tilespmem:$0x18100] =	vst v63  }
0x27d: {  	v3 =	vperm.xlane @!p0 v3, v5;
	s18 =	simm.s32 @!p0 $0x4900  }
0x27e: {  	[tilespmem:s18], [sflag:$0x2] =	stream.indirect_vreg.gather @!p0 [hbm4b:s7+s3], $0x80, v4, vm1, $0xb8;
	[tilespmem:$0x18100] =	vst v63  }
0x27f: {  	v3 =	vadd.s32 @!p0 v6, v3;
	s18 =	simm.s32 @!p0 $0x5100  }
0x280: {  	[tilespmem:s18], [sflag:$0x2] =	stream.indirect_vreg.gather @!p0 [hbm4b:s8+s3], $0x80, v4, vm1, $0xb8;
	[tilespmem:$0x18100] =	vst v63  }
0x281: {  	s18 =	simm.s32 @!p0 $0x5900  }
0x282: {  	[tilespmem:s18], [sflag:$0x2] =	stream.indirect_vreg.gather @!p0 [hbm4b:s9+s3], $0x80, v4, vm1, $0xb8;
	[tilespmem:$0x18100] =	vst v63  }
0x283: {  	s18 =	simm.s32 @!p0 $0x6100  }
0x284: {  	[tilespmem:s18], [sflag:$0x2] =	stream.indirect_vreg.gather @!p0 [hbm4b:s1+s3], $0x80, v3, vm1, $0xb8;
	[tilespmem:$0x18100] =	vst v63  }
0x285: {  	s18 =	simm.s32 @!p0 $0x6900  }
0x286: {  	[tilespmem:s18], [sflag:$0x2] =	stream.indirect_vreg.gather @!p0 [hbm4b:s7+s3], $0x80, v3, vm1, $0xb8;
	[tilespmem:$0x18100] =	vst v63  }
0x287: {  	s18 =	simm.s32 @!p0 $0x7100  }
0x288: {  	[tilespmem:s18], [sflag:$0x2] =	stream.indirect_vreg.gather @!p0 [hbm4b:s8+s3], $0x80, v3, vm1, $0xb8;
	[tilespmem:$0x18100] =	vst v63  }
0x289: {  	s18 =	simm.s32 @!p0 $0x7900  }
0x28a: {  	[tilespmem:s18], [sflag:$0x2] =	stream.indirect_vreg.gather @!p0 [hbm4b:s9+s3], $0x80, v3, vm1, $0xb8;
	[tilespmem:$0x18100] =	vst v63  }
0x28b: {  	_ =	swait.ge [sflag:s11], $0x4000  }
0x28c: {  	[sflag:s11] =	ssyncset.done $0x0  }
0x28d: {  	[sflag:s11] =	ssyncadd.s32 $0xFFFFC000  }
0x28e: {  	s19 =	simm.s32 $0x0;
	s18 =	simm.s32 $0x0;
	_ =	swait.ge [sflag:s12], $0x4000  }
0x28f: {  	s3 =	sand.u32 $0x2000, s19;
	s20 =	sand.u32 $0x380, s18;
	[sflag:s12] =	ssyncset.done $0x0  }
0x290: {  	s3 =	sor.u32 s20, s3;
	[sflag:s12] =	ssyncadd.s32 $0xFFFFC000  }
0x291: {  	v3 =	vld [tilespmem:s3+$0x8100]  }
0x292: {  	v4 =	vld [tilespmem:s3+$0x8110]  }
0x293: {  	v5 =	vld [tilespmem:s3+$0x8120]  }
0x294: {  	v6 =	vld [tilespmem:s3+$0x8130]  }
0x295: {  	v7 =	vld [tilespmem:s3+$0x8140]  }
0x296: {  	v8 =	vld [tilespmem:s3+$0x8150];
	v3 =	vmul.f32 $3.200000000e+01, v3  }
0x297: {  	v9 =	vld [tilespmem:s3+$0x8160];
	v4 =	vmul.f32 $3.200000000e+01, v4  }
0x298: {  	s25 =	simm.s32 $0x80;
	s20 =	simm.s32 $0x400;
	v10 =	vld [tilespmem:s3+$0x8170];
	[tilespmem:s3+$0x10100] =	vst v3;
	v3 =	vmul.f32 $3.200000000e+01, v5  }
0x299: {  	s19 =	sand.u32 $0x380, s25;
	s20 =	sand.u32 $0x2000, s20;
	v11 =	vld [tilespmem:s3+$0x8500];
	[tilespmem:s3+$0x10110] =	vst v4;
	v4 =	vmul.f32 $3.200000000e+01, v6  }
0x29a: {  	s19 =	sor.u32 s19, s20;
	v12 =	vld [tilespmem:s3+$0x8510];
	[tilespmem:s3+$0x10120] =	vst v3;
	v3 =	vmul.f32 $3.200000000e+01, v7  }
0x29b: {  	v61 =	vld [tilespmem:s19+$0x8160];
	[tilespmem:s3+$0x10130] =	vst v4;
	v4 =	vmul.f32 $3.200000000e+01, v8  }
0x29c: {  	v5 =	vld [tilespmem:s3+$0x8520];
	[tilespmem:s3+$0x10140] =	vst v3;
	v3 =	vmul.f32 $3.200000000e+01, v9  }
0x29d: {  	v6 =	vld [tilespmem:s3+$0x8530];
	[tilespmem:s3+$0x10150] =	vst v4;
	v4 =	vmul.f32 $3.200000000e+01, v10  }
0x29e: {  	v62 =	vld [tilespmem:s3+$0x9560];
	[tilespmem:s3+$0x10160] =	vst v3;
	v3 =	vmul.f32 $3.200000000e+01, v11  }
0x29f: {  	v7 =	vld [tilespmem:s3+$0x8540];
	[tilespmem:s3+$0x10170] =	vst v4;
	v4 =	vmul.f32 $3.200000000e+01, v12  }
0x2a0: {  	v8 =	vld [tilespmem:s3+$0x8550];
	v12 =	vmul.f32 $3.200000000e+01, v61;
	[tilespmem:s3+$0x10500] =	vst v3  }
0x2a1: {  	v9 =	vld [tilespmem:s3+$0x8560];
	v3 =	vmul.f32 $3.200000000e+01, v5;
	[tilespmem:s3+$0x10510] =	vst v4  }
0x2a2: {  	v10 =	vld [tilespmem:s3+$0x8570];
	v4 =	vmul.f32 $3.200000000e+01, v6;
	[tilespmem:s19+$0x10160] =	vst v12  }
0x2a3: {  	v11 =	vld [tilespmem:s3+$0x8900];
	v12 =	vmul.f32 $3.200000000e+01, v62;
	[tilespmem:s3+$0x10520] =	vst v3  }
0x2a4: {  	v57 =	vld [tilespmem:s3+$0x8910];
	v3 =	vmul.f32 $3.200000000e+01, v7;
	[tilespmem:s3+$0x10530] =	vst v4  }
0x2a5: {  	v5 =	vld [tilespmem:s3+$0x8920];
	v4 =	vmul.f32 $3.200000000e+01, v8;
	[tilespmem:s3+$0x11560] =	vst v12  }
0x2a6: {  	v6 =	vld [tilespmem:s3+$0x8930];
	[tilespmem:s3+$0x10540] =	vst v3;
	v3 =	vmul.f32 $3.200000000e+01, v9  }
0x2a7: {  	v7 =	vld [tilespmem:s3+$0x8940];
	[tilespmem:s3+$0x10550] =	vst v4;
	v4 =	vmul.f32 $3.200000000e+01, v10  }
0x2a8: {  	v8 =	vld [tilespmem:s3+$0x8950];
	[tilespmem:s3+$0x10560] =	vst v3;
	v3 =	vmul.f32 $3.200000000e+01, v11  }
0x2a9: {  	v9 =	vld [tilespmem:s3+$0x8960];
	[tilespmem:s3+$0x10570] =	vst v4;
	v4 =	vmul.f32 $3.200000000e+01, v57  }
0x2aa: {  	v10 =	vld [tilespmem:s3+$0x8970];
	[tilespmem:s3+$0x10900] =	vst v3;
	v3 =	vmul.f32 $3.200000000e+01, v5  }
0x2ab: {  	v11 =	vld [tilespmem:s3+$0x8D00];
	[tilespmem:s3+$0x10910] =	vst v4;
	v4 =	vmul.f32 $3.200000000e+01, v6  }
0x2ac: {  	v58 =	vld [tilespmem:s3+$0x8D10];
	[tilespmem:s3+$0x10920] =	vst v3;
	v3 =	vmul.f32 $3.200000000e+01, v7  }
0x2ad: {  	v5 =	vld [tilespmem:s3+$0x8D20];
	[tilespmem:s3+$0x10930] =	vst v4;
	v4 =	vmul.f32 $3.200000000e+01, v8  }
0x2ae: {  	v6 =	vld [tilespmem:s3+$0x8D30];
	[tilespmem:s3+$0x10940] =	vst v3;
	v3 =	vmul.f32 $3.200000000e+01, v9  }
0x2af: {  	v7 =	vld [tilespmem:s3+$0x8D40];
	[tilespmem:s3+$0x10950] =	vst v4;
	v4 =	vmul.f32 $3.200000000e+01, v10  }
0x2b0: {  	v8 =	vld [tilespmem:s3+$0x8D50];
	[tilespmem:s3+$0x10960] =	vst v3;
	v3 =	vmul.f32 $3.200000000e+01, v11  }
0x2b1: {  	v9 =	vld [tilespmem:s3+$0x8D60];
	[tilespmem:s3+$0x10970] =	vst v4;
	v4 =	vmul.f32 $3.200000000e+01, v58  }
0x2b2: {  	v10 =	vld [tilespmem:s3+$0x8D70];
	[tilespmem:s3+$0x10D00] =	vst v3;
	v3 =	vmul.f32 $3.200000000e+01, v5  }
0x2b3: {  	v11 =	vld [tilespmem:s3+$0x9100];
	[tilespmem:s3+$0x10D10] =	vst v4;
	v4 =	vmul.f32 $3.200000000e+01, v6  }
0x2b4: {  	v59 =	vld [tilespmem:s3+$0x9110];
	[tilespmem:s3+$0x10D20] =	vst v3;
	v3 =	vmul.f32 $3.200000000e+01, v7  }
0x2b5: {  	[tilespmem:s3+$0x10D30] =	vst v4;
	v4 =	vmul.f32 $3.200000000e+01, v8;
	v8 =	vld [tilespmem:s3+$0x9150]  }
0x2b6: {  	v5 =	vld [tilespmem:s3+$0x9120];
	[tilespmem:s3+$0x10D40] =	vst v3;
	v3 =	vmul.f32 $3.200000000e+01, v9  }
0x2b7: {  	v6 =	vld [tilespmem:s3+$0x9130];
	[tilespmem:s3+$0x10D50] =	vst v4;
	v4 =	vmul.f32 $3.200000000e+01, v10  }
0x2b8: {  	v9 =	vld [tilespmem:s3+$0x9160];
	[tilespmem:s3+$0x10D60] =	vst v3;
	v3 =	vmul.f32 $3.200000000e+01, v11  }
0x2b9: {  	v10 =	vld [tilespmem:s3+$0x9170];
	[tilespmem:s3+$0x10D70] =	vst v4;
	v4 =	vmul.f32 $3.200000000e+01, v59  }
0x2ba: {  	v7 =	vld [tilespmem:s3+$0x9140];
	v8 =	vmul.f32 $3.200000000e+01, v8;
	[tilespmem:s3+$0x11100] =	vst v3  }
0x2bb: {  	v11 =	vld [tilespmem:s19+$0x8100];
	v3 =	vmul.f32 $3.200000000e+01, v5;
	[tilespmem:s3+$0x11110] =	vst v4  }
0x2bc: {  	v60 =	vld [tilespmem:s19+$0x8110];
	v4 =	vmul.f32 $3.200000000e+01, v6;
	[tilespmem:s3+$0x11150] =	vst v8  }
0x2bd: {  	v6 =	vld [tilespmem:s19+$0x8130];
	v9 =	vmul.f32 $3.200000000e+01, v9;
	[tilespmem:s3+$0x11120] =	vst v3  }
0x2be: {  	v5 =	vld [tilespmem:s19+$0x8120];
	v10 =	vmul.f32 $3.200000000e+01, v10;
	[tilespmem:s3+$0x11130] =	vst v4  }
0x2bf: {  	v3 =	vmul.f32 $3.200000000e+01, v7;
	v7 =	vld [tilespmem:s19+$0x8140];
	[tilespmem:s3+$0x11160] =	vst v9  }
0x2c0: {  	v4 =	vmul.f32 $3.200000000e+01, v11;
	v11 =	vld [tilespmem:s19+$0x8150];
	[tilespmem:s3+$0x11170] =	vst v10  }
0x2c1: {  	v10 =	vld [tilespmem:s19+$0x8510];
	[tilespmem:s3+$0x11140] =	vst v3;
	v3 =	vmul.f32 $3.200000000e+01, v60  }
0x2c2: {  	[tilespmem:s19+$0x10100] =	vst v4;
	v4 =	vld [tilespmem:s3+$0x9500];
	v6 =	vmul.f32 $3.200000000e+01, v6  }
0x2c3: {  	v5 =	vmul.f32 $3.200000000e+01, v5;
	[tilespmem:s19+$0x10110] =	vst v3;
	v3 =	vld [tilespmem:s3+$0x9510]  }
0x2c4: {  	[tilespmem:s19+$0x10130] =	vst v6;
	v6 =	vld [tilespmem:s3+$0x9530];
	v7 =	vmul.f32 $3.200000000e+01, v7  }
0x2c5: {  	[tilespmem:s19+$0x10120] =	vst v5;
	v5 =	vld [tilespmem:s3+$0x9520];
	v11 =	vmul.f32 $3.200000000e+01, v11  }
0x2c6: {  	v9 =	vld [tilespmem:s19+$0x8500];
	v10 =	vmul.f32 $3.200000000e+01, v10;
	[tilespmem:s19+$0x10140] =	vst v7  }
0x2c7: {  	v7 =	vld [tilespmem:s3+$0x9540];
	v4 =	vmul.f32 $3.200000000e+01, v4;
	[tilespmem:s19+$0x10150] =	vst v11  }
0x2c8: {  	v8 =	vld [tilespmem:s19+$0x8170];
	[tilespmem:s19+$0x10510] =	vst v10;
	v3 =	vmul.f32 $3.200000000e+01, v3  }
0x2c9: {  	v11 =	vld [tilespmem:s3+$0x9550];
	[tilespmem:s3+$0x11500] =	vst v4;
	v6 =	vmul.f32 $3.200000000e+01, v6  }
0x2ca: {  	v4 =	vld [tilespmem:s19+$0x8520];
	[tilespmem:s3+$0x11510] =	vst v3;
	v3 =	vmul.f32 $3.200000000e+01, v5  }
0x2cb: {  	v5 =	vld [tilespmem:s19+$0x8530];
	[tilespmem:s3+$0x11530] =	vst v6;
	v6 =	vmul.f32 $3.200000000e+01, v9  }
0x2cc: {  	v9 =	vld [tilespmem:s19+$0x8550];
	v7 =	vmul.f32 $3.200000000e+01, v7;
	[tilespmem:s3+$0x11520] =	vst v3  }
0x2cd: {  	v3 =	vmul.f32 $3.200000000e+01, v8;
	v8 =	vld [tilespmem:s19+$0x8540];
	[tilespmem:s19+$0x10500] =	vst v6  }
0x2ce: {  	v11 =	vmul.f32 $3.200000000e+01, v11;
	v6 =	vld [tilespmem:s3+$0x9900];
	[tilespmem:s3+$0x11540] =	vst v7  }
0x2cf: {  	[tilespmem:s19+$0x10170] =	vst v3;
	v3 =	vld [tilespmem:s3+$0x9570];
	v4 =	vmul.f32 $3.200000000e+01, v4  }
0x2d0: {  	v10 =	vld [tilespmem:s3+$0x9910];
	[tilespmem:s3+$0x11550] =	vst v11;
	v5 =	vmul.f32 $3.200000000e+01, v5  }
0x2d1: {  	[tilespmem:s19+$0x10520] =	vst v4;
	v4 =	vld [tilespmem:s3+$0x9920];
	v9 =	vmul.f32 $3.200000000e+01, v9  }
0x2d2: {  	v7 =	vld [tilespmem:s19+$0x8560];
	[tilespmem:s19+$0x10530] =	vst v5;
	v8 =	vmul.f32 $3.200000000e+01, v8  }
0x2d3: {  	v11 =	vld [tilespmem:s19+$0x8570];
	v6 =	vmul.f32 $3.200000000e+01, v6;
	[tilespmem:s19+$0x10550] =	vst v9  }
0x2d4: {  	v63 =	vld [tilespmem:s19+$0x8900];
	v3 =	vmul.f32 $3.200000000e+01, v3;
	[tilespmem:s19+$0x10540] =	vst v8  }
0x2d5: {  	v5 =	vld [tilespmem:s3+$0x9930];
	[tilespmem:s3+$0x11900] =	vst v6;
	v6 =	vmul.f32 $3.200000000e+01, v10  }
0x2d6: {  	v9 =	vld [tilespmem:s3+$0x9950];
	[tilespmem:s3+$0x11570] =	vst v3;
	v4 =	vmul.f32 $3.200000000e+01, v4  }
0x2d7: {  	v3 =	vld [tilespmem:s19+$0x8910];
	[tilespmem:s3+$0x11910] =	vst v6;
	v6 =	vmul.f32 $3.200000000e+01, v7  }
0x2d8: {  	v8 =	vld [tilespmem:s3+$0x9940];
	[tilespmem:s3+$0x11920] =	vst v4;
	v4 =	vmul.f32 $3.200000000e+01, v11  }
0x2d9: {  	v10 =	vld [tilespmem:s19+$0x8920];
	[tilespmem:s19+$0x10560] =	vst v6;
	v6 =	vmul.f32 $3.200000000e+01, v63  }
0x2da: {  	v5 =	vmul.f32 $3.200000000e+01, v5;
	[tilespmem:s19+$0x10570] =	vst v4;
	v4 =	vld [tilespmem:s3+$0x9960]  }
0x2db: {  	v9 =	vmul.f32 $3.200000000e+01, v9;
	[tilespmem:s19+$0x10900] =	vst v6;
	v6 =	vld [tilespmem:s3+$0x9970]  }
0x2dc: {  	v7 =	vld [tilespmem:s19+$0x8930];
	[tilespmem:s3+$0x11930] =	vst v5;
	v3 =	vmul.f32 $3.200000000e+01, v3  }
0x2dd: {  	v8 =	vmul.f32 $3.200000000e+01, v8;
	[tilespmem:s3+$0x11950] =	vst v9  }
0x2de: {  	[tilespmem:s19+$0x10910] =	vst v3;
	v3 =	vmul.f32 $3.200000000e+01, v10  }
0x2df: {  	s26 =	sand.u32 $0x7, s18;
	[tilespmem:s3+$0x11940] =	vst v8;
	v4 =	vmul.f32 $3.200000000e+01, v4  }
0x2e0: {  	s20 =	sshll.u32 s26, $0x7;
	[tilespmem:s19+$0x10920] =	vst v3;
	v3 =	vmul.f32 $3.200000000e+01, v6  }
0x2e1: {  	s20 =	sadd.s32 $0x0, s20;
	v7 =	vmul.f32 $3.200000000e+01, v7;
	[tilespmem:s3+$0x11960] =	vst v4  }
0x2e2: {  	s29 =	sor.u32 $0x1C00, s20;
	[tilespmem:s3+$0x11970] =	vst v3  }
0x2e3: {  	[tilespmem:s19+$0x10930] =	vst v7;
	v7 =	vld [tilespmem:s29+$0x8100];
	_ =	sdelay $0x1  }
0x2e4: {  	v8 =	vld [tilespmem:s19+$0x8960]  }
0x2e5: {  	v11 =	vld [tilespmem:s19+$0x8940];
	_ =	sdelay $0x1  }
0x2e6: {  	v7 =	vmul.f32 $3.200000000e+01, v7;
	_ =	sdelay $0x1  }
0x2e7: {  	s30 =	sor.u32 $0x1C10, s20;
	v8 =	vmul.f32 $3.200000000e+01, v8;
	v3 =	vld [tilespmem:s19+$0x8D10];
	[tilespmem:s29+$0x10100] =	vst v7  }
0x2e8: {  	v6 =	vmul.f32 $3.200000000e+01, v11;
	v7 =	vld [tilespmem:s30+$0x8100]  }
0x2e9: {  	[tilespmem:s19+$0x10960] =	vst v8;
	v8 =	vld [tilespmem:s19+$0x8D40]  }
0x2ea: {  	[tilespmem:s19+$0x10940] =	vst v6;
	v6 =	vld [tilespmem:s19+$0x8D20];
	_ =	sdelay $0x1  }
0x2eb: {  	v3 =	vmul.f32 $3.200000000e+01, v3  }
0x2ec: {  	v5 =	vld [tilespmem:s19+$0x8950];
	v7 =	vmul.f32 $3.200000000e+01, v7  }
0x2ed: {  	v8 =	vmul.f32 $3.200000000e+01, v8;
	[tilespmem:s19+$0x10D10] =	vst v3;
	v3 =	vld [tilespmem:s19+$0x8D70]  }
0x2ee: {  	s25 =	sor.u32 $0x1C20, s20;
	v9 =	vld [tilespmem:s19+$0x8970];
	v6 =	vmul.f32 $3.200000000e+01, v6;
	[tilespmem:s30+$0x10100] =	vst v7  }
0x2ef: {  	[tilespmem:s19+$0x10D40] =	vst v8;
	v8 =	vld [tilespmem:s25+$0x8100]  }
0x2f0: {  	[tilespmem:s19+$0x10D20] =	vst v6;
	v6 =	vld [tilespmem:s19+$0x9100]  }
0x2f1: {  	v5 =	vmul.f32 $3.200000000e+01, v5  }
0x2f2: {  	v3 =	vmul.f32 $3.200000000e+01, v3  }
0x2f3: {  	[tilespmem:s19+$0x10950] =	vst v5;
	v5 =	vmul.f32 $3.200000000e+01, v9  }
0x2f4: {  	v4 =	vld [tilespmem:s19+$0x8D00];
	[tilespmem:s19+$0x10D70] =	vst v3;
	v3 =	vmul.f32 $3.200000000e+01, v8  }
0x2f5: {  	[tilespmem:s19+$0x10970] =	vst v5;
	v5 =	vld [tilespmem:s19+$0x8D50];
	v6 =	vmul.f32 $3.200000000e+01, v6  }
0x2f6: {  	s26 =	sor.u32 $0x1C30, s20;
	v10 =	vld [tilespmem:s19+$0x8D30];
	[tilespmem:s25+$0x10100] =	vst v3  }
0x2f7: {  	[tilespmem:s19+$0x11100] =	vst v6;
	v6 =	vld [tilespmem:s26+$0x8100];
	_ =	sdelay $0x1  }
0x2f8: {  	v4 =	vmul.f32 $3.200000000e+01, v4;
	v7 =	vld [tilespmem:s19+$0x9120]  }
0x2f9: {  	v5 =	vmul.f32 $3.200000000e+01, v5  }
0x2fa: {  	v9 =	vmul.f32 $3.200000000e+01, v10;
	[tilespmem:s19+$0x10D00] =	vst v4;
	v4 =	vld [tilespmem:s19+$0x8D60]  }
0x2fb: {  	[tilespmem:s19+$0x10D50] =	vst v5;
	v5 =	vld [tilespmem:s19+$0x9130];
	v6 =	vmul.f32 $3.200000000e+01, v6  }
0x2fc: {  	[tilespmem:s19+$0x10D30] =	vst v9;
	v9 =	vld [tilespmem:s19+$0x9110]  }
0x2fd: {  	s29 =	sor.u32 $0x1C40, s20;
	v7 =	vmul.f32 $3.200000000e+01, v7;
	v8 =	vld [tilespmem:s19+$0x9150];
	[tilespmem:s26+$0x10100] =	vst v6  }
0x2fe: {  	v6 =	vld [tilespmem:s29+$0x8100]  }
0x2ff: {  	v4 =	vmul.f32 $3.200000000e+01, v4;
	[tilespmem:s19+$0x11120] =	vst v7;
	v7 =	vld [tilespmem:s19+$0x9500]  }
0x300: {  	v5 =	vmul.f32 $3.200000000e+01, v5;
	v3 =	vld [tilespmem:s19+$0x9160]  }
0x301: {  	v9 =	vmul.f32 $3.200000000e+01, v9;
	[tilespmem:s19+$0x10D60] =	vst v4;
	v4 =	vld [tilespmem:s19+$0x9140]  }
0x302: {  	[tilespmem:s19+$0x11130] =	vst v5;
	v5 =	vmul.f32 $3.200000000e+01, v8  }
0x303: {  	[tilespmem:s19+$0x11110] =	vst v9;
	v9 =	vld [tilespmem:s19+$0x9170];
	v6 =	vmul.f32 $3.200000000e+01, v6  }
0x304: {  	v7 =	vmul.f32 $3.200000000e+01, v7;
	[tilespmem:s19+$0x11150] =	vst v5;
	v5 =	vld [tilespmem:s19+$0x9530]  }
0x305: {  	v10 =	vld [tilespmem:s19+$0x9510];
	s30 =	sor.u32 $0x1C50, s20;
	v3 =	vmul.f32 $3.200000000e+01, v3;
	[tilespmem:s29+$0x10100] =	vst v6  }
0x306: {  	v4 =	vmul.f32 $3.200000000e+01, v4;
	[tilespmem:s19+$0x11500] =	vst v7;
	v7 =	vld [tilespmem:s30+$0x8100]  }
0x307: {  	[tilespmem:s19+$0x11160] =	vst v3;
	v3 =	vld [tilespmem:s19+$0x9540]  }
0x308: {  	[tilespmem:s19+$0x11140] =	vst v4;
	v4 =	vld [tilespmem:s19+$0x9520];
	v8 =	vmul.f32 $3.200000000e+01, v9  }
0x309: {  	v5 =	vmul.f32 $3.200000000e+01, v5  }
0x30a: {  	v9 =	vmul.f32 $3.200000000e+01, v10;
	[tilespmem:s19+$0x11170] =	vst v8;
	v8 =	vld [tilespmem:s19+$0x9550]  }
0x30b: {  	[tilespmem:s19+$0x11530] =	vst v5;
	v6 =	vld [tilespmem:s19+$0x9560];
	v5 =	vmul.f32 $3.200000000e+01, v7  }
0x30c: {  	[tilespmem:s19+$0x11510] =	vst v9;
	v9 =	vld [tilespmem:s19+$0x9570];
	v3 =	vmul.f32 $3.200000000e+01, v3  }
0x30d: {  	s28 =	sor.u32 $0x1C60, s20;
	v4 =	vmul.f32 $3.200000000e+01, v4;
	v10 =	vld [tilespmem:s19+$0x9900];
	[tilespmem:s30+$0x10100] =	vst v5  }
0x30e: {  	[tilespmem:s19+$0x11540] =	vst v3;
	v3 =	vld [tilespmem:s28+$0x8100]  }
0x30f: {  	[tilespmem:s19+$0x11520] =	vst v4;
	v4 =	vld [tilespmem:s19+$0x9910];
	v7 =	vmul.f32 $3.200000000e+01, v8  }
0x310: {  	v6 =	vmul.f32 $3.200000000e+01, v6;
	v8 =	vld [tilespmem:s19+$0x9920]  }
0x311: {  	[tilespmem:s19+$0x11550] =	vst v7;
	v5 =	vld [tilespmem:s19+$0x9930];
	v7 =	vmul.f32 $3.200000000e+01, v9  }
0x312: {  	[tilespmem:s19+$0x11560] =	vst v6;
	v6 =	vld [tilespmem:s19+$0x9940];
	v9 =	vmul.f32 $3.200000000e+01, v10  }
0x313: {  	s3 =	simm.s32 $0x0;
	s25 =	simm.s32 $0xFFFFC800;
	s26 =	simm.s32 $0x100;
	[tilespmem:s19+$0x11570] =	vst v7;
	v7 =	vld [tilespmem:s19+$0x9950];
	v3 =	vmul.f32 $3.200000000e+01, v3  }
.LBB2_11:
0x314: {  	s29 =	sadd.s32 $0x4000, s25;
	p1 =	sne.s32 s26, $0x780;
	[tilespmem:s19+$0x11900] =	vst v9;
	v4 =	vmul.f32 $3.200000000e+01, v4;
	v9 =	vld [tilespmem:s19+$0x9960]  }
0x315: {  	s30 =	sand.u32 $0x380, s26;
	s29 =	sand.u32 $0x2000, s29;
	v8 =	vmul.f32 $3.200000000e+01, v8;
	v10 =	vld [tilespmem:s19+$0x9970];
	[tilespmem:s28+$0x10100] =	vst v3;
	s28 =	sor.u32 $0x1C70, s20  }
0x316: {  	s29 =	sor.u32 s30, s29;
	[tilespmem:s19+$0x11910] =	vst v4;
	v3 =	vmul.f32 $3.200000000e+01, v5;
	v4 =	vld [tilespmem:s28+$0x8100]  }
0x317: {  	v5 =	vld [tilespmem:s29+$0x8100];
	[tilespmem:s19+$0x11920] =	vst v8;
	v6 =	vmul.f32 $3.200000000e+01, v6  }
0x318: {  	v8 =	vld [tilespmem:s29+$0x8110];
	[tilespmem:s19+$0x11930] =	vst v3;
	v3 =	vmul.f32 $3.200000000e+01, v7  }
0x319: {  	s18 =	sadd.s32 $0x1, s18;
	v7 =	vld [tilespmem:s29+$0x8120];
	[tilespmem:s19+$0x11940] =	vst v6;
	v6 =	vmul.f32 $3.200000000e+01, v9  }
0x31a: {  	s20 =	sand.u32 $0x7, s18;
	v9 =	vld [tilespmem:s29+$0x8130];
	[tilespmem:s19+$0x11950] =	vst v3;
	v3 =	vmul.f32 $3.200000000e+01, v10  }
0x31b: {  	s3 =	sadd.s32 $0x400, s3;
	s20 =	sshll.u32 s20, $0x7;
	v10 =	vld [tilespmem:s29+$0x8140];
	[tilespmem:s19+$0x11960] =	vst v6;
	v4 =	vmul.f32 $3.200000000e+01, v4  }
0x31c: {  	s20 =	sadd.s32 s20, s3;
	v5 =	vmul.f32 $3.200000000e+01, v5;
	v6 =	vld [tilespmem:s29+$0x8150];
	[tilespmem:s19+$0x11970] =	vst v3;
	s19 =	smov.u32 s29  }
0x31d: {  	s29 =	sor.u32 $0x1C00, s20;
	v3 =	vmul.f32 $3.200000000e+01, v8;
	v8 =	vld [tilespmem:s19+$0x8160];
	[tilespmem:s28+$0x10100] =	vst v4  }
0x31e: {  	[tilespmem:s19+$0x10100] =	vst v5;
	v4 =	vmul.f32 $3.200000000e+01, v7;
	v5 =	vld [tilespmem:s29+$0x8100]  }
0x31f: {  	[tilespmem:s19+$0x10110] =	vst v3;
	v3 =	vmul.f32 $3.200000000e+01, v9;
	v7 =	vld [tilespmem:s19+$0x8170]  }
0x320: {  	[tilespmem:s19+$0x10120] =	vst v4;
	v4 =	vmul.f32 $3.200000000e+01, v10;
	v9 =	vld [tilespmem:s19+$0x8500]  }
0x321: {  	[tilespmem:s19+$0x10130] =	vst v3;
	v3 =	vmul.f32 $3.200000000e+01, v6;
	v6 =	vld [tilespmem:s19+$0x8510]  }
0x322: {  	[tilespmem:s19+$0x10140] =	vst v4;
	v4 =	vmul.f32 $3.200000000e+01, v8;
	v8 =	vld [tilespmem:s19+$0x8520]  }
0x323: {  	[tilespmem:s19+$0x10150] =	vst v3;
	v3 =	vld [tilespmem:s19+$0x8530];
	v5 =	vmul.f32 $3.200000000e+01, v5  }
0x324: {  	[tilespmem:s19+$0x10160] =	vst v4;
	v4 =	vmul.f32 $3.200000000e+01, v7;
	v7 =	vld [tilespmem:s19+$0x8540]  }
0x325: {  	s28 =	sor.u32 $0x1C10, s20;
	v9 =	vmul.f32 $3.200000000e+01, v9;
	v10 =	vld [tilespmem:s19+$0x8550];
	[tilespmem:s29+$0x10100] =	vst v5  }
0x326: {  	[tilespmem:s19+$0x10170] =	vst v4;
	v4 =	vmul.f32 $3.200000000e+01, v6;
	v5 =	vld [tilespmem:s28+$0x8100]  }
0x327: {  	[tilespmem:s19+$0x10500] =	vst v9;
	v6 =	vmul.f32 $3.200000000e+01, v8;
	v8 =	vld [tilespmem:s19+$0x8560]  }
0x328: {  	[tilespmem:s19+$0x10510] =	vst v4;
	v3 =	vmul.f32 $3.200000000e+01, v3;
	v4 =	vld [tilespmem:s19+$0x8570]  }
0x329: {  	[tilespmem:s19+$0x10520] =	vst v6;
	v6 =	vmul.f32 $3.200000000e+01, v7;
	v7 =	vld [tilespmem:s19+$0x8900]  }
0x32a: {  	[tilespmem:s19+$0x10530] =	vst v3;
	v3 =	vmul.f32 $3.200000000e+01, v10;
	v9 =	vld [tilespmem:s19+$0x8910]  }
0x32b: {  	[tilespmem:s19+$0x10540] =	vst v6;
	v6 =	vld [tilespmem:s19+$0x8920];
	v5 =	vmul.f32 $3.200000000e+01, v5  }
0x32c: {  	[tilespmem:s19+$0x10550] =	vst v3;
	v3 =	vmul.f32 $3.200000000e+01, v8;
	v8 =	vld [tilespmem:s19+$0x8930]  }
0x32d: {  	v4 =	vmul.f32 $3.200000000e+01, v4;
	v10 =	vld [tilespmem:s19+$0x8940];
	[tilespmem:s28+$0x10100] =	vst v5;
	s28 =	sor.u32 $0x1C20, s20  }
0x32e: {  	[tilespmem:s19+$0x10560] =	vst v3;
	v3 =	vmul.f32 $3.200000000e+01, v7;
	v5 =	vld [tilespmem:s28+$0x8100]  }
0x32f: {  	[tilespmem:s19+$0x10570] =	vst v4;
	v4 =	vmul.f32 $3.200000000e+01, v9;
	v7 =	vld [tilespmem:s19+$0x8950]  }
0x330: {  	[tilespmem:s19+$0x10900] =	vst v3;
	v3 =	vmul.f32 $3.200000000e+01, v6;
	v6 =	vld [tilespmem:s19+$0x8960]  }
0x331: {  	[tilespmem:s19+$0x10910] =	vst v4;
	v4 =	vmul.f32 $3.200000000e+01, v8;
	v8 =	vld [tilespmem:s19+$0x8970]  }
0x332: {  	[tilespmem:s19+$0x10920] =	vst v3;
	v3 =	vmul.f32 $3.200000000e+01, v10;
	v9 =	vld [tilespmem:s19+$0x8D00]  }
0x333: {  	[tilespmem:s19+$0x10930] =	vst v4;
	v4 =	vld [tilespmem:s19+$0x8D10];
	v5 =	vmul.f32 $3.200000000e+01, v5  }
0x334: {  	[tilespmem:s19+$0x10940] =	vst v3;
	v3 =	vmul.f32 $3.200000000e+01, v7;
	v7 =	vld [tilespmem:s19+$0x8D20]  }
0x335: {  	v6 =	vmul.f32 $3.200000000e+01, v6;
	v10 =	vld [tilespmem:s19+$0x8D30];
	[tilespmem:s28+$0x10100] =	vst v5;
	s28 =	sor.u32 $0x1C30, s20  }
0x336: {  	[tilespmem:s19+$0x10950] =	vst v3;
	v3 =	vmul.f32 $3.200000000e+01, v8;
	v5 =	vld [tilespmem:s28+$0x8100]  }
0x337: {  	[tilespmem:s19+$0x10960] =	vst v6;
	v6 =	vmul.f32 $3.200000000e+01, v9;
	v8 =	vld [tilespmem:s19+$0x8D40]  }
0x338: {  	[tilespmem:s19+$0x10970] =	vst v3;
	v3 =	vmul.f32 $3.200000000e+01, v4;
	v4 =	vld [tilespmem:s19+$0x8D50]  }
0x339: {  	[tilespmem:s19+$0x10D00] =	vst v6;
	v6 =	vmul.f32 $3.200000000e+01, v7;
	v7 =	vld [tilespmem:s19+$0x8D60]  }
0x33a: {  	[tilespmem:s19+$0x10D10] =	vst v3;
	v3 =	vmul.f32 $3.200000000e+01, v10;
	v9 =	vld [tilespmem:s19+$0x8D70]  }
0x33b: {  	[tilespmem:s19+$0x10D20] =	vst v6;
	v6 =	vld [tilespmem:s19+$0x9100];
	v5 =	vmul.f32 $3.200000000e+01, v5  }
0x33c: {  	[tilespmem:s19+$0x10D30] =	vst v3;
	v3 =	vmul.f32 $3.200000000e+01, v8;
	v8 =	vld [tilespmem:s19+$0x9110]  }
0x33d: {  	v4 =	vmul.f32 $3.200000000e+01, v4;
	v10 =	vld [tilespmem:s19+$0x9120];
	[tilespmem:s28+$0x10100] =	vst v5;
	s28 =	sor.u32 $0x1C40, s20  }
0x33e: {  	[tilespmem:s19+$0x10D40] =	vst v3;
	v3 =	vmul.f32 $3.200000000e+01, v7;
	v5 =	vld [tilespmem:s28+$0x8100]  }
0x33f: {  	[tilespmem:s19+$0x10D50] =	vst v4;
	v4 =	vmul.f32 $3.200000000e+01, v9;
	v7 =	vld [tilespmem:s19+$0x9130]  }
0x340: {  	[tilespmem:s19+$0x10D60] =	vst v3;
	v3 =	vmul.f32 $3.200000000e+01, v6;
	v6 =	vld [tilespmem:s19+$0x9140]  }
0x341: {  	[tilespmem:s19+$0x10D70] =	vst v4;
	v4 =	vmul.f32 $3.200000000e+01, v8;
	v8 =	vld [tilespmem:s19+$0x9150]  }
0x342: {  	[tilespmem:s19+$0x11100] =	vst v3;
	v3 =	vmul.f32 $3.200000000e+01, v10;
	v9 =	vld [tilespmem:s19+$0x9160]  }
0x343: {  	[tilespmem:s19+$0x11110] =	vst v4;
	v4 =	vld [tilespmem:s19+$0x9170];
	v5 =	vmul.f32 $3.200000000e+01, v5  }
0x344: {  	[tilespmem:s19+$0x11120] =	vst v3;
	v3 =	vmul.f32 $3.200000000e+01, v7;
	v7 =	vld [tilespmem:s19+$0x9500]  }
0x345: {  	v6 =	vmul.f32 $3.200000000e+01, v6;
	v10 =	vld [tilespmem:s19+$0x9510];
	[tilespmem:s28+$0x10100] =	vst v5;
	s28 =	sor.u32 $0x1C50, s20  }
0x346: {  	[tilespmem:s19+$0x11130] =	vst v3;
	v3 =	vmul.f32 $3.200000000e+01, v8;
	v5 =	vld [tilespmem:s28+$0x8100]  }
0x347: {  	[tilespmem:s19+$0x11140] =	vst v6;
	v6 =	vmul.f32 $3.200000000e+01, v9;
	v8 =	vld [tilespmem:s19+$0x9520]  }
0x348: {  	[tilespmem:s19+$0x11150] =	vst v3;
	v3 =	vmul.f32 $3.200000000e+01, v4;
	v4 =	vld [tilespmem:s19+$0x9530]  }
0x349: {  	[tilespmem:s19+$0x11160] =	vst v6;
	v6 =	vmul.f32 $3.200000000e+01, v7;
	v7 =	vld [tilespmem:s19+$0x9540]  }
0x34a: {  	[tilespmem:s19+$0x11170] =	vst v3;
	v3 =	vmul.f32 $3.200000000e+01, v10;
	v9 =	vld [tilespmem:s19+$0x9550]  }
0x34b: {  	[tilespmem:s19+$0x11500] =	vst v6;
	v6 =	vld [tilespmem:s19+$0x9560];
	v5 =	vmul.f32 $3.200000000e+01, v5  }
0x34c: {  	[tilespmem:s19+$0x11510] =	vst v3;
	v3 =	vmul.f32 $3.200000000e+01, v8;
	v10 =	vld [tilespmem:s19+$0x9570]  }
0x34d: {  	v4 =	vmul.f32 $3.200000000e+01, v4;
	v11 =	vld [tilespmem:s19+$0x9900];
	[tilespmem:s28+$0x10100] =	vst v5;
	s28 =	sor.u32 $0x1C60, s20  }
0x34e: {  	[tilespmem:s19+$0x11520] =	vst v3;
	v3 =	vmul.f32 $3.200000000e+01, v7;
	v12 =	vld [tilespmem:s28+$0x8100]  }
.Ltmp7:
0x34f: {  	[tilespmem:s19+$0x11530] =	vst v4;
	v5 =	vmul.f32 $3.200000000e+01, v9;
	v4 =	vld [tilespmem:s19+$0x9910];
	(pc) =	sbr.rel @p1 .LBB2_11-.Ltmp7, $4  }
0x350: {  	[tilespmem:s19+$0x11540] =	vst v3;
	v3 =	vmul.f32 $3.200000000e+01, v6;
	v8 =	vld [tilespmem:s19+$0x9920]  }
0x351: {  	[tilespmem:s19+$0x11550] =	vst v5;
	v7 =	vmul.f32 $3.200000000e+01, v10;
	v5 =	vld [tilespmem:s19+$0x9930]  }
0x352: {  	[tilespmem:s19+$0x11560] =	vst v3;
	v9 =	vmul.f32 $3.200000000e+01, v11;
	v6 =	vld [tilespmem:s19+$0x9940]  }
0x353: {  	s25 =	sadd.s32 $0x400, s25;
	s26 =	sadd.s32 $0x80, s26;
	[tilespmem:s19+$0x11570] =	vst v7;
	v7 =	vld [tilespmem:s19+$0x9950];
	v3 =	vmul.f32 $3.200000000e+01, v12  }
0x354: {  	[tilespmem:s19+$0x11900] =	vst v9;
	v4 =	vmul.f32 $3.200000000e+01, v4;
	v9 =	vld [tilespmem:s19+$0x9960]  }
0x355: {  	v10 =	vld [tilespmem:s19+$0x9970];
	v8 =	vmul.f32 $3.200000000e+01, v8  }
0x356: {  	[tilespmem:s19+$0x11910] =	vst v4;
	v4 =	vmul.f32 $3.200000000e+01, v5  }
0x357: {  	[tilespmem:s19+$0x11920] =	vst v8;
	v5 =	vmul.f32 $3.200000000e+01, v6  }
0x358: {  	s18 =	sadd.s32 $0x1, s18;
	[tilespmem:s19+$0x11930] =	vst v4;
	v4 =	vmul.f32 $3.200000000e+01, v7  }
0x359: {  	s18 =	sand.u32 $0x7, s18;
	[tilespmem:s19+$0x11940] =	vst v5;
	v5 =	vmul.f32 $3.200000000e+01, v9  }
0x35a: {  	s3 =	sadd.s32 $0x400, s3;
	s18 =	sshll.u32 s18, $0x7;
	[tilespmem:s19+$0x11950] =	vst v4;
	v4 =	vmul.f32 $3.200000000e+01, v10  }
0x35b: {  	s3 =	sadd.s32 s18, s3;
	[tilespmem:s19+$0x11960] =	vst v5  }
0x35c: {  	s18 =	sor.u32 $0x1C00, s3;
	[tilespmem:s19+$0x11970] =	vst v4  }
0x35d: {  	v4 =	vld [tilespmem:s18+$0x8100];
	_ =	sdelay $0x4  }
0x35e: {  	v4 =	vmul.f32 $3.200000000e+01, v4;
	_ =	sdelay $0x1  }
0x35f: {  	s29 =	sor.u32 $0x1C10, s3;
	[tilespmem:s18+$0x10100] =	vst v4  }
0x360: {  	v4 =	vld [tilespmem:s29+$0x8100];
	_ =	sdelay $0x4  }
0x361: {  	v4 =	vmul.f32 $3.200000000e+01, v4;
	_ =	sdelay $0x1  }
0x362: {  	s30 =	sor.u32 $0x1C20, s3;
	[tilespmem:s29+$0x10100] =	vst v4  }
0x363: {  	v4 =	vld [tilespmem:s30+$0x8100];
	_ =	sdelay $0x4  }
0x364: {  	v4 =	vmul.f32 $3.200000000e+01, v4;
	_ =	sdelay $0x1  }
0x365: {  	s19 =	sor.u32 $0x1C30, s3;
	[tilespmem:s30+$0x10100] =	vst v4  }
0x366: {  	v4 =	vld [tilespmem:s19+$0x8100];
	_ =	sdelay $0x4  }
0x367: {  	v4 =	vmul.f32 $3.200000000e+01, v4;
	_ =	sdelay $0x1  }
0x368: {  	s25 =	sor.u32 $0x1C40, s3;
	[tilespmem:s19+$0x10100] =	vst v4  }
0x369: {  	v4 =	vld [tilespmem:s25+$0x8100];
	_ =	sdelay $0x4  }
0x36a: {  	v4 =	vmul.f32 $3.200000000e+01, v4;
	_ =	sdelay $0x1  }
0x36b: {  	s26 =	sor.u32 $0x1C50, s3;
	[tilespmem:s25+$0x10100] =	vst v4  }
0x36c: {  	v4 =	vld [tilespmem:s26+$0x8100];
	_ =	sdelay $0x4  }
0x36d: {  	v4 =	vmul.f32 $3.200000000e+01, v4;
	_ =	sdelay $0x1  }
0x36e: {  	s29 =	sor.u32 $0x1C60, s3;
	[tilespmem:s26+$0x10100] =	vst v4  }
0x36f: {  	v4 =	vld [tilespmem:s29+$0x8100];
	_ =	sdelay $0x4  }
0x370: {  	v4 =	vmul.f32 $3.200000000e+01, v4  }
0x371: {  	[tilespmem:s28+$0x10100] =	vst v3;
	s30 =	sor.u32 $0x1C70, s20  }
0x372: {  	s3 =	sor.u32 $0x1C70, s3;
	v3 =	vld [tilespmem:s30+$0x8100];
	[tilespmem:s29+$0x10100] =	vst v4  }
0x373: {  	v4 =	vld [tilespmem:s3+$0x8100];
	_ =	sdelay $0x3  }
0x374: {  	v3 =	vmul.f32 $3.200000000e+01, v3  }
0x375: {  	v4 =	vmul.f32 $3.200000000e+01, v4  }
0x376: {  	[tilespmem:s30+$0x10100] =	vst v3  }
0x377: {  	s20 =	sadd.s32 $0x1000, s16;
	[tilespmem:s3+$0x10100] =	vst v4  }
0x378: {  	[hbm4b:s20+s5] =	stream.linear.scatter [tilespmem:s22], [sflag:$0x5], $0x4000, $0x38;
	[tilespmem:$0x18100] =	vst v63  }
0x379: {  	v3 =	vld @!p0 [tilespmem:s17+$0x60];
	_ =	sdelay $0x4  }
0x37a: {  	v4 =	vshll.u32 @!p0 v3, $0x3  }
0x37b: {  	v5 =	vlaneseq.u32 @!p0;
	v3 =	vand.u32 @!p0 $0x7, v3;
	v4 =	vand.u32 @!p0 $0xFFFFFFC0, v4  }
0x37c: {  	v6 =	vshrl.u32 @!p0 v5, $0x3;
	v3 =	vor.u32 @!p0 v3, v4;
	v4 =	vand.u32 @!p0 $0x7, v5  }
0x37d: {  	v6 =	vmul.u32 @!p0 $0x8, v6;
	v4 =	vperm.xlane @!p0 v3, v4;
	_ =	sdelay $0x1  }
0x37e: {  	v4 =	vadd.s32 @!p0 v6, v4;
	_ =	sdelay $0x3  }
0x37f: {  	s3 =	simm.s32 @!p0 $0x0;
	s17 =	simm.s32 @!p0 $0x8100  }
0x380: {  	v5 =	vor.u32 @!p0 $0x8, v5;
	[tilespmem:s17], [sflag:$0x3] =	stream.indirect_vreg.gather @!p0 [hbm4b:s1+s3], $0x80, v4, vm1, $0xb8;
	[tilespmem:$0x18100] =	vst v63  }
0x381: {  	v3 =	vperm.xlane @!p0 v3, v5;
	s17 =	simm.s32 @!p0 $0x8900  }
0x382: {  	[tilespmem:s17], [sflag:$0x3] =	stream.indirect_vreg.gather @!p0 [hbm4b:s7+s3], $0x80, v4, vm1, $0xb8;
	[tilespmem:$0x18100] =	vst v63  }
0x383: {  	v3 =	vadd.s32 @!p0 v6, v3;
	s17 =	simm.s32 @!p0 $0x9100  }
0x384: {  	[tilespmem:s17], [sflag:$0x3] =	stream.indirect_vreg.gather @!p0 [hbm4b:s8+s3], $0x80, v4, vm1, $0xb8;
	[tilespmem:$0x18100] =	vst v63  }
0x385: {  	s17 =	simm.s32 @!p0 $0x9900  }
0x386: {  	[tilespmem:s17], [sflag:$0x3] =	stream.indirect_vreg.gather @!p0 [hbm4b:s9+s3], $0x80, v4, vm1, $0xb8;
	[tilespmem:$0x18100] =	vst v63  }
0x387: {  	s17 =	simm.s32 @!p0 $0xA100  }
0x388: {  	[tilespmem:s17], [sflag:$0x3] =	stream.indirect_vreg.gather @!p0 [hbm4b:s1+s3], $0x80, v3, vm1, $0xb8;
	[tilespmem:$0x18100] =	vst v63  }
0x389: {  	s17 =	simm.s32 @!p0 $0xA900  }
0x38a: {  	[tilespmem:s17], [sflag:$0x3] =	stream.indirect_vreg.gather @!p0 [hbm4b:s7+s3], $0x80, v3, vm1, $0xb8;
	[tilespmem:$0x18100] =	vst v63  }
0x38b: {  	s17 =	simm.s32 @!p0 $0xB100  }
0x38c: {  	[tilespmem:s17], [sflag:$0x3] =	stream.indirect_vreg.gather @!p0 [hbm4b:s8+s3], $0x80, v3, vm1, $0xb8;
	[tilespmem:$0x18100] =	vst v63  }
0x38d: {  	s17 =	simm.s32 @!p0 $0xB900  }
0x38e: {  	[tilespmem:s17], [sflag:$0x3] =	stream.indirect_vreg.gather @!p0 [hbm4b:s9+s3], $0x80, v3, vm1, $0xb8;
	[tilespmem:$0x18100] =	vst v63  }
0x38f: {  	_ =	swait.ge [sflag:s13], $0x4000  }
0x390: {  	[sflag:s13] =	ssyncset.done $0x0  }
0x391: {  	[sflag:s13] =	ssyncadd.s32 $0xFFFFC000  }
0x392: {  	s25 =	simm.s32 $0x0;
	s17 =	simm.s32 $0x0;
	_ =	swait.ge [sflag:s24], $0x4000  }
0x393: {  	s3 =	sand.u32 $0x2000, s25;
	s26 =	sand.u32 $0x380, s17;
	[sflag:s24] =	ssyncset.done $0x0  }
0x394: {  	s3 =	sor.u32 s26, s3;
	[sflag:s24] =	ssyncadd.s32 $0xFFFFC000  }
0x395: {  	v3 =	vld [tilespmem:s3+$0xC100]  }
0x396: {  	v4 =	vld [tilespmem:s3+$0xC110]  }
0x397: {  	v5 =	vld [tilespmem:s3+$0xC120]  }
0x398: {  	v6 =	vld [tilespmem:s3+$0xC130]  }
0x399: {  	v7 =	vld [tilespmem:s3+$0xC140]  }
0x39a: {  	v8 =	vld [tilespmem:s3+$0xC150];
	v3 =	vmul.f32 $3.200000000e+01, v3  }
0x39b: {  	v9 =	vld [tilespmem:s3+$0xC160];
	v4 =	vmul.f32 $3.200000000e+01, v4  }
0x39c: {  	s28 =	simm.s32 $0x80;
	s29 =	simm.s32 $0x400;
	v10 =	vld [tilespmem:s3+$0xC170];
	[tilespmem:s3+$0x14100] =	vst v3;
	v3 =	vmul.f32 $3.200000000e+01, v5  }
0x39d: {  	s18 =	sand.u32 $0x380, s28;
	s19 =	sand.u32 $0x2000, s29;
	v11 =	vld [tilespmem:s3+$0xC500];
	[tilespmem:s3+$0x14110] =	vst v4;
	v4 =	vmul.f32 $3.200000000e+01, v6  }
0x39e: {  	s18 =	sor.u32 s18, s19;
	v12 =	vld [tilespmem:s3+$0xC510];
	[tilespmem:s3+$0x14120] =	vst v3;
	v3 =	vmul.f32 $3.200000000e+01, v7  }
0x39f: {  	v61 =	vld [tilespmem:s18+$0xC160];
	[tilespmem:s3+$0x14130] =	vst v4;
	v4 =	vmul.f32 $3.200000000e+01, v8  }
0x3a0: {  	v5 =	vld [tilespmem:s3+$0xC520];
	[tilespmem:s3+$0x14140] =	vst v3;
	v3 =	vmul.f32 $3.200000000e+01, v9  }
0x3a1: {  	v6 =	vld [tilespmem:s3+$0xC530];
	[tilespmem:s3+$0x14150] =	vst v4;
	v4 =	vmul.f32 $3.200000000e+01, v10  }
0x3a2: {  	v62 =	vld [tilespmem:s3+$0xD560];
	[tilespmem:s3+$0x14160] =	vst v3;
	v3 =	vmul.f32 $3.200000000e+01, v11  }
0x3a3: {  	v7 =	vld [tilespmem:s3+$0xC540];
	[tilespmem:s3+$0x14170] =	vst v4;
	v4 =	vmul.f32 $3.200000000e+01, v12  }
0x3a4: {  	v8 =	vld [tilespmem:s3+$0xC550];
	v12 =	vmul.f32 $3.200000000e+01, v61;
	[tilespmem:s3+$0x14500] =	vst v3  }
0x3a5: {  	v9 =	vld [tilespmem:s3+$0xC560];
	v3 =	vmul.f32 $3.200000000e+01, v5;
	[tilespmem:s3+$0x14510] =	vst v4  }
0x3a6: {  	v10 =	vld [tilespmem:s3+$0xC570];
	v4 =	vmul.f32 $3.200000000e+01, v6;
	[tilespmem:s18+$0x14160] =	vst v12  }
0x3a7: {  	v11 =	vld [tilespmem:s3+$0xC900];
	v12 =	vmul.f32 $3.200000000e+01, v62;
	[tilespmem:s3+$0x14520] =	vst v3  }
0x3a8: {  	v57 =	vld [tilespmem:s3+$0xC910];
	v3 =	vmul.f32 $3.200000000e+01, v7;
	[tilespmem:s3+$0x14530] =	vst v4  }
0x3a9: {  	v5 =	vld [tilespmem:s3+$0xC920];
	v4 =	vmul.f32 $3.200000000e+01, v8;
	[tilespmem:s3+$0x15560] =	vst v12  }
0x3aa: {  	v6 =	vld [tilespmem:s3+$0xC930];
	[tilespmem:s3+$0x14540] =	vst v3;
	v3 =	vmul.f32 $3.200000000e+01, v9  }
0x3ab: {  	v7 =	vld [tilespmem:s3+$0xC940];
	[tilespmem:s3+$0x14550] =	vst v4;
	v4 =	vmul.f32 $3.200000000e+01, v10  }
0x3ac: {  	v8 =	vld [tilespmem:s3+$0xC950];
	[tilespmem:s3+$0x14560] =	vst v3;
	v3 =	vmul.f32 $3.200000000e+01, v11  }
0x3ad: {  	v9 =	vld [tilespmem:s3+$0xC960];
	[tilespmem:s3+$0x14570] =	vst v4;
	v4 =	vmul.f32 $3.200000000e+01, v57  }
0x3ae: {  	v10 =	vld [tilespmem:s3+$0xC970];
	[tilespmem:s3+$0x14900] =	vst v3;
	v3 =	vmul.f32 $3.200000000e+01, v5  }
0x3af: {  	v11 =	vld [tilespmem:s3+$0xCD00];
	[tilespmem:s3+$0x14910] =	vst v4;
	v4 =	vmul.f32 $3.200000000e+01, v6  }
0x3b0: {  	v58 =	vld [tilespmem:s3+$0xCD10];
	[tilespmem:s3+$0x14920] =	vst v3;
	v3 =	vmul.f32 $3.200000000e+01, v7  }
0x3b1: {  	v5 =	vld [tilespmem:s3+$0xCD20];
	[tilespmem:s3+$0x14930] =	vst v4;
	v4 =	vmul.f32 $3.200000000e+01, v8  }
0x3b2: {  	v6 =	vld [tilespmem:s3+$0xCD30];
	[tilespmem:s3+$0x14940] =	vst v3;
	v3 =	vmul.f32 $3.200000000e+01, v9  }
0x3b3: {  	v7 =	vld [tilespmem:s3+$0xCD40];
	[tilespmem:s3+$0x14950] =	vst v4;
	v4 =	vmul.f32 $3.200000000e+01, v10  }
0x3b4: {  	v8 =	vld [tilespmem:s3+$0xCD50];
	[tilespmem:s3+$0x14960] =	vst v3;
	v3 =	vmul.f32 $3.200000000e+01, v11  }
0x3b5: {  	v9 =	vld [tilespmem:s3+$0xCD60];
	[tilespmem:s3+$0x14970] =	vst v4;
	v4 =	vmul.f32 $3.200000000e+01, v58  }
0x3b6: {  	v10 =	vld [tilespmem:s3+$0xCD70];
	[tilespmem:s3+$0x14D00] =	vst v3;
	v3 =	vmul.f32 $3.200000000e+01, v5  }
0x3b7: {  	v11 =	vld [tilespmem:s3+$0xD100];
	[tilespmem:s3+$0x14D10] =	vst v4;
	v4 =	vmul.f32 $3.200000000e+01, v6  }
0x3b8: {  	v59 =	vld [tilespmem:s3+$0xD110];
	[tilespmem:s3+$0x14D20] =	vst v3;
	v3 =	vmul.f32 $3.200000000e+01, v7  }
0x3b9: {  	[tilespmem:s3+$0x14D30] =	vst v4;
	v4 =	vmul.f32 $3.200000000e+01, v8;
	v8 =	vld [tilespmem:s3+$0xD150]  }
0x3ba: {  	v5 =	vld [tilespmem:s3+$0xD120];
	[tilespmem:s3+$0x14D40] =	vst v3;
	v3 =	vmul.f32 $3.200000000e+01, v9  }
0x3bb: {  	v6 =	vld [tilespmem:s3+$0xD130];
	[tilespmem:s3+$0x14D50] =	vst v4;
	v4 =	vmul.f32 $3.200000000e+01, v10  }
0x3bc: {  	v9 =	vld [tilespmem:s3+$0xD160];
	[tilespmem:s3+$0x14D60] =	vst v3;
	v3 =	vmul.f32 $3.200000000e+01, v11  }
0x3bd: {  	v10 =	vld [tilespmem:s3+$0xD170];
	[tilespmem:s3+$0x14D70] =	vst v4;
	v4 =	vmul.f32 $3.200000000e+01, v59  }
0x3be: {  	v7 =	vld [tilespmem:s3+$0xD140];
	v8 =	vmul.f32 $3.200000000e+01, v8;
	[tilespmem:s3+$0x15100] =	vst v3  }
0x3bf: {  	v11 =	vld [tilespmem:s18+$0xC100];
	v3 =	vmul.f32 $3.200000000e+01, v5;
	[tilespmem:s3+$0x15110] =	vst v4  }
0x3c0: {  	v60 =	vld [tilespmem:s18+$0xC110];
	v4 =	vmul.f32 $3.200000000e+01, v6;
	[tilespmem:s3+$0x15150] =	vst v8  }
0x3c1: {  	v6 =	vld [tilespmem:s18+$0xC130];
	v9 =	vmul.f32 $3.200000000e+01, v9;
	[tilespmem:s3+$0x15120] =	vst v3  }
0x3c2: {  	v5 =	vld [tilespmem:s18+$0xC120];
	v10 =	vmul.f32 $3.200000000e+01, v10;
	[tilespmem:s3+$0x15130] =	vst v4  }
0x3c3: {  	v3 =	vmul.f32 $3.200000000e+01, v7;
	v7 =	vld [tilespmem:s18+$0xC140];
	[tilespmem:s3+$0x15160] =	vst v9  }
0x3c4: {  	v4 =	vmul.f32 $3.200000000e+01, v11;
	v11 =	vld [tilespmem:s18+$0xC150];
	[tilespmem:s3+$0x15170] =	vst v10  }
0x3c5: {  	v10 =	vld [tilespmem:s18+$0xC510];
	[tilespmem:s3+$0x15140] =	vst v3;
	v3 =	vmul.f32 $3.200000000e+01, v60  }
0x3c6: {  	[tilespmem:s18+$0x14100] =	vst v4;
	v4 =	vld [tilespmem:s3+$0xD500];
	v6 =	vmul.f32 $3.200000000e+01, v6  }
0x3c7: {  	v5 =	vmul.f32 $3.200000000e+01, v5;
	[tilespmem:s18+$0x14110] =	vst v3;
	v3 =	vld [tilespmem:s3+$0xD510]  }
0x3c8: {  	[tilespmem:s18+$0x14130] =	vst v6;
	v6 =	vld [tilespmem:s3+$0xD530];
	v7 =	vmul.f32 $3.200000000e+01, v7  }
0x3c9: {  	[tilespmem:s18+$0x14120] =	vst v5;
	v5 =	vld [tilespmem:s3+$0xD520];
	v11 =	vmul.f32 $3.200000000e+01, v11  }
0x3ca: {  	v9 =	vld [tilespmem:s18+$0xC500];
	v10 =	vmul.f32 $3.200000000e+01, v10;
	[tilespmem:s18+$0x14140] =	vst v7  }
0x3cb: {  	v7 =	vld [tilespmem:s3+$0xD540];
	v4 =	vmul.f32 $3.200000000e+01, v4;
	[tilespmem:s18+$0x14150] =	vst v11  }
0x3cc: {  	v8 =	vld [tilespmem:s18+$0xC170];
	[tilespmem:s18+$0x14510] =	vst v10;
	v3 =	vmul.f32 $3.200000000e+01, v3  }
0x3cd: {  	v11 =	vld [tilespmem:s3+$0xD550];
	[tilespmem:s3+$0x15500] =	vst v4;
	v6 =	vmul.f32 $3.200000000e+01, v6  }
0x3ce: {  	v4 =	vld [tilespmem:s18+$0xC520];
	[tilespmem:s3+$0x15510] =	vst v3;
	v3 =	vmul.f32 $3.200000000e+01, v5  }
0x3cf: {  	v5 =	vld [tilespmem:s18+$0xC530];
	[tilespmem:s3+$0x15530] =	vst v6;
	v6 =	vmul.f32 $3.200000000e+01, v9  }
0x3d0: {  	v9 =	vld [tilespmem:s18+$0xC550];
	v7 =	vmul.f32 $3.200000000e+01, v7;
	[tilespmem:s3+$0x15520] =	vst v3  }
0x3d1: {  	v3 =	vmul.f32 $3.200000000e+01, v8;
	v8 =	vld [tilespmem:s18+$0xC540];
	[tilespmem:s18+$0x14500] =	vst v6  }
0x3d2: {  	v11 =	vmul.f32 $3.200000000e+01, v11;
	v6 =	vld [tilespmem:s3+$0xD900];
	[tilespmem:s3+$0x15540] =	vst v7  }
0x3d3: {  	[tilespmem:s18+$0x14170] =	vst v3;
	v3 =	vld [tilespmem:s3+$0xD570];
	v4 =	vmul.f32 $3.200000000e+01, v4  }
0x3d4: {  	v10 =	vld [tilespmem:s3+$0xD910];
	[tilespmem:s3+$0x15550] =	vst v11;
	v5 =	vmul.f32 $3.200000000e+01, v5  }
0x3d5: {  	[tilespmem:s18+$0x14520] =	vst v4;
	v4 =	vld [tilespmem:s3+$0xD920];
	v9 =	vmul.f32 $3.200000000e+01, v9  }
0x3d6: {  	v7 =	vld [tilespmem:s18+$0xC560];
	[tilespmem:s18+$0x14530] =	vst v5;
	v8 =	vmul.f32 $3.200000000e+01, v8  }
0x3d7: {  	v11 =	vld [tilespmem:s18+$0xC570];
	v6 =	vmul.f32 $3.200000000e+01, v6;
	[tilespmem:s18+$0x14550] =	vst v9  }
0x3d8: {  	v63 =	vld [tilespmem:s18+$0xC900];
	v3 =	vmul.f32 $3.200000000e+01, v3;
	[tilespmem:s18+$0x14540] =	vst v8  }
0x3d9: {  	v5 =	vld [tilespmem:s3+$0xD930];
	[tilespmem:s3+$0x15900] =	vst v6;
	v6 =	vmul.f32 $3.200000000e+01, v10  }
0x3da: {  	v9 =	vld [tilespmem:s3+$0xD950];
	[tilespmem:s3+$0x15570] =	vst v3;
	v4 =	vmul.f32 $3.200000000e+01, v4  }
0x3db: {  	v3 =	vld [tilespmem:s18+$0xC910];
	[tilespmem:s3+$0x15910] =	vst v6;
	v6 =	vmul.f32 $3.200000000e+01, v7  }
0x3dc: {  	v8 =	vld [tilespmem:s3+$0xD940];
	[tilespmem:s3+$0x15920] =	vst v4;
	v4 =	vmul.f32 $3.200000000e+01, v11  }
0x3dd: {  	v10 =	vld [tilespmem:s18+$0xC920];
	[tilespmem:s18+$0x14560] =	vst v6;
	v6 =	vmul.f32 $3.200000000e+01, v63  }
0x3de: {  	v5 =	vmul.f32 $3.200000000e+01, v5;
	[tilespmem:s18+$0x14570] =	vst v4;
	v4 =	vld [tilespmem:s3+$0xD960]  }
0x3df: {  	v9 =	vmul.f32 $3.200000000e+01, v9;
	[tilespmem:s18+$0x14900] =	vst v6;
	v6 =	vld [tilespmem:s3+$0xD970]  }
0x3e0: {  	v7 =	vld [tilespmem:s18+$0xC930];
	[tilespmem:s3+$0x15930] =	vst v5;
	v3 =	vmul.f32 $3.200000000e+01, v3  }
0x3e1: {  	v8 =	vmul.f32 $3.200000000e+01, v8;
	[tilespmem:s3+$0x15950] =	vst v9  }
0x3e2: {  	[tilespmem:s18+$0x14910] =	vst v3;
	v3 =	vmul.f32 $3.200000000e+01, v10  }
0x3e3: {  	s30 =	sand.u32 $0x7, s17;
	[tilespmem:s3+$0x15940] =	vst v8;
	v4 =	vmul.f32 $3.200000000e+01, v4  }
0x3e4: {  	s19 =	sshll.u32 s30, $0x7;
	[tilespmem:s18+$0x14920] =	vst v3;
	v3 =	vmul.f32 $3.200000000e+01, v6  }
0x3e5: {  	s19 =	sadd.s32 $0x0, s19;
	v7 =	vmul.f32 $3.200000000e+01, v7;
	[tilespmem:s3+$0x15960] =	vst v4  }
0x3e6: {  	s20 =	sor.u32 $0x1C00, s19;
	[tilespmem:s3+$0x15970] =	vst v3  }
0x3e7: {  	[tilespmem:s18+$0x14930] =	vst v7;
	v7 =	vld [tilespmem:s20+$0xC100];
	_ =	sdelay $0x1  }
0x3e8: {  	v8 =	vld [tilespmem:s18+$0xC960]  }
0x3e9: {  	v11 =	vld [tilespmem:s18+$0xC940];
	_ =	sdelay $0x1  }
0x3ea: {  	v7 =	vmul.f32 $3.200000000e+01, v7;
	_ =	sdelay $0x1  }
0x3eb: {  	s25 =	sor.u32 $0x1C10, s19;
	v8 =	vmul.f32 $3.200000000e+01, v8;
	v3 =	vld [tilespmem:s18+$0xCD10];
	[tilespmem:s20+$0x14100] =	vst v7  }
0x3ec: {  	v6 =	vmul.f32 $3.200000000e+01, v11;
	v7 =	vld [tilespmem:s25+$0xC100]  }
0x3ed: {  	[tilespmem:s18+$0x14960] =	vst v8;
	v8 =	vld [tilespmem:s18+$0xCD40]  }
0x3ee: {  	[tilespmem:s18+$0x14940] =	vst v6;
	v6 =	vld [tilespmem:s18+$0xCD20];
	_ =	sdelay $0x1  }
0x3ef: {  	v3 =	vmul.f32 $3.200000000e+01, v3  }
0x3f0: {  	v5 =	vld [tilespmem:s18+$0xC950];
	v7 =	vmul.f32 $3.200000000e+01, v7  }
0x3f1: {  	v8 =	vmul.f32 $3.200000000e+01, v8;
	[tilespmem:s18+$0x14D10] =	vst v3;
	v3 =	vld [tilespmem:s18+$0xCD70]  }
0x3f2: {  	s26 =	sor.u32 $0x1C20, s19;
	v9 =	vld [tilespmem:s18+$0xC970];
	v6 =	vmul.f32 $3.200000000e+01, v6;
	[tilespmem:s25+$0x14100] =	vst v7  }
0x3f3: {  	[tilespmem:s18+$0x14D40] =	vst v8;
	v8 =	vld [tilespmem:s26+$0xC100]  }
0x3f4: {  	[tilespmem:s18+$0x14D20] =	vst v6;
	v6 =	vld [tilespmem:s18+$0xD100]  }
0x3f5: {  	v5 =	vmul.f32 $3.200000000e+01, v5  }
0x3f6: {  	v3 =	vmul.f32 $3.200000000e+01, v3  }
0x3f7: {  	[tilespmem:s18+$0x14950] =	vst v5;
	v5 =	vmul.f32 $3.200000000e+01, v9  }
0x3f8: {  	v4 =	vld [tilespmem:s18+$0xCD00];
	[tilespmem:s18+$0x14D70] =	vst v3;
	v3 =	vmul.f32 $3.200000000e+01, v8  }
0x3f9: {  	[tilespmem:s18+$0x14970] =	vst v5;
	v5 =	vld [tilespmem:s18+$0xCD50];
	v6 =	vmul.f32 $3.200000000e+01, v6  }
0x3fa: {  	s28 =	sor.u32 $0x1C30, s19;
	v10 =	vld [tilespmem:s18+$0xCD30];
	[tilespmem:s26+$0x14100] =	vst v3  }
0x3fb: {  	[tilespmem:s18+$0x15100] =	vst v6;
	v6 =	vld [tilespmem:s28+$0xC100];
	_ =	sdelay $0x1  }
0x3fc: {  	v4 =	vmul.f32 $3.200000000e+01, v4;
	v7 =	vld [tilespmem:s18+$0xD120]  }
0x3fd: {  	v5 =	vmul.f32 $3.200000000e+01, v5  }
0x3fe: {  	v9 =	vmul.f32 $3.200000000e+01, v10;
	[tilespmem:s18+$0x14D00] =	vst v4;
	v4 =	vld [tilespmem:s18+$0xCD60]  }
0x3ff: {  	[tilespmem:s18+$0x14D50] =	vst v5;
	v5 =	vld [tilespmem:s18+$0xD130];
	v6 =	vmul.f32 $3.200000000e+01, v6  }
0x400: {  	[tilespmem:s18+$0x14D30] =	vst v9;
	v9 =	vld [tilespmem:s18+$0xD110]  }
0x401: {  	s29 =	sor.u32 $0x1C40, s19;
	v7 =	vmul.f32 $3.200000000e+01, v7;
	v8 =	vld [tilespmem:s18+$0xD150];
	[tilespmem:s28+$0x14100] =	vst v6  }
0x402: {  	v6 =	vld [tilespmem:s29+$0xC100]  }
0x403: {  	v4 =	vmul.f32 $3.200000000e+01, v4;
	[tilespmem:s18+$0x15120] =	vst v7;
	v7 =	vld [tilespmem:s18+$0xD500]  }
0x404: {  	v5 =	vmul.f32 $3.200000000e+01, v5;
	v3 =	vld [tilespmem:s18+$0xD160]  }
0x405: {  	v9 =	vmul.f32 $3.200000000e+01, v9;
	[tilespmem:s18+$0x14D60] =	vst v4;
	v4 =	vld [tilespmem:s18+$0xD140]  }
0x406: {  	[tilespmem:s18+$0x15130] =	vst v5;
	v5 =	vmul.f32 $3.200000000e+01, v8  }
0x407: {  	[tilespmem:s18+$0x15110] =	vst v9;
	v9 =	vld [tilespmem:s18+$0xD170];
	v6 =	vmul.f32 $3.200000000e+01, v6  }
0x408: {  	v7 =	vmul.f32 $3.200000000e+01, v7;
	[tilespmem:s18+$0x15150] =	vst v5;
	v5 =	vld [tilespmem:s18+$0xD530]  }
0x409: {  	s30 =	sor.u32 $0x1C50, s19;
	v10 =	vld [tilespmem:s18+$0xD510];
	v3 =	vmul.f32 $3.200000000e+01, v3;
	[tilespmem:s29+$0x14100] =	vst v6  }
0x40a: {  	v4 =	vmul.f32 $3.200000000e+01, v4;
	[tilespmem:s18+$0x15500] =	vst v7;
	v7 =	vld [tilespmem:s30+$0xC100]  }
0x40b: {  	[tilespmem:s18+$0x15160] =	vst v3;
	v3 =	vld [tilespmem:s18+$0xD540]  }
0x40c: {  	[tilespmem:s18+$0x15140] =	vst v4;
	v4 =	vld [tilespmem:s18+$0xD520];
	v8 =	vmul.f32 $3.200000000e+01, v9  }
0x40d: {  	v5 =	vmul.f32 $3.200000000e+01, v5  }
0x40e: {  	v9 =	vmul.f32 $3.200000000e+01, v10;
	[tilespmem:s18+$0x15170] =	vst v8;
	v8 =	vld [tilespmem:s18+$0xD550]  }
0x40f: {  	[tilespmem:s18+$0x15530] =	vst v5;
	v6 =	vld [tilespmem:s18+$0xD560];
	v5 =	vmul.f32 $3.200000000e+01, v7  }
0x410: {  	[tilespmem:s18+$0x15510] =	vst v9;
	v9 =	vld [tilespmem:s18+$0xD570];
	v3 =	vmul.f32 $3.200000000e+01, v3  }
0x411: {  	s26 =	sor.u32 $0x1C60, s19;
	v4 =	vmul.f32 $3.200000000e+01, v4;
	v10 =	vld [tilespmem:s18+$0xD900];
	[tilespmem:s30+$0x14100] =	vst v5  }
0x412: {  	[tilespmem:s18+$0x15540] =	vst v3;
	v3 =	vld [tilespmem:s26+$0xC100]  }
0x413: {  	[tilespmem:s18+$0x15520] =	vst v4;
	v4 =	vld [tilespmem:s18+$0xD910];
	v7 =	vmul.f32 $3.200000000e+01, v8  }
0x414: {  	v6 =	vmul.f32 $3.200000000e+01, v6;
	v8 =	vld [tilespmem:s18+$0xD920]  }
0x415: {  	[tilespmem:s18+$0x15550] =	vst v7;
	v5 =	vld [tilespmem:s18+$0xD930];
	v7 =	vmul.f32 $3.200000000e+01, v9  }
0x416: {  	[tilespmem:s18+$0x15560] =	vst v6;
	v6 =	vld [tilespmem:s18+$0xD940];
	v9 =	vmul.f32 $3.200000000e+01, v10  }
0x417: {  	s3 =	simm.s32 $0x0;
	s20 =	simm.s32 $0xFFFFC800;
	s25 =	simm.s32 $0x100;
	[tilespmem:s18+$0x15570] =	vst v7;
	v7 =	vld [tilespmem:s18+$0xD950];
	v3 =	vmul.f32 $3.200000000e+01, v3  }
.LBB2_13:
0x418: {  	s28 =	sadd.s32 $0x4000, s20;
	p1 =	sne.s32 s25, $0x780;
	[tilespmem:s18+$0x15900] =	vst v9;
	v4 =	vmul.f32 $3.200000000e+01, v4;
	v9 =	vld [tilespmem:s18+$0xD960]  }
0x419: {  	s29 =	sand.u32 $0x380, s25;
	s28 =	sand.u32 $0x2000, s28;
	v8 =	vmul.f32 $3.200000000e+01, v8;
	v10 =	vld [tilespmem:s18+$0xD970];
	[tilespmem:s26+$0x14100] =	vst v3;
	s26 =	sor.u32 $0x1C70, s19  }
0x41a: {  	s28 =	sor.u32 s29, s28;
	[tilespmem:s18+$0x15910] =	vst v4;
	v3 =	vmul.f32 $3.200000000e+01, v5;
	v4 =	vld [tilespmem:s26+$0xC100]  }
0x41b: {  	v5 =	vld [tilespmem:s28+$0xC100];
	[tilespmem:s18+$0x15920] =	vst v8;
	v6 =	vmul.f32 $3.200000000e+01, v6  }
0x41c: {  	v8 =	vld [tilespmem:s28+$0xC110];
	[tilespmem:s18+$0x15930] =	vst v3;
	v3 =	vmul.f32 $3.200000000e+01, v7  }
0x41d: {  	s17 =	sadd.s32 $0x1, s17;
	v7 =	vld [tilespmem:s28+$0xC120];
	[tilespmem:s18+$0x15940] =	vst v6;
	v6 =	vmul.f32 $3.200000000e+01, v9  }
0x41e: {  	s19 =	sand.u32 $0x7, s17;
	v9 =	vld [tilespmem:s28+$0xC130];
	[tilespmem:s18+$0x15950] =	vst v3;
	v3 =	vmul.f32 $3.200000000e+01, v10  }
0x41f: {  	s3 =	sadd.s32 $0x400, s3;
	s19 =	sshll.u32 s19, $0x7;
	v10 =	vld [tilespmem:s28+$0xC140];
	[tilespmem:s18+$0x15960] =	vst v6;
	v4 =	vmul.f32 $3.200000000e+01, v4  }
0x420: {  	s19 =	sadd.s32 s19, s3;
	v5 =	vmul.f32 $3.200000000e+01, v5;
	v6 =	vld [tilespmem:s28+$0xC150];
	[tilespmem:s18+$0x15970] =	vst v3;
	s18 =	smov.u32 s28  }
0x421: {  	s28 =	sor.u32 $0x1C00, s19;
	v3 =	vmul.f32 $3.200000000e+01, v8;
	v8 =	vld [tilespmem:s18+$0xC160];
	[tilespmem:s26+$0x14100] =	vst v4  }
0x422: {  	[tilespmem:s18+$0x14100] =	vst v5;
	v4 =	vmul.f32 $3.200000000e+01, v7;
	v5 =	vld [tilespmem:s28+$0xC100]  }
0x423: {  	[tilespmem:s18+$0x14110] =	vst v3;
	v3 =	vmul.f32 $3.200000000e+01, v9;
	v7 =	vld [tilespmem:s18+$0xC170]  }
0x424: {  	[tilespmem:s18+$0x14120] =	vst v4;
	v4 =	vmul.f32 $3.200000000e+01, v10;
	v9 =	vld [tilespmem:s18+$0xC500]  }
0x425: {  	[tilespmem:s18+$0x14130] =	vst v3;
	v3 =	vmul.f32 $3.200000000e+01, v6;
	v6 =	vld [tilespmem:s18+$0xC510]  }
0x426: {  	[tilespmem:s18+$0x14140] =	vst v4;
	v4 =	vmul.f32 $3.200000000e+01, v8;
	v8 =	vld [tilespmem:s18+$0xC520]  }
0x427: {  	[tilespmem:s18+$0x14150] =	vst v3;
	v3 =	vld [tilespmem:s18+$0xC530];
	v5 =	vmul.f32 $3.200000000e+01, v5  }
0x428: {  	[tilespmem:s18+$0x14160] =	vst v4;
	v4 =	vmul.f32 $3.200000000e+01, v7;
	v7 =	vld [tilespmem:s18+$0xC540]  }
0x429: {  	s26 =	sor.u32 $0x1C10, s19;
	v9 =	vmul.f32 $3.200000000e+01, v9;
	v10 =	vld [tilespmem:s18+$0xC550];
	[tilespmem:s28+$0x14100] =	vst v5  }
0x42a: {  	[tilespmem:s18+$0x14170] =	vst v4;
	v4 =	vmul.f32 $3.200000000e+01, v6;
	v5 =	vld [tilespmem:s26+$0xC100]  }
0x42b: {  	[tilespmem:s18+$0x14500] =	vst v9;
	v6 =	vmul.f32 $3.200000000e+01, v8;
	v8 =	vld [tilespmem:s18+$0xC560]  }
0x42c: {  	[tilespmem:s18+$0x14510] =	vst v4;
	v3 =	vmul.f32 $3.200000000e+01, v3;
	v4 =	vld [tilespmem:s18+$0xC570]  }
0x42d: {  	[tilespmem:s18+$0x14520] =	vst v6;
	v6 =	vmul.f32 $3.200000000e+01, v7;
	v7 =	vld [tilespmem:s18+$0xC900]  }
0x42e: {  	[tilespmem:s18+$0x14530] =	vst v3;
	v3 =	vmul.f32 $3.200000000e+01, v10;
	v9 =	vld [tilespmem:s18+$0xC910]  }
0x42f: {  	[tilespmem:s18+$0x14540] =	vst v6;
	v6 =	vld [tilespmem:s18+$0xC920];
	v5 =	vmul.f32 $3.200000000e+01, v5  }
0x430: {  	[tilespmem:s18+$0x14550] =	vst v3;
	v3 =	vmul.f32 $3.200000000e+01, v8;
	v8 =	vld [tilespmem:s18+$0xC930]  }
0x431: {  	v4 =	vmul.f32 $3.200000000e+01, v4;
	v10 =	vld [tilespmem:s18+$0xC940];
	[tilespmem:s26+$0x14100] =	vst v5;
	s26 =	sor.u32 $0x1C20, s19  }
0x432: {  	[tilespmem:s18+$0x14560] =	vst v3;
	v3 =	vmul.f32 $3.200000000e+01, v7;
	v5 =	vld [tilespmem:s26+$0xC100]  }
0x433: {  	[tilespmem:s18+$0x14570] =	vst v4;
	v4 =	vmul.f32 $3.200000000e+01, v9;
	v7 =	vld [tilespmem:s18+$0xC950]  }
0x434: {  	[tilespmem:s18+$0x14900] =	vst v3;
	v3 =	vmul.f32 $3.200000000e+01, v6;
	v6 =	vld [tilespmem:s18+$0xC960]  }
0x435: {  	[tilespmem:s18+$0x14910] =	vst v4;
	v4 =	vmul.f32 $3.200000000e+01, v8;
	v8 =	vld [tilespmem:s18+$0xC970]  }
0x436: {  	[tilespmem:s18+$0x14920] =	vst v3;
	v3 =	vmul.f32 $3.200000000e+01, v10;
	v9 =	vld [tilespmem:s18+$0xCD00]  }
0x437: {  	[tilespmem:s18+$0x14930] =	vst v4;
	v4 =	vld [tilespmem:s18+$0xCD10];
	v5 =	vmul.f32 $3.200000000e+01, v5  }
0x438: {  	[tilespmem:s18+$0x14940] =	vst v3;
	v3 =	vmul.f32 $3.200000000e+01, v7;
	v7 =	vld [tilespmem:s18+$0xCD20]  }
0x439: {  	v6 =	vmul.f32 $3.200000000e+01, v6;
	v10 =	vld [tilespmem:s18+$0xCD30];
	[tilespmem:s26+$0x14100] =	vst v5;
	s26 =	sor.u32 $0x1C30, s19  }
0x43a: {  	[tilespmem:s18+$0x14950] =	vst v3;
	v3 =	vmul.f32 $3.200000000e+01, v8;
	v5 =	vld [tilespmem:s26+$0xC100]  }
0x43b: {  	[tilespmem:s18+$0x14960] =	vst v6;
	v6 =	vmul.f32 $3.200000000e+01, v9;
	v8 =	vld [tilespmem:s18+$0xCD40]  }
0x43c: {  	[tilespmem:s18+$0x14970] =	vst v3;
	v3 =	vmul.f32 $3.200000000e+01, v4;
	v4 =	vld [tilespmem:s18+$0xCD50]  }
0x43d: {  	[tilespmem:s18+$0x14D00] =	vst v6;
	v6 =	vmul.f32 $3.200000000e+01, v7;
	v7 =	vld [tilespmem:s18+$0xCD60]  }
0x43e: {  	[tilespmem:s18+$0x14D10] =	vst v3;
	v3 =	vmul.f32 $3.200000000e+01, v10;
	v9 =	vld [tilespmem:s18+$0xCD70]  }
0x43f: {  	[tilespmem:s18+$0x14D20] =	vst v6;
	v6 =	vld [tilespmem:s18+$0xD100];
	v5 =	vmul.f32 $3.200000000e+01, v5  }
0x440: {  	[tilespmem:s18+$0x14D30] =	vst v3;
	v3 =	vmul.f32 $3.200000000e+01, v8;
	v8 =	vld [tilespmem:s18+$0xD110]  }
0x441: {  	v4 =	vmul.f32 $3.200000000e+01, v4;
	v10 =	vld [tilespmem:s18+$0xD120];
	[tilespmem:s26+$0x14100] =	vst v5;
	s26 =	sor.u32 $0x1C40, s19  }
0x442: {  	[tilespmem:s18+$0x14D40] =	vst v3;
	v3 =	vmul.f32 $3.200000000e+01, v7;
	v5 =	vld [tilespmem:s26+$0xC100]  }
0x443: {  	[tilespmem:s18+$0x14D50] =	vst v4;
	v4 =	vmul.f32 $3.200000000e+01, v9;
	v7 =	vld [tilespmem:s18+$0xD130]  }
0x444: {  	[tilespmem:s18+$0x14D60] =	vst v3;
	v3 =	vmul.f32 $3.200000000e+01, v6;
	v6 =	vld [tilespmem:s18+$0xD140]  }
0x445: {  	[tilespmem:s18+$0x14D70] =	vst v4;
	v4 =	vmul.f32 $3.200000000e+01, v8;
	v8 =	vld [tilespmem:s18+$0xD150]  }
0x446: {  	[tilespmem:s18+$0x15100] =	vst v3;
	v3 =	vmul.f32 $3.200000000e+01, v10;
	v9 =	vld [tilespmem:s18+$0xD160]  }
0x447: {  	[tilespmem:s18+$0x15110] =	vst v4;
	v4 =	vld [tilespmem:s18+$0xD170];
	v5 =	vmul.f32 $3.200000000e+01, v5  }
0x448: {  	[tilespmem:s18+$0x15120] =	vst v3;
	v3 =	vmul.f32 $3.200000000e+01, v7;
	v7 =	vld [tilespmem:s18+$0xD500]  }
0x449: {  	v6 =	vmul.f32 $3.200000000e+01, v6;
	v10 =	vld [tilespmem:s18+$0xD510];
	[tilespmem:s26+$0x14100] =	vst v5;
	s26 =	sor.u32 $0x1C50, s19  }
0x44a: {  	[tilespmem:s18+$0x15130] =	vst v3;
	v3 =	vmul.f32 $3.200000000e+01, v8;
	v5 =	vld [tilespmem:s26+$0xC100]  }
0x44b: {  	[tilespmem:s18+$0x15140] =	vst v6;
	v6 =	vmul.f32 $3.200000000e+01, v9;
	v8 =	vld [tilespmem:s18+$0xD520]  }
0x44c: {  	[tilespmem:s18+$0x15150] =	vst v3;
	v3 =	vmul.f32 $3.200000000e+01, v4;
	v4 =	vld [tilespmem:s18+$0xD530]  }
0x44d: {  	[tilespmem:s18+$0x15160] =	vst v6;
	v6 =	vmul.f32 $3.200000000e+01, v7;
	v7 =	vld [tilespmem:s18+$0xD540]  }
0x44e: {  	[tilespmem:s18+$0x15170] =	vst v3;
	v3 =	vmul.f32 $3.200000000e+01, v10;
	v9 =	vld [tilespmem:s18+$0xD550]  }
0x44f: {  	[tilespmem:s18+$0x15500] =	vst v6;
	v6 =	vld [tilespmem:s18+$0xD560];
	v5 =	vmul.f32 $3.200000000e+01, v5  }
0x450: {  	[tilespmem:s18+$0x15510] =	vst v3;
	v3 =	vmul.f32 $3.200000000e+01, v8;
	v10 =	vld [tilespmem:s18+$0xD570]  }
0x451: {  	v4 =	vmul.f32 $3.200000000e+01, v4;
	v11 =	vld [tilespmem:s18+$0xD900];
	[tilespmem:s26+$0x14100] =	vst v5;
	s26 =	sor.u32 $0x1C60, s19  }
0x452: {  	[tilespmem:s18+$0x15520] =	vst v3;
	v3 =	vmul.f32 $3.200000000e+01, v7;
	v12 =	vld [tilespmem:s26+$0xC100]  }
.Ltmp8:
0x453: {  	[tilespmem:s18+$0x15530] =	vst v4;
	v5 =	vmul.f32 $3.200000000e+01, v9;
	v4 =	vld [tilespmem:s18+$0xD910];
	(pc) =	sbr.rel @p1 .LBB2_13-.Ltmp8, $4  }
0x454: {  	[tilespmem:s18+$0x15540] =	vst v3;
	v3 =	vmul.f32 $3.200000000e+01, v6;
	v8 =	vld [tilespmem:s18+$0xD920]  }
0x455: {  	[tilespmem:s18+$0x15550] =	vst v5;
	v7 =	vmul.f32 $3.200000000e+01, v10;
	v5 =	vld [tilespmem:s18+$0xD930]  }
0x456: {  	[tilespmem:s18+$0x15560] =	vst v3;
	v9 =	vmul.f32 $3.200000000e+01, v11;
	v6 =	vld [tilespmem:s18+$0xD940]  }
0x457: {  	s20 =	sadd.s32 $0x400, s20;
	s25 =	sadd.s32 $0x80, s25;
	[tilespmem:s18+$0x15570] =	vst v7;
	v7 =	vld [tilespmem:s18+$0xD950];
	v3 =	vmul.f32 $3.200000000e+01, v12  }
0x458: {  	v4 =	vmul.f32 $3.200000000e+01, v4;
	v58 =	vld [tilespmem:s18+$0xD960]  }
0x459: {  	[tilespmem:s18+$0x15900] =	vst v9;
	v10 =	vld [tilespmem:s18+$0xD970];
	v8 =	vmul.f32 $3.200000000e+01, v8  }
0x45a: {  	[tilespmem:s18+$0x15910] =	vst v4;
	v59 =	vmul.f32 $3.200000000e+01, v5  }
0x45b: {  	[tilespmem:s18+$0x15920] =	vst v8;
	v60 =	vmul.f32 $3.200000000e+01, v6  }
0x45c: {  	s17 =	sadd.s32 $0x1, s17;
	[tilespmem:s18+$0x15930] =	vst v59;
	v61 =	vmul.f32 $3.200000000e+01, v7  }
0x45d: {  	s17 =	sand.u32 $0x7, s17;
	[tilespmem:s18+$0x15940] =	vst v60;
	v62 =	vmul.f32 $3.200000000e+01, v58  }
0x45e: {  	s3 =	sadd.s32 $0x400, s3;
	s17 =	sshll.u32 s17, $0x7;
	v63 =	vmul.f32 $3.200000000e+01, v10;
	[tilespmem:s18+$0x15950] =	vst v61  }
0x45f: {  	s3 =	sadd.s32 s17, s3;
	[tilespmem:s18+$0x15960] =	vst v62  }
0x460: {  	s17 =	sor.u32 $0x1C00, s3;
	[tilespmem:s18+$0x15970] =	vst v63  }
0x461: {  	v4 =	vld [tilespmem:s17+$0xC100];
	_ =	sdelay $0x4  }
0x462: {  	v4 =	vmul.f32 $3.200000000e+01, v4;
	_ =	sdelay $0x1  }
0x463: {  	s29 =	sor.u32 $0x1C10, s3;
	[tilespmem:s17+$0x14100] =	vst v4  }
0x464: {  	v4 =	vld [tilespmem:s29+$0xC100];
	_ =	sdelay $0x4  }
0x465: {  	v4 =	vmul.f32 $3.200000000e+01, v4;
	_ =	sdelay $0x1  }
0x466: {  	s30 =	sor.u32 $0x1C20, s3;
	[tilespmem:s29+$0x14100] =	vst v4  }
0x467: {  	v4 =	vld [tilespmem:s30+$0xC100];
	_ =	sdelay $0x4  }
0x468: {  	v4 =	vmul.f32 $3.200000000e+01, v4;
	_ =	sdelay $0x1  }
0x469: {  	s18 =	sor.u32 $0x1C30, s3;
	[tilespmem:s30+$0x14100] =	vst v4  }
0x46a: {  	v4 =	vld [tilespmem:s18+$0xC100];
	_ =	sdelay $0x4  }
0x46b: {  	v4 =	vmul.f32 $3.200000000e+01, v4;
	_ =	sdelay $0x1  }
0x46c: {  	s20 =	sor.u32 $0x1C40, s3;
	[tilespmem:s18+$0x14100] =	vst v4  }
0x46d: {  	v4 =	vld [tilespmem:s20+$0xC100];
	_ =	sdelay $0x4  }
0x46e: {  	v4 =	vmul.f32 $3.200000000e+01, v4;
	_ =	sdelay $0x1  }
0x46f: {  	s25 =	sor.u32 $0x1C50, s3;
	[tilespmem:s20+$0x14100] =	vst v4  }
0x470: {  	v4 =	vld [tilespmem:s25+$0xC100];
	_ =	sdelay $0x4  }
0x471: {  	v4 =	vmul.f32 $3.200000000e+01, v4;
	_ =	sdelay $0x1  }
0x472: {  	s28 =	sor.u32 $0x1C60, s3;
	[tilespmem:s25+$0x14100] =	vst v4  }
0x473: {  	v4 =	vld [tilespmem:s28+$0xC100];
	_ =	sdelay $0x4  }
0x474: {  	v4 =	vmul.f32 $3.200000000e+01, v4  }
0x475: {  	[tilespmem:s26+$0x14100] =	vst v3;
	s29 =	sor.u32 $0x1C70, s19  }
0x476: {  	s3 =	sor.u32 $0x1C70, s3;
	v3 =	vld [tilespmem:s29+$0xC100];
	[tilespmem:s28+$0x14100] =	vst v4  }
0x477: {  	v4 =	vld [tilespmem:s3+$0xC100];
	_ =	sdelay $0x3  }
.Ltmp9:
0x478: {  	v3 =	vmul.f32 $3.200000000e+01, v3;
	(pc) =	sbr.rel @p0 .LBB2_16-.Ltmp9, $4  }
0x479: {  	v4 =	vmul.f32 $3.200000000e+01, v4  }
0x47a: {  	[tilespmem:s29+$0x14100] =	vst v3  }
0x47b: {  	s30 =	sadd.s32 $0x1800, s16;
	[tilespmem:s3+$0x14100] =	vst v4  }
0x47c: {  	[hbm4b:s30+s5] =	stream.linear.scatter [tilespmem:s6], [sflag:$0x6], $0x4000, $0x38;
	[tilespmem:$0x18100] =	vst v63  }
0x47d: {  	s3 =	sshrl.u32 s15, $0x2  }
0x47e: {  	v3 =	vld [tilespmem:s3+$0x70];
	_ =	sdelay $0x4  }
0x47f: {  	v4 =	vshll.u32 v3, $0x3  }
0x480: {  	v3 =	vand.u32 $0x7, v3;
	v4 =	vand.u32 $0xFFFFFFC0, v4  }
0x481: {  	v3 =	vor.u32 v3, v4  }
0x482: {  	v4 =	vperm.xlane v3, v0;
	_ =	sdelay $0x1  }
0x483: {  	v4 =	vadd.s32 v1, v4;
	_ =	sdelay $0x3  }
0x484: {  	s25 =	simm.s32 $0xC100  }
0x485: {  	[tilespmem:s25], [sflag:$0x4] =	stream.indirect_vreg.gather [hbm4b:s1+s5], $0x80, v4, vm0, $0xb8;
	[tilespmem:$0x18100] =	vst v63  }
0x486: {  	s26 =	simm.s32 $0xC900;
	v3 =	vperm.xlane v3, v2  }
0x487: {  	[tilespmem:s26], [sflag:$0x4] =	stream.indirect_vreg.gather [hbm4b:s7+s5], $0x80, v4, vm0, $0xb8;
	[tilespmem:$0x18100] =	vst v63  }
0x488: {  	s28 =	simm.s32 $0xD100;
	v3 =	vadd.s32 v1, v3  }
0x489: {  	[tilespmem:s28], [sflag:$0x4] =	stream.indirect_vreg.gather [hbm4b:s8+s5], $0x80, v4, vm0, $0xb8;
	[tilespmem:$0x18100] =	vst v63  }
0x48a: {  	s29 =	simm.s32 $0xD900  }
0x48b: {  	[tilespmem:s29], [sflag:$0x4] =	stream.indirect_vreg.gather [hbm4b:s9+s5], $0x80, v4, vm0, $0xb8;
	[tilespmem:$0x18100] =	vst v63  }
0x48c: {  	s30 =	simm.s32 $0xE100  }
0x48d: {  	[tilespmem:s30], [sflag:$0x4] =	stream.indirect_vreg.gather [hbm4b:s1+s5], $0x80, v3, vm0, $0xb8;
	[tilespmem:$0x18100] =	vst v63  }
0x48e: {  	_ = 	snop  }
0x48f: {  	[tilespmem:s31], [sflag:$0x4] =	stream.indirect_vreg.gather [hbm4b:s7+s5], $0x80, v3, vm0, $0xb8;
	[tilespmem:$0x18100] =	vst v63  }
.Ltmp10:
0x490: {  	_ = 	snop;
	(pc) =	sbr.rel .LBB2_2-.Ltmp10, $4  }
0x491: {  	_ = 	snop  }
0x492: {  	[tilespmem:s2], [sflag:$0x4] =	stream.indirect_vreg.gather [hbm4b:s8+s5], $0x80, v3, vm0, $0xb8;
	[tilespmem:$0x18100] =	vst v63  }
0x493: {  	s14 =	sadd.s32 $0x1, s14  }
0x494: {  	[tilespmem:s0], [sflag:$0x4] =	stream.indirect_vreg.gather [hbm4b:s9+s5], $0x80, v3, vm0, $0xb8;
	[tilespmem:$0x18100] =	vst v63  }
.LBB2_17:
0x495: {  	_ =	sfence.sel $0x180000  }
0x496: {  	[bflag:$0x0] =	sbarrier.arrive $0xFFFF  }
0x497: {  	_ =	strace $0x90000047  }
0x498: {  	s0 =	stileid.u32;
	[bflag:$0x2] =	sbarrier.arrive $0xFFFF  }
0x499: {  	p0 =	sne.s32 s0, $0x0;
	s0 =	rddreg [dreg:$0x3]  }
0x49a: {  	s0 =	sadd.s32 @!p0 $0x100000, s0  }
0x49b: {  	[sflag:s0] =	ssyncadd.tile.s32 @!p0 $0x1;
	_ =	shalt  }
.Lfunc_end2:
_tile_overlayer_lowered:
.L_overlay_start_2:
0x49c: {  	(tag) =	ssettag $0x2  }
0x49d: {  	s0 =	rddreg [dreg:$0x0];
	s2 =	stileid.u32  }
0x49e: {  	s1 =	rddreg [dreg:$0x1];
	p0 =	sne.s32 s2, $0x0  }
0x49f: {  	s3 =	rddreg [dreg:$0x2];
	[bflag:$0x3] =	sbarrier.arrive $0xFFFF;
	s2 =	simm.s32 @!p0 $0x1C07  }
0x4a0: {  	[timem:s3], [sflag:s2] =	dma.local @!p0 [hbm:s0], s1  }
0x4a1: {  	s0 =	simm.s32 @!p0 $0x7  }
0x4a2: {  	_ =	swait.ge @!p0 [sflag:s0], s1  }
0x4a3: {  	s1 =	ssub.s32 @!p0 $0x0, s1;
	[sflag:s0] =	ssyncset.done @!p0 $0x0  }
0x4a4: {  	[sflag:s0] =	ssyncadd.s32 @!p0 s1  }
0x4a5: {  	[bflag:$0x3] =	sbarrier.arrive $0xFFFF  }
0x4a6: {  	_ =	shalt  }

</sc_bundles>
